<compile_context>
chip_gen: v7x
topology: tpu7x:2x2x1
jax: 0.10.2.dev20260603
libtpu: 0.0.44.dev20260713+nightly
codegen_flags: <defaults>
</compile_context>

<pallas_src>
import functools

import jax
import jax.numpy as jnp
from jax import lax
from jax.experimental import pallas as pl
from jax.experimental.pallas import tpu as pltpu
from jax.experimental.pallas import tpu_sc as plsc

D_MODEL = 768
D_B = 64
D_PAD = 128
L_PAD = 24
POOL_D = D_B + 2 * D_MODEL
OUT_D = 3 * POOL_D

_NC = 2
_NS = 16
_NW = _NC * _NS

_BB = 128
_CW = 64
_LANES = 16


@functools.lru_cache(maxsize=None)
def _make_kernel(B: int, L: int):
    n_bblk = B // _BB
    l_per_w = L * n_bblk // _NW
    mesh = plsc.VectorSubcoreMesh(core_axis_name="c", subcore_axis_name="s")

    @functools.partial(
        pl.kernel,
        mesh=mesh,
        out_type=jax.ShapeDtypeStruct((L, OUT_D, B), jnp.float32),
        compiler_params=pltpu.CompilerParams(
            use_tc_tiling_on_sc=True, needs_layout_passes=False),
        scratch_types=[
            pltpu.VMEM((L_PAD, _BB), jnp.int32),
            pltpu.VMEM((L_PAD, _BB), jnp.int32),
            pltpu.VMEM((L_PAD, _BB), jnp.int32),
            pltpu.VMEM((_BB, D_MODEL), jnp.float32),
            pltpu.VMEM((_CW, _BB), jnp.float32),
            pltpu.VMEM((_CW, _BB), jnp.float32),
            pltpu.SemaphoreType.DMA,
            pltpu.SemaphoreType.DMA,
            pltpu.SemaphoreType.DMA,
        ],
    )
    def k(qk_idx, v_idx, know_idx,
          qk_emb, v_emb, know_emb,
          qk_read, v_read, know_read,
          qk_write, v_write, know_write,
          out,
          qk_iv, v_iv, know_iv,
          buf, slab0, slab1,
          sem, sem0, sem1):
        wid = lax.axis_index("s") * _NC + lax.axis_index("c")
        b0 = (wid % n_bblk) * _BB
        l0 = (wid // n_bblk) * l_per_w

        pltpu.sync_copy(qk_idx.at[:, pl.ds(b0, _BB)], qk_iv)
        pltpu.sync_copy(v_idx.at[:, pl.ds(b0, _BB)], v_iv)
        pltpu.sync_copy(know_idx.at[:, pl.ds(b0, _BB)], know_iv)

        iota = lax.iota(jnp.int32, _LANES)

        jobs = [
            (qk_iv, qk_emb, 0, D_B),
            (qk_iv, qk_read, D_B, D_MODEL),
            (qk_iv, qk_write, D_B + D_MODEL, D_MODEL),
            (v_iv, v_emb, POOL_D, D_B),
            (v_iv, v_read, POOL_D + D_B, D_MODEL),
            (v_iv, v_write, POOL_D + D_B + D_MODEL, D_MODEL),
            (know_iv, know_emb, 2 * POOL_D, D_B),
            (know_iv, know_read, 2 * POOL_D + D_B, D_MODEL),
            (know_iv, know_write, 2 * POOL_D + D_B + D_MODEL, D_MODEL),
        ]

        def do_l(i, carry):
            l = l0 + i
            for (iv, tab, d_out, width) in jobs:
                dst = buf if width == D_MODEL else buf.at[:, pl.ds(0, D_PAD)]
                pltpu.async_copy(tab.at[iv.at[l]], dst, sem).wait()

                def transpose(c0, sl):
                    def do_tb(t_b, carry3):
                        bvec = iota + t_b * _LANES

                        @plsc.parallel_loop(0, _LANES, unroll=8)
                        def do_o(o):
                            rot = (iota + o) & (_LANES - 1)
                            for t_d in range(_CW // _LANES):
                                srow = rot + t_d * _LANES
                                dvec = srow + c0
                                v = plsc.load_gather(buf, [bvec, dvec])
                                plsc.store_scatter(sl, [srow, bvec], v)

                        return carry3

                    lax.fori_loop(0, _BB // _LANES, do_tb, 0)

                if width == D_B:
                    transpose(0, slab0)
                    pltpu.sync_copy(
                        slab0,
                        out.at[l, pl.ds(d_out, _CW), pl.ds(b0, _BB)])
                else:
                    def do_cpair(c2, carry2):
                        for k, (sl, sm) in enumerate(
                                ((slab0, sem0), (slab1, sem1))):
                            c0 = (c2 * 2 + k) * _CW

                            @pl.when(c2 > 0)
                            def _drain():
                                pltpu.make_async_copy(
                                    sl,
                                    out.at[l, pl.ds(d_out + c0 - 2 * _CW, _CW),
                                           pl.ds(b0, _BB)],
                                    sm).wait()

                            transpose(c0, sl)
                            pltpu.async_copy(
                                sl,
                                out.at[l, pl.ds(d_out + c0, _CW),
                                       pl.ds(b0, _BB)],
                                sm)
                        return carry2

                    lax.fori_loop(0, width // (2 * _CW), do_cpair, 0)
                    for sl, sm, off in ((slab0, sem0, width - 2 * _CW),
                                        (slab1, sem1, width - _CW)):
                        pltpu.make_async_copy(
                            sl,
                            out.at[l, pl.ds(d_out + off, _CW), pl.ds(b0, _BB)],
                            sm).wait()
            return carry

        lax.fori_loop(0, l_per_w, do_l, 0)

    return k


def kernel(qk_idx, v_idx, know_idx, qk_emb, v_emb, know_emb,
           qk_read, v_read, know_read, qk_write, v_write, know_write):
    B, L = qk_idx.shape
    ipad = ((0, 0), (0, L_PAD - L))
    epad = ((0, 0), (0, D_PAD - D_B))
    out_p = _make_kernel(B, L)(
        jnp.pad(qk_idx, ipad).T, jnp.pad(v_idx, ipad).T,
        jnp.pad(know_idx, ipad).T,
        jnp.pad(qk_emb, epad), jnp.pad(v_emb, epad), jnp.pad(know_emb, epad),
        qk_read, v_read, know_read,
        qk_write, v_write, know_write)
    return jnp.transpose(out_p, (2, 0, 1))

# --- scband reference (transcript-rebuilt; emitter-appended) ---
"""Pipeline reference for scband-neuron-pool-14886356647945 (READ-ONLY COPY).

The authoritative reference and input builder live on the scoring server;
editing this copy changes nothing except your own understanding.
"""

import jax, jax.numpy as jnp
import numpy as np

N_QK = 100000
N_V = 100000
N_KNOW = 100000
D_MODEL = 768
D_B = 64
B, L = 1024, 20


def _unit_norm(key, shape, scale=1.0):
    x = jax.random.normal(key, shape, dtype=jnp.float32)
    norms = jnp.linalg.norm(x, axis=-1, keepdims=True) + 1e-08
    return x / norms * scale


def _scaled_normal(key, shape, scale=0.02):
    return jax.random.normal(key, shape, dtype=jnp.float32) * scale


def setup_inputs(seed: int = 0) -> dict:
    key = jax.random.key(seed)
    ks = jax.random.split(key, 12)
    return {
        'qk_idx': jax.random.randint(ks[0], (B, L), 0, N_QK, dtype=jnp.int32),
        'v_idx': jax.random.randint(ks[1], (B, L), 0, N_V, dtype=jnp.int32),
        'know_idx': jax.random.randint(ks[2], (B, L), 0, N_KNOW, dtype=jnp.int32),
        'qk_emb': _unit_norm(ks[3], (N_QK, D_B)),
        'v_emb': _unit_norm(ks[4], (N_V, D_B)),
        'know_emb': _unit_norm(ks[5], (N_KNOW, D_B)),
        'qk_read': _scaled_normal(ks[6], (N_QK, D_MODEL)),
        'v_read': _scaled_normal(ks[7], (N_V, D_MODEL)),
        'know_read': _scaled_normal(ks[8], (N_KNOW, D_MODEL)),
        'qk_write': _scaled_normal(ks[9], (N_QK, D_MODEL)),
        'v_write': _scaled_normal(ks[10], (N_V, D_MODEL)),
        'know_write': _scaled_normal(ks[11], (N_KNOW, D_MODEL)),
    }


def reference(qk_idx, v_idx, know_idx, qk_emb, v_emb, know_emb,
              qk_read, v_read, know_read, qk_write, v_write, know_write):
    # NeuronPool lookup: for each pool, gather bottleneck embedding plus
    # read/write d_model vectors for the requested neuron indices.
    def pool_lookup(idx, emb, read, write):
        e = jnp.take(emb, idx, axis=0)     # [B, L, D_B]
        r = jnp.take(read, idx, axis=0)    # [B, L, D_MODEL]
        w = jnp.take(write, idx, axis=0)   # [B, L, D_MODEL]
        return jnp.concatenate([e, r, w], axis=-1)

    out_qk = pool_lookup(qk_idx, qk_emb, qk_read, qk_write)
    out_v = pool_lookup(v_idx, v_emb, v_read, v_write)
    out_know = pool_lookup(know_idx, know_emb, know_read, know_write)
    return jnp.concatenate([out_qk, out_v, out_know], axis=-1)  # [B, L, 3*(D_B+2*D_MODEL)]

if __name__ == "__main__":
    import jax
    _d = setup_inputs()
    print(jax.jit(kernel)(*tuple(_d.values())))

</pallas_src>

<mosaic_0001>
#map = affine_map<(d0, d1) -> (0, 0)>
#map1 = affine_map<(d0, d1) -> (0, 0, 0)>
module attributes {stable_mosaic.version = 14 : i64} {
  func.func @k(%arg0: i32, %arg1: i32, %arg2: memref<24x1024xi32, #tpu.memory_space<hbm>>, %arg3: memref<24x1024xi32, #tpu.memory_space<hbm>>, %arg4: memref<24x1024xi32, #tpu.memory_space<hbm>>, %arg5: memref<100000x128xf32, #tpu.memory_space<hbm>>, %arg6: memref<100000x128xf32, #tpu.memory_space<hbm>>, %arg7: memref<100000x128xf32, #tpu.memory_space<hbm>>, %arg8: memref<100000x768xf32, #tpu.memory_space<hbm>>, %arg9: memref<100000x768xf32, #tpu.memory_space<hbm>>, %arg10: memref<100000x768xf32, #tpu.memory_space<hbm>>, %arg11: memref<100000x768xf32, #tpu.memory_space<hbm>>, %arg12: memref<100000x768xf32, #tpu.memory_space<hbm>>, %arg13: memref<100000x768xf32, #tpu.memory_space<hbm>>, %arg14: memref<20x4800x1024xf32, #tpu.memory_space<hbm>>, %arg15: memref<24x128xi32, #tpu.memory_space<vmem>>, %arg16: memref<24x128xi32, #tpu.memory_space<vmem>>, %arg17: memref<24x128xi32, #tpu.memory_space<vmem>>, %arg18: memref<128x768xf32, #tpu.memory_space<vmem>>, %arg19: memref<64x128xf32, #tpu.memory_space<vmem>>, %arg20: memref<64x128xf32, #tpu.memory_space<vmem>>, %arg21: memref<!tpu.dma_semaphore, #tpu.memory_space<semaphore_mem>>, %arg22: memref<!tpu.dma_semaphore, #tpu.memory_space<semaphore_mem>>, %arg23: memref<!tpu.dma_semaphore, #tpu.memory_space<semaphore_mem>>) attributes {dimension_semantics = [#tpu.dimension_semantics<core_parallel>, #tpu.dimension_semantics<subcore_parallel>], iteration_bounds = array<i64: 2, 16>, scalar_prefetch = 0 : i64, scratch_operands = 9 : i64, tpu.core_type = #tpu.core_type<sc_vector_subcore>, window_params = [{transform_indices = #map}, {transform_indices = #map}, {transform_indices = #map}, {transform_indices = #map}, {transform_indices = #map}, {transform_indices = #map}, {transform_indices = #map}, {transform_indices = #map}, {transform_indices = #map}, {transform_indices = #map}, {transform_indices = #map}, {transform_indices = #map}, {transform_indices = #map1}]} {
    %mul3A = arith.constant 2 : i32
    %mul3A_0 = arith.muli %arg1, %mul3A : i32
    %add3A = arith.addi %mul3A_0, %arg0 : i32
    %jit3A = arith.constant 8 : i32
    %eq3A = arith.constant 0 : i32
    %eq3A_1 = arith.cmpi eq, %jit3A, %eq3A : i32
    %jit3A_2 = arith.constant 1 : i32
    %select_n3A = arith.select %eq3A_1, %jit3A_2, %jit3A : i32
    %rem3A = arith.remsi %add3A, %select_n3A : i32
    %ne3A = arith.constant 0 : i32
    %ne3A_3 = arith.cmpi ne, %rem3A, %ne3A : i32
    %lt3A = arith.constant 0 : i32
    %lt3A_4 = arith.cmpi slt, %rem3A, %lt3A : i32
    %lt3A_5 = arith.constant 0 : i32
    %lt3A_6 = arith.cmpi slt, %select_n3A, %lt3A_5 : i32
    %ne3A_7 = arith.xori %lt3A_4, %lt3A_6 : i1
    %and3A = arith.andi %ne3A_7, %ne3A_3 : i1
    %add3A_8 = arith.addi %rem3A, %select_n3A : i32
    %select_n3A_9 = arith.select %and3A, %add3A_8, %rem3A : i32
    %mul3A_10 = arith.constant 128 : i32
    %mul3A_11 = arith.muli %select_n3A_9, %mul3A_10 : i32
    %jit3A_12 = arith.constant 8 : i32
    %div3A = arith.divsi %add3A, %jit3A_12 : i32
    %sign3A = arith.constant 0 : i32
    %sign3A_13 = arith.cmpi sgt, %add3A, %sign3A : i32
    %sign3A_14 = arith.extui %sign3A_13 : i1 to i32
    %sign3A_15 = arith.constant 0 : i32
    %sign3A_16 = arith.cmpi slt, %add3A, %sign3A_15 : i32
    %sign3A_17 = arith.extui %sign3A_16 : i1 to i32
    %sign3A_18 = arith.subi %sign3A_14, %sign3A_17 : i32
    %sign3A_19 = arith.constant 0 : i32
    %sign3A_20 = arith.cmpi sgt, %jit3A_12, %sign3A_19 : i32
    %sign3A_21 = arith.extui %sign3A_20 : i1 to i32
    %sign3A_22 = arith.constant 0 : i32
    %sign3A_23 = arith.cmpi slt, %jit3A_12, %sign3A_22 : i32
    %sign3A_24 = arith.extui %sign3A_23 : i1 to i32
    %sign3A_25 = arith.subi %sign3A_21, %sign3A_24 : i32
    %ne3A_26 = arith.cmpi ne, %sign3A_18, %sign3A_25 : i32
    %rem3A_27 = arith.remsi %add3A, %jit3A_12 : i32
    %ne3A_28 = arith.constant 0 : i32
    %ne3A_29 = arith.cmpi ne, %rem3A_27, %ne3A_28 : i32
    %and3A_30 = arith.andi %ne3A_26, %ne3A_29 : i1
    %sub3A = arith.constant 1 : i32
    %sub3A_31 = arith.subi %div3A, %sub3A : i32
    %select_n3A_32 = arith.select %and3A_30, %sub3A_31, %div3A : i32
    %mul3A_33 = arith.constant 5 : i32
    %mul3A_34 = arith.muli %select_n3A_32, %mul3A_33 : i32
    "tpu.region"() ({
      %run_scoped3A = tpu.sem_alloc : memref<!tpu.dma_semaphore, #tpu.memory_space<semaphore_mem>>
      %dma_start3A = arith.constant 0 : i32
      %dma_start3A_40 = tpu.memref_slice %arg2[%dma_start3A, %mul3A_11] : memref<24x1024xi32, #tpu.memory_space<hbm>> -> memref<24x128xi32, #tpu.memory_space<hbm>>
      %dma_start3A_41 = arith.constant 0 : i32
      %dma_start3A_42 = tpu.memref_slice %arg2[%dma_start3A_41, %mul3A_11] : memref<24x1024xi32, #tpu.memory_space<hbm>> -> memref<24x128xi32, #tpu.memory_space<hbm>>
      tpu.enqueue_dma source(%dma_start3A_42 : memref<24x128xi32, #tpu.memory_space<hbm>>) target(%arg15 : memref<24x128xi32, #tpu.memory_space<vmem>>) target_semaphore(%run_scoped3A : memref<!tpu.dma_semaphore, #tpu.memory_space<semaphore_mem>>)
      %dma_wait3A = arith.constant 0 : i32
      %dma_wait3A_43 = tpu.memref_slice %arg2[%dma_wait3A, %mul3A_11] : memref<24x1024xi32, #tpu.memory_space<hbm>> -> memref<24x128xi32, #tpu.memory_space<hbm>>
      %dma_wait3A_44 = arith.constant 0 : i32
      %dma_wait3A_45 = tpu.memref_slice %arg2[%dma_wait3A_44, %mul3A_11] : memref<24x1024xi32, #tpu.memory_space<hbm>> -> memref<24x128xi32, #tpu.memory_space<hbm>>
      tpu.wait_dma2 semaphore(%run_scoped3A : memref<!tpu.dma_semaphore, #tpu.memory_space<semaphore_mem>>) src(%dma_wait3A_45 : memref<24x128xi32, #tpu.memory_space<hbm>>) dst(%arg15 : memref<24x128xi32, #tpu.memory_space<vmem>>)
      tpu.yield
    }) : () -> ()
    "tpu.region"() ({
      %run_scoped3A = tpu.sem_alloc : memref<!tpu.dma_semaphore, #tpu.memory_space<semaphore_mem>>
      %dma_start3A = arith.constant 0 : i32
      %dma_start3A_40 = tpu.memref_slice %arg3[%dma_start3A, %mul3A_11] : memref<24x1024xi32, #tpu.memory_space<hbm>> -> memref<24x128xi32, #tpu.memory_space<hbm>>
      %dma_start3A_41 = arith.constant 0 : i32
      %dma_start3A_42 = tpu.memref_slice %arg3[%dma_start3A_41, %mul3A_11] : memref<24x1024xi32, #tpu.memory_space<hbm>> -> memref<24x128xi32, #tpu.memory_space<hbm>>
      tpu.enqueue_dma source(%dma_start3A_42 : memref<24x128xi32, #tpu.memory_space<hbm>>) target(%arg16 : memref<24x128xi32, #tpu.memory_space<vmem>>) target_semaphore(%run_scoped3A : memref<!tpu.dma_semaphore, #tpu.memory_space<semaphore_mem>>)
      %dma_wait3A = arith.constant 0 : i32
      %dma_wait3A_43 = tpu.memref_slice %arg3[%dma_wait3A, %mul3A_11] : memref<24x1024xi32, #tpu.memory_space<hbm>> -> memref<24x128xi32, #tpu.memory_space<hbm>>
      %dma_wait3A_44 = arith.constant 0 : i32
      %dma_wait3A_45 = tpu.memref_slice %arg3[%dma_wait3A_44, %mul3A_11] : memref<24x1024xi32, #tpu.memory_space<hbm>> -> memref<24x128xi32, #tpu.memory_space<hbm>>
      tpu.wait_dma2 semaphore(%run_scoped3A : memref<!tpu.dma_semaphore, #tpu.memory_space<semaphore_mem>>) src(%dma_wait3A_45 : memref<24x128xi32, #tpu.memory_space<hbm>>) dst(%arg16 : memref<24x128xi32, #tpu.memory_space<vmem>>)
      tpu.yield
    }) : () -> ()
    "tpu.region"() ({
      %run_scoped3A = tpu.sem_alloc : memref<!tpu.dma_semaphore, #tpu.memory_space<semaphore_mem>>
      %dma_start3A = arith.constant 0 : i32
      %dma_start3A_40 = tpu.memref_slice %arg4[%dma_start3A, %mul3A_11] : memref<24x1024xi32, #tpu.memory_space<hbm>> -> memref<24x128xi32, #tpu.memory_space<hbm>>
      %dma_start3A_41 = arith.constant 0 : i32
      %dma_start3A_42 = tpu.memref_slice %arg4[%dma_start3A_41, %mul3A_11] : memref<24x1024xi32, #tpu.memory_space<hbm>> -> memref<24x128xi32, #tpu.memory_space<hbm>>
      tpu.enqueue_dma source(%dma_start3A_42 : memref<24x128xi32, #tpu.memory_space<hbm>>) target(%arg17 : memref<24x128xi32, #tpu.memory_space<vmem>>) target_semaphore(%run_scoped3A : memref<!tpu.dma_semaphore, #tpu.memory_space<semaphore_mem>>)
      %dma_wait3A = arith.constant 0 : i32
      %dma_wait3A_43 = tpu.memref_slice %arg4[%dma_wait3A, %mul3A_11] : memref<24x1024xi32, #tpu.memory_space<hbm>> -> memref<24x128xi32, #tpu.memory_space<hbm>>
      %dma_wait3A_44 = arith.constant 0 : i32
      %dma_wait3A_45 = tpu.memref_slice %arg4[%dma_wait3A_44, %mul3A_11] : memref<24x1024xi32, #tpu.memory_space<hbm>> -> memref<24x128xi32, #tpu.memory_space<hbm>>
      tpu.wait_dma2 semaphore(%run_scoped3A : memref<!tpu.dma_semaphore, #tpu.memory_space<semaphore_mem>>) src(%dma_wait3A_45 : memref<24x128xi32, #tpu.memory_space<hbm>>) dst(%arg17 : memref<24x128xi32, #tpu.memory_space<vmem>>)
      tpu.yield
    }) : () -> ()
    %iota3A = tpu.iota {dimensions = array<i32: 0>} : vector<16xi32>
    %scan3A = arith.constant 0 : i32
    %scan3A_35 = arith.constant 0 : i32
    %scan3A_36 = arith.constant 5 : i32
    %scan3A_37 = arith.addi %scan3A_35, %scan3A_36 : i32
    %scan3A_38 = arith.constant 1 : i32
    scf.for %scan3A_40 = %scan3A_35 to %scan3A_37 step %scan3A_38  : i32 {
      %add3A_41 = arith.addi %mul3A_34, %scan3A_40 : i32
      %dma_start3A = arith.constant 0 : i32
      %dma_start3A_42 = arith.constant 0 : i32
      %dma_start3A_43 = tpu.memref_slice %arg18[%dma_start3A, %dma_start3A_42] : memref<128x768xf32, #tpu.memory_space<vmem>> -> memref<128x128xf32, #tpu.memory_space<vmem>>
      %dma_start3A_44 = arith.constant 0 : i32
      %dma_start3A_45 = tpu.memref_slice %arg15[%add3A_41, %dma_start3A_44] : memref<24x128xi32, #tpu.memory_space<vmem>> -> memref<1x128xi32, #tpu.memory_space<vmem>>
      %dma_start3A_46 = tpu.memref_squeeze %dma_start3A_45 : memref<1x128xi32, #tpu.memory_space<vmem>> -> memref<128xi32, #tpu.memory_space<vmem>>
      %dma_start3A_47 = arith.constant 0 : i32
      %dma_start3A_48 = arith.constant 0 : i32
      %dma_start3A_49 = tpu.memref_slice %arg5[%dma_start3A_47, %dma_start3A_48] : memref<100000x128xf32, #tpu.memory_space<hbm>> -> memref<100000x128xf32, #tpu.memory_space<hbm>>
      tpu.enqueue_indirect_dma source(%dma_start3A_49 : memref<100000x128xf32, #tpu.memory_space<hbm>>) target(%dma_start3A_43 : memref<128x128xf32, #tpu.memory_space<vmem>>) offsets(%dma_start3A_46 : memref<128xi32, #tpu.memory_space<vmem>>) semaphore(%arg21 : memref<!tpu.dma_semaphore, #tpu.memory_space<semaphore_mem>>)
      %dma_wait3A = arith.constant 0 : i32
      %dma_wait3A_50 = arith.constant 0 : i32
      %dma_wait3A_51 = tpu.memref_slice %arg18[%dma_wait3A, %dma_wait3A_50] : memref<128x768xf32, #tpu.memory_space<vmem>> -> memref<128x128xf32, #tpu.memory_space<vmem>>
      %dma_wait3A_52 = arith.constant 0 : i32
      %dma_wait3A_53 = tpu.memref_slice %arg15[%add3A_41, %dma_wait3A_52] : memref<24x128xi32, #tpu.memory_space<vmem>> -> memref<1x128xi32, #tpu.memory_space<vmem>>
      %dma_wait3A_54 = tpu.memref_squeeze %dma_wait3A_53 : memref<1x128xi32, #tpu.memory_space<vmem>> -> memref<128xi32, #tpu.memory_space<vmem>>
      %dma_wait3A_55 = arith.constant 0 : i32
      %dma_wait3A_56 = arith.constant 0 : i32
      %dma_wait3A_57 = tpu.memref_slice %arg5[%dma_wait3A_55, %dma_wait3A_56] : memref<100000x128xf32, #tpu.memory_space<hbm>> -> memref<100000x128xf32, #tpu.memory_space<hbm>>
      tpu.wait_indirect_dma semaphore(%arg21 : memref<!tpu.dma_semaphore, #tpu.memory_space<semaphore_mem>>) src(%dma_wait3A_57 : memref<100000x128xf32, #tpu.memory_space<hbm>>) dst(%dma_wait3A_51 : memref<128x128xf32, #tpu.memory_space<vmem>>)
      %scan3A_58 = arith.constant 0 : i32
      %scan3A_59 = arith.constant 0 : i32
      %scan3A_60 = arith.constant 8 : i32
      %scan3A_61 = arith.addi %scan3A_59, %scan3A_60 : i32
      %scan3A_62 = arith.constant 1 : i32
      scf.for %scan3A_292 = %scan3A_59 to %scan3A_61 step %scan3A_62  : i32 {
        %mul3A_293 = arith.constant 16 : i32
        %mul3A_294 = arith.muli %scan3A_292, %mul3A_293 : i32
        %add3A_295 = vector.broadcast %mul3A_294 : i32 to vector<16xi32>
        %add3A_296 = arith.addi %iota3A, %add3A_295 : vector<16xi32>
        %parallel_loop3A = arith.constant 0 : i32
        %parallel_loop3A_297 = arith.constant 16 : i32
        %parallel_loop3A_298 = arith.constant 1 : i32
        scf.for %parallel_loop3A_299 = %parallel_loop3A to %parallel_loop3A_297 step %parallel_loop3A_298  : i32 {
          %parallel_loop3A_300 = vector.broadcast %parallel_loop3A_299 : i32 to vector<16xi32>
          %parallel_loop3A_301 = arith.addi %iota3A, %parallel_loop3A_300 : vector<16xi32>
          %parallel_loop3A_302 = arith.constant 15 : i32
          %parallel_loop3A_303 = vector.broadcast %parallel_loop3A_302 : i32 to vector<16xi32>
          %parallel_loop3A_304 = arith.andi %parallel_loop3A_301, %parallel_loop3A_303 : vector<16xi32>
          %parallel_loop3A_305 = arith.constant 0 : i32
          %parallel_loop3A_306 = vector.broadcast %parallel_loop3A_305 : i32 to vector<16xi32>
          %parallel_loop3A_307 = arith.addi %parallel_loop3A_304, %parallel_loop3A_306 : vector<16xi32>
          %parallel_loop3A_308 = arith.constant 0 : i32
          %parallel_loop3A_309 = vector.broadcast %parallel_loop3A_308 : i32 to vector<16xi32>
          %parallel_loop3A_310 = arith.addi %parallel_loop3A_307, %parallel_loop3A_309 : vector<16xi32>
          %parallel_loop3A_311 = tpu.vector_load_idx %arg18[%add3A_296, %parallel_loop3A_310] : memref<128x768xf32, #tpu.memory_space<vmem>>[vector<16xi32>, vector<16xi32>], vector<16xf32>,
          tpu.vector_store_idx %arg19[%parallel_loop3A_307, %add3A_296], %parallel_loop3A_311 : memref<64x128xf32, #tpu.memory_space<vmem>>[vector<16xi32>, vector<16xi32>], vector<16xf32>,
          %parallel_loop3A_312 = arith.constant 16 : i32
          %parallel_loop3A_313 = vector.broadcast %parallel_loop3A_312 : i32 to vector<16xi32>
          %parallel_loop3A_314 = arith.addi %parallel_loop3A_304, %parallel_loop3A_313 : vector<16xi32>
          %parallel_loop3A_315 = arith.constant 0 : i32
          %parallel_loop3A_316 = vector.broadcast %parallel_loop3A_315 : i32 to vector<16xi32>
          %parallel_loop3A_317 = arith.addi %parallel_loop3A_314, %parallel_loop3A_316 : vector<16xi32>
          %parallel_loop3A_318 = tpu.vector_load_idx %arg18[%add3A_296, %parallel_loop3A_317] : memref<128x768xf32, #tpu.memory_space<vmem>>[vector<16xi32>, vector<16xi32>], vector<16xf32>,
          tpu.vector_store_idx %arg19[%parallel_loop3A_314, %add3A_296], %parallel_loop3A_318 : memref<64x128xf32, #tpu.memory_space<vmem>>[vector<16xi32>, vector<16xi32>], vector<16xf32>,
          %parallel_loop3A_319 = arith.constant 32 : i32
          %parallel_loop3A_320 = vector.broadcast %parallel_loop3A_319 : i32 to vector<16xi32>
          %parallel_loop3A_321 = arith.addi %parallel_loop3A_304, %parallel_loop3A_320 : vector<16xi32>
          %parallel_loop3A_322 = arith.constant 0 : i32
          %parallel_loop3A_323 = vector.broadcast %parallel_loop3A_322 : i32 to vector<16xi32>
          %parallel_loop3A_324 = arith.addi %parallel_loop3A_321, %parallel_loop3A_323 : vector<16xi32>
          %parallel_loop3A_325 = tpu.vector_load_idx %arg18[%add3A_296, %parallel_loop3A_324] : memref<128x768xf32, #tpu.memory_space<vmem>>[vector<16xi32>, vector<16xi32>], vector<16xf32>,
          tpu.vector_store_idx %arg19[%parallel_loop3A_321, %add3A_296], %parallel_loop3A_325 : memref<64x128xf32, #tpu.memory_space<vmem>>[vector<16xi32>, vector<16xi32>], vector<16xf32>,
          %parallel_loop3A_326 = arith.constant 48 : i32
          %parallel_loop3A_327 = vector.broadcast %parallel_loop3A_326 : i32 to vector<16xi32>
          %parallel_loop3A_328 = arith.addi %parallel_loop3A_304, %parallel_loop3A_327 : vector<16xi32>
          %parallel_loop3A_329 = arith.constant 0 : i32
          %parallel_loop3A_330 = vector.broadcast %parallel_loop3A_329 : i32 to vector<16xi32>
          %parallel_loop3A_331 = arith.addi %parallel_loop3A_328, %parallel_loop3A_330 : vector<16xi32>
          %parallel_loop3A_332 = tpu.vector_load_idx %arg18[%add3A_296, %parallel_loop3A_331] : memref<128x768xf32, #tpu.memory_space<vmem>>[vector<16xi32>, vector<16xi32>], vector<16xf32>,
          tpu.vector_store_idx %arg19[%parallel_loop3A_328, %add3A_296], %parallel_loop3A_332 : memref<64x128xf32, #tpu.memory_space<vmem>>[vector<16xi32>, vector<16xi32>], vector<16xf32>,
        } {sc.loop_unroll_factor = 8 : i64, sc.parallel_access}
      }
      %scan3A_63 = arith.constant 8 : i32
      "tpu.region"() ({
        %run_scoped3A = tpu.sem_alloc : memref<!tpu.dma_semaphore, #tpu.memory_space<semaphore_mem>>
        %dma_start3A_292 = arith.constant 0 : i32
        %dma_start3A_293 = tpu.memref_slice %arg14[%add3A_41, %dma_start3A_292, %mul3A_11] : memref<20x4800x1024xf32, #tpu.memory_space<hbm>> -> memref<1x64x128xf32, #tpu.memory_space<hbm>>
        %dma_start3A_294 = tpu.memref_squeeze %dma_start3A_293 : memref<1x64x128xf32, #tpu.memory_space<hbm>> -> memref<64x128xf32, #tpu.memory_space<hbm>>
        %dma_start3A_295 = arith.constant 0 : i32
        %dma_start3A_296 = tpu.memref_slice %arg14[%add3A_41, %dma_start3A_295, %mul3A_11] : memref<20x4800x1024xf32, #tpu.memory_space<hbm>> -> memref<1x64x128xf32, #tpu.memory_space<hbm>>
        %dma_start3A_297 = tpu.memref_squeeze %dma_start3A_296 : memref<1x64x128xf32, #tpu.memory_space<hbm>> -> memref<64x128xf32, #tpu.memory_space<hbm>>
        tpu.enqueue_dma source(%arg19 : memref<64x128xf32, #tpu.memory_space<vmem>>) target(%dma_start3A_297 : memref<64x128xf32, #tpu.memory_space<hbm>>) target_semaphore(%run_scoped3A : memref<!tpu.dma_semaphore, #tpu.memory_space<semaphore_mem>>)
        %dma_wait3A_298 = arith.constant 0 : i32
        %dma_wait3A_299 = tpu.memref_slice %arg14[%add3A_41, %dma_wait3A_298, %mul3A_11] : memref<20x4800x1024xf32, #tpu.memory_space<hbm>> -> memref<1x64x128xf32, #tpu.memory_space<hbm>>
        %dma_wait3A_300 = tpu.memref_squeeze %dma_wait3A_299 : memref<1x64x128xf32, #tpu.memory_space<hbm>> -> memref<64x128xf32, #tpu.memory_space<hbm>>
        %dma_wait3A_301 = arith.constant 0 : i32
        %dma_wait3A_302 = tpu.memref_slice %arg14[%add3A_41, %dma_wait3A_301, %mul3A_11] : memref<20x4800x1024xf32, #tpu.memory_space<hbm>> -> memref<1x64x128xf32, #tpu.memory_space<hbm>>
        %dma_wait3A_303 = tpu.memref_squeeze %dma_wait3A_302 : memref<1x64x128xf32, #tpu.memory_space<hbm>> -> memref<64x128xf32, #tpu.memory_space<hbm>>
        tpu.wait_dma2 semaphore(%run_scoped3A : memref<!tpu.dma_semaphore, #tpu.memory_space<semaphore_mem>>) src(%arg19 : memref<64x128xf32, #tpu.memory_space<vmem>>) dst(%dma_wait3A_303 : memref<64x128xf32, #tpu.memory_space<hbm>>)
        tpu.yield
      }) : () -> ()
      %dma_start3A_64 = arith.constant 0 : i32
      %dma_start3A_65 = tpu.memref_slice %arg15[%add3A_41, %dma_start3A_64] : memref<24x128xi32, #tpu.memory_space<vmem>> -> memref<1x128xi32, #tpu.memory_space<vmem>>
      %dma_start3A_66 = tpu.memref_squeeze %dma_start3A_65 : memref<1x128xi32, #tpu.memory_space<vmem>> -> memref<128xi32, #tpu.memory_space<vmem>>
      %dma_start3A_67 = arith.constant 0 : i32
      %dma_start3A_68 = arith.constant 0 : i32
      %dma_start3A_69 = tpu.memref_slice %arg8[%dma_start3A_67, %dma_start3A_68] : memref<100000x768xf32, #tpu.memory_space<hbm>> -> memref<100000x768xf32, #tpu.memory_space<hbm>>
      tpu.enqueue_indirect_dma source(%dma_start3A_69 : memref<100000x768xf32, #tpu.memory_space<hbm>>) target(%arg18 : memref<128x768xf32, #tpu.memory_space<vmem>>) offsets(%dma_start3A_66 : memref<128xi32, #tpu.memory_space<vmem>>) semaphore(%arg21 : memref<!tpu.dma_semaphore, #tpu.memory_space<semaphore_mem>>)
      %dma_wait3A_70 = arith.constant 0 : i32
      %dma_wait3A_71 = tpu.memref_slice %arg15[%add3A_41, %dma_wait3A_70] : memref<24x128xi32, #tpu.memory_space<vmem>> -> memref<1x128xi32, #tpu.memory_space<vmem>>
      %dma_wait3A_72 = tpu.memref_squeeze %dma_wait3A_71 : memref<1x128xi32, #tpu.memory_space<vmem>> -> memref<128xi32, #tpu.memory_space<vmem>>
      %dma_wait3A_73 = arith.constant 0 : i32
      %dma_wait3A_74 = arith.constant 0 : i32
      %dma_wait3A_75 = tpu.memref_slice %arg8[%dma_wait3A_73, %dma_wait3A_74] : memref<100000x768xf32, #tpu.memory_space<hbm>> -> memref<100000x768xf32, #tpu.memory_space<hbm>>
      tpu.wait_indirect_dma semaphore(%arg21 : memref<!tpu.dma_semaphore, #tpu.memory_space<semaphore_mem>>) src(%dma_wait3A_75 : memref<100000x768xf32, #tpu.memory_space<hbm>>) dst(%arg18 : memref<128x768xf32, #tpu.memory_space<vmem>>)
      %scan3A_76 = arith.constant 0 : i32
      %scan3A_77 = arith.constant 0 : i32
      %scan3A_78 = arith.constant 6 : i32
      %scan3A_79 = arith.addi %scan3A_77, %scan3A_78 : i32
      %scan3A_80 = arith.constant 1 : i32
      scf.for %scan3A_292 = %scan3A_77 to %scan3A_79 step %scan3A_80  : i32 {
        %mul3A_293 = arith.constant 2 : i32
        %mul3A_294 = arith.muli %scan3A_292, %mul3A_293 : i32
        %add3A_295 = arith.constant 0 : i32
        %add3A_296 = arith.addi %mul3A_294, %add3A_295 : i32
        %mul3A_297 = arith.constant 64 : i32
        %mul3A_298 = arith.muli %add3A_296, %mul3A_297 : i32
        %gt3A = arith.constant 0 : i32
        %gt3A_299 = arith.cmpi sgt, %scan3A_292, %gt3A : i32
        %convert_element_type3A = arith.extui %gt3A_299 : i1 to i32
        %cond3A = arith.constant 0 : i32
        %cond3A_300 = arith.cmpi ne, %convert_element_type3A, %cond3A : i32
        scf.if %cond3A_300 {
          %add3A_336 = arith.constant 64 : i32
          %add3A_337 = arith.addi %add3A_336, %mul3A_298 : i32
          %sub3A_338 = arith.constant 128 : i32
          %sub3A_339 = arith.subi %add3A_337, %sub3A_338 : i32
          %dma_wait3A_340 = tpu.memref_slice %arg14[%add3A_41, %sub3A_339, %mul3A_11] : memref<20x4800x1024xf32, #tpu.memory_space<hbm>> -> memref<1x64x128xf32, #tpu.memory_space<hbm>>
          %dma_wait3A_341 = tpu.memref_squeeze %dma_wait3A_340 : memref<1x64x128xf32, #tpu.memory_space<hbm>> -> memref<64x128xf32, #tpu.memory_space<hbm>>
          %dma_wait3A_342 = tpu.memref_slice %arg14[%add3A_41, %sub3A_339, %mul3A_11] : memref<20x4800x1024xf32, #tpu.memory_space<hbm>> -> memref<1x64x128xf32, #tpu.memory_space<hbm>>
          %dma_wait3A_343 = tpu.memref_squeeze %dma_wait3A_342 : memref<1x64x128xf32, #tpu.memory_space<hbm>> -> memref<64x128xf32, #tpu.memory_space<hbm>>
          tpu.wait_dma2 semaphore(%arg22 : memref<!tpu.dma_semaphore, #tpu.memory_space<semaphore_mem>>) src(%arg19 : memref<64x128xf32, #tpu.memory_space<vmem>>) dst(%dma_wait3A_343 : memref<64x128xf32, #tpu.memory_space<hbm>>)
        } else {
        }
        %scan3A_301 = arith.constant 0 : i32
        %scan3A_302 = arith.constant 0 : i32
        %scan3A_303 = arith.constant 8 : i32
        %scan3A_304 = arith.addi %scan3A_302, %scan3A_303 : i32
        %scan3A_305 = arith.constant 1 : i32
        scf.for %scan3A_336 = %scan3A_302 to %scan3A_304 step %scan3A_305  : i32 {
          %mul3A_337 = arith.constant 16 : i32
          %mul3A_338 = arith.muli %scan3A_336, %mul3A_337 : i32
          %add3A_339 = vector.broadcast %mul3A_338 : i32 to vector<16xi32>
          %add3A_340 = arith.addi %iota3A, %add3A_339 : vector<16xi32>
          %parallel_loop3A = arith.constant 0 : i32
          %parallel_loop3A_341 = arith.constant 16 : i32
          %parallel_loop3A_342 = arith.constant 1 : i32
          scf.for %parallel_loop3A_343 = %parallel_loop3A to %parallel_loop3A_341 step %parallel_loop3A_342  : i32 {
            %parallel_loop3A_344 = vector.broadcast %parallel_loop3A_343 : i32 to vector<16xi32>
            %parallel_loop3A_345 = arith.addi %iota3A, %parallel_loop3A_344 : vector<16xi32>
            %parallel_loop3A_346 = arith.constant 15 : i32
            %parallel_loop3A_347 = vector.broadcast %parallel_loop3A_346 : i32 to vector<16xi32>
            %parallel_loop3A_348 = arith.andi %parallel_loop3A_345, %parallel_loop3A_347 : vector<16xi32>
            %parallel_loop3A_349 = arith.constant 0 : i32
            %parallel_loop3A_350 = vector.broadcast %parallel_loop3A_349 : i32 to vector<16xi32>
            %parallel_loop3A_351 = arith.addi %parallel_loop3A_348, %parallel_loop3A_350 : vector<16xi32>
            %parallel_loop3A_352 = vector.broadcast %mul3A_298 : i32 to vector<16xi32>
            %parallel_loop3A_353 = arith.addi %parallel_loop3A_351, %parallel_loop3A_352 : vector<16xi32>
            %parallel_loop3A_354 = tpu.vector_load_idx %arg18[%add3A_340, %parallel_loop3A_353] : memref<128x768xf32, #tpu.memory_space<vmem>>[vector<16xi32>, vector<16xi32>], vector<16xf32>,
            tpu.vector_store_idx %arg19[%parallel_loop3A_351, %add3A_340], %parallel_loop3A_354 : memref<64x128xf32, #tpu.memory_space<vmem>>[vector<16xi32>, vector<16xi32>], vector<16xf32>,
            %parallel_loop3A_355 = arith.constant 16 : i32
            %parallel_loop3A_356 = vector.broadcast %parallel_loop3A_355 : i32 to vector<16xi32>
            %parallel_loop3A_357 = arith.addi %parallel_loop3A_348, %parallel_loop3A_356 : vector<16xi32>
            %parallel_loop3A_358 = vector.broadcast %mul3A_298 : i32 to vector<16xi32>
            %parallel_loop3A_359 = arith.addi %parallel_loop3A_357, %parallel_loop3A_358 : vector<16xi32>
            %parallel_loop3A_360 = tpu.vector_load_idx %arg18[%add3A_340, %parallel_loop3A_359] : memref<128x768xf32, #tpu.memory_space<vmem>>[vector<16xi32>, vector<16xi32>], vector<16xf32>,
            tpu.vector_store_idx %arg19[%parallel_loop3A_357, %add3A_340], %parallel_loop3A_360 : memref<64x128xf32, #tpu.memory_space<vmem>>[vector<16xi32>, vector<16xi32>], vector<16xf32>,
            %parallel_loop3A_361 = arith.constant 32 : i32
            %parallel_loop3A_362 = vector.broadcast %parallel_loop3A_361 : i32 to vector<16xi32>
            %parallel_loop3A_363 = arith.addi %parallel_loop3A_348, %parallel_loop3A_362 : vector<16xi32>
            %parallel_loop3A_364 = vector.broadcast %mul3A_298 : i32 to vector<16xi32>
            %parallel_loop3A_365 = arith.addi %parallel_loop3A_363, %parallel_loop3A_364 : vector<16xi32>
            %parallel_loop3A_366 = tpu.vector_load_idx %arg18[%add3A_340, %parallel_loop3A_365] : memref<128x768xf32, #tpu.memory_space<vmem>>[vector<16xi32>, vector<16xi32>], vector<16xf32>,
            tpu.vector_store_idx %arg19[%parallel_loop3A_363, %add3A_340], %parallel_loop3A_366 : memref<64x128xf32, #tpu.memory_space<vmem>>[vector<16xi32>, vector<16xi32>], vector<16xf32>,
            %parallel_loop3A_367 = arith.constant 48 : i32
            %parallel_loop3A_368 = vector.broadcast %parallel_loop3A_367 : i32 to vector<16xi32>
            %parallel_loop3A_369 = arith.addi %parallel_loop3A_348, %parallel_loop3A_368 : vector<16xi32>
            %parallel_loop3A_370 = vector.broadcast %mul3A_298 : i32 to vector<16xi32>
            %parallel_loop3A_371 = arith.addi %parallel_loop3A_369, %parallel_loop3A_370 : vector<16xi32>
            %parallel_loop3A_372 = tpu.vector_load_idx %arg18[%add3A_340, %parallel_loop3A_371] : memref<128x768xf32, #tpu.memory_space<vmem>>[vector<16xi32>, vector<16xi32>], vector<16xf32>,
            tpu.vector_store_idx %arg19[%parallel_loop3A_369, %add3A_340], %parallel_loop3A_372 : memref<64x128xf32, #tpu.memory_space<vmem>>[vector<16xi32>, vector<16xi32>], vector<16xf32>,
          } {sc.loop_unroll_factor = 8 : i64, sc.parallel_access}
        }
        %scan3A_306 = arith.constant 8 : i32
        %add3A_307 = arith.constant 64 : i32
        %add3A_308 = arith.addi %add3A_307, %mul3A_298 : i32
        %dma_start3A_309 = tpu.memref_slice %arg14[%add3A_41, %add3A_308, %mul3A_11] : memref<20x4800x1024xf32, #tpu.memory_space<hbm>> -> memref<1x64x128xf32, #tpu.memory_space<hbm>>
        %dma_start3A_310 = tpu.memref_squeeze %dma_start3A_309 : memref<1x64x128xf32, #tpu.memory_space<hbm>> -> memref<64x128xf32, #tpu.memory_space<hbm>>
        %dma_start3A_311 = tpu.memref_slice %arg14[%add3A_41, %add3A_308, %mul3A_11] : memref<20x4800x1024xf32, #tpu.memory_space<hbm>> -> memref<1x64x128xf32, #tpu.memory_space<hbm>>
        %dma_start3A_312 = tpu.memref_squeeze %dma_start3A_311 : memref<1x64x128xf32, #tpu.memory_space<hbm>> -> memref<64x128xf32, #tpu.memory_space<hbm>>
        tpu.enqueue_dma source(%arg19 : memref<64x128xf32, #tpu.memory_space<vmem>>) target(%dma_start3A_312 : memref<64x128xf32, #tpu.memory_space<hbm>>) target_semaphore(%arg22 : memref<!tpu.dma_semaphore, #tpu.memory_space<semaphore_mem>>)
        %mul3A_313 = arith.constant 2 : i32
        %mul3A_314 = arith.muli %scan3A_292, %mul3A_313 : i32
        %add3A_315 = arith.constant 1 : i32
        %add3A_316 = arith.addi %mul3A_314, %add3A_315 : i32
        %mul3A_317 = arith.constant 64 : i32
        %mul3A_318 = arith.muli %add3A_316, %mul3A_317 : i32
        %gt3A_319 = arith.constant 0 : i32
        %gt3A_320 = arith.cmpi sgt, %scan3A_292, %gt3A_319 : i32
        %convert_element_type3A_321 = arith.extui %gt3A_320 : i1 to i32
        %cond3A_322 = arith.constant 0 : i32
        %cond3A_323 = arith.cmpi ne, %convert_element_type3A_321, %cond3A_322 : i32
        scf.if %cond3A_323 {
          %add3A_336 = arith.constant 64 : i32
          %add3A_337 = arith.addi %add3A_336, %mul3A_318 : i32
          %sub3A_338 = arith.constant 128 : i32
          %sub3A_339 = arith.subi %add3A_337, %sub3A_338 : i32
          %dma_wait3A_340 = tpu.memref_slice %arg14[%add3A_41, %sub3A_339, %mul3A_11] : memref<20x4800x1024xf32, #tpu.memory_space<hbm>> -> memref<1x64x128xf32, #tpu.memory_space<hbm>>
          %dma_wait3A_341 = tpu.memref_squeeze %dma_wait3A_340 : memref<1x64x128xf32, #tpu.memory_space<hbm>> -> memref<64x128xf32, #tpu.memory_space<hbm>>
          %dma_wait3A_342 = tpu.memref_slice %arg14[%add3A_41, %sub3A_339, %mul3A_11] : memref<20x4800x1024xf32, #tpu.memory_space<hbm>> -> memref<1x64x128xf32, #tpu.memory_space<hbm>>
          %dma_wait3A_343 = tpu.memref_squeeze %dma_wait3A_342 : memref<1x64x128xf32, #tpu.memory_space<hbm>> -> memref<64x128xf32, #tpu.memory_space<hbm>>
          tpu.wait_dma2 semaphore(%arg23 : memref<!tpu.dma_semaphore, #tpu.memory_space<semaphore_mem>>) src(%arg20 : memref<64x128xf32, #tpu.memory_space<vmem>>) dst(%dma_wait3A_343 : memref<64x128xf32, #tpu.memory_space<hbm>>)
        } else {
        }
        %scan3A_324 = arith.constant 0 : i32
        %scan3A_325 = arith.constant 0 : i32
        %scan3A_326 = arith.constant 8 : i32
        %scan3A_327 = arith.addi %scan3A_325, %scan3A_326 : i32
        %scan3A_328 = arith.constant 1 : i32
        scf.for %scan3A_336 = %scan3A_325 to %scan3A_327 step %scan3A_328  : i32 {
          %mul3A_337 = arith.constant 16 : i32
          %mul3A_338 = arith.muli %scan3A_336, %mul3A_337 : i32
          %add3A_339 = vector.broadcast %mul3A_338 : i32 to vector<16xi32>
          %add3A_340 = arith.addi %iota3A, %add3A_339 : vector<16xi32>
          %parallel_loop3A = arith.constant 0 : i32
          %parallel_loop3A_341 = arith.constant 16 : i32
          %parallel_loop3A_342 = arith.constant 1 : i32
          scf.for %parallel_loop3A_343 = %parallel_loop3A to %parallel_loop3A_341 step %parallel_loop3A_342  : i32 {
            %parallel_loop3A_344 = vector.broadcast %parallel_loop3A_343 : i32 to vector<16xi32>
            %parallel_loop3A_345 = arith.addi %iota3A, %parallel_loop3A_344 : vector<16xi32>
            %parallel_loop3A_346 = arith.constant 15 : i32
            %parallel_loop3A_347 = vector.broadcast %parallel_loop3A_346 : i32 to vector<16xi32>
            %parallel_loop3A_348 = arith.andi %parallel_loop3A_345, %parallel_loop3A_347 : vector<16xi32>
            %parallel_loop3A_349 = arith.constant 0 : i32
            %parallel_loop3A_350 = vector.broadcast %parallel_loop3A_349 : i32 to vector<16xi32>
            %parallel_loop3A_351 = arith.addi %parallel_loop3A_348, %parallel_loop3A_350 : vector<16xi32>
            %parallel_loop3A_352 = vector.broadcast %mul3A_318 : i32 to vector<16xi32>
            %parallel_loop3A_353 = arith.addi %parallel_loop3A_351, %parallel_loop3A_352 : vector<16xi32>
            %parallel_loop3A_354 = tpu.vector_load_idx %arg18[%add3A_340, %parallel_loop3A_353] : memref<128x768xf32, #tpu.memory_space<vmem>>[vector<16xi32>, vector<16xi32>], vector<16xf32>,
            tpu.vector_store_idx %arg20[%parallel_loop3A_351, %add3A_340], %parallel_loop3A_354 : memref<64x128xf32, #tpu.memory_space<vmem>>[vector<16xi32>, vector<16xi32>], vector<16xf32>,
            %parallel_loop3A_355 = arith.constant 16 : i32
            %parallel_loop3A_356 = vector.broadcast %parallel_loop3A_355 : i32 to vector<16xi32>
            %parallel_loop3A_357 = arith.addi %parallel_loop3A_348, %parallel_loop3A_356 : vector<16xi32>
            %parallel_loop3A_358 = vector.broadcast %mul3A_318 : i32 to vector<16xi32>
            %parallel_loop3A_359 = arith.addi %parallel_loop3A_357, %parallel_loop3A_358 : vector<16xi32>
            %parallel_loop3A_360 = tpu.vector_load_idx %arg18[%add3A_340, %parallel_loop3A_359] : memref<128x768xf32, #tpu.memory_space<vmem>>[vector<16xi32>, vector<16xi32>], vector<16xf32>,
            tpu.vector_store_idx %arg20[%parallel_loop3A_357, %add3A_340], %parallel_loop3A_360 : memref<64x128xf32, #tpu.memory_space<vmem>>[vector<16xi32>, vector<16xi32>], vector<16xf32>,
            %parallel_loop3A_361 = arith.constant 32 : i32
            %parallel_loop3A_362 = vector.broadcast %parallel_loop3A_361 : i32 to vector<16xi32>
            %parallel_loop3A_363 = arith.addi %parallel_loop3A_348, %parallel_loop3A_362 : vector<16xi32>
            %parallel_loop3A_364 = vector.broadcast %mul3A_318 : i32 to vector<16xi32>
            %parallel_loop3A_365 = arith.addi %parallel_loop3A_363, %parallel_loop3A_364 : vector<16xi32>
            %parallel_loop3A_366 = tpu.vector_load_idx %arg18[%add3A_340, %parallel_loop3A_365] : memref<128x768xf32, #tpu.memory_space<vmem>>[vector<16xi32>, vector<16xi32>], vector<16xf32>,
            tpu.vector_store_idx %arg20[%parallel_loop3A_363, %add3A_340], %parallel_loop3A_366 : memref<64x128xf32, #tpu.memory_space<vmem>>[vector<16xi32>, vector<16xi32>], vector<16xf32>,
            %parallel_loop3A_367 = arith.constant 48 : i32
            %parallel_loop3A_368 = vector.broadcast %parallel_loop3A_367 : i32 to vector<16xi32>
            %parallel_loop3A_369 = arith.addi %parallel_loop3A_348, %parallel_loop3A_368 : vector<16xi32>
            %parallel_loop3A_370 = vector.broadcast %mul3A_318 : i32 to vector<16xi32>
            %parallel_loop3A_371 = arith.addi %parallel_loop3A_369, %parallel_loop3A_370 : vector<16xi32>
            %parallel_loop3A_372 = tpu.vector_load_idx %arg18[%add3A_340, %parallel_loop3A_371] : memref<128x768xf32, #tpu.memory_space<vmem>>[vector<16xi32>, vector<16xi32>], vector<16xf32>,
            tpu.vector_store_idx %arg20[%parallel_loop3A_369, %add3A_340], %parallel_loop3A_372 : memref<64x128xf32, #tpu.memory_space<vmem>>[vector<16xi32>, vector<16xi32>], vector<16xf32>,
          } {sc.loop_unroll_factor = 8 : i64, sc.parallel_access}
        }
        %scan3A_329 = arith.constant 8 : i32
        %add3A_330 = arith.constant 64 : i32
        %add3A_331 = arith.addi %add3A_330, %mul3A_318 : i32
        %dma_start3A_332 = tpu.memref_slice %arg14[%add3A_41, %add3A_331, %mul3A_11] : memref<20x4800x1024xf32, #tpu.memory_space<hbm>> -> memref<1x64x128xf32, #tpu.memory_space<hbm>>
        %dma_start3A_333 = tpu.memref_squeeze %dma_start3A_332 : memref<1x64x128xf32, #tpu.memory_space<hbm>> -> memref<64x128xf32, #tpu.memory_space<hbm>>
        %dma_start3A_334 = tpu.memref_slice %arg14[%add3A_41, %add3A_331, %mul3A_11] : memref<20x4800x1024xf32, #tpu.memory_space<hbm>> -> memref<1x64x128xf32, #tpu.memory_space<hbm>>
        %dma_start3A_335 = tpu.memref_squeeze %dma_start3A_334 : memref<1x64x128xf32, #tpu.memory_space<hbm>> -> memref<64x128xf32, #tpu.memory_space<hbm>>
        tpu.enqueue_dma source(%arg20 : memref<64x128xf32, #tpu.memory_space<vmem>>) target(%dma_start3A_335 : memref<64x128xf32, #tpu.memory_space<hbm>>) target_semaphore(%arg23 : memref<!tpu.dma_semaphore, #tpu.memory_space<semaphore_mem>>)
      }
      %scan3A_81 = arith.constant 6 : i32
      %dma_wait3A_82 = arith.constant 704 : i32
      %dma_wait3A_83 = tpu.memref_slice %arg14[%add3A_41, %dma_wait3A_82, %mul3A_11] : memref<20x4800x1024xf32, #tpu.memory_space<hbm>> -> memref<1x64x128xf32, #tpu.memory_space<hbm>>
      %dma_wait3A_84 = tpu.memref_squeeze %dma_wait3A_83 : memref<1x64x128xf32, #tpu.memory_space<hbm>> -> memref<64x128xf32, #tpu.memory_space<hbm>>
      %dma_wait3A_85 = arith.constant 704 : i32
      %dma_wait3A_86 = tpu.memref_slice %arg14[%add3A_41, %dma_wait3A_85, %mul3A_11] : memref<20x4800x1024xf32, #tpu.memory_space<hbm>> -> memref<1x64x128xf32, #tpu.memory_space<hbm>>
      %dma_wait3A_87 = tpu.memref_squeeze %dma_wait3A_86 : memref<1x64x128xf32, #tpu.memory_space<hbm>> -> memref<64x128xf32, #tpu.memory_space<hbm>>
      tpu.wait_dma2 semaphore(%arg22 : memref<!tpu.dma_semaphore, #tpu.memory_space<semaphore_mem>>) src(%arg19 : memref<64x128xf32, #tpu.memory_space<vmem>>) dst(%dma_wait3A_87 : memref<64x128xf32, #tpu.memory_space<hbm>>)
      %dma_wait3A_88 = arith.constant 768 : i32
      %dma_wait3A_89 = tpu.memref_slice %arg14[%add3A_41, %dma_wait3A_88, %mul3A_11] : memref<20x4800x1024xf32, #tpu.memory_space<hbm>> -> memref<1x64x128xf32, #tpu.memory_space<hbm>>
      %dma_wait3A_90 = tpu.memref_squeeze %dma_wait3A_89 : memref<1x64x128xf32, #tpu.memory_space<hbm>> -> memref<64x128xf32, #tpu.memory_space<hbm>>
      %dma_wait3A_91 = arith.constant 768 : i32
      %dma_wait3A_92 = tpu.memref_slice %arg14[%add3A_41, %dma_wait3A_91, %mul3A_11] : memref<20x4800x1024xf32, #tpu.memory_space<hbm>> -> memref<1x64x128xf32, #tpu.memory_space<hbm>>
      %dma_wait3A_93 = tpu.memref_squeeze %dma_wait3A_92 : memref<1x64x128xf32, #tpu.memory_space<hbm>> -> memref<64x128xf32, #tpu.memory_space<hbm>>
      tpu.wait_dma2 semaphore(%arg23 : memref<!tpu.dma_semaphore, #tpu.memory_space<semaphore_mem>>) src(%arg20 : memref<64x128xf32, #tpu.memory_space<vmem>>) dst(%dma_wait3A_93 : memref<64x128xf32, #tpu.memory_space<hbm>>)
      %dma_start3A_94 = arith.constant 0 : i32
      %dma_start3A_95 = tpu.memref_slice %arg15[%add3A_41, %dma_start3A_94] : memref<24x128xi32, #tpu.memory_space<vmem>> -> memref<1x128xi32, #tpu.memory_space<vmem>>
      %dma_start3A_96 = tpu.memref_squeeze %dma_start3A_95 : memref<1x128xi32, #tpu.memory_space<vmem>> -> memref<128xi32, #tpu.memory_space<vmem>>
      %dma_start3A_97 = arith.constant 0 : i32
      %dma_start3A_98 = arith.constant 0 : i32
      %dma_start3A_99 = tpu.memref_slice %arg11[%dma_start3A_97, %dma_start3A_98] : memref<100000x768xf32, #tpu.memory_space<hbm>> -> memref<100000x768xf32, #tpu.memory_space<hbm>>
      tpu.enqueue_indirect_dma source(%dma_start3A_99 : memref<100000x768xf32, #tpu.memory_space<hbm>>) target(%arg18 : memref<128x768xf32, #tpu.memory_space<vmem>>) offsets(%dma_start3A_96 : memref<128xi32, #tpu.memory_space<vmem>>) semaphore(%arg21 : memref<!tpu.dma_semaphore, #tpu.memory_space<semaphore_mem>>)
      %dma_wait3A_100 = arith.constant 0 : i32
      %dma_wait3A_101 = tpu.memref_slice %arg15[%add3A_41, %dma_wait3A_100] : memref<24x128xi32, #tpu.memory_space<vmem>> -> memref<1x128xi32, #tpu.memory_space<vmem>>
      %dma_wait3A_102 = tpu.memref_squeeze %dma_wait3A_101 : memref<1x128xi32, #tpu.memory_space<vmem>> -> memref<128xi32, #tpu.memory_space<vmem>>
      %dma_wait3A_103 = arith.constant 0 : i32
      %dma_wait3A_104 = arith.constant 0 : i32
      %dma_wait3A_105 = tpu.memref_slice %arg11[%dma_wait3A_103, %dma_wait3A_104] : memref<100000x768xf32, #tpu.memory_space<hbm>> -> memref<100000x768xf32, #tpu.memory_space<hbm>>
      tpu.wait_indirect_dma semaphore(%arg21 : memref<!tpu.dma_semaphore, #tpu.memory_space<semaphore_mem>>) src(%dma_wait3A_105 : memref<100000x768xf32, #tpu.memory_space<hbm>>) dst(%arg18 : memref<128x768xf32, #tpu.memory_space<vmem>>)
      %scan3A_106 = arith.constant 0 : i32
      %scan3A_107 = arith.constant 0 : i32
      %scan3A_108 = arith.constant 6 : i32
      %scan3A_109 = arith.addi %scan3A_107, %scan3A_108 : i32
      %scan3A_110 = arith.constant 1 : i32
      scf.for %scan3A_292 = %scan3A_107 to %scan3A_109 step %scan3A_110  : i32 {
        %mul3A_293 = arith.constant 2 : i32
        %mul3A_294 = arith.muli %scan3A_292, %mul3A_293 : i32
        %add3A_295 = arith.constant 0 : i32
        %add3A_296 = arith.addi %mul3A_294, %add3A_295 : i32
        %mul3A_297 = arith.constant 64 : i32
        %mul3A_298 = arith.muli %add3A_296, %mul3A_297 : i32
        %gt3A = arith.constant 0 : i32
        %gt3A_299 = arith.cmpi sgt, %scan3A_292, %gt3A : i32
        %convert_element_type3A = arith.extui %gt3A_299 : i1 to i32
        %cond3A = arith.constant 0 : i32
        %cond3A_300 = arith.cmpi ne, %convert_element_type3A, %cond3A : i32
        scf.if %cond3A_300 {
          %add3A_336 = arith.constant 832 : i32
          %add3A_337 = arith.addi %add3A_336, %mul3A_298 : i32
          %sub3A_338 = arith.constant 128 : i32
          %sub3A_339 = arith.subi %add3A_337, %sub3A_338 : i32
          %dma_wait3A_340 = tpu.memref_slice %arg14[%add3A_41, %sub3A_339, %mul3A_11] : memref<20x4800x1024xf32, #tpu.memory_space<hbm>> -> memref<1x64x128xf32, #tpu.memory_space<hbm>>
          %dma_wait3A_341 = tpu.memref_squeeze %dma_wait3A_340 : memref<1x64x128xf32, #tpu.memory_space<hbm>> -> memref<64x128xf32, #tpu.memory_space<hbm>>
          %dma_wait3A_342 = tpu.memref_slice %arg14[%add3A_41, %sub3A_339, %mul3A_11] : memref<20x4800x1024xf32, #tpu.memory_space<hbm>> -> memref<1x64x128xf32, #tpu.memory_space<hbm>>
          %dma_wait3A_343 = tpu.memref_squeeze %dma_wait3A_342 : memref<1x64x128xf32, #tpu.memory_space<hbm>> -> memref<64x128xf32, #tpu.memory_space<hbm>>
          tpu.wait_dma2 semaphore(%arg22 : memref<!tpu.dma_semaphore, #tpu.memory_space<semaphore_mem>>) src(%arg19 : memref<64x128xf32, #tpu.memory_space<vmem>>) dst(%dma_wait3A_343 : memref<64x128xf32, #tpu.memory_space<hbm>>)
        } else {
        }
        %scan3A_301 = arith.constant 0 : i32
        %scan3A_302 = arith.constant 0 : i32
        %scan3A_303 = arith.constant 8 : i32
        %scan3A_304 = arith.addi %scan3A_302, %scan3A_303 : i32
        %scan3A_305 = arith.constant 1 : i32
        scf.for %scan3A_336 = %scan3A_302 to %scan3A_304 step %scan3A_305  : i32 {
          %mul3A_337 = arith.constant 16 : i32
          %mul3A_338 = arith.muli %scan3A_336, %mul3A_337 : i32
          %add3A_339 = vector.broadcast %mul3A_338 : i32 to vector<16xi32>
          %add3A_340 = arith.addi %iota3A, %add3A_339 : vector<16xi32>
          %parallel_loop3A = arith.constant 0 : i32
          %parallel_loop3A_341 = arith.constant 16 : i32
          %parallel_loop3A_342 = arith.constant 1 : i32
          scf.for %parallel_loop3A_343 = %parallel_loop3A to %parallel_loop3A_341 step %parallel_loop3A_342  : i32 {
            %parallel_loop3A_344 = vector.broadcast %parallel_loop3A_343 : i32 to vector<16xi32>
            %parallel_loop3A_345 = arith.addi %iota3A, %parallel_loop3A_344 : vector<16xi32>
            %parallel_loop3A_346 = arith.constant 15 : i32
            %parallel_loop3A_347 = vector.broadcast %parallel_loop3A_346 : i32 to vector<16xi32>
            %parallel_loop3A_348 = arith.andi %parallel_loop3A_345, %parallel_loop3A_347 : vector<16xi32>
            %parallel_loop3A_349 = arith.constant 0 : i32
            %parallel_loop3A_350 = vector.broadcast %parallel_loop3A_349 : i32 to vector<16xi32>
            %parallel_loop3A_351 = arith.addi %parallel_loop3A_348, %parallel_loop3A_350 : vector<16xi32>
            %parallel_loop3A_352 = vector.broadcast %mul3A_298 : i32 to vector<16xi32>
            %parallel_loop3A_353 = arith.addi %parallel_loop3A_351, %parallel_loop3A_352 : vector<16xi32>
            %parallel_loop3A_354 = tpu.vector_load_idx %arg18[%add3A_340, %parallel_loop3A_353] : memref<128x768xf32, #tpu.memory_space<vmem>>[vector<16xi32>, vector<16xi32>], vector<16xf32>,
            tpu.vector_store_idx %arg19[%parallel_loop3A_351, %add3A_340], %parallel_loop3A_354 : memref<64x128xf32, #tpu.memory_space<vmem>>[vector<16xi32>, vector<16xi32>], vector<16xf32>,
            %parallel_loop3A_355 = arith.constant 16 : i32
            %parallel_loop3A_356 = vector.broadcast %parallel_loop3A_355 : i32 to vector<16xi32>
            %parallel_loop3A_357 = arith.addi %parallel_loop3A_348, %parallel_loop3A_356 : vector<16xi32>
            %parallel_loop3A_358 = vector.broadcast %mul3A_298 : i32 to vector<16xi32>
            %parallel_loop3A_359 = arith.addi %parallel_loop3A_357, %parallel_loop3A_358 : vector<16xi32>
            %parallel_loop3A_360 = tpu.vector_load_idx %arg18[%add3A_340, %parallel_loop3A_359] : memref<128x768xf32, #tpu.memory_space<vmem>>[vector<16xi32>, vector<16xi32>], vector<16xf32>,
            tpu.vector_store_idx %arg19[%parallel_loop3A_357, %add3A_340], %parallel_loop3A_360 : memref<64x128xf32, #tpu.memory_space<vmem>>[vector<16xi32>, vector<16xi32>], vector<16xf32>,
            %parallel_loop3A_361 = arith.constant 32 : i32
            %parallel_loop3A_362 = vector.broadcast %parallel_loop3A_361 : i32 to vector<16xi32>
            %parallel_loop3A_363 = arith.addi %parallel_loop3A_348, %parallel_loop3A_362 : vector<16xi32>
            %parallel_loop3A_364 = vector.broadcast %mul3A_298 : i32 to vector<16xi32>
            %parallel_loop3A_365 = arith.addi %parallel_loop3A_363, %parallel_loop3A_364 : vector<16xi32>
            %parallel_loop3A_366 = tpu.vector_load_idx %arg18[%add3A_340, %parallel_loop3A_365] : memref<128x768xf32, #tpu.memory_space<vmem>>[vector<16xi32>, vector<16xi32>], vector<16xf32>,
            tpu.vector_store_idx %arg19[%parallel_loop3A_363, %add3A_340], %parallel_loop3A_366 : memref<64x128xf32, #tpu.memory_space<vmem>>[vector<16xi32>, vector<16xi32>], vector<16xf32>,
            %parallel_loop3A_367 = arith.constant 48 : i32
            %parallel_loop3A_368 = vector.broadcast %parallel_loop3A_367 : i32 to vector<16xi32>
            %parallel_loop3A_369 = arith.addi %parallel_loop3A_348, %parallel_loop3A_368 : vector<16xi32>
            %parallel_loop3A_370 = vector.broadcast %mul3A_298 : i32 to vector<16xi32>
            %parallel_loop3A_371 = arith.addi %parallel_loop3A_369, %parallel_loop3A_370 : vector<16xi32>
            %parallel_loop3A_372 = tpu.vector_load_idx %arg18[%add3A_340, %parallel_loop3A_371] : memref<128x768xf32, #tpu.memory_space<vmem>>[vector<16xi32>, vector<16xi32>], vector<16xf32>,
            tpu.vector_store_idx %arg19[%parallel_loop3A_369, %add3A_340], %parallel_loop3A_372 : memref<64x128xf32, #tpu.memory_space<vmem>>[vector<16xi32>, vector<16xi32>], vector<16xf32>,
          } {sc.loop_unroll_factor = 8 : i64, sc.parallel_access}
        }
        %scan3A_306 = arith.constant 8 : i32
        %add3A_307 = arith.constant 832 : i32
        %add3A_308 = arith.addi %add3A_307, %mul3A_298 : i32
        %dma_start3A_309 = tpu.memref_slice %arg14[%add3A_41, %add3A_308, %mul3A_11] : memref<20x4800x1024xf32, #tpu.memory_space<hbm>> -> memref<1x64x128xf32, #tpu.memory_space<hbm>>
        %dma_start3A_310 = tpu.memref_squeeze %dma_start3A_309 : memref<1x64x128xf32, #tpu.memory_space<hbm>> -> memref<64x128xf32, #tpu.memory_space<hbm>>
        %dma_start3A_311 = tpu.memref_slice %arg14[%add3A_41, %add3A_308, %mul3A_11] : memref<20x4800x1024xf32, #tpu.memory_space<hbm>> -> memref<1x64x128xf32, #tpu.memory_space<hbm>>
        %dma_start3A_312 = tpu.memref_squeeze %dma_start3A_311 : memref<1x64x128xf32, #tpu.memory_space<hbm>> -> memref<64x128xf32, #tpu.memory_space<hbm>>
        tpu.enqueue_dma source(%arg19 : memref<64x128xf32, #tpu.memory_space<vmem>>) target(%dma_start3A_312 : memref<64x128xf32, #tpu.memory_space<hbm>>) target_semaphore(%arg22 : memref<!tpu.dma_semaphore, #tpu.memory_space<semaphore_mem>>)
        %mul3A_313 = arith.constant 2 : i32
        %mul3A_314 = arith.muli %scan3A_292, %mul3A_313 : i32
        %add3A_315 = arith.constant 1 : i32
        %add3A_316 = arith.addi %mul3A_314, %add3A_315 : i32
        %mul3A_317 = arith.constant 64 : i32
        %mul3A_318 = arith.muli %add3A_316, %mul3A_317 : i32
        %gt3A_319 = arith.constant 0 : i32
        %gt3A_320 = arith.cmpi sgt, %scan3A_292, %gt3A_319 : i32
        %convert_element_type3A_321 = arith.extui %gt3A_320 : i1 to i32
        %cond3A_322 = arith.constant 0 : i32
        %cond3A_323 = arith.cmpi ne, %convert_element_type3A_321, %cond3A_322 : i32
        scf.if %cond3A_323 {
          %add3A_336 = arith.constant 832 : i32
          %add3A_337 = arith.addi %add3A_336, %mul3A_318 : i32
          %sub3A_338 = arith.constant 128 : i32
          %sub3A_339 = arith.subi %add3A_337, %sub3A_338 : i32
          %dma_wait3A_340 = tpu.memref_slice %arg14[%add3A_41, %sub3A_339, %mul3A_11] : memref<20x4800x1024xf32, #tpu.memory_space<hbm>> -> memref<1x64x128xf32, #tpu.memory_space<hbm>>
          %dma_wait3A_341 = tpu.memref_squeeze %dma_wait3A_340 : memref<1x64x128xf32, #tpu.memory_space<hbm>> -> memref<64x128xf32, #tpu.memory_space<hbm>>
          %dma_wait3A_342 = tpu.memref_slice %arg14[%add3A_41, %sub3A_339, %mul3A_11] : memref<20x4800x1024xf32, #tpu.memory_space<hbm>> -> memref<1x64x128xf32, #tpu.memory_space<hbm>>
          %dma_wait3A_343 = tpu.memref_squeeze %dma_wait3A_342 : memref<1x64x128xf32, #tpu.memory_space<hbm>> -> memref<64x128xf32, #tpu.memory_space<hbm>>
          tpu.wait_dma2 semaphore(%arg23 : memref<!tpu.dma_semaphore, #tpu.memory_space<semaphore_mem>>) src(%arg20 : memref<64x128xf32, #tpu.memory_space<vmem>>) dst(%dma_wait3A_343 : memref<64x128xf32, #tpu.memory_space<hbm>>)
        } else {
        }
        %scan3A_324 = arith.constant 0 : i32
        %scan3A_325 = arith.constant 0 : i32
        %scan3A_326 = arith.constant 8 : i32
        %scan3A_327 = arith.addi %scan3A_325, %scan3A_326 : i32
        %scan3A_328 = arith.constant 1 : i32
        scf.for %scan3A_336 = %scan3A_325 to %scan3A_327 step %scan3A_328  : i32 {
          %mul3A_337 = arith.constant 16 : i32
          %mul3A_338 = arith.muli %scan3A_336, %mul3A_337 : i32
          %add3A_339 = vector.broadcast %mul3A_338 : i32 to vector<16xi32>
          %add3A_340 = arith.addi %iota3A, %add3A_339 : vector<16xi32>
          %parallel_loop3A = arith.constant 0 : i32
          %parallel_loop3A_341 = arith.constant 16 : i32
          %parallel_loop3A_342 = arith.constant 1 : i32
          scf.for %parallel_loop3A_343 = %parallel_loop3A to %parallel_loop3A_341 step %parallel_loop3A_342  : i32 {
            %parallel_loop3A_344 = vector.broadcast %parallel_loop3A_343 : i32 to vector<16xi32>
            %parallel_loop3A_345 = arith.addi %iota3A, %parallel_loop3A_344 : vector<16xi32>
            %parallel_loop3A_346 = arith.constant 15 : i32
            %parallel_loop3A_347 = vector.broadcast %parallel_loop3A_346 : i32 to vector<16xi32>
            %parallel_loop3A_348 = arith.andi %parallel_loop3A_345, %parallel_loop3A_347 : vector<16xi32>
            %parallel_loop3A_349 = arith.constant 0 : i32
            %parallel_loop3A_350 = vector.broadcast %parallel_loop3A_349 : i32 to vector<16xi32>
            %parallel_loop3A_351 = arith.addi %parallel_loop3A_348, %parallel_loop3A_350 : vector<16xi32>
            %parallel_loop3A_352 = vector.broadcast %mul3A_318 : i32 to vector<16xi32>
            %parallel_loop3A_353 = arith.addi %parallel_loop3A_351, %parallel_loop3A_352 : vector<16xi32>
            %parallel_loop3A_354 = tpu.vector_load_idx %arg18[%add3A_340, %parallel_loop3A_353] : memref<128x768xf32, #tpu.memory_space<vmem>>[vector<16xi32>, vector<16xi32>], vector<16xf32>,
            tpu.vector_store_idx %arg20[%parallel_loop3A_351, %add3A_340], %parallel_loop3A_354 : memref<64x128xf32, #tpu.memory_space<vmem>>[vector<16xi32>, vector<16xi32>], vector<16xf32>,
            %parallel_loop3A_355 = arith.constant 16 : i32
            %parallel_loop3A_356 = vector.broadcast %parallel_loop3A_355 : i32 to vector<16xi32>
            %parallel_loop3A_357 = arith.addi %parallel_loop3A_348, %parallel_loop3A_356 : vector<16xi32>
            %parallel_loop3A_358 = vector.broadcast %mul3A_318 : i32 to vector<16xi32>
            %parallel_loop3A_359 = arith.addi %parallel_loop3A_357, %parallel_loop3A_358 : vector<16xi32>
            %parallel_loop3A_360 = tpu.vector_load_idx %arg18[%add3A_340, %parallel_loop3A_359] : memref<128x768xf32, #tpu.memory_space<vmem>>[vector<16xi32>, vector<16xi32>], vector<16xf32>,
            tpu.vector_store_idx %arg20[%parallel_loop3A_357, %add3A_340], %parallel_loop3A_360 : memref<64x128xf32, #tpu.memory_space<vmem>>[vector<16xi32>, vector<16xi32>], vector<16xf32>,
            %parallel_loop3A_361 = arith.constant 32 : i32
            %parallel_loop3A_362 = vector.broadcast %parallel_loop3A_361 : i32 to vector<16xi32>
            %parallel_loop3A_363 = arith.addi %parallel_loop3A_348, %parallel_loop3A_362 : vector<16xi32>
            %parallel_loop3A_364 = vector.broadcast %mul3A_318 : i32 to vector<16xi32>
            %parallel_loop3A_365 = arith.addi %parallel_loop3A_363, %parallel_loop3A_364 : vector<16xi32>
            %parallel_loop3A_366 = tpu.vector_load_idx %arg18[%add3A_340, %parallel_loop3A_365] : memref<128x768xf32, #tpu.memory_space<vmem>>[vector<16xi32>, vector<16xi32>], vector<16xf32>,
            tpu.vector_store_idx %arg20[%parallel_loop3A_363, %add3A_340], %parallel_loop3A_366 : memref<64x128xf32, #tpu.memory_space<vmem>>[vector<16xi32>, vector<16xi32>], vector<16xf32>,
            %parallel_loop3A_367 = arith.constant 48 : i32
            %parallel_loop3A_368 = vector.broadcast %parallel_loop3A_367 : i32 to vector<16xi32>
            %parallel_loop3A_369 = arith.addi %parallel_loop3A_348, %parallel_loop3A_368 : vector<16xi32>
            %parallel_loop3A_370 = vector.broadcast %mul3A_318 : i32 to vector<16xi32>
            %parallel_loop3A_371 = arith.addi %parallel_loop3A_369, %parallel_loop3A_370 : vector<16xi32>
            %parallel_loop3A_372 = tpu.vector_load_idx %arg18[%add3A_340, %parallel_loop3A_371] : memref<128x768xf32, #tpu.memory_space<vmem>>[vector<16xi32>, vector<16xi32>], vector<16xf32>,
            tpu.vector_store_idx %arg20[%parallel_loop3A_369, %add3A_340], %parallel_loop3A_372 : memref<64x128xf32, #tpu.memory_space<vmem>>[vector<16xi32>, vector<16xi32>], vector<16xf32>,
          } {sc.loop_unroll_factor = 8 : i64, sc.parallel_access}
        }
        %scan3A_329 = arith.constant 8 : i32
        %add3A_330 = arith.constant 832 : i32
        %add3A_331 = arith.addi %add3A_330, %mul3A_318 : i32
        %dma_start3A_332 = tpu.memref_slice %arg14[%add3A_41, %add3A_331, %mul3A_11] : memref<20x4800x1024xf32, #tpu.memory_space<hbm>> -> memref<1x64x128xf32, #tpu.memory_space<hbm>>
        %dma_start3A_333 = tpu.memref_squeeze %dma_start3A_332 : memref<1x64x128xf32, #tpu.memory_space<hbm>> -> memref<64x128xf32, #tpu.memory_space<hbm>>
        %dma_start3A_334 = tpu.memref_slice %arg14[%add3A_41, %add3A_331, %mul3A_11] : memref<20x4800x1024xf32, #tpu.memory_space<hbm>> -> memref<1x64x128xf32, #tpu.memory_space<hbm>>
        %dma_start3A_335 = tpu.memref_squeeze %dma_start3A_334 : memref<1x64x128xf32, #tpu.memory_space<hbm>> -> memref<64x128xf32, #tpu.memory_space<hbm>>
        tpu.enqueue_dma source(%arg20 : memref<64x128xf32, #tpu.memory_space<vmem>>) target(%dma_start3A_335 : memref<64x128xf32, #tpu.memory_space<hbm>>) target_semaphore(%arg23 : memref<!tpu.dma_semaphore, #tpu.memory_space<semaphore_mem>>)
      }
      %scan3A_111 = arith.constant 6 : i32
      %dma_wait3A_112 = arith.constant 1472 : i32
      %dma_wait3A_113 = tpu.memref_slice %arg14[%add3A_41, %dma_wait3A_112, %mul3A_11] : memref<20x4800x1024xf32, #tpu.memory_space<hbm>> -> memref<1x64x128xf32, #tpu.memory_space<hbm>>
      %dma_wait3A_114 = tpu.memref_squeeze %dma_wait3A_113 : memref<1x64x128xf32, #tpu.memory_space<hbm>> -> memref<64x128xf32, #tpu.memory_space<hbm>>
      %dma_wait3A_115 = arith.constant 1472 : i32
      %dma_wait3A_116 = tpu.memref_slice %arg14[%add3A_41, %dma_wait3A_115, %mul3A_11] : memref<20x4800x1024xf32, #tpu.memory_space<hbm>> -> memref<1x64x128xf32, #tpu.memory_space<hbm>>
      %dma_wait3A_117 = tpu.memref_squeeze %dma_wait3A_116 : memref<1x64x128xf32, #tpu.memory_space<hbm>> -> memref<64x128xf32, #tpu.memory_space<hbm>>
      tpu.wait_dma2 semaphore(%arg22 : memref<!tpu.dma_semaphore, #tpu.memory_space<semaphore_mem>>) src(%arg19 : memref<64x128xf32, #tpu.memory_space<vmem>>) dst(%dma_wait3A_117 : memref<64x128xf32, #tpu.memory_space<hbm>>)
      %dma_wait3A_118 = arith.constant 1536 : i32
      %dma_wait3A_119 = tpu.memref_slice %arg14[%add3A_41, %dma_wait3A_118, %mul3A_11] : memref<20x4800x1024xf32, #tpu.memory_space<hbm>> -> memref<1x64x128xf32, #tpu.memory_space<hbm>>
      %dma_wait3A_120 = tpu.memref_squeeze %dma_wait3A_119 : memref<1x64x128xf32, #tpu.memory_space<hbm>> -> memref<64x128xf32, #tpu.memory_space<hbm>>
      %dma_wait3A_121 = arith.constant 1536 : i32
      %dma_wait3A_122 = tpu.memref_slice %arg14[%add3A_41, %dma_wait3A_121, %mul3A_11] : memref<20x4800x1024xf32, #tpu.memory_space<hbm>> -> memref<1x64x128xf32, #tpu.memory_space<hbm>>
      %dma_wait3A_123 = tpu.memref_squeeze %dma_wait3A_122 : memref<1x64x128xf32, #tpu.memory_space<hbm>> -> memref<64x128xf32, #tpu.memory_space<hbm>>
      tpu.wait_dma2 semaphore(%arg23 : memref<!tpu.dma_semaphore, #tpu.memory_space<semaphore_mem>>) src(%arg20 : memref<64x128xf32, #tpu.memory_space<vmem>>) dst(%dma_wait3A_123 : memref<64x128xf32, #tpu.memory_space<hbm>>)
      %dma_start3A_124 = arith.constant 0 : i32
      %dma_start3A_125 = arith.constant 0 : i32
      %dma_start3A_126 = tpu.memref_slice %arg18[%dma_start3A_124, %dma_start3A_125] : memref<128x768xf32, #tpu.memory_space<vmem>> -> memref<128x128xf32, #tpu.memory_space<vmem>>
      %dma_start3A_127 = arith.constant 0 : i32
      %dma_start3A_128 = tpu.memref_slice %arg16[%add3A_41, %dma_start3A_127] : memref<24x128xi32, #tpu.memory_space<vmem>> -> memref<1x128xi32, #tpu.memory_space<vmem>>
      %dma_start3A_129 = tpu.memref_squeeze %dma_start3A_128 : memref<1x128xi32, #tpu.memory_space<vmem>> -> memref<128xi32, #tpu.memory_space<vmem>>
      %dma_start3A_130 = arith.constant 0 : i32
      %dma_start3A_131 = arith.constant 0 : i32
      %dma_start3A_132 = tpu.memref_slice %arg6[%dma_start3A_130, %dma_start3A_131] : memref<100000x128xf32, #tpu.memory_space<hbm>> -> memref<100000x128xf32, #tpu.memory_space<hbm>>
      tpu.enqueue_indirect_dma source(%dma_start3A_132 : memref<100000x128xf32, #tpu.memory_space<hbm>>) target(%dma_start3A_126 : memref<128x128xf32, #tpu.memory_space<vmem>>) offsets(%dma_start3A_129 : memref<128xi32, #tpu.memory_space<vmem>>) semaphore(%arg21 : memref<!tpu.dma_semaphore, #tpu.memory_space<semaphore_mem>>)
      %dma_wait3A_133 = arith.constant 0 : i32
      %dma_wait3A_134 = arith.constant 0 : i32
      %dma_wait3A_135 = tpu.memref_slice %arg18[%dma_wait3A_133, %dma_wait3A_134] : memref<128x768xf32, #tpu.memory_space<vmem>> -> memref<128x128xf32, #tpu.memory_space<vmem>>
      %dma_wait3A_136 = arith.constant 0 : i32
      %dma_wait3A_137 = tpu.memref_slice %arg16[%add3A_41, %dma_wait3A_136] : memref<24x128xi32, #tpu.memory_space<vmem>> -> memref<1x128xi32, #tpu.memory_space<vmem>>
      %dma_wait3A_138 = tpu.memref_squeeze %dma_wait3A_137 : memref<1x128xi32, #tpu.memory_space<vmem>> -> memref<128xi32, #tpu.memory_space<vmem>>
      %dma_wait3A_139 = arith.constant 0 : i32
      %dma_wait3A_140 = arith.constant 0 : i32
      %dma_wait3A_141 = tpu.memref_slice %arg6[%dma_wait3A_139, %dma_wait3A_140] : memref<100000x128xf32, #tpu.memory_space<hbm>> -> memref<100000x128xf32, #tpu.memory_space<hbm>>
      tpu.wait_indirect_dma semaphore(%arg21 : memref<!tpu.dma_semaphore, #tpu.memory_space<semaphore_mem>>) src(%dma_wait3A_141 : memref<100000x128xf32, #tpu.memory_space<hbm>>) dst(%dma_wait3A_135 : memref<128x128xf32, #tpu.memory_space<vmem>>)
      %scan3A_142 = arith.constant 0 : i32
      %scan3A_143 = arith.constant 0 : i32
      %scan3A_144 = arith.constant 8 : i32
      %scan3A_145 = arith.addi %scan3A_143, %scan3A_144 : i32
      %scan3A_146 = arith.constant 1 : i32
      scf.for %scan3A_292 = %scan3A_143 to %scan3A_145 step %scan3A_146  : i32 {
        %mul3A_293 = arith.constant 16 : i32
        %mul3A_294 = arith.muli %scan3A_292, %mul3A_293 : i32
        %add3A_295 = vector.broadcast %mul3A_294 : i32 to vector<16xi32>
        %add3A_296 = arith.addi %iota3A, %add3A_295 : vector<16xi32>
        %parallel_loop3A = arith.constant 0 : i32
        %parallel_loop3A_297 = arith.constant 16 : i32
        %parallel_loop3A_298 = arith.constant 1 : i32
        scf.for %parallel_loop3A_299 = %parallel_loop3A to %parallel_loop3A_297 step %parallel_loop3A_298  : i32 {
          %parallel_loop3A_300 = vector.broadcast %parallel_loop3A_299 : i32 to vector<16xi32>
          %parallel_loop3A_301 = arith.addi %iota3A, %parallel_loop3A_300 : vector<16xi32>
          %parallel_loop3A_302 = arith.constant 15 : i32
          %parallel_loop3A_303 = vector.broadcast %parallel_loop3A_302 : i32 to vector<16xi32>
          %parallel_loop3A_304 = arith.andi %parallel_loop3A_301, %parallel_loop3A_303 : vector<16xi32>
          %parallel_loop3A_305 = arith.constant 0 : i32
          %parallel_loop3A_306 = vector.broadcast %parallel_loop3A_305 : i32 to vector<16xi32>
          %parallel_loop3A_307 = arith.addi %parallel_loop3A_304, %parallel_loop3A_306 : vector<16xi32>
          %parallel_loop3A_308 = arith.constant 0 : i32
          %parallel_loop3A_309 = vector.broadcast %parallel_loop3A_308 : i32 to vector<16xi32>
          %parallel_loop3A_310 = arith.addi %parallel_loop3A_307, %parallel_loop3A_309 : vector<16xi32>
          %parallel_loop3A_311 = tpu.vector_load_idx %arg18[%add3A_296, %parallel_loop3A_310] : memref<128x768xf32, #tpu.memory_space<vmem>>[vector<16xi32>, vector<16xi32>], vector<16xf32>,
          tpu.vector_store_idx %arg19[%parallel_loop3A_307, %add3A_296], %parallel_loop3A_311 : memref<64x128xf32, #tpu.memory_space<vmem>>[vector<16xi32>, vector<16xi32>], vector<16xf32>,
          %parallel_loop3A_312 = arith.constant 16 : i32
          %parallel_loop3A_313 = vector.broadcast %parallel_loop3A_312 : i32 to vector<16xi32>
          %parallel_loop3A_314 = arith.addi %parallel_loop3A_304, %parallel_loop3A_313 : vector<16xi32>
          %parallel_loop3A_315 = arith.constant 0 : i32
          %parallel_loop3A_316 = vector.broadcast %parallel_loop3A_315 : i32 to vector<16xi32>
          %parallel_loop3A_317 = arith.addi %parallel_loop3A_314, %parallel_loop3A_316 : vector<16xi32>
          %parallel_loop3A_318 = tpu.vector_load_idx %arg18[%add3A_296, %parallel_loop3A_317] : memref<128x768xf32, #tpu.memory_space<vmem>>[vector<16xi32>, vector<16xi32>], vector<16xf32>,
          tpu.vector_store_idx %arg19[%parallel_loop3A_314, %add3A_296], %parallel_loop3A_318 : memref<64x128xf32, #tpu.memory_space<vmem>>[vector<16xi32>, vector<16xi32>], vector<16xf32>,
          %parallel_loop3A_319 = arith.constant 32 : i32
          %parallel_loop3A_320 = vector.broadcast %parallel_loop3A_319 : i32 to vector<16xi32>
          %parallel_loop3A_321 = arith.addi %parallel_loop3A_304, %parallel_loop3A_320 : vector<16xi32>
          %parallel_loop3A_322 = arith.constant 0 : i32
          %parallel_loop3A_323 = vector.broadcast %parallel_loop3A_322 : i32 to vector<16xi32>
          %parallel_loop3A_324 = arith.addi %parallel_loop3A_321, %parallel_loop3A_323 : vector<16xi32>
          %parallel_loop3A_325 = tpu.vector_load_idx %arg18[%add3A_296, %parallel_loop3A_324] : memref<128x768xf32, #tpu.memory_space<vmem>>[vector<16xi32>, vector<16xi32>], vector<16xf32>,
          tpu.vector_store_idx %arg19[%parallel_loop3A_321, %add3A_296], %parallel_loop3A_325 : memref<64x128xf32, #tpu.memory_space<vmem>>[vector<16xi32>, vector<16xi32>], vector<16xf32>,
          %parallel_loop3A_326 = arith.constant 48 : i32
          %parallel_loop3A_327 = vector.broadcast %parallel_loop3A_326 : i32 to vector<16xi32>
          %parallel_loop3A_328 = arith.addi %parallel_loop3A_304, %parallel_loop3A_327 : vector<16xi32>
          %parallel_loop3A_329 = arith.constant 0 : i32
          %parallel_loop3A_330 = vector.broadcast %parallel_loop3A_329 : i32 to vector<16xi32>
          %parallel_loop3A_331 = arith.addi %parallel_loop3A_328, %parallel_loop3A_330 : vector<16xi32>
          %parallel_loop3A_332 = tpu.vector_load_idx %arg18[%add3A_296, %parallel_loop3A_331] : memref<128x768xf32, #tpu.memory_space<vmem>>[vector<16xi32>, vector<16xi32>], vector<16xf32>,
          tpu.vector_store_idx %arg19[%parallel_loop3A_328, %add3A_296], %parallel_loop3A_332 : memref<64x128xf32, #tpu.memory_space<vmem>>[vector<16xi32>, vector<16xi32>], vector<16xf32>,
        } {sc.loop_unroll_factor = 8 : i64, sc.parallel_access}
      }
      %scan3A_147 = arith.constant 8 : i32
      "tpu.region"() ({
        %run_scoped3A = tpu.sem_alloc : memref<!tpu.dma_semaphore, #tpu.memory_space<semaphore_mem>>
        %dma_start3A_292 = arith.constant 1600 : i32
        %dma_start3A_293 = tpu.memref_slice %arg14[%add3A_41, %dma_start3A_292, %mul3A_11] : memref<20x4800x1024xf32, #tpu.memory_space<hbm>> -> memref<1x64x128xf32, #tpu.memory_space<hbm>>
        %dma_start3A_294 = tpu.memref_squeeze %dma_start3A_293 : memref<1x64x128xf32, #tpu.memory_space<hbm>> -> memref<64x128xf32, #tpu.memory_space<hbm>>
        %dma_start3A_295 = arith.constant 1600 : i32
        %dma_start3A_296 = tpu.memref_slice %arg14[%add3A_41, %dma_start3A_295, %mul3A_11] : memref<20x4800x1024xf32, #tpu.memory_space<hbm>> -> memref<1x64x128xf32, #tpu.memory_space<hbm>>
        %dma_start3A_297 = tpu.memref_squeeze %dma_start3A_296 : memref<1x64x128xf32, #tpu.memory_space<hbm>> -> memref<64x128xf32, #tpu.memory_space<hbm>>
        tpu.enqueue_dma source(%arg19 : memref<64x128xf32, #tpu.memory_space<vmem>>) target(%dma_start3A_297 : memref<64x128xf32, #tpu.memory_space<hbm>>) target_semaphore(%run_scoped3A : memref<!tpu.dma_semaphore, #tpu.memory_space<semaphore_mem>>)
        %dma_wait3A_298 = arith.constant 1600 : i32
        %dma_wait3A_299 = tpu.memref_slice %arg14[%add3A_41, %dma_wait3A_298, %mul3A_11] : memref<20x4800x1024xf32, #tpu.memory_space<hbm>> -> memref<1x64x128xf32, #tpu.memory_space<hbm>>
        %dma_wait3A_300 = tpu.memref_squeeze %dma_wait3A_299 : memref<1x64x128xf32, #tpu.memory_space<hbm>> -> memref<64x128xf32, #tpu.memory_space<hbm>>
        %dma_wait3A_301 = arith.constant 1600 : i32
        %dma_wait3A_302 = tpu.memref_slice %arg14[%add3A_41, %dma_wait3A_301, %mul3A_11] : memref<20x4800x1024xf32, #tpu.memory_space<hbm>> -> memref<1x64x128xf32, #tpu.memory_space<hbm>>
        %dma_wait3A_303 = tpu.memref_squeeze %dma_wait3A_302 : memref<1x64x128xf32, #tpu.memory_space<hbm>> -> memref<64x128xf32, #tpu.memory_space<hbm>>
        tpu.wait_dma2 semaphore(%run_scoped3A : memref<!tpu.dma_semaphore, #tpu.memory_space<semaphore_mem>>) src(%arg19 : memref<64x128xf32, #tpu.memory_space<vmem>>) dst(%dma_wait3A_303 : memref<64x128xf32, #tpu.memory_space<hbm>>)
        tpu.yield
      }) : () -> ()
      %dma_start3A_148 = arith.constant 0 : i32
      %dma_start3A_149 = tpu.memref_slice %arg16[%add3A_41, %dma_start3A_148] : memref<24x128xi32, #tpu.memory_space<vmem>> -> memref<1x128xi32, #tpu.memory_space<vmem>>
      %dma_start3A_150 = tpu.memref_squeeze %dma_start3A_149 : memref<1x128xi32, #tpu.memory_space<vmem>> -> memref<128xi32, #tpu.memory_space<vmem>>
      %dma_start3A_151 = arith.constant 0 : i32
      %dma_start3A_152 = arith.constant 0 : i32
      %dma_start3A_153 = tpu.memref_slice %arg9[%dma_start3A_151, %dma_start3A_152] : memref<100000x768xf32, #tpu.memory_space<hbm>> -> memref<100000x768xf32, #tpu.memory_space<hbm>>
      tpu.enqueue_indirect_dma source(%dma_start3A_153 : memref<100000x768xf32, #tpu.memory_space<hbm>>) target(%arg18 : memref<128x768xf32, #tpu.memory_space<vmem>>) offsets(%dma_start3A_150 : memref<128xi32, #tpu.memory_space<vmem>>) semaphore(%arg21 : memref<!tpu.dma_semaphore, #tpu.memory_space<semaphore_mem>>)
      %dma_wait3A_154 = arith.constant 0 : i32
      %dma_wait3A_155 = tpu.memref_slice %arg16[%add3A_41, %dma_wait3A_154] : memref<24x128xi32, #tpu.memory_space<vmem>> -> memref<1x128xi32, #tpu.memory_space<vmem>>
      %dma_wait3A_156 = tpu.memref_squeeze %dma_wait3A_155 : memref<1x128xi32, #tpu.memory_space<vmem>> -> memref<128xi32, #tpu.memory_space<vmem>>
      %dma_wait3A_157 = arith.constant 0 : i32
      %dma_wait3A_158 = arith.constant 0 : i32
      %dma_wait3A_159 = tpu.memref_slice %arg9[%dma_wait3A_157, %dma_wait3A_158] : memref<100000x768xf32, #tpu.memory_space<hbm>> -> memref<100000x768xf32, #tpu.memory_space<hbm>>
      tpu.wait_indirect_dma semaphore(%arg21 : memref<!tpu.dma_semaphore, #tpu.memory_space<semaphore_mem>>) src(%dma_wait3A_159 : memref<100000x768xf32, #tpu.memory_space<hbm>>) dst(%arg18 : memref<128x768xf32, #tpu.memory_space<vmem>>)
      %scan3A_160 = arith.constant 0 : i32
      %scan3A_161 = arith.constant 0 : i32
      %scan3A_162 = arith.constant 6 : i32
      %scan3A_163 = arith.addi %scan3A_161, %scan3A_162 : i32
      %scan3A_164 = arith.constant 1 : i32
      scf.for %scan3A_292 = %scan3A_161 to %scan3A_163 step %scan3A_164  : i32 {
        %mul3A_293 = arith.constant 2 : i32
        %mul3A_294 = arith.muli %scan3A_292, %mul3A_293 : i32
        %add3A_295 = arith.constant 0 : i32
        %add3A_296 = arith.addi %mul3A_294, %add3A_295 : i32
        %mul3A_297 = arith.constant 64 : i32
        %mul3A_298 = arith.muli %add3A_296, %mul3A_297 : i32
        %gt3A = arith.constant 0 : i32
        %gt3A_299 = arith.cmpi sgt, %scan3A_292, %gt3A : i32
        %convert_element_type3A = arith.extui %gt3A_299 : i1 to i32
        %cond3A = arith.constant 0 : i32
        %cond3A_300 = arith.cmpi ne, %convert_element_type3A, %cond3A : i32
        scf.if %cond3A_300 {
          %add3A_336 = arith.constant 1664 : i32
          %add3A_337 = arith.addi %add3A_336, %mul3A_298 : i32
          %sub3A_338 = arith.constant 128 : i32
          %sub3A_339 = arith.subi %add3A_337, %sub3A_338 : i32
          %dma_wait3A_340 = tpu.memref_slice %arg14[%add3A_41, %sub3A_339, %mul3A_11] : memref<20x4800x1024xf32, #tpu.memory_space<hbm>> -> memref<1x64x128xf32, #tpu.memory_space<hbm>>
          %dma_wait3A_341 = tpu.memref_squeeze %dma_wait3A_340 : memref<1x64x128xf32, #tpu.memory_space<hbm>> -> memref<64x128xf32, #tpu.memory_space<hbm>>
          %dma_wait3A_342 = tpu.memref_slice %arg14[%add3A_41, %sub3A_339, %mul3A_11] : memref<20x4800x1024xf32, #tpu.memory_space<hbm>> -> memref<1x64x128xf32, #tpu.memory_space<hbm>>
          %dma_wait3A_343 = tpu.memref_squeeze %dma_wait3A_342 : memref<1x64x128xf32, #tpu.memory_space<hbm>> -> memref<64x128xf32, #tpu.memory_space<hbm>>
          tpu.wait_dma2 semaphore(%arg22 : memref<!tpu.dma_semaphore, #tpu.memory_space<semaphore_mem>>) src(%arg19 : memref<64x128xf32, #tpu.memory_space<vmem>>) dst(%dma_wait3A_343 : memref<64x128xf32, #tpu.memory_space<hbm>>)
        } else {
        }
        %scan3A_301 = arith.constant 0 : i32
        %scan3A_302 = arith.constant 0 : i32
        %scan3A_303 = arith.constant 8 : i32
        %scan3A_304 = arith.addi %scan3A_302, %scan3A_303 : i32
        %scan3A_305 = arith.constant 1 : i32
        scf.for %scan3A_336 = %scan3A_302 to %scan3A_304 step %scan3A_305  : i32 {
          %mul3A_337 = arith.constant 16 : i32
          %mul3A_338 = arith.muli %scan3A_336, %mul3A_337 : i32
          %add3A_339 = vector.broadcast %mul3A_338 : i32 to vector<16xi32>
          %add3A_340 = arith.addi %iota3A, %add3A_339 : vector<16xi32>
          %parallel_loop3A = arith.constant 0 : i32
          %parallel_loop3A_341 = arith.constant 16 : i32
          %parallel_loop3A_342 = arith.constant 1 : i32
          scf.for %parallel_loop3A_343 = %parallel_loop3A to %parallel_loop3A_341 step %parallel_loop3A_342  : i32 {
            %parallel_loop3A_344 = vector.broadcast %parallel_loop3A_343 : i32 to vector<16xi32>
            %parallel_loop3A_345 = arith.addi %iota3A, %parallel_loop3A_344 : vector<16xi32>
            %parallel_loop3A_346 = arith.constant 15 : i32
            %parallel_loop3A_347 = vector.broadcast %parallel_loop3A_346 : i32 to vector<16xi32>
            %parallel_loop3A_348 = arith.andi %parallel_loop3A_345, %parallel_loop3A_347 : vector<16xi32>
            %parallel_loop3A_349 = arith.constant 0 : i32
            %parallel_loop3A_350 = vector.broadcast %parallel_loop3A_349 : i32 to vector<16xi32>
            %parallel_loop3A_351 = arith.addi %parallel_loop3A_348, %parallel_loop3A_350 : vector<16xi32>
            %parallel_loop3A_352 = vector.broadcast %mul3A_298 : i32 to vector<16xi32>
            %parallel_loop3A_353 = arith.addi %parallel_loop3A_351, %parallel_loop3A_352 : vector<16xi32>
            %parallel_loop3A_354 = tpu.vector_load_idx %arg18[%add3A_340, %parallel_loop3A_353] : memref<128x768xf32, #tpu.memory_space<vmem>>[vector<16xi32>, vector<16xi32>], vector<16xf32>,
            tpu.vector_store_idx %arg19[%parallel_loop3A_351, %add3A_340], %parallel_loop3A_354 : memref<64x128xf32, #tpu.memory_space<vmem>>[vector<16xi32>, vector<16xi32>], vector<16xf32>,
            %parallel_loop3A_355 = arith.constant 16 : i32
            %parallel_loop3A_356 = vector.broadcast %parallel_loop3A_355 : i32 to vector<16xi32>
            %parallel_loop3A_357 = arith.addi %parallel_loop3A_348, %parallel_loop3A_356 : vector<16xi32>
            %parallel_loop3A_358 = vector.broadcast %mul3A_298 : i32 to vector<16xi32>
            %parallel_loop3A_359 = arith.addi %parallel_loop3A_357, %parallel_loop3A_358 : vector<16xi32>
            %parallel_loop3A_360 = tpu.vector_load_idx %arg18[%add3A_340, %parallel_loop3A_359] : memref<128x768xf32, #tpu.memory_space<vmem>>[vector<16xi32>, vector<16xi32>], vector<16xf32>,
            tpu.vector_store_idx %arg19[%parallel_loop3A_357, %add3A_340], %parallel_loop3A_360 : memref<64x128xf32, #tpu.memory_space<vmem>>[vector<16xi32>, vector<16xi32>], vector<16xf32>,
            %parallel_loop3A_361 = arith.constant 32 : i32
            %parallel_loop3A_362 = vector.broadcast %parallel_loop3A_361 : i32 to vector<16xi32>
            %parallel_loop3A_363 = arith.addi %parallel_loop3A_348, %parallel_loop3A_362 : vector<16xi32>
            %parallel_loop3A_364 = vector.broadcast %mul3A_298 : i32 to vector<16xi32>
            %parallel_loop3A_365 = arith.addi %parallel_loop3A_363, %parallel_loop3A_364 : vector<16xi32>
            %parallel_loop3A_366 = tpu.vector_load_idx %arg18[%add3A_340, %parallel_loop3A_365] : memref<128x768xf32, #tpu.memory_space<vmem>>[vector<16xi32>, vector<16xi32>], vector<16xf32>,
            tpu.vector_store_idx %arg19[%parallel_loop3A_363, %add3A_340], %parallel_loop3A_366 : memref<64x128xf32, #tpu.memory_space<vmem>>[vector<16xi32>, vector<16xi32>], vector<16xf32>,
            %parallel_loop3A_367 = arith.constant 48 : i32
            %parallel_loop3A_368 = vector.broadcast %parallel_loop3A_367 : i32 to vector<16xi32>
            %parallel_loop3A_369 = arith.addi %parallel_loop3A_348, %parallel_loop3A_368 : vector<16xi32>
            %parallel_loop3A_370 = vector.broadcast %mul3A_298 : i32 to vector<16xi32>
            %parallel_loop3A_371 = arith.addi %parallel_loop3A_369, %parallel_loop3A_370 : vector<16xi32>
            %parallel_loop3A_372 = tpu.vector_load_idx %arg18[%add3A_340, %parallel_loop3A_371] : memref<128x768xf32, #tpu.memory_space<vmem>>[vector<16xi32>, vector<16xi32>], vector<16xf32>,
            tpu.vector_store_idx %arg19[%parallel_loop3A_369, %add3A_340], %parallel_loop3A_372 : memref<64x128xf32, #tpu.memory_space<vmem>>[vector<16xi32>, vector<16xi32>], vector<16xf32>,
          } {sc.loop_unroll_factor = 8 : i64, sc.parallel_access}
        }
        %scan3A_306 = arith.constant 8 : i32
        %add3A_307 = arith.constant 1664 : i32
        %add3A_308 = arith.addi %add3A_307, %mul3A_298 : i32
        %dma_start3A_309 = tpu.memref_slice %arg14[%add3A_41, %add3A_308, %mul3A_11] : memref<20x4800x1024xf32, #tpu.memory_space<hbm>> -> memref<1x64x128xf32, #tpu.memory_space<hbm>>
        %dma_start3A_310 = tpu.memref_squeeze %dma_start3A_309 : memref<1x64x128xf32, #tpu.memory_space<hbm>> -> memref<64x128xf32, #tpu.memory_space<hbm>>
        %dma_start3A_311 = tpu.memref_slice %arg14[%add3A_41, %add3A_308, %mul3A_11] : memref<20x4800x1024xf32, #tpu.memory_space<hbm>> -> memref<1x64x128xf32, #tpu.memory_space<hbm>>
        %dma_start3A_312 = tpu.memref_squeeze %dma_start3A_311 : memref<1x64x128xf32, #tpu.memory_space<hbm>> -> memref<64x128xf32, #tpu.memory_space<hbm>>
        tpu.enqueue_dma source(%arg19 : memref<64x128xf32, #tpu.memory_space<vmem>>) target(%dma_start3A_312 : memref<64x128xf32, #tpu.memory_space<hbm>>) target_semaphore(%arg22 : memref<!tpu.dma_semaphore, #tpu.memory_space<semaphore_mem>>)
        %mul3A_313 = arith.constant 2 : i32
        %mul3A_314 = arith.muli %scan3A_292, %mul3A_313 : i32
        %add3A_315 = arith.constant 1 : i32
        %add3A_316 = arith.addi %mul3A_314, %add3A_315 : i32
        %mul3A_317 = arith.constant 64 : i32
        %mul3A_318 = arith.muli %add3A_316, %mul3A_317 : i32
        %gt3A_319 = arith.constant 0 : i32
        %gt3A_320 = arith.cmpi sgt, %scan3A_292, %gt3A_319 : i32
        %convert_element_type3A_321 = arith.extui %gt3A_320 : i1 to i32
        %cond3A_322 = arith.constant 0 : i32
        %cond3A_323 = arith.cmpi ne, %convert_element_type3A_321, %cond3A_322 : i32
        scf.if %cond3A_323 {
          %add3A_336 = arith.constant 1664 : i32
          %add3A_337 = arith.addi %add3A_336, %mul3A_318 : i32
          %sub3A_338 = arith.constant 128 : i32
          %sub3A_339 = arith.subi %add3A_337, %sub3A_338 : i32
          %dma_wait3A_340 = tpu.memref_slice %arg14[%add3A_41, %sub3A_339, %mul3A_11] : memref<20x4800x1024xf32, #tpu.memory_space<hbm>> -> memref<1x64x128xf32, #tpu.memory_space<hbm>>
          %dma_wait3A_341 = tpu.memref_squeeze %dma_wait3A_340 : memref<1x64x128xf32, #tpu.memory_space<hbm>> -> memref<64x128xf32, #tpu.memory_space<hbm>>
          %dma_wait3A_342 = tpu.memref_slice %arg14[%add3A_41, %sub3A_339, %mul3A_11] : memref<20x4800x1024xf32, #tpu.memory_space<hbm>> -> memref<1x64x128xf32, #tpu.memory_space<hbm>>
          %dma_wait3A_343 = tpu.memref_squeeze %dma_wait3A_342 : memref<1x64x128xf32, #tpu.memory_space<hbm>> -> memref<64x128xf32, #tpu.memory_space<hbm>>
          tpu.wait_dma2 semaphore(%arg23 : memref<!tpu.dma_semaphore, #tpu.memory_space<semaphore_mem>>) src(%arg20 : memref<64x128xf32, #tpu.memory_space<vmem>>) dst(%dma_wait3A_343 : memref<64x128xf32, #tpu.memory_space<hbm>>)
        } else {
        }
        %scan3A_324 = arith.constant 0 : i32
        %scan3A_325 = arith.constant 0 : i32
        %scan3A_326 = arith.constant 8 : i32
        %scan3A_327 = arith.addi %scan3A_325, %scan3A_326 : i32
        %scan3A_328 = arith.constant 1 : i32
        scf.for %scan3A_336 = %scan3A_325 to %scan3A_327 step %scan3A_328  : i32 {
          %mul3A_337 = arith.constant 16 : i32
          %mul3A_338 = arith.muli %scan3A_336, %mul3A_337 : i32
          %add3A_339 = vector.broadcast %mul3A_338 : i32 to vector<16xi32>
          %add3A_340 = arith.addi %iota3A, %add3A_339 : vector<16xi32>
          %parallel_loop3A = arith.constant 0 : i32
          %parallel_loop3A_341 = arith.constant 16 : i32
          %parallel_loop3A_342 = arith.constant 1 : i32
          scf.for %parallel_loop3A_343 = %parallel_loop3A to %parallel_loop3A_341 step %parallel_loop3A_342  : i32 {
            %parallel_loop3A_344 = vector.broadcast %parallel_loop3A_343 : i32 to vector<16xi32>
            %parallel_loop3A_345 = arith.addi %iota3A, %parallel_loop3A_344 : vector<16xi32>
            %parallel_loop3A_346 = arith.constant 15 : i32
            %parallel_loop3A_347 = vector.broadcast %parallel_loop3A_346 : i32 to vector<16xi32>
            %parallel_loop3A_348 = arith.andi %parallel_loop3A_345, %parallel_loop3A_347 : vector<16xi32>
            %parallel_loop3A_349 = arith.constant 0 : i32
            %parallel_loop3A_350 = vector.broadcast %parallel_loop3A_349 : i32 to vector<16xi32>
            %parallel_loop3A_351 = arith.addi %parallel_loop3A_348, %parallel_loop3A_350 : vector<16xi32>
            %parallel_loop3A_352 = vector.broadcast %mul3A_318 : i32 to vector<16xi32>
            %parallel_loop3A_353 = arith.addi %parallel_loop3A_351, %parallel_loop3A_352 : vector<16xi32>
            %parallel_loop3A_354 = tpu.vector_load_idx %arg18[%add3A_340, %parallel_loop3A_353] : memref<128x768xf32, #tpu.memory_space<vmem>>[vector<16xi32>, vector<16xi32>], vector<16xf32>,
            tpu.vector_store_idx %arg20[%parallel_loop3A_351, %add3A_340], %parallel_loop3A_354 : memref<64x128xf32, #tpu.memory_space<vmem>>[vector<16xi32>, vector<16xi32>], vector<16xf32>,
            %parallel_loop3A_355 = arith.constant 16 : i32
            %parallel_loop3A_356 = vector.broadcast %parallel_loop3A_355 : i32 to vector<16xi32>
            %parallel_loop3A_357 = arith.addi %parallel_loop3A_348, %parallel_loop3A_356 : vector<16xi32>
            %parallel_loop3A_358 = vector.broadcast %mul3A_318 : i32 to vector<16xi32>
            %parallel_loop3A_359 = arith.addi %parallel_loop3A_357, %parallel_loop3A_358 : vector<16xi32>
            %parallel_loop3A_360 = tpu.vector_load_idx %arg18[%add3A_340, %parallel_loop3A_359] : memref<128x768xf32, #tpu.memory_space<vmem>>[vector<16xi32>, vector<16xi32>], vector<16xf32>,
            tpu.vector_store_idx %arg20[%parallel_loop3A_357, %add3A_340], %parallel_loop3A_360 : memref<64x128xf32, #tpu.memory_space<vmem>>[vector<16xi32>, vector<16xi32>], vector<16xf32>,
            %parallel_loop3A_361 = arith.constant 32 : i32
            %parallel_loop3A_362 = vector.broadcast %parallel_loop3A_361 : i32 to vector<16xi32>
            %parallel_loop3A_363 = arith.addi %parallel_loop3A_348, %parallel_loop3A_362 : vector<16xi32>
            %parallel_loop3A_364 = vector.broadcast %mul3A_318 : i32 to vector<16xi32>
            %parallel_loop3A_365 = arith.addi %parallel_loop3A_363, %parallel_loop3A_364 : vector<16xi32>
            %parallel_loop3A_366 = tpu.vector_load_idx %arg18[%add3A_340, %parallel_loop3A_365] : memref<128x768xf32, #tpu.memory_space<vmem>>[vector<16xi32>, vector<16xi32>], vector<16xf32>,
            tpu.vector_store_idx %arg20[%parallel_loop3A_363, %add3A_340], %parallel_loop3A_366 : memref<64x128xf32, #tpu.memory_space<vmem>>[vector<16xi32>, vector<16xi32>], vector<16xf32>,
            %parallel_loop3A_367 = arith.constant 48 : i32
            %parallel_loop3A_368 = vector.broadcast %parallel_loop3A_367 : i32 to vector<16xi32>
            %parallel_loop3A_369 = arith.addi %parallel_loop3A_348, %parallel_loop3A_368 : vector<16xi32>
            %parallel_loop3A_370 = vector.broadcast %mul3A_318 : i32 to vector<16xi32>
            %parallel_loop3A_371 = arith.addi %parallel_loop3A_369, %parallel_loop3A_370 : vector<16xi32>
            %parallel_loop3A_372 = tpu.vector_load_idx %arg18[%add3A_340, %parallel_loop3A_371] : memref<128x768xf32, #tpu.memory_space<vmem>>[vector<16xi32>, vector<16xi32>], vector<16xf32>,
            tpu.vector_store_idx %arg20[%parallel_loop3A_369, %add3A_340], %parallel_loop3A_372 : memref<64x128xf32, #tpu.memory_space<vmem>>[vector<16xi32>, vector<16xi32>], vector<16xf32>,
          } {sc.loop_unroll_factor = 8 : i64, sc.parallel_access}
        }
        %scan3A_329 = arith.constant 8 : i32
        %add3A_330 = arith.constant 1664 : i32
        %add3A_331 = arith.addi %add3A_330, %mul3A_318 : i32
        %dma_start3A_332 = tpu.memref_slice %arg14[%add3A_41, %add3A_331, %mul3A_11] : memref<20x4800x1024xf32, #tpu.memory_space<hbm>> -> memref<1x64x128xf32, #tpu.memory_space<hbm>>
        %dma_start3A_333 = tpu.memref_squeeze %dma_start3A_332 : memref<1x64x128xf32, #tpu.memory_space<hbm>> -> memref<64x128xf32, #tpu.memory_space<hbm>>
        %dma_start3A_334 = tpu.memref_slice %arg14[%add3A_41, %add3A_331, %mul3A_11] : memref<20x4800x1024xf32, #tpu.memory_space<hbm>> -> memref<1x64x128xf32, #tpu.memory_space<hbm>>
        %dma_start3A_335 = tpu.memref_squeeze %dma_start3A_334 : memref<1x64x128xf32, #tpu.memory_space<hbm>> -> memref<64x128xf32, #tpu.memory_space<hbm>>
        tpu.enqueue_dma source(%arg20 : memref<64x128xf32, #tpu.memory_space<vmem>>) target(%dma_start3A_335 : memref<64x128xf32, #tpu.memory_space<hbm>>) target_semaphore(%arg23 : memref<!tpu.dma_semaphore, #tpu.memory_space<semaphore_mem>>)
      }
      %scan3A_165 = arith.constant 6 : i32
      %dma_wait3A_166 = arith.constant 2304 : i32
      %dma_wait3A_167 = tpu.memref_slice %arg14[%add3A_41, %dma_wait3A_166, %mul3A_11] : memref<20x4800x1024xf32, #tpu.memory_space<hbm>> -> memref<1x64x128xf32, #tpu.memory_space<hbm>>
      %dma_wait3A_168 = tpu.memref_squeeze %dma_wait3A_167 : memref<1x64x128xf32, #tpu.memory_space<hbm>> -> memref<64x128xf32, #tpu.memory_space<hbm>>
      %dma_wait3A_169 = arith.constant 2304 : i32
      %dma_wait3A_170 = tpu.memref_slice %arg14[%add3A_41, %dma_wait3A_169, %mul3A_11] : memref<20x4800x1024xf32, #tpu.memory_space<hbm>> -> memref<1x64x128xf32, #tpu.memory_space<hbm>>
      %dma_wait3A_171 = tpu.memref_squeeze %dma_wait3A_170 : memref<1x64x128xf32, #tpu.memory_space<hbm>> -> memref<64x128xf32, #tpu.memory_space<hbm>>
      tpu.wait_dma2 semaphore(%arg22 : memref<!tpu.dma_semaphore, #tpu.memory_space<semaphore_mem>>) src(%arg19 : memref<64x128xf32, #tpu.memory_space<vmem>>) dst(%dma_wait3A_171 : memref<64x128xf32, #tpu.memory_space<hbm>>)
      %dma_wait3A_172 = arith.constant 2368 : i32
      %dma_wait3A_173 = tpu.memref_slice %arg14[%add3A_41, %dma_wait3A_172, %mul3A_11] : memref<20x4800x1024xf32, #tpu.memory_space<hbm>> -> memref<1x64x128xf32, #tpu.memory_space<hbm>>
      %dma_wait3A_174 = tpu.memref_squeeze %dma_wait3A_173 : memref<1x64x128xf32, #tpu.memory_space<hbm>> -> memref<64x128xf32, #tpu.memory_space<hbm>>
      %dma_wait3A_175 = arith.constant 2368 : i32
      %dma_wait3A_176 = tpu.memref_slice %arg14[%add3A_41, %dma_wait3A_175, %mul3A_11] : memref<20x4800x1024xf32, #tpu.memory_space<hbm>> -> memref<1x64x128xf32, #tpu.memory_space<hbm>>
      %dma_wait3A_177 = tpu.memref_squeeze %dma_wait3A_176 : memref<1x64x128xf32, #tpu.memory_space<hbm>> -> memref<64x128xf32, #tpu.memory_space<hbm>>
      tpu.wait_dma2 semaphore(%arg23 : memref<!tpu.dma_semaphore, #tpu.memory_space<semaphore_mem>>) src(%arg20 : memref<64x128xf32, #tpu.memory_space<vmem>>) dst(%dma_wait3A_177 : memref<64x128xf32, #tpu.memory_space<hbm>>)
      %dma_start3A_178 = arith.constant 0 : i32
      %dma_start3A_179 = tpu.memref_slice %arg16[%add3A_41, %dma_start3A_178] : memref<24x128xi32, #tpu.memory_space<vmem>> -> memref<1x128xi32, #tpu.memory_space<vmem>>
      %dma_start3A_180 = tpu.memref_squeeze %dma_start3A_179 : memref<1x128xi32, #tpu.memory_space<vmem>> -> memref<128xi32, #tpu.memory_space<vmem>>
      %dma_start3A_181 = arith.constant 0 : i32
      %dma_start3A_182 = arith.constant 0 : i32
      %dma_start3A_183 = tpu.memref_slice %arg12[%dma_start3A_181, %dma_start3A_182] : memref<100000x768xf32, #tpu.memory_space<hbm>> -> memref<100000x768xf32, #tpu.memory_space<hbm>>
      tpu.enqueue_indirect_dma source(%dma_start3A_183 : memref<100000x768xf32, #tpu.memory_space<hbm>>) target(%arg18 : memref<128x768xf32, #tpu.memory_space<vmem>>) offsets(%dma_start3A_180 : memref<128xi32, #tpu.memory_space<vmem>>) semaphore(%arg21 : memref<!tpu.dma_semaphore, #tpu.memory_space<semaphore_mem>>)
      %dma_wait3A_184 = arith.constant 0 : i32
      %dma_wait3A_185 = tpu.memref_slice %arg16[%add3A_41, %dma_wait3A_184] : memref<24x128xi32, #tpu.memory_space<vmem>> -> memref<1x128xi32, #tpu.memory_space<vmem>>
      %dma_wait3A_186 = tpu.memref_squeeze %dma_wait3A_185 : memref<1x128xi32, #tpu.memory_space<vmem>> -> memref<128xi32, #tpu.memory_space<vmem>>
      %dma_wait3A_187 = arith.constant 0 : i32
      %dma_wait3A_188 = arith.constant 0 : i32
      %dma_wait3A_189 = tpu.memref_slice %arg12[%dma_wait3A_187, %dma_wait3A_188] : memref<100000x768xf32, #tpu.memory_space<hbm>> -> memref<100000x768xf32, #tpu.memory_space<hbm>>
      tpu.wait_indirect_dma semaphore(%arg21 : memref<!tpu.dma_semaphore, #tpu.memory_space<semaphore_mem>>) src(%dma_wait3A_189 : memref<100000x768xf32, #tpu.memory_space<hbm>>) dst(%arg18 : memref<128x768xf32, #tpu.memory_space<vmem>>)
      %scan3A_190 = arith.constant 0 : i32
      %scan3A_191 = arith.constant 0 : i32
      %scan3A_192 = arith.constant 6 : i32
      %scan3A_193 = arith.addi %scan3A_191, %scan3A_192 : i32
      %scan3A_194 = arith.constant 1 : i32
      scf.for %scan3A_292 = %scan3A_191 to %scan3A_193 step %scan3A_194  : i32 {
        %mul3A_293 = arith.constant 2 : i32
        %mul3A_294 = arith.muli %scan3A_292, %mul3A_293 : i32
        %add3A_295 = arith.constant 0 : i32
        %add3A_296 = arith.addi %mul3A_294, %add3A_295 : i32
        %mul3A_297 = arith.constant 64 : i32
        %mul3A_298 = arith.muli %add3A_296, %mul3A_297 : i32
        %gt3A = arith.constant 0 : i32
        %gt3A_299 = arith.cmpi sgt, %scan3A_292, %gt3A : i32
        %convert_element_type3A = arith.extui %gt3A_299 : i1 to i32
        %cond3A = arith.constant 0 : i32
        %cond3A_300 = arith.cmpi ne, %convert_element_type3A, %cond3A : i32
        scf.if %cond3A_300 {
          %add3A_336 = arith.constant 2432 : i32
          %add3A_337 = arith.addi %add3A_336, %mul3A_298 : i32
          %sub3A_338 = arith.constant 128 : i32
          %sub3A_339 = arith.subi %add3A_337, %sub3A_338 : i32
          %dma_wait3A_340 = tpu.memref_slice %arg14[%add3A_41, %sub3A_339, %mul3A_11] : memref<20x4800x1024xf32, #tpu.memory_space<hbm>> -> memref<1x64x128xf32, #tpu.memory_space<hbm>>
          %dma_wait3A_341 = tpu.memref_squeeze %dma_wait3A_340 : memref<1x64x128xf32, #tpu.memory_space<hbm>> -> memref<64x128xf32, #tpu.memory_space<hbm>>
          %dma_wait3A_342 = tpu.memref_slice %arg14[%add3A_41, %sub3A_339, %mul3A_11] : memref<20x4800x1024xf32, #tpu.memory_space<hbm>> -> memref<1x64x128xf32, #tpu.memory_space<hbm>>
          %dma_wait3A_343 = tpu.memref_squeeze %dma_wait3A_342 : memref<1x64x128xf32, #tpu.memory_space<hbm>> -> memref<64x128xf32, #tpu.memory_space<hbm>>
          tpu.wait_dma2 semaphore(%arg22 : memref<!tpu.dma_semaphore, #tpu.memory_space<semaphore_mem>>) src(%arg19 : memref<64x128xf32, #tpu.memory_space<vmem>>) dst(%dma_wait3A_343 : memref<64x128xf32, #tpu.memory_space<hbm>>)
        } else {
        }
        %scan3A_301 = arith.constant 0 : i32
        %scan3A_302 = arith.constant 0 : i32
        %scan3A_303 = arith.constant 8 : i32
        %scan3A_304 = arith.addi %scan3A_302, %scan3A_303 : i32
        %scan3A_305 = arith.constant 1 : i32
        scf.for %scan3A_336 = %scan3A_302 to %scan3A_304 step %scan3A_305  : i32 {
          %mul3A_337 = arith.constant 16 : i32
          %mul3A_338 = arith.muli %scan3A_336, %mul3A_337 : i32
          %add3A_339 = vector.broadcast %mul3A_338 : i32 to vector<16xi32>
          %add3A_340 = arith.addi %iota3A, %add3A_339 : vector<16xi32>
          %parallel_loop3A = arith.constant 0 : i32
          %parallel_loop3A_341 = arith.constant 16 : i32
          %parallel_loop3A_342 = arith.constant 1 : i32
          scf.for %parallel_loop3A_343 = %parallel_loop3A to %parallel_loop3A_341 step %parallel_loop3A_342  : i32 {
            %parallel_loop3A_344 = vector.broadcast %parallel_loop3A_343 : i32 to vector<16xi32>
            %parallel_loop3A_345 = arith.addi %iota3A, %parallel_loop3A_344 : vector<16xi32>
            %parallel_loop3A_346 = arith.constant 15 : i32
            %parallel_loop3A_347 = vector.broadcast %parallel_loop3A_346 : i32 to vector<16xi32>
            %parallel_loop3A_348 = arith.andi %parallel_loop3A_345, %parallel_loop3A_347 : vector<16xi32>
            %parallel_loop3A_349 = arith.constant 0 : i32
            %parallel_loop3A_350 = vector.broadcast %parallel_loop3A_349 : i32 to vector<16xi32>
            %parallel_loop3A_351 = arith.addi %parallel_loop3A_348, %parallel_loop3A_350 : vector<16xi32>
            %parallel_loop3A_352 = vector.broadcast %mul3A_298 : i32 to vector<16xi32>
            %parallel_loop3A_353 = arith.addi %parallel_loop3A_351, %parallel_loop3A_352 : vector<16xi32>
            %parallel_loop3A_354 = tpu.vector_load_idx %arg18[%add3A_340, %parallel_loop3A_353] : memref<128x768xf32, #tpu.memory_space<vmem>>[vector<16xi32>, vector<16xi32>], vector<16xf32>,
            tpu.vector_store_idx %arg19[%parallel_loop3A_351, %add3A_340], %parallel_loop3A_354 : memref<64x128xf32, #tpu.memory_space<vmem>>[vector<16xi32>, vector<16xi32>], vector<16xf32>,
            %parallel_loop3A_355 = arith.constant 16 : i32
            %parallel_loop3A_356 = vector.broadcast %parallel_loop3A_355 : i32 to vector<16xi32>
            %parallel_loop3A_357 = arith.addi %parallel_loop3A_348, %parallel_loop3A_356 : vector<16xi32>
            %parallel_loop3A_358 = vector.broadcast %mul3A_298 : i32 to vector<16xi32>
            %parallel_loop3A_359 = arith.addi %parallel_loop3A_357, %parallel_loop3A_358 : vector<16xi32>
            %parallel_loop3A_360 = tpu.vector_load_idx %arg18[%add3A_340, %parallel_loop3A_359] : memref<128x768xf32, #tpu.memory_space<vmem>>[vector<16xi32>, vector<16xi32>], vector<16xf32>,
            tpu.vector_store_idx %arg19[%parallel_loop3A_357, %add3A_340], %parallel_loop3A_360 : memref<64x128xf32, #tpu.memory_space<vmem>>[vector<16xi32>, vector<16xi32>], vector<16xf32>,
            %parallel_loop3A_361 = arith.constant 32 : i32
            %parallel_loop3A_362 = vector.broadcast %parallel_loop3A_361 : i32 to vector<16xi32>
            %parallel_loop3A_363 = arith.addi %parallel_loop3A_348, %parallel_loop3A_362 : vector<16xi32>
            %parallel_loop3A_364 = vector.broadcast %mul3A_298 : i32 to vector<16xi32>
            %parallel_loop3A_365 = arith.addi %parallel_loop3A_363, %parallel_loop3A_364 : vector<16xi32>
            %parallel_loop3A_366 = tpu.vector_load_idx %arg18[%add3A_340, %parallel_loop3A_365] : memref<128x768xf32, #tpu.memory_space<vmem>>[vector<16xi32>, vector<16xi32>], vector<16xf32>,
            tpu.vector_store_idx %arg19[%parallel_loop3A_363, %add3A_340], %parallel_loop3A_366 : memref<64x128xf32, #tpu.memory_space<vmem>>[vector<16xi32>, vector<16xi32>], vector<16xf32>,
            %parallel_loop3A_367 = arith.constant 48 : i32
            %parallel_loop3A_368 = vector.broadcast %parallel_loop3A_367 : i32 to vector<16xi32>
            %parallel_loop3A_369 = arith.addi %parallel_loop3A_348, %parallel_loop3A_368 : vector<16xi32>
            %parallel_loop3A_370 = vector.broadcast %mul3A_298 : i32 to vector<16xi32>
            %parallel_loop3A_371 = arith.addi %parallel_loop3A_369, %parallel_loop3A_370 : vector<16xi32>
            %parallel_loop3A_372 = tpu.vector_load_idx %arg18[%add3A_340, %parallel_loop3A_371] : memref<128x768xf32, #tpu.memory_space<vmem>>[vector<16xi32>, vector<16xi32>], vector<16xf32>,
            tpu.vector_store_idx %arg19[%parallel_loop3A_369, %add3A_340], %parallel_loop3A_372 : memref<64x128xf32, #tpu.memory_space<vmem>>[vector<16xi32>, vector<16xi32>], vector<16xf32>,
          } {sc.loop_unroll_factor = 8 : i64, sc.parallel_access}
        }
        %scan3A_306 = arith.constant 8 : i32
        %add3A_307 = arith.constant 2432 : i32
        %add3A_308 = arith.addi %add3A_307, %mul3A_298 : i32
        %dma_start3A_309 = tpu.memref_slice %arg14[%add3A_41, %add3A_308, %mul3A_11] : memref<20x4800x1024xf32, #tpu.memory_space<hbm>> -> memref<1x64x128xf32, #tpu.memory_space<hbm>>
        %dma_start3A_310 = tpu.memref_squeeze %dma_start3A_309 : memref<1x64x128xf32, #tpu.memory_space<hbm>> -> memref<64x128xf32, #tpu.memory_space<hbm>>
        %dma_start3A_311 = tpu.memref_slice %arg14[%add3A_41, %add3A_308, %mul3A_11] : memref<20x4800x1024xf32, #tpu.memory_space<hbm>> -> memref<1x64x128xf32, #tpu.memory_space<hbm>>
        %dma_start3A_312 = tpu.memref_squeeze %dma_start3A_311 : memref<1x64x128xf32, #tpu.memory_space<hbm>> -> memref<64x128xf32, #tpu.memory_space<hbm>>
        tpu.enqueue_dma source(%arg19 : memref<64x128xf32, #tpu.memory_space<vmem>>) target(%dma_start3A_312 : memref<64x128xf32, #tpu.memory_space<hbm>>) target_semaphore(%arg22 : memref<!tpu.dma_semaphore, #tpu.memory_space<semaphore_mem>>)
        %mul3A_313 = arith.constant 2 : i32
        %mul3A_314 = arith.muli %scan3A_292, %mul3A_313 : i32
        %add3A_315 = arith.constant 1 : i32
        %add3A_316 = arith.addi %mul3A_314, %add3A_315 : i32
        %mul3A_317 = arith.constant 64 : i32
        %mul3A_318 = arith.muli %add3A_316, %mul3A_317 : i32
        %gt3A_319 = arith.constant 0 : i32
        %gt3A_320 = arith.cmpi sgt, %scan3A_292, %gt3A_319 : i32
        %convert_element_type3A_321 = arith.extui %gt3A_320 : i1 to i32
        %cond3A_322 = arith.constant 0 : i32
        %cond3A_323 = arith.cmpi ne, %convert_element_type3A_321, %cond3A_322 : i32
        scf.if %cond3A_323 {
          %add3A_336 = arith.constant 2432 : i32
          %add3A_337 = arith.addi %add3A_336, %mul3A_318 : i32
          %sub3A_338 = arith.constant 128 : i32
          %sub3A_339 = arith.subi %add3A_337, %sub3A_338 : i32
          %dma_wait3A_340 = tpu.memref_slice %arg14[%add3A_41, %sub3A_339, %mul3A_11] : memref<20x4800x1024xf32, #tpu.memory_space<hbm>> -> memref<1x64x128xf32, #tpu.memory_space<hbm>>
          %dma_wait3A_341 = tpu.memref_squeeze %dma_wait3A_340 : memref<1x64x128xf32, #tpu.memory_space<hbm>> -> memref<64x128xf32, #tpu.memory_space<hbm>>
          %dma_wait3A_342 = tpu.memref_slice %arg14[%add3A_41, %sub3A_339, %mul3A_11] : memref<20x4800x1024xf32, #tpu.memory_space<hbm>> -> memref<1x64x128xf32, #tpu.memory_space<hbm>>
          %dma_wait3A_343 = tpu.memref_squeeze %dma_wait3A_342 : memref<1x64x128xf32, #tpu.memory_space<hbm>> -> memref<64x128xf32, #tpu.memory_space<hbm>>
          tpu.wait_dma2 semaphore(%arg23 : memref<!tpu.dma_semaphore, #tpu.memory_space<semaphore_mem>>) src(%arg20 : memref<64x128xf32, #tpu.memory_space<vmem>>) dst(%dma_wait3A_343 : memref<64x128xf32, #tpu.memory_space<hbm>>)
        } else {
        }
        %scan3A_324 = arith.constant 0 : i32
        %scan3A_325 = arith.constant 0 : i32
        %scan3A_326 = arith.constant 8 : i32
        %scan3A_327 = arith.addi %scan3A_325, %scan3A_326 : i32
        %scan3A_328 = arith.constant 1 : i32
        scf.for %scan3A_336 = %scan3A_325 to %scan3A_327 step %scan3A_328  : i32 {
          %mul3A_337 = arith.constant 16 : i32
          %mul3A_338 = arith.muli %scan3A_336, %mul3A_337 : i32
          %add3A_339 = vector.broadcast %mul3A_338 : i32 to vector<16xi32>
          %add3A_340 = arith.addi %iota3A, %add3A_339 : vector<16xi32>
          %parallel_loop3A = arith.constant 0 : i32
          %parallel_loop3A_341 = arith.constant 16 : i32
          %parallel_loop3A_342 = arith.constant 1 : i32
          scf.for %parallel_loop3A_343 = %parallel_loop3A to %parallel_loop3A_341 step %parallel_loop3A_342  : i32 {
            %parallel_loop3A_344 = vector.broadcast %parallel_loop3A_343 : i32 to vector<16xi32>
            %parallel_loop3A_345 = arith.addi %iota3A, %parallel_loop3A_344 : vector<16xi32>
            %parallel_loop3A_346 = arith.constant 15 : i32
            %parallel_loop3A_347 = vector.broadcast %parallel_loop3A_346 : i32 to vector<16xi32>
            %parallel_loop3A_348 = arith.andi %parallel_loop3A_345, %parallel_loop3A_347 : vector<16xi32>
            %parallel_loop3A_349 = arith.constant 0 : i32
            %parallel_loop3A_350 = vector.broadcast %parallel_loop3A_349 : i32 to vector<16xi32>
            %parallel_loop3A_351 = arith.addi %parallel_loop3A_348, %parallel_loop3A_350 : vector<16xi32>
            %parallel_loop3A_352 = vector.broadcast %mul3A_318 : i32 to vector<16xi32>
            %parallel_loop3A_353 = arith.addi %parallel_loop3A_351, %parallel_loop3A_352 : vector<16xi32>
            %parallel_loop3A_354 = tpu.vector_load_idx %arg18[%add3A_340, %parallel_loop3A_353] : memref<128x768xf32, #tpu.memory_space<vmem>>[vector<16xi32>, vector<16xi32>], vector<16xf32>,
            tpu.vector_store_idx %arg20[%parallel_loop3A_351, %add3A_340], %parallel_loop3A_354 : memref<64x128xf32, #tpu.memory_space<vmem>>[vector<16xi32>, vector<16xi32>], vector<16xf32>,
            %parallel_loop3A_355 = arith.constant 16 : i32
            %parallel_loop3A_356 = vector.broadcast %parallel_loop3A_355 : i32 to vector<16xi32>
            %parallel_loop3A_357 = arith.addi %parallel_loop3A_348, %parallel_loop3A_356 : vector<16xi32>
            %parallel_loop3A_358 = vector.broadcast %mul3A_318 : i32 to vector<16xi32>
            %parallel_loop3A_359 = arith.addi %parallel_loop3A_357, %parallel_loop3A_358 : vector<16xi32>
            %parallel_loop3A_360 = tpu.vector_load_idx %arg18[%add3A_340, %parallel_loop3A_359] : memref<128x768xf32, #tpu.memory_space<vmem>>[vector<16xi32>, vector<16xi32>], vector<16xf32>,
            tpu.vector_store_idx %arg20[%parallel_loop3A_357, %add3A_340], %parallel_loop3A_360 : memref<64x128xf32, #tpu.memory_space<vmem>>[vector<16xi32>, vector<16xi32>], vector<16xf32>,
            %parallel_loop3A_361 = arith.constant 32 : i32
            %parallel_loop3A_362 = vector.broadcast %parallel_loop3A_361 : i32 to vector<16xi32>
            %parallel_loop3A_363 = arith.addi %parallel_loop3A_348, %parallel_loop3A_362 : vector<16xi32>
            %parallel_loop3A_364 = vector.broadcast %mul3A_318 : i32 to vector<16xi32>
            %parallel_loop3A_365 = arith.addi %parallel_loop3A_363, %parallel_loop3A_364 : vector<16xi32>
            %parallel_loop3A_366 = tpu.vector_load_idx %arg18[%add3A_340, %parallel_loop3A_365] : memref<128x768xf32, #tpu.memory_space<vmem>>[vector<16xi32>, vector<16xi32>], vector<16xf32>,
            tpu.vector_store_idx %arg20[%parallel_loop3A_363, %add3A_340], %parallel_loop3A_366 : memref<64x128xf32, #tpu.memory_space<vmem>>[vector<16xi32>, vector<16xi32>], vector<16xf32>,
            %parallel_loop3A_367 = arith.constant 48 : i32
            %parallel_loop3A_368 = vector.broadcast %parallel_loop3A_367 : i32 to vector<16xi32>
            %parallel_loop3A_369 = arith.addi %parallel_loop3A_348, %parallel_loop3A_368 : vector<16xi32>
            %parallel_loop3A_370 = vector.broadcast %mul3A_318 : i32 to vector<16xi32>
            %parallel_loop3A_371 = arith.addi %parallel_loop3A_369, %parallel_loop3A_370 : vector<16xi32>
            %parallel_loop3A_372 = tpu.vector_load_idx %arg18[%add3A_340, %parallel_loop3A_371] : memref<128x768xf32, #tpu.memory_space<vmem>>[vector<16xi32>, vector<16xi32>], vector<16xf32>,
            tpu.vector_store_idx %arg20[%parallel_loop3A_369, %add3A_340], %parallel_loop3A_372 : memref<64x128xf32, #tpu.memory_space<vmem>>[vector<16xi32>, vector<16xi32>], vector<16xf32>,
          } {sc.loop_unroll_factor = 8 : i64, sc.parallel_access}
        }
        %scan3A_329 = arith.constant 8 : i32
        %add3A_330 = arith.constant 2432 : i32
        %add3A_331 = arith.addi %add3A_330, %mul3A_318 : i32
        %dma_start3A_332 = tpu.memref_slice %arg14[%add3A_41, %add3A_331, %mul3A_11] : memref<20x4800x1024xf32, #tpu.memory_space<hbm>> -> memref<1x64x128xf32, #tpu.memory_space<hbm>>
        %dma_start3A_333 = tpu.memref_squeeze %dma_start3A_332 : memref<1x64x128xf32, #tpu.memory_space<hbm>> -> memref<64x128xf32, #tpu.memory_space<hbm>>
        %dma_start3A_334 = tpu.memref_slice %arg14[%add3A_41, %add3A_331, %mul3A_11] : memref<20x4800x1024xf32, #tpu.memory_space<hbm>> -> memref<1x64x128xf32, #tpu.memory_space<hbm>>
        %dma_start3A_335 = tpu.memref_squeeze %dma_start3A_334 : memref<1x64x128xf32, #tpu.memory_space<hbm>> -> memref<64x128xf32, #tpu.memory_space<hbm>>
        tpu.enqueue_dma source(%arg20 : memref<64x128xf32, #tpu.memory_space<vmem>>) target(%dma_start3A_335 : memref<64x128xf32, #tpu.memory_space<hbm>>) target_semaphore(%arg23 : memref<!tpu.dma_semaphore, #tpu.memory_space<semaphore_mem>>)
      }
      %scan3A_195 = arith.constant 6 : i32
      %dma_wait3A_196 = arith.constant 3072 : i32
      %dma_wait3A_197 = tpu.memref_slice %arg14[%add3A_41, %dma_wait3A_196, %mul3A_11] : memref<20x4800x1024xf32, #tpu.memory_space<hbm>> -> memref<1x64x128xf32, #tpu.memory_space<hbm>>
      %dma_wait3A_198 = tpu.memref_squeeze %dma_wait3A_197 : memref<1x64x128xf32, #tpu.memory_space<hbm>> -> memref<64x128xf32, #tpu.memory_space<hbm>>
      %dma_wait3A_199 = arith.constant 3072 : i32
      %dma_wait3A_200 = tpu.memref_slice %arg14[%add3A_41, %dma_wait3A_199, %mul3A_11] : memref<20x4800x1024xf32, #tpu.memory_space<hbm>> -> memref<1x64x128xf32, #tpu.memory_space<hbm>>
      %dma_wait3A_201 = tpu.memref_squeeze %dma_wait3A_200 : memref<1x64x128xf32, #tpu.memory_space<hbm>> -> memref<64x128xf32, #tpu.memory_space<hbm>>
      tpu.wait_dma2 semaphore(%arg22 : memref<!tpu.dma_semaphore, #tpu.memory_space<semaphore_mem>>) src(%arg19 : memref<64x128xf32, #tpu.memory_space<vmem>>) dst(%dma_wait3A_201 : memref<64x128xf32, #tpu.memory_space<hbm>>)
      %dma_wait3A_202 = arith.constant 3136 : i32
      %dma_wait3A_203 = tpu.memref_slice %arg14[%add3A_41, %dma_wait3A_202, %mul3A_11] : memref<20x4800x1024xf32, #tpu.memory_space<hbm>> -> memref<1x64x128xf32, #tpu.memory_space<hbm>>
      %dma_wait3A_204 = tpu.memref_squeeze %dma_wait3A_203 : memref<1x64x128xf32, #tpu.memory_space<hbm>> -> memref<64x128xf32, #tpu.memory_space<hbm>>
      %dma_wait3A_205 = arith.constant 3136 : i32
      %dma_wait3A_206 = tpu.memref_slice %arg14[%add3A_41, %dma_wait3A_205, %mul3A_11] : memref<20x4800x1024xf32, #tpu.memory_space<hbm>> -> memref<1x64x128xf32, #tpu.memory_space<hbm>>
      %dma_wait3A_207 = tpu.memref_squeeze %dma_wait3A_206 : memref<1x64x128xf32, #tpu.memory_space<hbm>> -> memref<64x128xf32, #tpu.memory_space<hbm>>
      tpu.wait_dma2 semaphore(%arg23 : memref<!tpu.dma_semaphore, #tpu.memory_space<semaphore_mem>>) src(%arg20 : memref<64x128xf32, #tpu.memory_space<vmem>>) dst(%dma_wait3A_207 : memref<64x128xf32, #tpu.memory_space<hbm>>)
      %dma_start3A_208 = arith.constant 0 : i32
      %dma_start3A_209 = arith.constant 0 : i32
      %dma_start3A_210 = tpu.memref_slice %arg18[%dma_start3A_208, %dma_start3A_209] : memref<128x768xf32, #tpu.memory_space<vmem>> -> memref<128x128xf32, #tpu.memory_space<vmem>>
      %dma_start3A_211 = arith.constant 0 : i32
      %dma_start3A_212 = tpu.memref_slice %arg17[%add3A_41, %dma_start3A_211] : memref<24x128xi32, #tpu.memory_space<vmem>> -> memref<1x128xi32, #tpu.memory_space<vmem>>
      %dma_start3A_213 = tpu.memref_squeeze %dma_start3A_212 : memref<1x128xi32, #tpu.memory_space<vmem>> -> memref<128xi32, #tpu.memory_space<vmem>>
      %dma_start3A_214 = arith.constant 0 : i32
      %dma_start3A_215 = arith.constant 0 : i32
      %dma_start3A_216 = tpu.memref_slice %arg7[%dma_start3A_214, %dma_start3A_215] : memref<100000x128xf32, #tpu.memory_space<hbm>> -> memref<100000x128xf32, #tpu.memory_space<hbm>>
      tpu.enqueue_indirect_dma source(%dma_start3A_216 : memref<100000x128xf32, #tpu.memory_space<hbm>>) target(%dma_start3A_210 : memref<128x128xf32, #tpu.memory_space<vmem>>) offsets(%dma_start3A_213 : memref<128xi32, #tpu.memory_space<vmem>>) semaphore(%arg21 : memref<!tpu.dma_semaphore, #tpu.memory_space<semaphore_mem>>)
      %dma_wait3A_217 = arith.constant 0 : i32
      %dma_wait3A_218 = arith.constant 0 : i32
      %dma_wait3A_219 = tpu.memref_slice %arg18[%dma_wait3A_217, %dma_wait3A_218] : memref<128x768xf32, #tpu.memory_space<vmem>> -> memref<128x128xf32, #tpu.memory_space<vmem>>
      %dma_wait3A_220 = arith.constant 0 : i32
      %dma_wait3A_221 = tpu.memref_slice %arg17[%add3A_41, %dma_wait3A_220] : memref<24x128xi32, #tpu.memory_space<vmem>> -> memref<1x128xi32, #tpu.memory_space<vmem>>
      %dma_wait3A_222 = tpu.memref_squeeze %dma_wait3A_221 : memref<1x128xi32, #tpu.memory_space<vmem>> -> memref<128xi32, #tpu.memory_space<vmem>>
      %dma_wait3A_223 = arith.constant 0 : i32
      %dma_wait3A_224 = arith.constant 0 : i32
      %dma_wait3A_225 = tpu.memref_slice %arg7[%dma_wait3A_223, %dma_wait3A_224] : memref<100000x128xf32, #tpu.memory_space<hbm>> -> memref<100000x128xf32, #tpu.memory_space<hbm>>
      tpu.wait_indirect_dma semaphore(%arg21 : memref<!tpu.dma_semaphore, #tpu.memory_space<semaphore_mem>>) src(%dma_wait3A_225 : memref<100000x128xf32, #tpu.memory_space<hbm>>) dst(%dma_wait3A_219 : memref<128x128xf32, #tpu.memory_space<vmem>>)
      %scan3A_226 = arith.constant 0 : i32
      %scan3A_227 = arith.constant 0 : i32
      %scan3A_228 = arith.constant 8 : i32
      %scan3A_229 = arith.addi %scan3A_227, %scan3A_228 : i32
      %scan3A_230 = arith.constant 1 : i32
      scf.for %scan3A_292 = %scan3A_227 to %scan3A_229 step %scan3A_230  : i32 {
        %mul3A_293 = arith.constant 16 : i32
        %mul3A_294 = arith.muli %scan3A_292, %mul3A_293 : i32
        %add3A_295 = vector.broadcast %mul3A_294 : i32 to vector<16xi32>
        %add3A_296 = arith.addi %iota3A, %add3A_295 : vector<16xi32>
        %parallel_loop3A = arith.constant 0 : i32
        %parallel_loop3A_297 = arith.constant 16 : i32
        %parallel_loop3A_298 = arith.constant 1 : i32
        scf.for %parallel_loop3A_299 = %parallel_loop3A to %parallel_loop3A_297 step %parallel_loop3A_298  : i32 {
          %parallel_loop3A_300 = vector.broadcast %parallel_loop3A_299 : i32 to vector<16xi32>
          %parallel_loop3A_301 = arith.addi %iota3A, %parallel_loop3A_300 : vector<16xi32>
          %parallel_loop3A_302 = arith.constant 15 : i32
          %parallel_loop3A_303 = vector.broadcast %parallel_loop3A_302 : i32 to vector<16xi32>
          %parallel_loop3A_304 = arith.andi %parallel_loop3A_301, %parallel_loop3A_303 : vector<16xi32>
          %parallel_loop3A_305 = arith.constant 0 : i32
          %parallel_loop3A_306 = vector.broadcast %parallel_loop3A_305 : i32 to vector<16xi32>
          %parallel_loop3A_307 = arith.addi %parallel_loop3A_304, %parallel_loop3A_306 : vector<16xi32>
          %parallel_loop3A_308 = arith.constant 0 : i32
          %parallel_loop3A_309 = vector.broadcast %parallel_loop3A_308 : i32 to vector<16xi32>
          %parallel_loop3A_310 = arith.addi %parallel_loop3A_307, %parallel_loop3A_309 : vector<16xi32>
          %parallel_loop3A_311 = tpu.vector_load_idx %arg18[%add3A_296, %parallel_loop3A_310] : memref<128x768xf32, #tpu.memory_space<vmem>>[vector<16xi32>, vector<16xi32>], vector<16xf32>,
          tpu.vector_store_idx %arg19[%parallel_loop3A_307, %add3A_296], %parallel_loop3A_311 : memref<64x128xf32, #tpu.memory_space<vmem>>[vector<16xi32>, vector<16xi32>], vector<16xf32>,
          %parallel_loop3A_312 = arith.constant 16 : i32
          %parallel_loop3A_313 = vector.broadcast %parallel_loop3A_312 : i32 to vector<16xi32>
          %parallel_loop3A_314 = arith.addi %parallel_loop3A_304, %parallel_loop3A_313 : vector<16xi32>
          %parallel_loop3A_315 = arith.constant 0 : i32
          %parallel_loop3A_316 = vector.broadcast %parallel_loop3A_315 : i32 to vector<16xi32>
          %parallel_loop3A_317 = arith.addi %parallel_loop3A_314, %parallel_loop3A_316 : vector<16xi32>
          %parallel_loop3A_318 = tpu.vector_load_idx %arg18[%add3A_296, %parallel_loop3A_317] : memref<128x768xf32, #tpu.memory_space<vmem>>[vector<16xi32>, vector<16xi32>], vector<16xf32>,
          tpu.vector_store_idx %arg19[%parallel_loop3A_314, %add3A_296], %parallel_loop3A_318 : memref<64x128xf32, #tpu.memory_space<vmem>>[vector<16xi32>, vector<16xi32>], vector<16xf32>,
          %parallel_loop3A_319 = arith.constant 32 : i32
          %parallel_loop3A_320 = vector.broadcast %parallel_loop3A_319 : i32 to vector<16xi32>
          %parallel_loop3A_321 = arith.addi %parallel_loop3A_304, %parallel_loop3A_320 : vector<16xi32>
          %parallel_loop3A_322 = arith.constant 0 : i32
          %parallel_loop3A_323 = vector.broadcast %parallel_loop3A_322 : i32 to vector<16xi32>
          %parallel_loop3A_324 = arith.addi %parallel_loop3A_321, %parallel_loop3A_323 : vector<16xi32>
          %parallel_loop3A_325 = tpu.vector_load_idx %arg18[%add3A_296, %parallel_loop3A_324] : memref<128x768xf32, #tpu.memory_space<vmem>>[vector<16xi32>, vector<16xi32>], vector<16xf32>,
          tpu.vector_store_idx %arg19[%parallel_loop3A_321, %add3A_296], %parallel_loop3A_325 : memref<64x128xf32, #tpu.memory_space<vmem>>[vector<16xi32>, vector<16xi32>], vector<16xf32>,
          %parallel_loop3A_326 = arith.constant 48 : i32
          %parallel_loop3A_327 = vector.broadcast %parallel_loop3A_326 : i32 to vector<16xi32>
          %parallel_loop3A_328 = arith.addi %parallel_loop3A_304, %parallel_loop3A_327 : vector<16xi32>
          %parallel_loop3A_329 = arith.constant 0 : i32
          %parallel_loop3A_330 = vector.broadcast %parallel_loop3A_329 : i32 to vector<16xi32>
          %parallel_loop3A_331 = arith.addi %parallel_loop3A_328, %parallel_loop3A_330 : vector<16xi32>
          %parallel_loop3A_332 = tpu.vector_load_idx %arg18[%add3A_296, %parallel_loop3A_331] : memref<128x768xf32, #tpu.memory_space<vmem>>[vector<16xi32>, vector<16xi32>], vector<16xf32>,
          tpu.vector_store_idx %arg19[%parallel_loop3A_328, %add3A_296], %parallel_loop3A_332 : memref<64x128xf32, #tpu.memory_space<vmem>>[vector<16xi32>, vector<16xi32>], vector<16xf32>,
        } {sc.loop_unroll_factor = 8 : i64, sc.parallel_access}
      }
      %scan3A_231 = arith.constant 8 : i32
      "tpu.region"() ({
        %run_scoped3A = tpu.sem_alloc : memref<!tpu.dma_semaphore, #tpu.memory_space<semaphore_mem>>
        %dma_start3A_292 = arith.constant 3200 : i32
        %dma_start3A_293 = tpu.memref_slice %arg14[%add3A_41, %dma_start3A_292, %mul3A_11] : memref<20x4800x1024xf32, #tpu.memory_space<hbm>> -> memref<1x64x128xf32, #tpu.memory_space<hbm>>
        %dma_start3A_294 = tpu.memref_squeeze %dma_start3A_293 : memref<1x64x128xf32, #tpu.memory_space<hbm>> -> memref<64x128xf32, #tpu.memory_space<hbm>>
        %dma_start3A_295 = arith.constant 3200 : i32
        %dma_start3A_296 = tpu.memref_slice %arg14[%add3A_41, %dma_start3A_295, %mul3A_11] : memref<20x4800x1024xf32, #tpu.memory_space<hbm>> -> memref<1x64x128xf32, #tpu.memory_space<hbm>>
        %dma_start3A_297 = tpu.memref_squeeze %dma_start3A_296 : memref<1x64x128xf32, #tpu.memory_space<hbm>> -> memref<64x128xf32, #tpu.memory_space<hbm>>
        tpu.enqueue_dma source(%arg19 : memref<64x128xf32, #tpu.memory_space<vmem>>) target(%dma_start3A_297 : memref<64x128xf32, #tpu.memory_space<hbm>>) target_semaphore(%run_scoped3A : memref<!tpu.dma_semaphore, #tpu.memory_space<semaphore_mem>>)
        %dma_wait3A_298 = arith.constant 3200 : i32
        %dma_wait3A_299 = tpu.memref_slice %arg14[%add3A_41, %dma_wait3A_298, %mul3A_11] : memref<20x4800x1024xf32, #tpu.memory_space<hbm>> -> memref<1x64x128xf32, #tpu.memory_space<hbm>>
        %dma_wait3A_300 = tpu.memref_squeeze %dma_wait3A_299 : memref<1x64x128xf32, #tpu.memory_space<hbm>> -> memref<64x128xf32, #tpu.memory_space<hbm>>
        %dma_wait3A_301 = arith.constant 3200 : i32
        %dma_wait3A_302 = tpu.memref_slice %arg14[%add3A_41, %dma_wait3A_301, %mul3A_11] : memref<20x4800x1024xf32, #tpu.memory_space<hbm>> -> memref<1x64x128xf32, #tpu.memory_space<hbm>>
        %dma_wait3A_303 = tpu.memref_squeeze %dma_wait3A_302 : memref<1x64x128xf32, #tpu.memory_space<hbm>> -> memref<64x128xf32, #tpu.memory_space<hbm>>
        tpu.wait_dma2 semaphore(%run_scoped3A : memref<!tpu.dma_semaphore, #tpu.memory_space<semaphore_mem>>) src(%arg19 : memref<64x128xf32, #tpu.memory_space<vmem>>) dst(%dma_wait3A_303 : memref<64x128xf32, #tpu.memory_space<hbm>>)
        tpu.yield
      }) : () -> ()
      %dma_start3A_232 = arith.constant 0 : i32
      %dma_start3A_233 = tpu.memref_slice %arg17[%add3A_41, %dma_start3A_232] : memref<24x128xi32, #tpu.memory_space<vmem>> -> memref<1x128xi32, #tpu.memory_space<vmem>>
      %dma_start3A_234 = tpu.memref_squeeze %dma_start3A_233 : memref<1x128xi32, #tpu.memory_space<vmem>> -> memref<128xi32, #tpu.memory_space<vmem>>
      %dma_start3A_235 = arith.constant 0 : i32
      %dma_start3A_236 = arith.constant 0 : i32
      %dma_start3A_237 = tpu.memref_slice %arg10[%dma_start3A_235, %dma_start3A_236] : memref<100000x768xf32, #tpu.memory_space<hbm>> -> memref<100000x768xf32, #tpu.memory_space<hbm>>
      tpu.enqueue_indirect_dma source(%dma_start3A_237 : memref<100000x768xf32, #tpu.memory_space<hbm>>) target(%arg18 : memref<128x768xf32, #tpu.memory_space<vmem>>) offsets(%dma_start3A_234 : memref<128xi32, #tpu.memory_space<vmem>>) semaphore(%arg21 : memref<!tpu.dma_semaphore, #tpu.memory_space<semaphore_mem>>)
      %dma_wait3A_238 = arith.constant 0 : i32
      %dma_wait3A_239 = tpu.memref_slice %arg17[%add3A_41, %dma_wait3A_238] : memref<24x128xi32, #tpu.memory_space<vmem>> -> memref<1x128xi32, #tpu.memory_space<vmem>>
      %dma_wait3A_240 = tpu.memref_squeeze %dma_wait3A_239 : memref<1x128xi32, #tpu.memory_space<vmem>> -> memref<128xi32, #tpu.memory_space<vmem>>
      %dma_wait3A_241 = arith.constant 0 : i32
      %dma_wait3A_242 = arith.constant 0 : i32
      %dma_wait3A_243 = tpu.memref_slice %arg10[%dma_wait3A_241, %dma_wait3A_242] : memref<100000x768xf32, #tpu.memory_space<hbm>> -> memref<100000x768xf32, #tpu.memory_space<hbm>>
      tpu.wait_indirect_dma semaphore(%arg21 : memref<!tpu.dma_semaphore, #tpu.memory_space<semaphore_mem>>) src(%dma_wait3A_243 : memref<100000x768xf32, #tpu.memory_space<hbm>>) dst(%arg18 : memref<128x768xf32, #tpu.memory_space<vmem>>)
      %scan3A_244 = arith.constant 0 : i32
      %scan3A_245 = arith.constant 0 : i32
      %scan3A_246 = arith.constant 6 : i32
      %scan3A_247 = arith.addi %scan3A_245, %scan3A_246 : i32
      %scan3A_248 = arith.constant 1 : i32
      scf.for %scan3A_292 = %scan3A_245 to %scan3A_247 step %scan3A_248  : i32 {
        %mul3A_293 = arith.constant 2 : i32
        %mul3A_294 = arith.muli %scan3A_292, %mul3A_293 : i32
        %add3A_295 = arith.constant 0 : i32
        %add3A_296 = arith.addi %mul3A_294, %add3A_295 : i32
        %mul3A_297 = arith.constant 64 : i32
        %mul3A_298 = arith.muli %add3A_296, %mul3A_297 : i32
        %gt3A = arith.constant 0 : i32
        %gt3A_299 = arith.cmpi sgt, %scan3A_292, %gt3A : i32
        %convert_element_type3A = arith.extui %gt3A_299 : i1 to i32
        %cond3A = arith.constant 0 : i32
        %cond3A_300 = arith.cmpi ne, %convert_element_type3A, %cond3A : i32
        scf.if %cond3A_300 {
          %add3A_336 = arith.constant 3264 : i32
          %add3A_337 = arith.addi %add3A_336, %mul3A_298 : i32
          %sub3A_338 = arith.constant 128 : i32
          %sub3A_339 = arith.subi %add3A_337, %sub3A_338 : i32
          %dma_wait3A_340 = tpu.memref_slice %arg14[%add3A_41, %sub3A_339, %mul3A_11] : memref<20x4800x1024xf32, #tpu.memory_space<hbm>> -> memref<1x64x128xf32, #tpu.memory_space<hbm>>
          %dma_wait3A_341 = tpu.memref_squeeze %dma_wait3A_340 : memref<1x64x128xf32, #tpu.memory_space<hbm>> -> memref<64x128xf32, #tpu.memory_space<hbm>>
          %dma_wait3A_342 = tpu.memref_slice %arg14[%add3A_41, %sub3A_339, %mul3A_11] : memref<20x4800x1024xf32, #tpu.memory_space<hbm>> -> memref<1x64x128xf32, #tpu.memory_space<hbm>>
          %dma_wait3A_343 = tpu.memref_squeeze %dma_wait3A_342 : memref<1x64x128xf32, #tpu.memory_space<hbm>> -> memref<64x128xf32, #tpu.memory_space<hbm>>
          tpu.wait_dma2 semaphore(%arg22 : memref<!tpu.dma_semaphore, #tpu.memory_space<semaphore_mem>>) src(%arg19 : memref<64x128xf32, #tpu.memory_space<vmem>>) dst(%dma_wait3A_343 : memref<64x128xf32, #tpu.memory_space<hbm>>)
        } else {
        }
        %scan3A_301 = arith.constant 0 : i32
        %scan3A_302 = arith.constant 0 : i32
        %scan3A_303 = arith.constant 8 : i32
        %scan3A_304 = arith.addi %scan3A_302, %scan3A_303 : i32
        %scan3A_305 = arith.constant 1 : i32
        scf.for %scan3A_336 = %scan3A_302 to %scan3A_304 step %scan3A_305  : i32 {
          %mul3A_337 = arith.constant 16 : i32
          %mul3A_338 = arith.muli %scan3A_336, %mul3A_337 : i32
          %add3A_339 = vector.broadcast %mul3A_338 : i32 to vector<16xi32>
          %add3A_340 = arith.addi %iota3A, %add3A_339 : vector<16xi32>
          %parallel_loop3A = arith.constant 0 : i32
          %parallel_loop3A_341 = arith.constant 16 : i32
          %parallel_loop3A_342 = arith.constant 1 : i32
          scf.for %parallel_loop3A_343 = %parallel_loop3A to %parallel_loop3A_341 step %parallel_loop3A_342  : i32 {
            %parallel_loop3A_344 = vector.broadcast %parallel_loop3A_343 : i32 to vector<16xi32>
            %parallel_loop3A_345 = arith.addi %iota3A, %parallel_loop3A_344 : vector<16xi32>
            %parallel_loop3A_346 = arith.constant 15 : i32
            %parallel_loop3A_347 = vector.broadcast %parallel_loop3A_346 : i32 to vector<16xi32>
            %parallel_loop3A_348 = arith.andi %parallel_loop3A_345, %parallel_loop3A_347 : vector<16xi32>
            %parallel_loop3A_349 = arith.constant 0 : i32
            %parallel_loop3A_350 = vector.broadcast %parallel_loop3A_349 : i32 to vector<16xi32>
            %parallel_loop3A_351 = arith.addi %parallel_loop3A_348, %parallel_loop3A_350 : vector<16xi32>
            %parallel_loop3A_352 = vector.broadcast %mul3A_298 : i32 to vector<16xi32>
            %parallel_loop3A_353 = arith.addi %parallel_loop3A_351, %parallel_loop3A_352 : vector<16xi32>
            %parallel_loop3A_354 = tpu.vector_load_idx %arg18[%add3A_340, %parallel_loop3A_353] : memref<128x768xf32, #tpu.memory_space<vmem>>[vector<16xi32>, vector<16xi32>], vector<16xf32>,
            tpu.vector_store_idx %arg19[%parallel_loop3A_351, %add3A_340], %parallel_loop3A_354 : memref<64x128xf32, #tpu.memory_space<vmem>>[vector<16xi32>, vector<16xi32>], vector<16xf32>,
            %parallel_loop3A_355 = arith.constant 16 : i32
            %parallel_loop3A_356 = vector.broadcast %parallel_loop3A_355 : i32 to vector<16xi32>
            %parallel_loop3A_357 = arith.addi %parallel_loop3A_348, %parallel_loop3A_356 : vector<16xi32>
            %parallel_loop3A_358 = vector.broadcast %mul3A_298 : i32 to vector<16xi32>
            %parallel_loop3A_359 = arith.addi %parallel_loop3A_357, %parallel_loop3A_358 : vector<16xi32>
            %parallel_loop3A_360 = tpu.vector_load_idx %arg18[%add3A_340, %parallel_loop3A_359] : memref<128x768xf32, #tpu.memory_space<vmem>>[vector<16xi32>, vector<16xi32>], vector<16xf32>,
            tpu.vector_store_idx %arg19[%parallel_loop3A_357, %add3A_340], %parallel_loop3A_360 : memref<64x128xf32, #tpu.memory_space<vmem>>[vector<16xi32>, vector<16xi32>], vector<16xf32>,
            %parallel_loop3A_361 = arith.constant 32 : i32
            %parallel_loop3A_362 = vector.broadcast %parallel_loop3A_361 : i32 to vector<16xi32>
            %parallel_loop3A_363 = arith.addi %parallel_loop3A_348, %parallel_loop3A_362 : vector<16xi32>
            %parallel_loop3A_364 = vector.broadcast %mul3A_298 : i32 to vector<16xi32>
            %parallel_loop3A_365 = arith.addi %parallel_loop3A_363, %parallel_loop3A_364 : vector<16xi32>
            %parallel_loop3A_366 = tpu.vector_load_idx %arg18[%add3A_340, %parallel_loop3A_365] : memref<128x768xf32, #tpu.memory_space<vmem>>[vector<16xi32>, vector<16xi32>], vector<16xf32>,
            tpu.vector_store_idx %arg19[%parallel_loop3A_363, %add3A_340], %parallel_loop3A_366 : memref<64x128xf32, #tpu.memory_space<vmem>>[vector<16xi32>, vector<16xi32>], vector<16xf32>,
            %parallel_loop3A_367 = arith.constant 48 : i32
            %parallel_loop3A_368 = vector.broadcast %parallel_loop3A_367 : i32 to vector<16xi32>
            %parallel_loop3A_369 = arith.addi %parallel_loop3A_348, %parallel_loop3A_368 : vector<16xi32>
            %parallel_loop3A_370 = vector.broadcast %mul3A_298 : i32 to vector<16xi32>
            %parallel_loop3A_371 = arith.addi %parallel_loop3A_369, %parallel_loop3A_370 : vector<16xi32>
            %parallel_loop3A_372 = tpu.vector_load_idx %arg18[%add3A_340, %parallel_loop3A_371] : memref<128x768xf32, #tpu.memory_space<vmem>>[vector<16xi32>, vector<16xi32>], vector<16xf32>,
            tpu.vector_store_idx %arg19[%parallel_loop3A_369, %add3A_340], %parallel_loop3A_372 : memref<64x128xf32, #tpu.memory_space<vmem>>[vector<16xi32>, vector<16xi32>], vector<16xf32>,
          } {sc.loop_unroll_factor = 8 : i64, sc.parallel_access}
        }
        %scan3A_306 = arith.constant 8 : i32
        %add3A_307 = arith.constant 3264 : i32
        %add3A_308 = arith.addi %add3A_307, %mul3A_298 : i32
        %dma_start3A_309 = tpu.memref_slice %arg14[%add3A_41, %add3A_308, %mul3A_11] : memref<20x4800x1024xf32, #tpu.memory_space<hbm>> -> memref<1x64x128xf32, #tpu.memory_space<hbm>>
        %dma_start3A_310 = tpu.memref_squeeze %dma_start3A_309 : memref<1x64x128xf32, #tpu.memory_space<hbm>> -> memref<64x128xf32, #tpu.memory_space<hbm>>
        %dma_start3A_311 = tpu.memref_slice %arg14[%add3A_41, %add3A_308, %mul3A_11] : memref<20x4800x1024xf32, #tpu.memory_space<hbm>> -> memref<1x64x128xf32, #tpu.memory_space<hbm>>
        %dma_start3A_312 = tpu.memref_squeeze %dma_start3A_311 : memref<1x64x128xf32, #tpu.memory_space<hbm>> -> memref<64x128xf32, #tpu.memory_space<hbm>>
        tpu.enqueue_dma source(%arg19 : memref<64x128xf32, #tpu.memory_space<vmem>>) target(%dma_start3A_312 : memref<64x128xf32, #tpu.memory_space<hbm>>) target_semaphore(%arg22 : memref<!tpu.dma_semaphore, #tpu.memory_space<semaphore_mem>>)
        %mul3A_313 = arith.constant 2 : i32
        %mul3A_314 = arith.muli %scan3A_292, %mul3A_313 : i32
        %add3A_315 = arith.constant 1 : i32
        %add3A_316 = arith.addi %mul3A_314, %add3A_315 : i32
        %mul3A_317 = arith.constant 64 : i32
        %mul3A_318 = arith.muli %add3A_316, %mul3A_317 : i32
        %gt3A_319 = arith.constant 0 : i32
        %gt3A_320 = arith.cmpi sgt, %scan3A_292, %gt3A_319 : i32
        %convert_element_type3A_321 = arith.extui %gt3A_320 : i1 to i32
        %cond3A_322 = arith.constant 0 : i32
        %cond3A_323 = arith.cmpi ne, %convert_element_type3A_321, %cond3A_322 : i32
        scf.if %cond3A_323 {
          %add3A_336 = arith.constant 3264 : i32
          %add3A_337 = arith.addi %add3A_336, %mul3A_318 : i32
          %sub3A_338 = arith.constant 128 : i32
          %sub3A_339 = arith.subi %add3A_337, %sub3A_338 : i32
          %dma_wait3A_340 = tpu.memref_slice %arg14[%add3A_41, %sub3A_339, %mul3A_11] : memref<20x4800x1024xf32, #tpu.memory_space<hbm>> -> memref<1x64x128xf32, #tpu.memory_space<hbm>>
          %dma_wait3A_341 = tpu.memref_squeeze %dma_wait3A_340 : memref<1x64x128xf32, #tpu.memory_space<hbm>> -> memref<64x128xf32, #tpu.memory_space<hbm>>
          %dma_wait3A_342 = tpu.memref_slice %arg14[%add3A_41, %sub3A_339, %mul3A_11] : memref<20x4800x1024xf32, #tpu.memory_space<hbm>> -> memref<1x64x128xf32, #tpu.memory_space<hbm>>
          %dma_wait3A_343 = tpu.memref_squeeze %dma_wait3A_342 : memref<1x64x128xf32, #tpu.memory_space<hbm>> -> memref<64x128xf32, #tpu.memory_space<hbm>>
          tpu.wait_dma2 semaphore(%arg23 : memref<!tpu.dma_semaphore, #tpu.memory_space<semaphore_mem>>) src(%arg20 : memref<64x128xf32, #tpu.memory_space<vmem>>) dst(%dma_wait3A_343 : memref<64x128xf32, #tpu.memory_space<hbm>>)
        } else {
        }
        %scan3A_324 = arith.constant 0 : i32
        %scan3A_325 = arith.constant 0 : i32
        %scan3A_326 = arith.constant 8 : i32
        %scan3A_327 = arith.addi %scan3A_325, %scan3A_326 : i32
        %scan3A_328 = arith.constant 1 : i32
        scf.for %scan3A_336 = %scan3A_325 to %scan3A_327 step %scan3A_328  : i32 {
          %mul3A_337 = arith.constant 16 : i32
          %mul3A_338 = arith.muli %scan3A_336, %mul3A_337 : i32
          %add3A_339 = vector.broadcast %mul3A_338 : i32 to vector<16xi32>
          %add3A_340 = arith.addi %iota3A, %add3A_339 : vector<16xi32>
          %parallel_loop3A = arith.constant 0 : i32
          %parallel_loop3A_341 = arith.constant 16 : i32
          %parallel_loop3A_342 = arith.constant 1 : i32
          scf.for %parallel_loop3A_343 = %parallel_loop3A to %parallel_loop3A_341 step %parallel_loop3A_342  : i32 {
            %parallel_loop3A_344 = vector.broadcast %parallel_loop3A_343 : i32 to vector<16xi32>
            %parallel_loop3A_345 = arith.addi %iota3A, %parallel_loop3A_344 : vector<16xi32>
            %parallel_loop3A_346 = arith.constant 15 : i32
            %parallel_loop3A_347 = vector.broadcast %parallel_loop3A_346 : i32 to vector<16xi32>
            %parallel_loop3A_348 = arith.andi %parallel_loop3A_345, %parallel_loop3A_347 : vector<16xi32>
            %parallel_loop3A_349 = arith.constant 0 : i32
            %parallel_loop3A_350 = vector.broadcast %parallel_loop3A_349 : i32 to vector<16xi32>
            %parallel_loop3A_351 = arith.addi %parallel_loop3A_348, %parallel_loop3A_350 : vector<16xi32>
            %parallel_loop3A_352 = vector.broadcast %mul3A_318 : i32 to vector<16xi32>
            %parallel_loop3A_353 = arith.addi %parallel_loop3A_351, %parallel_loop3A_352 : vector<16xi32>
            %parallel_loop3A_354 = tpu.vector_load_idx %arg18[%add3A_340, %parallel_loop3A_353] : memref<128x768xf32, #tpu.memory_space<vmem>>[vector<16xi32>, vector<16xi32>], vector<16xf32>,
            tpu.vector_store_idx %arg20[%parallel_loop3A_351, %add3A_340], %parallel_loop3A_354 : memref<64x128xf32, #tpu.memory_space<vmem>>[vector<16xi32>, vector<16xi32>], vector<16xf32>,
            %parallel_loop3A_355 = arith.constant 16 : i32
            %parallel_loop3A_356 = vector.broadcast %parallel_loop3A_355 : i32 to vector<16xi32>
            %parallel_loop3A_357 = arith.addi %parallel_loop3A_348, %parallel_loop3A_356 : vector<16xi32>
            %parallel_loop3A_358 = vector.broadcast %mul3A_318 : i32 to vector<16xi32>
            %parallel_loop3A_359 = arith.addi %parallel_loop3A_357, %parallel_loop3A_358 : vector<16xi32>
            %parallel_loop3A_360 = tpu.vector_load_idx %arg18[%add3A_340, %parallel_loop3A_359] : memref<128x768xf32, #tpu.memory_space<vmem>>[vector<16xi32>, vector<16xi32>], vector<16xf32>,
            tpu.vector_store_idx %arg20[%parallel_loop3A_357, %add3A_340], %parallel_loop3A_360 : memref<64x128xf32, #tpu.memory_space<vmem>>[vector<16xi32>, vector<16xi32>], vector<16xf32>,
            %parallel_loop3A_361 = arith.constant 32 : i32
            %parallel_loop3A_362 = vector.broadcast %parallel_loop3A_361 : i32 to vector<16xi32>
            %parallel_loop3A_363 = arith.addi %parallel_loop3A_348, %parallel_loop3A_362 : vector<16xi32>
            %parallel_loop3A_364 = vector.broadcast %mul3A_318 : i32 to vector<16xi32>
            %parallel_loop3A_365 = arith.addi %parallel_loop3A_363, %parallel_loop3A_364 : vector<16xi32>
            %parallel_loop3A_366 = tpu.vector_load_idx %arg18[%add3A_340, %parallel_loop3A_365] : memref<128x768xf32, #tpu.memory_space<vmem>>[vector<16xi32>, vector<16xi32>], vector<16xf32>,
            tpu.vector_store_idx %arg20[%parallel_loop3A_363, %add3A_340], %parallel_loop3A_366 : memref<64x128xf32, #tpu.memory_space<vmem>>[vector<16xi32>, vector<16xi32>], vector<16xf32>,
            %parallel_loop3A_367 = arith.constant 48 : i32
            %parallel_loop3A_368 = vector.broadcast %parallel_loop3A_367 : i32 to vector<16xi32>
            %parallel_loop3A_369 = arith.addi %parallel_loop3A_348, %parallel_loop3A_368 : vector<16xi32>
            %parallel_loop3A_370 = vector.broadcast %mul3A_318 : i32 to vector<16xi32>
            %parallel_loop3A_371 = arith.addi %parallel_loop3A_369, %parallel_loop3A_370 : vector<16xi32>
            %parallel_loop3A_372 = tpu.vector_load_idx %arg18[%add3A_340, %parallel_loop3A_371] : memref<128x768xf32, #tpu.memory_space<vmem>>[vector<16xi32>, vector<16xi32>], vector<16xf32>,
            tpu.vector_store_idx %arg20[%parallel_loop3A_369, %add3A_340], %parallel_loop3A_372 : memref<64x128xf32, #tpu.memory_space<vmem>>[vector<16xi32>, vector<16xi32>], vector<16xf32>,
          } {sc.loop_unroll_factor = 8 : i64, sc.parallel_access}
        }
        %scan3A_329 = arith.constant 8 : i32
        %add3A_330 = arith.constant 3264 : i32
        %add3A_331 = arith.addi %add3A_330, %mul3A_318 : i32
        %dma_start3A_332 = tpu.memref_slice %arg14[%add3A_41, %add3A_331, %mul3A_11] : memref<20x4800x1024xf32, #tpu.memory_space<hbm>> -> memref<1x64x128xf32, #tpu.memory_space<hbm>>
        %dma_start3A_333 = tpu.memref_squeeze %dma_start3A_332 : memref<1x64x128xf32, #tpu.memory_space<hbm>> -> memref<64x128xf32, #tpu.memory_space<hbm>>
        %dma_start3A_334 = tpu.memref_slice %arg14[%add3A_41, %add3A_331, %mul3A_11] : memref<20x4800x1024xf32, #tpu.memory_space<hbm>> -> memref<1x64x128xf32, #tpu.memory_space<hbm>>
        %dma_start3A_335 = tpu.memref_squeeze %dma_start3A_334 : memref<1x64x128xf32, #tpu.memory_space<hbm>> -> memref<64x128xf32, #tpu.memory_space<hbm>>
        tpu.enqueue_dma source(%arg20 : memref<64x128xf32, #tpu.memory_space<vmem>>) target(%dma_start3A_335 : memref<64x128xf32, #tpu.memory_space<hbm>>) target_semaphore(%arg23 : memref<!tpu.dma_semaphore, #tpu.memory_space<semaphore_mem>>)
      }
      %scan3A_249 = arith.constant 6 : i32
      %dma_wait3A_250 = arith.constant 3904 : i32
      %dma_wait3A_251 = tpu.memref_slice %arg14[%add3A_41, %dma_wait3A_250, %mul3A_11] : memref<20x4800x1024xf32, #tpu.memory_space<hbm>> -> memref<1x64x128xf32, #tpu.memory_space<hbm>>
      %dma_wait3A_252 = tpu.memref_squeeze %dma_wait3A_251 : memref<1x64x128xf32, #tpu.memory_space<hbm>> -> memref<64x128xf32, #tpu.memory_space<hbm>>
      %dma_wait3A_253 = arith.constant 3904 : i32
      %dma_wait3A_254 = tpu.memref_slice %arg14[%add3A_41, %dma_wait3A_253, %mul3A_11] : memref<20x4800x1024xf32, #tpu.memory_space<hbm>> -> memref<1x64x128xf32, #tpu.memory_space<hbm>>
      %dma_wait3A_255 = tpu.memref_squeeze %dma_wait3A_254 : memref<1x64x128xf32, #tpu.memory_space<hbm>> -> memref<64x128xf32, #tpu.memory_space<hbm>>
      tpu.wait_dma2 semaphore(%arg22 : memref<!tpu.dma_semaphore, #tpu.memory_space<semaphore_mem>>) src(%arg19 : memref<64x128xf32, #tpu.memory_space<vmem>>) dst(%dma_wait3A_255 : memref<64x128xf32, #tpu.memory_space<hbm>>)
      %dma_wait3A_256 = arith.constant 3968 : i32
      %dma_wait3A_257 = tpu.memref_slice %arg14[%add3A_41, %dma_wait3A_256, %mul3A_11] : memref<20x4800x1024xf32, #tpu.memory_space<hbm>> -> memref<1x64x128xf32, #tpu.memory_space<hbm>>
      %dma_wait3A_258 = tpu.memref_squeeze %dma_wait3A_257 : memref<1x64x128xf32, #tpu.memory_space<hbm>> -> memref<64x128xf32, #tpu.memory_space<hbm>>
      %dma_wait3A_259 = arith.constant 3968 : i32
      %dma_wait3A_260 = tpu.memref_slice %arg14[%add3A_41, %dma_wait3A_259, %mul3A_11] : memref<20x4800x1024xf32, #tpu.memory_space<hbm>> -> memref<1x64x128xf32, #tpu.memory_space<hbm>>
      %dma_wait3A_261 = tpu.memref_squeeze %dma_wait3A_260 : memref<1x64x128xf32, #tpu.memory_space<hbm>> -> memref<64x128xf32, #tpu.memory_space<hbm>>
      tpu.wait_dma2 semaphore(%arg23 : memref<!tpu.dma_semaphore, #tpu.memory_space<semaphore_mem>>) src(%arg20 : memref<64x128xf32, #tpu.memory_space<vmem>>) dst(%dma_wait3A_261 : memref<64x128xf32, #tpu.memory_space<hbm>>)
      %dma_start3A_262 = arith.constant 0 : i32
      %dma_start3A_263 = tpu.memref_slice %arg17[%add3A_41, %dma_start3A_262] : memref<24x128xi32, #tpu.memory_space<vmem>> -> memref<1x128xi32, #tpu.memory_space<vmem>>
      %dma_start3A_264 = tpu.memref_squeeze %dma_start3A_263 : memref<1x128xi32, #tpu.memory_space<vmem>> -> memref<128xi32, #tpu.memory_space<vmem>>
      %dma_start3A_265 = arith.constant 0 : i32
      %dma_start3A_266 = arith.constant 0 : i32
      %dma_start3A_267 = tpu.memref_slice %arg13[%dma_start3A_265, %dma_start3A_266] : memref<100000x768xf32, #tpu.memory_space<hbm>> -> memref<100000x768xf32, #tpu.memory_space<hbm>>
      tpu.enqueue_indirect_dma source(%dma_start3A_267 : memref<100000x768xf32, #tpu.memory_space<hbm>>) target(%arg18 : memref<128x768xf32, #tpu.memory_space<vmem>>) offsets(%dma_start3A_264 : memref<128xi32, #tpu.memory_space<vmem>>) semaphore(%arg21 : memref<!tpu.dma_semaphore, #tpu.memory_space<semaphore_mem>>)
      %dma_wait3A_268 = arith.constant 0 : i32
      %dma_wait3A_269 = tpu.memref_slice %arg17[%add3A_41, %dma_wait3A_268] : memref<24x128xi32, #tpu.memory_space<vmem>> -> memref<1x128xi32, #tpu.memory_space<vmem>>
      %dma_wait3A_270 = tpu.memref_squeeze %dma_wait3A_269 : memref<1x128xi32, #tpu.memory_space<vmem>> -> memref<128xi32, #tpu.memory_space<vmem>>
      %dma_wait3A_271 = arith.constant 0 : i32
      %dma_wait3A_272 = arith.constant 0 : i32
      %dma_wait3A_273 = tpu.memref_slice %arg13[%dma_wait3A_271, %dma_wait3A_272] : memref<100000x768xf32, #tpu.memory_space<hbm>> -> memref<100000x768xf32, #tpu.memory_space<hbm>>
      tpu.wait_indirect_dma semaphore(%arg21 : memref<!tpu.dma_semaphore, #tpu.memory_space<semaphore_mem>>) src(%dma_wait3A_273 : memref<100000x768xf32, #tpu.memory_space<hbm>>) dst(%arg18 : memref<128x768xf32, #tpu.memory_space<vmem>>)
      %scan3A_274 = arith.constant 0 : i32
      %scan3A_275 = arith.constant 0 : i32
      %scan3A_276 = arith.constant 6 : i32
      %scan3A_277 = arith.addi %scan3A_275, %scan3A_276 : i32
      %scan3A_278 = arith.constant 1 : i32
      scf.for %scan3A_292 = %scan3A_275 to %scan3A_277 step %scan3A_278  : i32 {
        %mul3A_293 = arith.constant 2 : i32
        %mul3A_294 = arith.muli %scan3A_292, %mul3A_293 : i32
        %add3A_295 = arith.constant 0 : i32
        %add3A_296 = arith.addi %mul3A_294, %add3A_295 : i32
        %mul3A_297 = arith.constant 64 : i32
        %mul3A_298 = arith.muli %add3A_296, %mul3A_297 : i32
        %gt3A = arith.constant 0 : i32
        %gt3A_299 = arith.cmpi sgt, %scan3A_292, %gt3A : i32
        %convert_element_type3A = arith.extui %gt3A_299 : i1 to i32
        %cond3A = arith.constant 0 : i32
        %cond3A_300 = arith.cmpi ne, %convert_element_type3A, %cond3A : i32
        scf.if %cond3A_300 {
          %add3A_336 = arith.constant 4032 : i32
          %add3A_337 = arith.addi %add3A_336, %mul3A_298 : i32
          %sub3A_338 = arith.constant 128 : i32
          %sub3A_339 = arith.subi %add3A_337, %sub3A_338 : i32
          %dma_wait3A_340 = tpu.memref_slice %arg14[%add3A_41, %sub3A_339, %mul3A_11] : memref<20x4800x1024xf32, #tpu.memory_space<hbm>> -> memref<1x64x128xf32, #tpu.memory_space<hbm>>
          %dma_wait3A_341 = tpu.memref_squeeze %dma_wait3A_340 : memref<1x64x128xf32, #tpu.memory_space<hbm>> -> memref<64x128xf32, #tpu.memory_space<hbm>>
          %dma_wait3A_342 = tpu.memref_slice %arg14[%add3A_41, %sub3A_339, %mul3A_11] : memref<20x4800x1024xf32, #tpu.memory_space<hbm>> -> memref<1x64x128xf32, #tpu.memory_space<hbm>>
          %dma_wait3A_343 = tpu.memref_squeeze %dma_wait3A_342 : memref<1x64x128xf32, #tpu.memory_space<hbm>> -> memref<64x128xf32, #tpu.memory_space<hbm>>
          tpu.wait_dma2 semaphore(%arg22 : memref<!tpu.dma_semaphore, #tpu.memory_space<semaphore_mem>>) src(%arg19 : memref<64x128xf32, #tpu.memory_space<vmem>>) dst(%dma_wait3A_343 : memref<64x128xf32, #tpu.memory_space<hbm>>)
        } else {
        }
        %scan3A_301 = arith.constant 0 : i32
        %scan3A_302 = arith.constant 0 : i32
        %scan3A_303 = arith.constant 8 : i32
        %scan3A_304 = arith.addi %scan3A_302, %scan3A_303 : i32
        %scan3A_305 = arith.constant 1 : i32
        scf.for %scan3A_336 = %scan3A_302 to %scan3A_304 step %scan3A_305  : i32 {
          %mul3A_337 = arith.constant 16 : i32
          %mul3A_338 = arith.muli %scan3A_336, %mul3A_337 : i32
          %add3A_339 = vector.broadcast %mul3A_338 : i32 to vector<16xi32>
          %add3A_340 = arith.addi %iota3A, %add3A_339 : vector<16xi32>
          %parallel_loop3A = arith.constant 0 : i32
          %parallel_loop3A_341 = arith.constant 16 : i32
          %parallel_loop3A_342 = arith.constant 1 : i32
          scf.for %parallel_loop3A_343 = %parallel_loop3A to %parallel_loop3A_341 step %parallel_loop3A_342  : i32 {
            %parallel_loop3A_344 = vector.broadcast %parallel_loop3A_343 : i32 to vector<16xi32>
            %parallel_loop3A_345 = arith.addi %iota3A, %parallel_loop3A_344 : vector<16xi32>
            %parallel_loop3A_346 = arith.constant 15 : i32
            %parallel_loop3A_347 = vector.broadcast %parallel_loop3A_346 : i32 to vector<16xi32>
            %parallel_loop3A_348 = arith.andi %parallel_loop3A_345, %parallel_loop3A_347 : vector<16xi32>
            %parallel_loop3A_349 = arith.constant 0 : i32
            %parallel_loop3A_350 = vector.broadcast %parallel_loop3A_349 : i32 to vector<16xi32>
            %parallel_loop3A_351 = arith.addi %parallel_loop3A_348, %parallel_loop3A_350 : vector<16xi32>
            %parallel_loop3A_352 = vector.broadcast %mul3A_298 : i32 to vector<16xi32>
            %parallel_loop3A_353 = arith.addi %parallel_loop3A_351, %parallel_loop3A_352 : vector<16xi32>
            %parallel_loop3A_354 = tpu.vector_load_idx %arg18[%add3A_340, %parallel_loop3A_353] : memref<128x768xf32, #tpu.memory_space<vmem>>[vector<16xi32>, vector<16xi32>], vector<16xf32>,
            tpu.vector_store_idx %arg19[%parallel_loop3A_351, %add3A_340], %parallel_loop3A_354 : memref<64x128xf32, #tpu.memory_space<vmem>>[vector<16xi32>, vector<16xi32>], vector<16xf32>,
            %parallel_loop3A_355 = arith.constant 16 : i32
            %parallel_loop3A_356 = vector.broadcast %parallel_loop3A_355 : i32 to vector<16xi32>
            %parallel_loop3A_357 = arith.addi %parallel_loop3A_348, %parallel_loop3A_356 : vector<16xi32>
            %parallel_loop3A_358 = vector.broadcast %mul3A_298 : i32 to vector<16xi32>
            %parallel_loop3A_359 = arith.addi %parallel_loop3A_357, %parallel_loop3A_358 : vector<16xi32>
            %parallel_loop3A_360 = tpu.vector_load_idx %arg18[%add3A_340, %parallel_loop3A_359] : memref<128x768xf32, #tpu.memory_space<vmem>>[vector<16xi32>, vector<16xi32>], vector<16xf32>,
            tpu.vector_store_idx %arg19[%parallel_loop3A_357, %add3A_340], %parallel_loop3A_360 : memref<64x128xf32, #tpu.memory_space<vmem>>[vector<16xi32>, vector<16xi32>], vector<16xf32>,
            %parallel_loop3A_361 = arith.constant 32 : i32
            %parallel_loop3A_362 = vector.broadcast %parallel_loop3A_361 : i32 to vector<16xi32>
            %parallel_loop3A_363 = arith.addi %parallel_loop3A_348, %parallel_loop3A_362 : vector<16xi32>
            %parallel_loop3A_364 = vector.broadcast %mul3A_298 : i32 to vector<16xi32>
            %parallel_loop3A_365 = arith.addi %parallel_loop3A_363, %parallel_loop3A_364 : vector<16xi32>
            %parallel_loop3A_366 = tpu.vector_load_idx %arg18[%add3A_340, %parallel_loop3A_365] : memref<128x768xf32, #tpu.memory_space<vmem>>[vector<16xi32>, vector<16xi32>], vector<16xf32>,
            tpu.vector_store_idx %arg19[%parallel_loop3A_363, %add3A_340], %parallel_loop3A_366 : memref<64x128xf32, #tpu.memory_space<vmem>>[vector<16xi32>, vector<16xi32>], vector<16xf32>,
            %parallel_loop3A_367 = arith.constant 48 : i32
            %parallel_loop3A_368 = vector.broadcast %parallel_loop3A_367 : i32 to vector<16xi32>
            %parallel_loop3A_369 = arith.addi %parallel_loop3A_348, %parallel_loop3A_368 : vector<16xi32>
            %parallel_loop3A_370 = vector.broadcast %mul3A_298 : i32 to vector<16xi32>
            %parallel_loop3A_371 = arith.addi %parallel_loop3A_369, %parallel_loop3A_370 : vector<16xi32>
            %parallel_loop3A_372 = tpu.vector_load_idx %arg18[%add3A_340, %parallel_loop3A_371] : memref<128x768xf32, #tpu.memory_space<vmem>>[vector<16xi32>, vector<16xi32>], vector<16xf32>,
            tpu.vector_store_idx %arg19[%parallel_loop3A_369, %add3A_340], %parallel_loop3A_372 : memref<64x128xf32, #tpu.memory_space<vmem>>[vector<16xi32>, vector<16xi32>], vector<16xf32>,
          } {sc.loop_unroll_factor = 8 : i64, sc.parallel_access}
        }
        %scan3A_306 = arith.constant 8 : i32
        %add3A_307 = arith.constant 4032 : i32
        %add3A_308 = arith.addi %add3A_307, %mul3A_298 : i32
        %dma_start3A_309 = tpu.memref_slice %arg14[%add3A_41, %add3A_308, %mul3A_11] : memref<20x4800x1024xf32, #tpu.memory_space<hbm>> -> memref<1x64x128xf32, #tpu.memory_space<hbm>>
        %dma_start3A_310 = tpu.memref_squeeze %dma_start3A_309 : memref<1x64x128xf32, #tpu.memory_space<hbm>> -> memref<64x128xf32, #tpu.memory_space<hbm>>
        %dma_start3A_311 = tpu.memref_slice %arg14[%add3A_41, %add3A_308, %mul3A_11] : memref<20x4800x1024xf32, #tpu.memory_space<hbm>> -> memref<1x64x128xf32, #tpu.memory_space<hbm>>
        %dma_start3A_312 = tpu.memref_squeeze %dma_start3A_311 : memref<1x64x128xf32, #tpu.memory_space<hbm>> -> memref<64x128xf32, #tpu.memory_space<hbm>>
        tpu.enqueue_dma source(%arg19 : memref<64x128xf32, #tpu.memory_space<vmem>>) target(%dma_start3A_312 : memref<64x128xf32, #tpu.memory_space<hbm>>) target_semaphore(%arg22 : memref<!tpu.dma_semaphore, #tpu.memory_space<semaphore_mem>>)
        %mul3A_313 = arith.constant 2 : i32
        %mul3A_314 = arith.muli %scan3A_292, %mul3A_313 : i32
        %add3A_315 = arith.constant 1 : i32
        %add3A_316 = arith.addi %mul3A_314, %add3A_315 : i32
        %mul3A_317 = arith.constant 64 : i32
        %mul3A_318 = arith.muli %add3A_316, %mul3A_317 : i32
        %gt3A_319 = arith.constant 0 : i32
        %gt3A_320 = arith.cmpi sgt, %scan3A_292, %gt3A_319 : i32
        %convert_element_type3A_321 = arith.extui %gt3A_320 : i1 to i32
        %cond3A_322 = arith.constant 0 : i32
        %cond3A_323 = arith.cmpi ne, %convert_element_type3A_321, %cond3A_322 : i32
        scf.if %cond3A_323 {
          %add3A_336 = arith.constant 4032 : i32
          %add3A_337 = arith.addi %add3A_336, %mul3A_318 : i32
          %sub3A_338 = arith.constant 128 : i32
          %sub3A_339 = arith.subi %add3A_337, %sub3A_338 : i32
          %dma_wait3A_340 = tpu.memref_slice %arg14[%add3A_41, %sub3A_339, %mul3A_11] : memref<20x4800x1024xf32, #tpu.memory_space<hbm>> -> memref<1x64x128xf32, #tpu.memory_space<hbm>>
          %dma_wait3A_341 = tpu.memref_squeeze %dma_wait3A_340 : memref<1x64x128xf32, #tpu.memory_space<hbm>> -> memref<64x128xf32, #tpu.memory_space<hbm>>
          %dma_wait3A_342 = tpu.memref_slice %arg14[%add3A_41, %sub3A_339, %mul3A_11] : memref<20x4800x1024xf32, #tpu.memory_space<hbm>> -> memref<1x64x128xf32, #tpu.memory_space<hbm>>
          %dma_wait3A_343 = tpu.memref_squeeze %dma_wait3A_342 : memref<1x64x128xf32, #tpu.memory_space<hbm>> -> memref<64x128xf32, #tpu.memory_space<hbm>>
          tpu.wait_dma2 semaphore(%arg23 : memref<!tpu.dma_semaphore, #tpu.memory_space<semaphore_mem>>) src(%arg20 : memref<64x128xf32, #tpu.memory_space<vmem>>) dst(%dma_wait3A_343 : memref<64x128xf32, #tpu.memory_space<hbm>>)
        } else {
        }
        %scan3A_324 = arith.constant 0 : i32
        %scan3A_325 = arith.constant 0 : i32
        %scan3A_326 = arith.constant 8 : i32
        %scan3A_327 = arith.addi %scan3A_325, %scan3A_326 : i32
        %scan3A_328 = arith.constant 1 : i32
        scf.for %scan3A_336 = %scan3A_325 to %scan3A_327 step %scan3A_328  : i32 {
          %mul3A_337 = arith.constant 16 : i32
          %mul3A_338 = arith.muli %scan3A_336, %mul3A_337 : i32
          %add3A_339 = vector.broadcast %mul3A_338 : i32 to vector<16xi32>
          %add3A_340 = arith.addi %iota3A, %add3A_339 : vector<16xi32>
          %parallel_loop3A = arith.constant 0 : i32
          %parallel_loop3A_341 = arith.constant 16 : i32
          %parallel_loop3A_342 = arith.constant 1 : i32
          scf.for %parallel_loop3A_343 = %parallel_loop3A to %parallel_loop3A_341 step %parallel_loop3A_342  : i32 {
            %parallel_loop3A_344 = vector.broadcast %parallel_loop3A_343 : i32 to vector<16xi32>
            %parallel_loop3A_345 = arith.addi %iota3A, %parallel_loop3A_344 : vector<16xi32>
            %parallel_loop3A_346 = arith.constant 15 : i32
            %parallel_loop3A_347 = vector.broadcast %parallel_loop3A_346 : i32 to vector<16xi32>
            %parallel_loop3A_348 = arith.andi %parallel_loop3A_345, %parallel_loop3A_347 : vector<16xi32>
            %parallel_loop3A_349 = arith.constant 0 : i32
            %parallel_loop3A_350 = vector.broadcast %parallel_loop3A_349 : i32 to vector<16xi32>
            %parallel_loop3A_351 = arith.addi %parallel_loop3A_348, %parallel_loop3A_350 : vector<16xi32>
            %parallel_loop3A_352 = vector.broadcast %mul3A_318 : i32 to vector<16xi32>
            %parallel_loop3A_353 = arith.addi %parallel_loop3A_351, %parallel_loop3A_352 : vector<16xi32>
            %parallel_loop3A_354 = tpu.vector_load_idx %arg18[%add3A_340, %parallel_loop3A_353] : memref<128x768xf32, #tpu.memory_space<vmem>>[vector<16xi32>, vector<16xi32>], vector<16xf32>,
            tpu.vector_store_idx %arg20[%parallel_loop3A_351, %add3A_340], %parallel_loop3A_354 : memref<64x128xf32, #tpu.memory_space<vmem>>[vector<16xi32>, vector<16xi32>], vector<16xf32>,
            %parallel_loop3A_355 = arith.constant 16 : i32
            %parallel_loop3A_356 = vector.broadcast %parallel_loop3A_355 : i32 to vector<16xi32>
            %parallel_loop3A_357 = arith.addi %parallel_loop3A_348, %parallel_loop3A_356 : vector<16xi32>
            %parallel_loop3A_358 = vector.broadcast %mul3A_318 : i32 to vector<16xi32>
            %parallel_loop3A_359 = arith.addi %parallel_loop3A_357, %parallel_loop3A_358 : vector<16xi32>
            %parallel_loop3A_360 = tpu.vector_load_idx %arg18[%add3A_340, %parallel_loop3A_359] : memref<128x768xf32, #tpu.memory_space<vmem>>[vector<16xi32>, vector<16xi32>], vector<16xf32>,
            tpu.vector_store_idx %arg20[%parallel_loop3A_357, %add3A_340], %parallel_loop3A_360 : memref<64x128xf32, #tpu.memory_space<vmem>>[vector<16xi32>, vector<16xi32>], vector<16xf32>,
            %parallel_loop3A_361 = arith.constant 32 : i32
            %parallel_loop3A_362 = vector.broadcast %parallel_loop3A_361 : i32 to vector<16xi32>
            %parallel_loop3A_363 = arith.addi %parallel_loop3A_348, %parallel_loop3A_362 : vector<16xi32>
            %parallel_loop3A_364 = vector.broadcast %mul3A_318 : i32 to vector<16xi32>
            %parallel_loop3A_365 = arith.addi %parallel_loop3A_363, %parallel_loop3A_364 : vector<16xi32>
            %parallel_loop3A_366 = tpu.vector_load_idx %arg18[%add3A_340, %parallel_loop3A_365] : memref<128x768xf32, #tpu.memory_space<vmem>>[vector<16xi32>, vector<16xi32>], vector<16xf32>,
            tpu.vector_store_idx %arg20[%parallel_loop3A_363, %add3A_340], %parallel_loop3A_366 : memref<64x128xf32, #tpu.memory_space<vmem>>[vector<16xi32>, vector<16xi32>], vector<16xf32>,
            %parallel_loop3A_367 = arith.constant 48 : i32
            %parallel_loop3A_368 = vector.broadcast %parallel_loop3A_367 : i32 to vector<16xi32>
            %parallel_loop3A_369 = arith.addi %parallel_loop3A_348, %parallel_loop3A_368 : vector<16xi32>
            %parallel_loop3A_370 = vector.broadcast %mul3A_318 : i32 to vector<16xi32>
            %parallel_loop3A_371 = arith.addi %parallel_loop3A_369, %parallel_loop3A_370 : vector<16xi32>
            %parallel_loop3A_372 = tpu.vector_load_idx %arg18[%add3A_340, %parallel_loop3A_371] : memref<128x768xf32, #tpu.memory_space<vmem>>[vector<16xi32>, vector<16xi32>], vector<16xf32>,
            tpu.vector_store_idx %arg20[%parallel_loop3A_369, %add3A_340], %parallel_loop3A_372 : memref<64x128xf32, #tpu.memory_space<vmem>>[vector<16xi32>, vector<16xi32>], vector<16xf32>,
          } {sc.loop_unroll_factor = 8 : i64, sc.parallel_access}
        }
        %scan3A_329 = arith.constant 8 : i32
        %add3A_330 = arith.constant 4032 : i32
        %add3A_331 = arith.addi %add3A_330, %mul3A_318 : i32
        %dma_start3A_332 = tpu.memref_slice %arg14[%add3A_41, %add3A_331, %mul3A_11] : memref<20x4800x1024xf32, #tpu.memory_space<hbm>> -> memref<1x64x128xf32, #tpu.memory_space<hbm>>
        %dma_start3A_333 = tpu.memref_squeeze %dma_start3A_332 : memref<1x64x128xf32, #tpu.memory_space<hbm>> -> memref<64x128xf32, #tpu.memory_space<hbm>>
        %dma_start3A_334 = tpu.memref_slice %arg14[%add3A_41, %add3A_331, %mul3A_11] : memref<20x4800x1024xf32, #tpu.memory_space<hbm>> -> memref<1x64x128xf32, #tpu.memory_space<hbm>>
        %dma_start3A_335 = tpu.memref_squeeze %dma_start3A_334 : memref<1x64x128xf32, #tpu.memory_space<hbm>> -> memref<64x128xf32, #tpu.memory_space<hbm>>
        tpu.enqueue_dma source(%arg20 : memref<64x128xf32, #tpu.memory_space<vmem>>) target(%dma_start3A_335 : memref<64x128xf32, #tpu.memory_space<hbm>>) target_semaphore(%arg23 : memref<!tpu.dma_semaphore, #tpu.memory_space<semaphore_mem>>)
      }
      %scan3A_279 = arith.constant 6 : i32
      %dma_wait3A_280 = arith.constant 4672 : i32
      %dma_wait3A_281 = tpu.memref_slice %arg14[%add3A_41, %dma_wait3A_280, %mul3A_11] : memref<20x4800x1024xf32, #tpu.memory_space<hbm>> -> memref<1x64x128xf32, #tpu.memory_space<hbm>>
      %dma_wait3A_282 = tpu.memref_squeeze %dma_wait3A_281 : memref<1x64x128xf32, #tpu.memory_space<hbm>> -> memref<64x128xf32, #tpu.memory_space<hbm>>
      %dma_wait3A_283 = arith.constant 4672 : i32
      %dma_wait3A_284 = tpu.memref_slice %arg14[%add3A_41, %dma_wait3A_283, %mul3A_11] : memref<20x4800x1024xf32, #tpu.memory_space<hbm>> -> memref<1x64x128xf32, #tpu.memory_space<hbm>>
      %dma_wait3A_285 = tpu.memref_squeeze %dma_wait3A_284 : memref<1x64x128xf32, #tpu.memory_space<hbm>> -> memref<64x128xf32, #tpu.memory_space<hbm>>
      tpu.wait_dma2 semaphore(%arg22 : memref<!tpu.dma_semaphore, #tpu.memory_space<semaphore_mem>>) src(%arg19 : memref<64x128xf32, #tpu.memory_space<vmem>>) dst(%dma_wait3A_285 : memref<64x128xf32, #tpu.memory_space<hbm>>)
      %dma_wait3A_286 = arith.constant 4736 : i32
      %dma_wait3A_287 = tpu.memref_slice %arg14[%add3A_41, %dma_wait3A_286, %mul3A_11] : memref<20x4800x1024xf32, #tpu.memory_space<hbm>> -> memref<1x64x128xf32, #tpu.memory_space<hbm>>
      %dma_wait3A_288 = tpu.memref_squeeze %dma_wait3A_287 : memref<1x64x128xf32, #tpu.memory_space<hbm>> -> memref<64x128xf32, #tpu.memory_space<hbm>>
      %dma_wait3A_289 = arith.constant 4736 : i32
      %dma_wait3A_290 = tpu.memref_slice %arg14[%add3A_41, %dma_wait3A_289, %mul3A_11] : memref<20x4800x1024xf32, #tpu.memory_space<hbm>> -> memref<1x64x128xf32, #tpu.memory_space<hbm>>
      %dma_wait3A_291 = tpu.memref_squeeze %dma_wait3A_290 : memref<1x64x128xf32, #tpu.memory_space<hbm>> -> memref<64x128xf32, #tpu.memory_space<hbm>>
      tpu.wait_dma2 semaphore(%arg23 : memref<!tpu.dma_semaphore, #tpu.memory_space<semaphore_mem>>) src(%arg20 : memref<64x128xf32, #tpu.memory_space<vmem>>) dst(%dma_wait3A_291 : memref<64x128xf32, #tpu.memory_space<hbm>>)
    }
    %scan3A_39 = arith.constant 5 : i32
    return
  }
}

</mosaic_0001>

<sc_bundles>
// kernel: kernel.3.cloned.1.call-start
scs
__scs_entry_jumppad:
0x0: {  	(pc) =	sbr.rel $0x88, $3  }
0x1: {  	(tag) =	ssettag $0x0;
	lr =	simm.s32 $0x1  }
0x2: {  	[smem:$0x3F95] =	sst lr;
	_ =	strace $0xD0000000  }
0x3: {  	_ = 	snop  }
0x4: {  	_ = 	snop  }
0x5: {  	_ = 	snop  }
0x6: {  	_ = 	snop  }
0x7: {  	_ = 	snop  }
__scs_overlays_trampoline_lowered:
0x8: {  	[smem:$0x3FA4] =	sst s0  }
0x9: {  	[smem:$0x3FA5] =	sst s1  }
0xa: {  	[smem:$0x3FA6] =	sst s2  }
0xb: {  	[smem:$0x3FA7] =	sst s3  }
0xc: {  	[smem:$0x3FA8] =	sst s4  }
0xd: {  	[smem:$0x3FA9] =	sst s5  }
0xe: {  	[smem:$0x3FAA] =	sst s6  }
0xf: {  	[smem:$0x3FAB] =	sst s7  }
0x10: {  	[smem:$0x3FAC] =	sst s8  }
0x11: {  	[smem:$0x3FAD] =	sst s9;
	s0 =	simm.s32 @!p0 $0x0  }
0x12: {  	s1 =	sld [smem:$0x3F93];
	s0 =	simm.s32 @p0 $0x1  }
0x13: {  	[smem:$0x3FAE] =	sst s0;
	s0 =	simm.s32 @!p1 $0x0  }
0x14: {  	s2 =	sld [smem:$0x3F92];
	s0 =	simm.s32 @p1 $0x1  }
0x15: {  	[smem:$0x3FAF] =	sst s0;
	s0 =	simm.s32 @!p2 $0x0  }
0x16: {  	s3 =	sld [smem:$0x3FDB];
	s0 =	simm.s32 @p2 $0x1  }
0x17: {  	s4 =	simm.s32 $0x1BF5;
	[smem:$0x3FB1] =	sst s0  }
0x18: {  	s0 =	sld [smem:$0x3F94];
	_ =	swait.ge [sflag:s4], $0x0  }
0x19: {  	s7 =	sld [smem:$0x3F95]  }
0x1a: {  	s8 =	sadd.s32 $0xFFFFE003, lr  }
0x1b: {  	s9 =	sadd.s32 $0xFFFFFEF7, lr;
	s5 =	simm.s32 $0xFFFFFFFF;
	p2 =	slt.u32 s8, $0xFFFFF086  }
0x1c: {  	p1 =	slt.u32 s9, $0xF7A;
	s5 =	simm.s32 @!p2 $0x0  }
0x1d: {  	s5 =	simm.s32 @p1 $0x1;
	p0 =	seq.s32 s7, s2  }
0x1e: {  	s7 =	smul.u32 @!p0 $0xF7A, s2;
	p2 =	seq.s32 @!p0 s5, $0x0  }
0x1f: {  	s9 =	smul.u32 $0xF7A, s1;
	s8 =	simm.s32 @!p0 $0x1BF5;
	p2 =	por !p2, p0  }
0x20: {  	[sflag:s8] =	ssyncset.s32 @!p0 $0xFFFFF086;
	s6 =	sadd.s32 @!p0 s3, s7;
	s7 =	simm.s32 @!p0 $0x108  }
0x21: {  	s3 =	sadd.s32 s3, s9;
	s6 =	sadd.s32 @!p0 $0x88, s6;
	s7 =	simm.s32 @p2 $0x1082  }
0x22: {  	[simem:s7], [sflag:s8] =	dma.local @!p0 [hbm:s6], $0xF7A  }
0x23: {  	s9 =	sor.u32 $0xD0000000, s2;
	s6 =	simm.s32 $0x108;
	_ =	swait.ge @!p0 [sflag:s8], $0x0  }
0x24: {  	s3 =	sadd.s32 $0x88, s3;
	s6 =	simm.s32 @!p1 $0x1082;
	[sflag:s4] =	ssyncset.s32 $0xFFFFF086  }
0x25: {  	[simem:s6], [sflag:s4] =	dma.local [hbm:s3], $0xF7A  }
0x26: {  	[smem:$0x3F95] =	sst s1;
	(tag) =	ssettag s2;
	_ =	strace s9  }
0x27: {  	s1 =	sld [smem:$0x3FA5]  }
0x28: {  	s2 =	sld [smem:$0x3FA6]  }
0x29: {  	s4 =	sld [smem:$0x3FA8]  }
0x2a: {  	p0 =	seq.s32 s5, $0x0;
	s5 =	sld [smem:$0x3FA9]  }
0x2b: {  	s6 =	sld [smem:$0x3FAA]  }
0x2c: {  	s7 =	sld [smem:$0x3FAB]  }
0x2d: {  	s3 =	simm.s32 $0x108;
	s8 =	sld [smem:$0x3FAC]  }
0x2e: {  	s3 =	simm.s32 @!p0 $0x1082;
	s9 =	sld [smem:$0x3FAD]  }
0x2f: {  	lr =	sadd.s32 s0, s3;
	s0 =	sld [smem:$0x3FA4]  }
0x30: {  	s3 =	sld [smem:$0x3FA7]  }
0x31: {  	[smem:$0x3FB0] =	sst s10  }
0x32: {  	s10 =	sld [smem:$0x3FAE];
	_ =	sdelay $0x3  }
0x33: {  	p0 =	seq.s32 s10, $0x1;
	s10 =	sld [smem:$0x3FB0];
	_ =	sdelay $0x3  }
0x34: {  	[smem:$0x3FB0] =	sst s10  }
0x35: {  	s10 =	sld [smem:$0x3FAF];
	_ =	sdelay $0x3  }
0x36: {  	p1 =	seq.s32 s10, $0x1;
	s10 =	sld [smem:$0x3FB0];
	_ =	sdelay $0x3  }
0x37: {  	[smem:$0x3FB0] =	sst s10  }
0x38: {  	s10 =	sld [smem:$0x3FB1]  }
0x39: {  	_ = 	snop;
	(pc) =	sbr.ind lr, $3  }
0x3a: {  	_ = 	snop  }
0x3b: {  	_ = 	snop  }
0x3c: {  	p2 =	seq.s32 s10, $0x1;
	s10 =	sld [smem:$0x3FB0]  }
0x3d: {  	_ =	shalt  }
0x3e: {  	_ =	shalt  }
0x3f: {  	_ =	shalt  }
0x40: {  	_ =	shalt  }
0x41: {  	_ =	shalt  }
0x42: {  	_ =	shalt  }
0x43: {  	_ =	shalt  }
0x44: {  	_ =	shalt  }
0x45: {  	_ =	shalt  }
0x46: {  	_ =	shalt  }
0x47: {  	_ =	shalt  }
0x48: {  	_ =	shalt  }
0x49: {  	_ =	shalt  }
0x4a: {  	_ =	shalt  }
0x4b: {  	_ =	shalt  }
0x4c: {  	_ =	shalt  }
0x4d: {  	_ =	shalt  }
0x4e: {  	_ =	shalt  }
0x4f: {  	_ =	shalt  }
0x50: {  	_ =	shalt  }
0x51: {  	_ =	shalt  }
0x52: {  	_ =	shalt  }
0x53: {  	_ =	shalt  }
0x54: {  	_ =	shalt  }
0x55: {  	_ =	shalt  }
0x56: {  	_ =	shalt  }
0x57: {  	_ =	shalt  }
0x58: {  	_ =	shalt  }
0x59: {  	_ =	shalt  }
0x5a: {  	_ =	shalt  }
0x5b: {  	_ =	shalt  }
0x5c: {  	_ =	shalt  }
0x5d: {  	_ =	shalt  }
0x5e: {  	_ =	shalt  }
0x5f: {  	_ =	shalt  }
0x60: {  	_ =	shalt  }
0x61: {  	_ =	shalt  }
0x62: {  	_ =	shalt  }
0x63: {  	_ =	shalt  }
0x64: {  	_ =	shalt  }
0x65: {  	_ =	shalt  }
0x66: {  	_ =	shalt  }
0x67: {  	_ =	shalt  }
0x68: {  	_ =	shalt  }
0x69: {  	_ =	shalt  }
0x6a: {  	_ =	shalt  }
0x6b: {  	_ =	shalt  }
0x6c: {  	_ =	shalt  }
0x6d: {  	_ =	shalt  }
0x6e: {  	_ =	shalt  }
0x6f: {  	_ =	shalt  }
0x70: {  	_ =	shalt  }
0x71: {  	_ =	shalt  }
0x72: {  	_ =	shalt  }
0x73: {  	_ =	shalt  }
0x74: {  	_ =	shalt  }
0x75: {  	_ =	shalt  }
0x76: {  	_ =	shalt  }
0x77: {  	_ =	shalt  }
0x78: {  	_ =	shalt  }
0x79: {  	_ =	shalt  }
0x7a: {  	_ =	shalt  }
0x7b: {  	_ =	shalt  }
0x7c: {  	_ =	shalt  }
0x7d: {  	_ =	shalt  }
0x7e: {  	_ =	shalt  }
0x7f: {  	_ =	shalt  }
0x80: {  	_ =	shalt  }
0x81: {  	_ =	shalt  }
0x82: {  	_ =	shalt  }
0x83: {  	_ =	shalt  }
0x84: {  	_ =	shalt  }
0x85: {  	_ =	shalt  }
0x86: {  	_ =	shalt  }
0x87: {  	_ =	shalt  }
.Lfunc_end0:
.L_simem_size_0:
called_computation_lowered:
.L_overlay_start_0:
0x88: {  	s2 =	sld [smem:$0x3FD9]  }
0x89: {  	s3 =	sld [smem:$0x3FFE];
	_ =	sdelay $0x1  }
0x8a: {  	s1 =	srdreg.scid  }
0x8b: {  	s0 =	sand.u32 $0x1, s1  }
0x8c: {  	s17 =	sshll.u32 s0, $0xA;
	s2 =	sadd.s32 s3, s2  }
0x8d: {  	s2 =	sadd.s32 s2, s17  }
0x8e: {  	[smem:$0x3FBC] =	sst s2  }
0x8f: {  	_ = 	snop  }
0x90: {  	s2 =	sld [smem:$0x3FC3]  }
0x91: {  	s18 =	sld [smem:$0x3FC2]  }
0x92: {  	s4 =	sld [smem:$0x3FC1]  }
0x93: {  	s5 =	sld [smem:$0x3FC0]  }
0x94: {  	s6 =	sld [smem:$0x3FBF]  }
0x95: {  	s7 =	sld [smem:$0x3FBE]  }
0x96: {  	s8 =	sld [smem:$0x3FD0];
	(tm) =	ssettm $0x1  }
0x97: {  	s9 =	sld [smem:$0x3FFB];
	_ =	sdelay $0x3  }
0x98: {  	_ =	strace s9  }
0x99: {  	s9 =	sld [smem:$0x3FFC];
	_ =	sdelay $0x3  }
0x9a: {  	_ =	strace s9  }
0x9b: {  	s9 =	sld [smem:$0x3FFD];
	_ =	sdelay $0x3  }
0x9c: {  	_ =	strace s9  }
0x9d: {  	_ =	strace $0x8FFFFFFF  }
0x9e: {  	s19 =	sld [smem:$0x3FDB];
	_ =	sdelay $0x1  }
0x9f: {  	s10 =	simm.s32 $_scs_section_size  }
0xa0: {  	s11 =	simm.s32 $_size__tile_overlayer_lowered;
	s12 =	simm.s32 $_tile_overlayer_lowered  }
0xa1: {  	s22 =	simm.s32 $0x1BFF;
	s21 =	sshll.u32 s12, $0x1;
	s9 =	sadd.s32 s10, s19  }
0xa2: {  	s13 =	simm.s32 $0x0;
	s20 =	sshll.u32 s11, $0x1;
	s11 =	sadd.s32 s21, s9  }
0xa3: {  	[timem:s13], [sflag:s22] =	dma.local [hbm:s11], s20  }
0xa4: {  	_ =	swait.ge [sflag:s22], s20  }
0xa5: {  	s10 =	ssub.s32 $0x0, s20;
	[sflag:s22] =	ssyncset.done $0x0  }
0xa6: {  	[sflag:s22] =	ssyncadd.s32 s10;
	_ =	sdelay $0x1  }
0xa7: {  	s23 =	simm.s32 $0x1B8B  }
0xa8: {  	_ =	swait.ge [sflag:s23], $0x1  }
0xa9: {  	[sflag:s23] =	ssyncset.done $0x0  }
0xaa: {  	s25 =	simm.s32 $0x1B8E;
	s24 =	sld [smem:$0x3FFE];
	[sflag:s23] =	ssyncadd.s32 $0xFFFFFFFF  }
0xab: {  	s26 =	simm.s32 $execute0_lowered;
	[smem:$0x3FD2] =	sst s25  }
0xac: {  	s11 =	sshll.u32 s26, $0x1;
	_ =	strace $0x80000046;
	[dreg:$0x1] =	wrdreg $0xFFFFFFFF  }
0xad: {  	s28 =	simm.s32 $_size_execute0_lowered;
	s9 =	sadd.s32 s9, s11;
	[dreg:$0x0] =	wrdreg $0x0  }
0xae: {  	s11 =	sshll.u32 s28, $0x1;
	[dreg:$0x2] =	wrdreg s9  }
0xaf: {  	[dreg:$0x3] =	wrdreg s11  }
0xb0: {  	[dreg:$0x4] =	wrdreg $0xC0  }
0xb1: {  	_ =	task [dreg:s13], $0x5FFFF  }
0xb2: {  	[dreg:$0x1] =	wrdreg $0xFFFFFFFF  }
0xb3: {  	[dreg:$0x0] =	wrdreg $0x60  }
0xb4: {  	[dreg:$0x2] =	wrdreg s24  }
0xb5: {  	[dreg:$0x3] =	wrdreg s2  }
0xb6: {  	[dreg:$0x4] =	wrdreg s18  }
0xb7: {  	[dreg:$0x5] =	wrdreg s4  }
0xb8: {  	[dreg:$0x6] =	wrdreg s5  }
0xb9: {  	[dreg:$0x7] =	wrdreg s6  }
0xba: {  	[dreg:$0x8] =	wrdreg s7  }
0xbb: {  	[dreg:$0x9] =	wrdreg s8  }
0xbc: {  	[dreg:$0xa] =	wrdreg $0x9  }
0xbd: {  	_ =	task.clear_ibuf [dreg:s13], $0xBFFFF;
	_ =	strace $0x90000046  }
0xbe: {  	s29 =	simm.s32 $0x9;
	_ =	strace $0x80000048  }
0xbf: {  	_ =	swait.ge [sflag:s29], $0x1  }
0xc0: {  	[sflag:s29] =	ssyncadd.s32 $0xFFFFFFFF  }
0xc1: {  	_ =	strace $0x90000048  }
0xc2: {  	_ =	sfence  }
0xc3: {  	s30 =	sld [smem:$0x0];
	_ =	sdelay $0x2  }
0xc4: {  	s31 =	sshll.u32 s1, $0xD;
	s1 =	sshrl.u32 s1, $0x2  }
0xc5: {  	s3 =	sand.u32 $0x4000, s31;
	s1 =	sadd.s32 s1, s30  }
0xc6: {  	s0 =	sor.u32 s3, s0;
	s1 =	sshll.u32 s1, $0x11  }
0xc7: {  	s0 =	sor.u32 s1, s0  }
0xc8: {  	s0 =	sadd.s32 $0x8F2B, s0  }
0xc9: {  	[sflag:s0] =	ssyncadd.remote.s32 $0x1  }
0xca: {  	_ =	sfence.sel $0xFFFF  }
0xcb: {  	[dreg:$0x0] =	wrdreg $0xFFFFFFFF;
	(pc) =	sbr.abs _section_cstart, $3  }
0xcc: {  	[dreg:$0x1] =	wrdreg $0xFFFFFFFF  }
0xcd: {  	_ =	task.clear_ibuf [dreg:s13], $0x2FFFF;
	_ =	strace $0x9FFFFFFF  }
0xce: {  	(tm) =	ssettm $0x7FFFFFFF  }
0xcf: {  	_ =	shalt  }
tec
execute0_lowered:
.L_overlay_start_1:
0x0: {  	(tag) =	ssettag $0x1  }
0x1: {  	s0 =	rddreg [dreg:$0x0]  }
0x2: {  	s5 =	rddreg [dreg:$0x1]  }
0x3: {  	s6 =	rddreg [dreg:$0x2]  }
0x4: {  	s7 =	rddreg [dreg:$0x3]  }
0x5: {  	s13 =	rddreg [dreg:$0x4]  }
0x6: {  	s14 =	rddreg [dreg:$0x5]  }
0x7: {  	s15 =	rddreg [dreg:$0x6]  }
0x8: {  	s8 =	rddreg [dreg:$0x7];
	s9 =	stileid.u32  }
0x9: {  	s1 =	srdreg.scid;
	s3 =	simm.s32 $0x0;
	s30 =	simm.s32 $0x400  }
0xa: {  	s31 =	simm.s32 $0x2000;
	s2 =	sshll.u32 s9, $0x1;
	s1 =	sand.u32 $0x1, s1  }
0xb: {  	[smem:$0x7FF] =	sst s3;
	s10 =	sadd.s32 $0x18B800, s0;
	s23 =	sshrl.u32 s9, $0x2  }
0xc: {  	s18 =	sadd.s32 $0x100, s5;
	s19 =	sadd.s32 $0x200, s5;
	s2 =	sand.u32 $0x6, s2  }
0xd: {  	s22 =	sadd.s32 $0x100, s13;
	_ =	strace $0x80000047;
	s2 =	sor.u32 s1, s2  }
0xe: {  	s1 =	ssub.s32 $0x2, s1;
	s20 =	sshll.u32 s2, $0x7;
	s9 =	sshll.u32 s2, $0xA  }
0xf: {  	s4 =	sshrl.u32 s1, $0x1;
	s2 =	sor.u32 $0x10000, s9;
	[dreg:$0x9] =	wrdreg s9  }
0x10: {  	s21 =	ssub.s32 s1, s4;
	s4 =	sor.u32 $0xD0000, s9;
	[dreg:$0xe] =	wrdreg s2  }
0x11: {  	s1 =	smul.u32 $0x5, s23;
	s5 =	sor.u32 $0xE0000, s9;
	[dreg:$0x10] =	wrdreg s4  }
0x12: {  	s23 =	sadd.s32 $0x200, s13;
	s13 =	sor.u32 $0x1A0000, s9;
	[dreg:$0x12] =	wrdreg s5  }
0x13: {  	s11 =	sadd.s32 $0x312200, s0;
	s16 =	sor.u32 $0x1B0000, s9;
	[dreg:$0x13] =	wrdreg s13  }
0x14: {  	s12 =	sadd.s32 $0x4E00, s0;
	s17 =	sor.u32 $0x260000, s9;
	[dreg:$0x14] =	wrdreg s16  }
0x15: {  	s3 =	sadd.s32 s20, s0;
	s20 =	sor.u32 $0x270000, s9;
	[dreg:$0x15] =	wrdreg s17  }
0x16: {  	s28 =	sadd.s32 $0x100, s6;
	s24 =	sadd.s32 $0x4200, s3;
	[dreg:$0x16] =	wrdreg s20  }
0x17: {  	s29 =	sadd.s32 $0x200, s6;
	s25 =	sadd.s32 $0x499800, s3;
	[dreg:$0xa] =	wrdreg s24  }
0x18: {  	s26 =	sadd.s32 $0x498C00, s3;
	s3 =	sor.u32 $0x20000, s9;
	[dreg:$0xb] =	wrdreg s1  }
0x19: {  	s0 =	smax.u32 s21, $0x1;
	s2 =	sadd.s32 $0x100, s14;
	[dreg:$0xc] =	wrdreg s25  }
0x1a: {  	s4 =	sadd.s32 $0x200, s14;
	s16 =	sadd.s32 $0x100, s7;
	[dreg:$0xd] =	wrdreg s26  }
0x1b: {  	s17 =	sadd.s32 $0x200, s7;
	s21 =	sor.u32 $0x330000, s9;
	[dreg:$0xf] =	wrdreg s3  }
0x1c: {  	v0 =	vlaneseq.u32;
	s20 =	sadd.s32 $0x100, s15;
	s14 =	simm.s32 $0x2400;
	[dreg:$0x11] =	wrdreg s0  }
0x1d: {  	v1 =	vand.u32 $0x7, v0;
	[dreg:$0x17] =	wrdreg s21;
	s24 =	sor.u32 $0x340000, s9;
	s21 =	sadd.s32 $0x200, s15  }
0x1e: {  	vm0 =	vmmov $0xff;
	v3 =	vshrl.u32 v0, $0x3;
	v2 =	vmul.u32 $0x80, v1;
	s25 =	sor.u32 $0x3F0000, s9;
	s26 =	sor.u32 $0x400000, s9;
	[dreg:$0x18] =	wrdreg s24  }
0x1f: {  	vm1 =	vmmov $0xffff;
	v4 =	vor.u32 $0x8, v0;
	v3 =	vmul.u32 $0x8, v3;
	s15 =	simm.s32 $0x1A400;
	s1 =	simm.s32 $0x0;
	[dreg:$0x19] =	wrdreg s25  }
0x20: {  	v5 =	vor.u32 $0x10, v2;
	v6 =	vor.u32 $0x20, v2;
	v7 =	vor.u32 $0x30, v2;
	[dreg:$0x1a] =	wrdreg s26;
	s25 =	simm.s32 $0x1;
	s24 =	simm.s32 $0x1C400  }
.LBB2_1:
0x21: {  	[dreg:$0x1b] =	wrdreg s1  }
0x22: {  	s0 =	simm.s32 $0x0;
	s6 =	rddreg [dreg:$0xa];
	s7 =	simm.s32 $0x4  }
0x23: {  	[tilespmem:s0], [sflag:$0x4] =	stream.strided.gather [hbm4b:s6+s30], $0xC00, s31, s30, $0x38;
	[tilespmem:$0x1E400] =	vst v63  }
0x24: {  	_ =	swait.ge [sflag:s7], $0xC00  }
0x25: {  	[sflag:s7] =	ssyncset.done $0x0  }
0x26: {  	s3 =	simm.s32 $0xC00;
	s9 =	rddreg [dreg:$0xc];
	[sflag:s7] =	ssyncadd.s32 $0xFFFFF400  }
0x27: {  	[tilespmem:s3], [sflag:$0x4] =	stream.strided.gather [hbm4b:s9+s30], $0xC00, s31, s30, $0x38;
	[tilespmem:$0x1E400] =	vst v63  }
0x28: {  	_ =	swait.ge [sflag:s7], $0xC00  }
0x29: {  	[sflag:s7] =	ssyncset.done $0x0  }
0x2a: {  	s26 =	simm.s32 $0x1800;
	s13 =	rddreg [dreg:$0xd];
	[sflag:s7] =	ssyncadd.s32 $0xFFFFF400  }
0x2b: {  	[tilespmem:s26], [sflag:$0x4] =	stream.strided.gather [hbm4b:s13+s30], $0xC00, s31, s30, $0x38;
	[tilespmem:$0x1E400] =	vst v63  }
0x2c: {  	_ =	swait.ge [sflag:s7], $0xC00  }
0x2d: {  	[sflag:s7] =	ssyncset.done $0x0  }
0x2e: {  	s1 =	simm.s32 $0x0;
	[sflag:s7] =	ssyncadd.s32 $0xFFFFF400  }
.LBB2_2:
0x2f: {  	s0 =	rddreg [dreg:$0xb]  }
0x30: {  	[dreg:$0x1c] =	wrdreg s1;
	s1 =	sadd.s32 s0, s1  }
0x31: {  	s0 =	sshll.u32 s1, $0x7  }
0x32: {  	v8 =	vld [tilespmem:s0+$0x0];
	_ =	sdelay $0x4  }
0x33: {  	v9 =	vperm.xlane v8, v1;
	_ =	sdelay $0x1  }
0x34: {  	v8 =	vperm.xlane v8, v4;
	v9 =	vadd.s32 v3, v9;
	_ =	sdelay $0x1  }
0x35: {  	v8 =	vadd.s32 v3, v8;
	_ =	sdelay $0x1  }
0x36: {  	s3 =	simm.s32 $0x0  }
0x37: {  	[tilespmem:s14], [sflag:$0x1] =	stream.indirect_vreg.gather [hbm4b:s10+s3], $0x80, v9, vm0, $0xb8;
	[tilespmem:$0x1E400] =	vst v63  }
0x38: {  	s5 =	simm.s32 $0x3C00  }
0x39: {  	[tilespmem:s5], [sflag:$0x1] =	stream.indirect_vreg.gather [hbm4b:s10+s3], $0x80, v8, vm0, $0xb8;
	[tilespmem:$0x1E400] =	vst v63  }
0x3a: {  	v8 =	vld [tilespmem:s0+$0x10];
	_ =	sdelay $0x4  }
0x3b: {  	v57 =	vperm.xlane v8, v1;
	_ =	sdelay $0x1  }
0x3c: {  	v8 =	vperm.xlane v8, v4;
	v9 =	vadd.s32 v3, v57;
	_ =	sdelay $0x1  }
0x3d: {  	v8 =	vadd.s32 v3, v8;
	_ =	sdelay $0x1  }
0x3e: {  	s7 =	simm.s32 $0x5400  }
0x3f: {  	[tilespmem:s7], [sflag:$0x1] =	stream.indirect_vreg.gather [hbm4b:s10+s3], $0x80, v9, vm0, $0xb8;
	[tilespmem:$0x1E400] =	vst v63  }
0x40: {  	s9 =	simm.s32 $0x6C00  }
0x41: {  	[tilespmem:s9], [sflag:$0x1] =	stream.indirect_vreg.gather [hbm4b:s10+s3], $0x80, v8, vm0, $0xb8;
	[tilespmem:$0x1E400] =	vst v63  }
0x42: {  	v8 =	vld [tilespmem:s0+$0x20];
	_ =	sdelay $0x4  }
0x43: {  	v58 =	vperm.xlane v8, v1;
	_ =	sdelay $0x1  }
0x44: {  	v8 =	vperm.xlane v8, v4;
	v9 =	vadd.s32 v3, v58;
	_ =	sdelay $0x1  }
0x45: {  	v8 =	vadd.s32 v3, v8;
	_ =	sdelay $0x1  }
0x46: {  	s13 =	simm.s32 $0x8400  }
0x47: {  	[tilespmem:s13], [sflag:$0x1] =	stream.indirect_vreg.gather [hbm4b:s10+s3], $0x80, v9, vm0, $0xb8;
	[tilespmem:$0x1E400] =	vst v63  }
0x48: {  	s26 =	simm.s32 $0x9C00  }
0x49: {  	[tilespmem:s26], [sflag:$0x1] =	stream.indirect_vreg.gather [hbm4b:s10+s3], $0x80, v8, vm0, $0xb8;
	[tilespmem:$0x1E400] =	vst v63  }
0x4a: {  	v8 =	vld [tilespmem:s0+$0x30];
	_ =	sdelay $0x4  }
0x4b: {  	v59 =	vperm.xlane v8, v1;
	_ =	sdelay $0x1  }
0x4c: {  	v8 =	vperm.xlane v8, v4;
	v9 =	vadd.s32 v3, v59;
	_ =	sdelay $0x1  }
0x4d: {  	v8 =	vadd.s32 v3, v8;
	_ =	sdelay $0x1  }
0x4e: {  	s6 =	simm.s32 $0xB400  }
0x4f: {  	[tilespmem:s6], [sflag:$0x1] =	stream.indirect_vreg.gather [hbm4b:s10+s3], $0x80, v9, vm0, $0xb8;
	[tilespmem:$0x1E400] =	vst v63  }
0x50: {  	s7 =	simm.s32 $0xCC00  }
0x51: {  	[tilespmem:s7], [sflag:$0x1] =	stream.indirect_vreg.gather [hbm4b:s10+s3], $0x80, v8, vm0, $0xb8;
	[tilespmem:$0x1E400] =	vst v63  }
0x52: {  	v8 =	vld [tilespmem:s0+$0x40];
	_ =	sdelay $0x4  }
0x53: {  	v60 =	vperm.xlane v8, v1;
	_ =	sdelay $0x1  }
0x54: {  	v8 =	vperm.xlane v8, v4;
	v9 =	vadd.s32 v3, v60;
	_ =	sdelay $0x1  }
0x55: {  	v8 =	vadd.s32 v3, v8;
	_ =	sdelay $0x1  }
0x56: {  	s9 =	simm.s32 $0xE400  }
0x57: {  	[tilespmem:s9], [sflag:$0x1] =	stream.indirect_vreg.gather [hbm4b:s10+s3], $0x80, v9, vm0, $0xb8;
	[tilespmem:$0x1E400] =	vst v63  }
0x58: {  	s13 =	simm.s32 $0xFC00  }
0x59: {  	[tilespmem:s13], [sflag:$0x1] =	stream.indirect_vreg.gather [hbm4b:s10+s3], $0x80, v8, vm0, $0xb8;
	[tilespmem:$0x1E400] =	vst v63  }
0x5a: {  	v8 =	vld [tilespmem:s0+$0x50];
	_ =	sdelay $0x4  }
0x5b: {  	v61 =	vperm.xlane v8, v1;
	_ =	sdelay $0x1  }
0x5c: {  	v8 =	vperm.xlane v8, v4;
	v9 =	vadd.s32 v3, v61;
	_ =	sdelay $0x1  }
0x5d: {  	v8 =	vadd.s32 v3, v8;
	_ =	sdelay $0x1  }
0x5e: {  	s26 =	simm.s32 $0x11400  }
0x5f: {  	[tilespmem:s26], [sflag:$0x1] =	stream.indirect_vreg.gather [hbm4b:s10+s3], $0x80, v9, vm0, $0xb8;
	[tilespmem:$0x1E400] =	vst v63  }
0x60: {  	s6 =	simm.s32 $0x12C00  }
0x61: {  	[tilespmem:s6], [sflag:$0x1] =	stream.indirect_vreg.gather [hbm4b:s10+s3], $0x80, v8, vm0, $0xb8;
	[tilespmem:$0x1E400] =	vst v63  }
0x62: {  	v8 =	vld [tilespmem:s0+$0x60];
	_ =	sdelay $0x4  }
0x63: {  	v62 =	vperm.xlane v8, v1;
	_ =	sdelay $0x1  }
0x64: {  	v8 =	vperm.xlane v8, v4;
	v9 =	vadd.s32 v3, v62;
	_ =	sdelay $0x1  }
0x65: {  	v8 =	vadd.s32 v3, v8;
	_ =	sdelay $0x1  }
0x66: {  	s7 =	simm.s32 $0x14400  }
0x67: {  	[tilespmem:s7], [sflag:$0x1] =	stream.indirect_vreg.gather [hbm4b:s10+s3], $0x80, v9, vm0, $0xb8;
	[tilespmem:$0x1E400] =	vst v63  }
0x68: {  	s9 =	simm.s32 $0x15C00  }
0x69: {  	[tilespmem:s9], [sflag:$0x1] =	stream.indirect_vreg.gather [hbm4b:s10+s3], $0x80, v8, vm0, $0xb8;
	[tilespmem:$0x1E400] =	vst v63  }
0x6a: {  	v8 =	vld [tilespmem:s0+$0x70];
	_ =	sdelay $0x4  }
0x6b: {  	v63 =	vperm.xlane v8, v1;
	_ =	sdelay $0x1  }
0x6c: {  	v8 =	vperm.xlane v8, v4;
	v9 =	vadd.s32 v3, v63;
	_ =	sdelay $0x1  }
0x6d: {  	v8 =	vadd.s32 v3, v8;
	_ =	sdelay $0x1  }
0x6e: {  	s13 =	simm.s32 $0x17400  }
0x6f: {  	[tilespmem:s13], [sflag:$0x1] =	stream.indirect_vreg.gather [hbm4b:s10+s3], $0x80, v9, vm0, $0xb8;
	[tilespmem:$0x1E400] =	vst v63  }
0x70: {  	s26 =	simm.s32 $0x18C00  }
0x71: {  	[tilespmem:s26], [sflag:$0x1] =	stream.indirect_vreg.gather [hbm4b:s10+s3], $0x80, v8, vm0, $0xb8;
	[tilespmem:$0x1E400] =	vst v63  }
0x72: {  	_ =	swait.ge [sflag:s25], $0x4000  }
0x73: {  	[sflag:s25] =	ssyncset.done $0x0  }
0x74: {  	[sflag:s25] =	ssyncadd.s32 $0xFFFFC000  }
.LBB2_3:
0x75: {  	s5 =	sshll.u32 s3, $0x4  }
0x76: {  	v8 =	vor.u32 s5, v0  }
0x77: {  	v9 =	vshrl.u32 v8, $0x3  }
0x78: {  	v12 =	vmul.u32 $0x1800, v9;
	_ =	sdelay $0x1  }
0x79: {  	v9 =	vor.u32 v2, v12  }
0x7a: {  	p0 =	por $0x1, $0x1;
	s5 =	simm.s32 $0x0;
	v10 =	vor.u32 v5, v12;
	v11 =	vor.u32 v6, v12;
	v12 =	vor.u32 v7, v12  }
.LBB2_4:
0x7b: {  	v13 =	vadd.s32 s5, v0  }
0x7c: {  	s6 =	sor.u32 $0x1, s5;
	v14 =	vand.u32 $0xF, v13  }
0x7d: {  	v15 =	vadd.s32 s6, v0;
	v16 =	vor.u32 v9, v14  }
0x7e: {  	v17 =	vand.u32 $0xF, v15  }
0x7f: {  	v18 =	vor.u32 v9, v17;
	_ =	sdelay $0x1  }
0x80: {  	v19 =	vshll.u32 v14, $0x7  }
0x81: {  	v19 =	vadd.s32 v8, v19;
	v16 =	vld.idx.msk [tilespmem:v16+s14+$0x0], $0xffff  }
0x82: {  	v21 =	vor.u32 v10, v13;
	v20 =	vshll.u32 v17, $0x7  }
0x83: {  	v20 =	vadd.s32 v8, v20;
	v18 =	vld.idx.msk [tilespmem:v18+s14+$0x0], $0xffff  }
0x84: {  	v22 =	vor.u32 v10, v15  }
0x85: {  	v23 =	vshll.u32 v13, $0x7  }
0x86: {  	v41 =	vor.u32 $0x800, v23;
	[tilespmem:v19+s15+$0x0] =	vst.idx.msk $0xffff, v16  }
0x87: {  	v24 =	vshll.u32 v15, $0x7;
	v16 =	vadd.s32 v8, v41;
	v21 =	vld.idx.msk [tilespmem:v21+s14+$0x0], $0xffff  }
0x88: {  	v14 =	vor.u32 v11, v14;
	v42 =	vor.u32 $0x800, v24;
	[tilespmem:v20+s15+$0x0] =	vst.idx.msk $0xffff, v18  }
0x89: {  	s13 =	sor.u32 $0x2, s5;
	v18 =	vadd.s32 v8, v42;
	v22 =	vld.idx.msk [tilespmem:v22+s14+$0x0], $0xffff  }
0x8a: {  	v25 =	vadd.s32 s13, v0;
	v17 =	vor.u32 v11, v17  }
0x8b: {  	v26 =	vand.u32 $0xF, v25  }
0x8c: {  	v27 =	vor.u32 v9, v26;
	[tilespmem:v16+s15+$0x0] =	vst.idx.msk $0xffff, v21  }
0x8d: {  	v43 =	vadd.s32 $0x1000, v19;
	v14 =	vld.idx.msk [tilespmem:v14+s14+$0x0], $0xffff  }
0x8e: {  	v13 =	vor.u32 v12, v13;
	[tilespmem:v18+s15+$0x0] =	vst.idx.msk $0xffff, v22  }
0x8f: {  	v44 =	vadd.s32 $0x1000, v20;
	v17 =	vld.idx.msk [tilespmem:v17+s14+$0x0], $0xffff  }
0x90: {  	s7 =	sor.u32 $0x4, s5;
	s9 =	sor.u32 $0x5, s5;
	v15 =	vor.u32 v12, v15;
	v45 =	vshll.u32 v26, $0x7  }
0x91: {  	v52 =	vadd.s32 s7, v0;
	v30 =	vadd.s32 s9, v0;
	v46 =	vld.idx.msk [tilespmem:v27+s14+$0x0], $0xffff;
	v19 =	vadd.s32 v8, v45  }
0x92: {  	s13 =	sor.u32 $0x6, s5;
	v47 =	vor.u32 v10, v25;
	v54 =	vand.u32 $0xF, v52;
	[tilespmem:v43+s15+$0x0] =	vst.idx.msk $0xffff, v14;
	v14 =	vor.u32 $0x1800, v23  }
0x93: {  	s26 =	sor.u32 $0x3, s5;
	v31 =	vand.u32 $0xF, v30;
	v32 =	vadd.s32 s13, v0;
	v13 =	vld.idx.msk [tilespmem:v13+s14+$0x0], $0xffff;
	v14 =	vadd.s32 v8, v14  }
0x94: {  	v36 =	vor.u32 v10, v52;
	v50 =	vor.u32 $0x1800, v24;
	v22 =	vadd.s32 s26, v0;
	[tilespmem:v44+s15+$0x0] =	vst.idx.msk $0xffff, v17  }
0x95: {  	v18 =	vshll.u32 v25, $0x7;
	v48 =	vand.u32 $0xF, v22;
	v17 =	vadd.s32 v8, v50;
	v15 =	vld.idx.msk [tilespmem:v15+s14+$0x0], $0xffff  }
0x96: {  	v39 =	vor.u32 v10, v30;
	[tilespmem:v19+s15+$0x0] =	vst.idx.msk $0xffff, v46;
	s26 =	sor.u32 $0x7, s5;
	v51 =	vor.u32 $0x800, v18;
	v49 =	vor.u32 v9, v48  }
0x97: {  	v29 =	vor.u32 v9, v54;
	v21 =	vld.idx.msk [tilespmem:v47+s14+$0x0], $0xffff;
	v33 =	vadd.s32 s26, v0;
	v20 =	vadd.s32 v8, v51  }
0x98: {  	v53 =	vor.u32 v11, v26;
	v55 =	vand.u32 $0xF, v33;
	[tilespmem:v14+s15+$0x0] =	vst.idx.msk $0xffff, v13;
	v13 =	vor.u32 v9, v31  }
0x99: {  	v56 =	vshll.u32 v54, $0x7;
	v57 =	vor.u32 v9, v55;
	v14 =	vand.u32 $0xF, v32  }
0x9a: {  	v37 =	vshll.u32 v31, $0x7;
	v28 =	vshll.u32 v48, $0x7;
	[tilespmem:v17+s15+$0x0] =	vst.idx.msk $0xffff, v15;
	v15 =	vor.u32 v9, v14  }
0x9b: {  	v26 =	vor.u32 v11, v54;
	v60 =	vshll.u32 v32, $0x7;
	v28 =	vadd.s32 v8, v28;
	v16 =	vld.idx.msk [tilespmem:v49+s14+$0x0], $0xffff  }
0x9c: {  	v29 =	vld.idx.msk [tilespmem:v29+s14+$0x0], $0xffff;
	v34 =	vor.u32 v10, v22;
	[tilespmem:v20+s15+$0x0] =	vst.idx.msk $0xffff, v21;
	v20 =	vadd.s32 v8, v56  }
0x9d: {  	v37 =	vadd.s32 v8, v37;
	v41 =	vshll.u32 v52, $0x7;
	v40 =	vshll.u32 v55, $0x7;
	v13 =	vld.idx.msk [tilespmem:v13+s14+$0x0], $0xffff  }
0x9e: {  	v42 =	vor.u32 v10, v32;
	v40 =	vadd.s32 v8, v40;
	v21 =	vld.idx.msk [tilespmem:v57+s14+$0x0], $0xffff;
	v38 =	vshll.u32 v14, $0x7  }
0x9f: {  	v35 =	vshll.u32 v22, $0x7;
	v44 =	vor.u32 v10, v33;
	v38 =	vadd.s32 v8, v38;
	v15 =	vld.idx.msk [tilespmem:v15+s14+$0x0], $0xffff  }
0xa0: {  	v59 =	vor.u32 $0x800, v41;
	v58 =	vor.u32 $0x800, v35;
	v27 =	vor.u32 v11, v48;
	[tilespmem:v28+s15+$0x0] =	vst.idx.msk $0xffff, v16  }
0xa1: {  	v46 =	vshll.u32 v33, $0x7;
	v43 =	vshll.u32 v30, $0x7;
	v16 =	vadd.s32 v8, v58;
	[tilespmem:v20+s15+$0x0] =	vst.idx.msk $0xffff, v29;
	v34 =	vld.idx.msk [tilespmem:v34+s14+$0x0], $0xffff  }
0xa2: {  	v61 =	vor.u32 $0x800, v46;
	v45 =	vor.u32 $0x800, v43;
	v29 =	vadd.s32 v8, v59;
	v36 =	vld.idx.msk [tilespmem:v36+s14+$0x0], $0xffff;
	[tilespmem:v37+s15+$0x0] =	vst.idx.msk $0xffff, v13  }
0xa3: {  	v31 =	vor.u32 v11, v31;
	[tilespmem:v40+s15+$0x0] =	vst.idx.msk $0xffff, v21;
	v13 =	vadd.s32 v8, v45;
	v39 =	vld.idx.msk [tilespmem:v39+s14+$0x0], $0xffff  }
0xa4: {  	v21 =	vadd.s32 v8, v61;
	v62 =	vld.idx.msk [tilespmem:v44+s14+$0x0], $0xffff;
	[tilespmem:v38+s15+$0x0] =	vst.idx.msk $0xffff, v15;
	v15 =	vor.u32 $0x800, v60  }
0xa5: {  	v17 =	vor.u32 v11, v55;
	v42 =	vld.idx.msk [tilespmem:v42+s14+$0x0], $0xffff;
	v15 =	vadd.s32 v8, v15  }
0xa6: {  	v19 =	vadd.s32 $0x1000, v19;
	v24 =	vld.idx.msk [tilespmem:v53+s14+$0x0], $0xffff;
	v14 =	vor.u32 v11, v14;
	[tilespmem:v16+s15+$0x0] =	vst.idx.msk $0xffff, v34  }
0xa7: {  	v34 =	vadd.s32 $0x1000, v28;
	[tilespmem:v29+s15+$0x0] =	vst.idx.msk $0xffff, v36;
	v63 =	vld.idx.msk [tilespmem:v27+s14+$0x0], $0xffff  }
0xa8: {  	v25 =	vor.u32 v12, v25;
	v20 =	vadd.s32 $0x1000, v20;
	v44 =	vld.idx.msk [tilespmem:v26+s14+$0x0], $0xffff;
	[tilespmem:v13+s15+$0x0] =	vst.idx.msk $0xffff, v39  }
0xa9: {  	v48 =	vadd.s32 $0x1000, v37;
	[tilespmem:v21+s15+$0x0] =	vst.idx.msk $0xffff, v62;
	v13 =	vor.u32 v12, v22;
	v47 =	vld.idx.msk [tilespmem:v31+s14+$0x0], $0xffff  }
0xaa: {  	v17 =	vld.idx.msk [tilespmem:v17+s14+$0x0], $0xffff;
	[tilespmem:v15+s15+$0x0] =	vst.idx.msk $0xffff, v42;
	v15 =	vor.u32 v12, v52;
	v52 =	vadd.s32 $0x1000, v40  }
0xab: {  	v49 =	vor.u32 v12, v30;
	[tilespmem:v19+s15+$0x0] =	vst.idx.msk $0xffff, v24;
	v50 =	vadd.s32 $0x1000, v38;
	v14 =	vld.idx.msk [tilespmem:v14+s14+$0x0], $0xffff  }
0xac: {  	v18 =	vor.u32 $0x1800, v18;
	v51 =	vor.u32 v12, v32;
	v54 =	vor.u32 v12, v33;
	[tilespmem:v34+s15+$0x0] =	vst.idx.msk $0xffff, v63  }
0xad: {  	v18 =	vadd.s32 v8, v18;
	v53 =	vor.u32 $0x1800, v35;
	v25 =	vld.idx.msk [tilespmem:v25+s14+$0x0], $0xffff;
	[tilespmem:v20+s15+$0x0] =	vst.idx.msk $0xffff, v44  }
0xae: {  	v56 =	vor.u32 $0x1800, v41;
	v55 =	vadd.s32 v8, v53;
	v13 =	vld.idx.msk [tilespmem:v13+s14+$0x0], $0xffff;
	[tilespmem:v48+s15+$0x0] =	vst.idx.msk $0xffff, v47  }
0xaf: {  	v57 =	vor.u32 $0x1800, v43;
	v22 =	vadd.s32 v8, v56;
	v15 =	vld.idx.msk [tilespmem:v15+s14+$0x0], $0xffff;
	[tilespmem:v52+s15+$0x0] =	vst.idx.msk $0xffff, v17  }
0xb0: {  	v58 =	vadd.s32 v8, v57;
	v62 =	vor.u32 $0x1800, v46;
	[tilespmem:v50+s15+$0x0] =	vst.idx.msk $0xffff, v14;
	v14 =	vld.idx.msk [tilespmem:v49+s14+$0x0], $0xffff  }
0xb1: {  	v59 =	vor.u32 $0x1800, v60;
	v21 =	vadd.s32 v8, v62;
	v63 =	vld.idx.msk [tilespmem:v54+s14+$0x0], $0xffff  }
0xb2: {  	p1 =	por p0, p0;
	v61 =	vadd.s32 v8, v59;
	[tilespmem:v18+s15+$0x0] =	vst.idx.msk $0xffff, v25;
	v60 =	vld.idx.msk [tilespmem:v51+s14+$0x0], $0xffff  }
.Ltmp0:
0xb3: {  	[tilespmem:v55+s15+$0x0] =	vst.idx.msk $0xffff, v13;
	(pc) =	sbr.rel @p1 .LBB2_4-.Ltmp0, $4  }
0xb4: {  	[tilespmem:v22+s15+$0x0] =	vst.idx.msk $0xffff, v15  }
0xb5: {  	[tilespmem:v58+s15+$0x0] =	vst.idx.msk $0xffff, v14  }
0xb6: {  	[tilespmem:v21+s15+$0x0] =	vst.idx.msk $0xffff, v63  }
0xb7: {  	p0 =	por $0x0, $0x0;
	s5 =	simm.s32 $0x8;
	[tilespmem:v61+s15+$0x0] =	vst.idx.msk $0xffff, v60  }
0xb8: {  	s3 =	sadd.s32 $0x1, s3  }
0xb9: {  	p0 =	sne.s32 s3, $0x8  }
.Ltmp1:
0xba: {  	_ = 	snop;
	(pc) =	sbr.rel @p0 .LBB2_3-.Ltmp1, $1  }
0xbb: {  	_ =	sdelay $0x3  }
0xbc: {  	s1 =	smul.u32 $0x4B0000, s1  }
0xbd: {  	s3 =	rddreg [dreg:$0x9]  }
0xbe: {  	s3 =	sor.u32 s3, s1  }
0xbf: {  	s3 =	sshrl.u32 s3, $0x3  }
0xc0: {  	s3 =	sadd.s32 s8, s3  }
0xc1: {  	s6 =	simm.s32 $0x4;
	[dreg:$0x1d] =	wrdreg s3  }
0xc2: {  	[hbm4b:s3+s30] =	stream.strided.scatter [tilespmem:s15], [sflag:$0x4], $0x2000, s31, s30, $0x38;
	[tilespmem:$0x1E400] =	vst v63  }
0xc3: {  	_ =	swait.ge [sflag:s6], $0x2000  }
0xc4: {  	[sflag:s6] =	ssyncset.done $0x0  }
0xc5: {  	[sflag:s6] =	ssyncadd.s32 $0xFFFFE000  }
0xc6: {  	v8 =	vld [tilespmem:s0+$0x0];
	_ =	sdelay $0x4  }
0xc7: {  	v9 =	vshrl.u32 v8, $0x3  }
0xc8: {  	v9 =	vmul.u32 $0x30, v9  }
0xc9: {  	v8 =	vand.u32 $0x7, v8  }
0xca: {  	v8 =	vor.u32 v8, v9  }
0xcb: {  	v9 =	vperm.xlane v8, v1;
	_ =	sdelay $0x1  }
0xcc: {  	v9 =	vadd.s32 v3, v9;
	_ =	sdelay $0x3  }
0xcd: {  	s3 =	simm.s32 $0x0;
	s5 =	rddreg [dreg:$0x1];
	v8 =	vperm.xlane v8, v4  }
0xce: {  	[tilespmem:s14], [sflag:$0x1] =	stream.indirect_vreg.gather [hbm4b:s5+s3], $0x80, v9, vm1, $0xb8;
	[tilespmem:$0x1E400] =	vst v63  }
0xcf: {  	s6 =	simm.s32 $0x2C00;
	v8 =	vadd.s32 v3, v8  }
0xd0: {  	[tilespmem:s6], [sflag:$0x1] =	stream.indirect_vreg.gather [hbm4b:s18+s3], $0x80, v9, vm1, $0xb8;
	[tilespmem:$0x1E400] =	vst v63  }
0xd1: {  	s7 =	simm.s32 $0x3400  }
0xd2: {  	[tilespmem:s7], [sflag:$0x1] =	stream.indirect_vreg.gather [hbm4b:s19+s3], $0x80, v9, vm1, $0xb8;
	[tilespmem:$0x1E400] =	vst v63  }
0xd3: {  	s9 =	simm.s32 $0x3C00  }
0xd4: {  	[tilespmem:s9], [sflag:$0x1] =	stream.indirect_vreg.gather [hbm4b:s5+s3], $0x80, v8, vm1, $0xb8;
	[tilespmem:$0x1E400] =	vst v63  }
0xd5: {  	s13 =	simm.s32 $0x4400  }
0xd6: {  	[tilespmem:s13], [sflag:$0x1] =	stream.indirect_vreg.gather [hbm4b:s18+s3], $0x80, v8, vm1, $0xb8;
	[tilespmem:$0x1E400] =	vst v63  }
0xd7: {  	s26 =	simm.s32 $0x4C00  }
0xd8: {  	[tilespmem:s26], [sflag:$0x1] =	stream.indirect_vreg.gather [hbm4b:s19+s3], $0x80, v8, vm1, $0xb8;
	[tilespmem:$0x1E400] =	vst v63  }
0xd9: {  	v8 =	vld [tilespmem:s0+$0x10];
	_ =	sdelay $0x4  }
0xda: {  	v57 =	vshrl.u32 v8, $0x3  }
0xdb: {  	v9 =	vmul.u32 $0x30, v57  }
0xdc: {  	v8 =	vand.u32 $0x7, v8  }
0xdd: {  	v8 =	vor.u32 v8, v9  }
0xde: {  	v9 =	vperm.xlane v8, v1;
	_ =	sdelay $0x1  }
0xdf: {  	v9 =	vadd.s32 v3, v9;
	_ =	sdelay $0x3  }
0xe0: {  	s7 =	simm.s32 $0x5400;
	v8 =	vperm.xlane v8, v4  }
0xe1: {  	[tilespmem:s7], [sflag:$0x1] =	stream.indirect_vreg.gather [hbm4b:s5+s3], $0x80, v9, vm1, $0xb8;
	[tilespmem:$0x1E400] =	vst v63  }
0xe2: {  	s9 =	simm.s32 $0x5C00;
	v8 =	vadd.s32 v3, v8  }
0xe3: {  	[tilespmem:s9], [sflag:$0x1] =	stream.indirect_vreg.gather [hbm4b:s18+s3], $0x80, v9, vm1, $0xb8;
	[tilespmem:$0x1E400] =	vst v63  }
0xe4: {  	s13 =	simm.s32 $0x6400  }
0xe5: {  	[tilespmem:s13], [sflag:$0x1] =	stream.indirect_vreg.gather [hbm4b:s19+s3], $0x80, v9, vm1, $0xb8;
	[tilespmem:$0x1E400] =	vst v63  }
0xe6: {  	s26 =	simm.s32 $0x6C00  }
0xe7: {  	[tilespmem:s26], [sflag:$0x1] =	stream.indirect_vreg.gather [hbm4b:s5+s3], $0x80, v8, vm1, $0xb8;
	[tilespmem:$0x1E400] =	vst v63  }
0xe8: {  	s7 =	simm.s32 $0x7400  }
0xe9: {  	[tilespmem:s7], [sflag:$0x1] =	stream.indirect_vreg.gather [hbm4b:s18+s3], $0x80, v8, vm1, $0xb8;
	[tilespmem:$0x1E400] =	vst v63  }
0xea: {  	s9 =	simm.s32 $0x7C00  }
0xeb: {  	[tilespmem:s9], [sflag:$0x1] =	stream.indirect_vreg.gather [hbm4b:s19+s3], $0x80, v8, vm1, $0xb8;
	[tilespmem:$0x1E400] =	vst v63  }
0xec: {  	v8 =	vld [tilespmem:s0+$0x20];
	_ =	sdelay $0x4  }
0xed: {  	v58 =	vshrl.u32 v8, $0x3  }
0xee: {  	v9 =	vmul.u32 $0x30, v58  }
0xef: {  	v8 =	vand.u32 $0x7, v8  }
0xf0: {  	v8 =	vor.u32 v8, v9  }
0xf1: {  	v9 =	vperm.xlane v8, v1;
	_ =	sdelay $0x1  }
0xf2: {  	v9 =	vadd.s32 v3, v9;
	_ =	sdelay $0x3  }
0xf3: {  	s13 =	simm.s32 $0x8400;
	v8 =	vperm.xlane v8, v4  }
0xf4: {  	[tilespmem:s13], [sflag:$0x1] =	stream.indirect_vreg.gather [hbm4b:s5+s3], $0x80, v9, vm1, $0xb8;
	[tilespmem:$0x1E400] =	vst v63  }
0xf5: {  	s26 =	simm.s32 $0x8C00;
	v8 =	vadd.s32 v3, v8  }
0xf6: {  	[tilespmem:s26], [sflag:$0x1] =	stream.indirect_vreg.gather [hbm4b:s18+s3], $0x80, v9, vm1, $0xb8;
	[tilespmem:$0x1E400] =	vst v63  }
0xf7: {  	s7 =	simm.s32 $0x9400  }
0xf8: {  	[tilespmem:s7], [sflag:$0x1] =	stream.indirect_vreg.gather [hbm4b:s19+s3], $0x80, v9, vm1, $0xb8;
	[tilespmem:$0x1E400] =	vst v63  }
0xf9: {  	s9 =	simm.s32 $0x9C00  }
0xfa: {  	[tilespmem:s9], [sflag:$0x1] =	stream.indirect_vreg.gather [hbm4b:s5+s3], $0x80, v8, vm1, $0xb8;
	[tilespmem:$0x1E400] =	vst v63  }
0xfb: {  	s13 =	simm.s32 $0xA400  }
0xfc: {  	[tilespmem:s13], [sflag:$0x1] =	stream.indirect_vreg.gather [hbm4b:s18+s3], $0x80, v8, vm1, $0xb8;
	[tilespmem:$0x1E400] =	vst v63  }
0xfd: {  	s26 =	simm.s32 $0xAC00  }
0xfe: {  	[tilespmem:s26], [sflag:$0x1] =	stream.indirect_vreg.gather [hbm4b:s19+s3], $0x80, v8, vm1, $0xb8;
	[tilespmem:$0x1E400] =	vst v63  }
0xff: {  	v8 =	vld [tilespmem:s0+$0x30];
	_ =	sdelay $0x4  }
0x100: {  	v59 =	vshrl.u32 v8, $0x3  }
0x101: {  	v9 =	vmul.u32 $0x30, v59  }
0x102: {  	v8 =	vand.u32 $0x7, v8  }
0x103: {  	v8 =	vor.u32 v8, v9  }
0x104: {  	v9 =	vperm.xlane v8, v1;
	_ =	sdelay $0x1  }
0x105: {  	v9 =	vadd.s32 v3, v9;
	_ =	sdelay $0x3  }
0x106: {  	s7 =	simm.s32 $0xB400;
	v8 =	vperm.xlane v8, v4  }
0x107: {  	[tilespmem:s7], [sflag:$0x1] =	stream.indirect_vreg.gather [hbm4b:s5+s3], $0x80, v9, vm1, $0xb8;
	[tilespmem:$0x1E400] =	vst v63  }
0x108: {  	s9 =	simm.s32 $0xBC00;
	v8 =	vadd.s32 v3, v8  }
0x109: {  	[tilespmem:s9], [sflag:$0x1] =	stream.indirect_vreg.gather [hbm4b:s18+s3], $0x80, v9, vm1, $0xb8;
	[tilespmem:$0x1E400] =	vst v63  }
0x10a: {  	s13 =	simm.s32 $0xC400  }
0x10b: {  	[tilespmem:s13], [sflag:$0x1] =	stream.indirect_vreg.gather [hbm4b:s19+s3], $0x80, v9, vm1, $0xb8;
	[tilespmem:$0x1E400] =	vst v63  }
0x10c: {  	s26 =	simm.s32 $0xCC00  }
0x10d: {  	[tilespmem:s26], [sflag:$0x1] =	stream.indirect_vreg.gather [hbm4b:s5+s3], $0x80, v8, vm1, $0xb8;
	[tilespmem:$0x1E400] =	vst v63  }
0x10e: {  	s7 =	simm.s32 $0xD400  }
0x10f: {  	[tilespmem:s7], [sflag:$0x1] =	stream.indirect_vreg.gather [hbm4b:s18+s3], $0x80, v8, vm1, $0xb8;
	[tilespmem:$0x1E400] =	vst v63  }
0x110: {  	s9 =	simm.s32 $0xDC00  }
0x111: {  	[tilespmem:s9], [sflag:$0x1] =	stream.indirect_vreg.gather [hbm4b:s19+s3], $0x80, v8, vm1, $0xb8;
	[tilespmem:$0x1E400] =	vst v63  }
0x112: {  	v8 =	vld [tilespmem:s0+$0x40];
	_ =	sdelay $0x4  }
0x113: {  	v60 =	vshrl.u32 v8, $0x3  }
0x114: {  	v9 =	vmul.u32 $0x30, v60  }
0x115: {  	v8 =	vand.u32 $0x7, v8  }
0x116: {  	v8 =	vor.u32 v8, v9  }
0x117: {  	v9 =	vperm.xlane v8, v1;
	_ =	sdelay $0x1  }
0x118: {  	v9 =	vadd.s32 v3, v9;
	_ =	sdelay $0x3  }
0x119: {  	s13 =	simm.s32 $0xE400;
	v8 =	vperm.xlane v8, v4  }
0x11a: {  	[tilespmem:s13], [sflag:$0x1] =	stream.indirect_vreg.gather [hbm4b:s5+s3], $0x80, v9, vm1, $0xb8;
	[tilespmem:$0x1E400] =	vst v63  }
0x11b: {  	s26 =	simm.s32 $0xEC00;
	v8 =	vadd.s32 v3, v8  }
0x11c: {  	[tilespmem:s26], [sflag:$0x1] =	stream.indirect_vreg.gather [hbm4b:s18+s3], $0x80, v9, vm1, $0xb8;
	[tilespmem:$0x1E400] =	vst v63  }
0x11d: {  	s7 =	simm.s32 $0xF400  }
0x11e: {  	[tilespmem:s7], [sflag:$0x1] =	stream.indirect_vreg.gather [hbm4b:s19+s3], $0x80, v9, vm1, $0xb8;
	[tilespmem:$0x1E400] =	vst v63  }
0x11f: {  	s9 =	simm.s32 $0xFC00  }
0x120: {  	[tilespmem:s9], [sflag:$0x1] =	stream.indirect_vreg.gather [hbm4b:s5+s3], $0x80, v8, vm1, $0xb8;
	[tilespmem:$0x1E400] =	vst v63  }
0x121: {  	s13 =	simm.s32 $0x10400  }
0x122: {  	[tilespmem:s13], [sflag:$0x1] =	stream.indirect_vreg.gather [hbm4b:s18+s3], $0x80, v8, vm1, $0xb8;
	[tilespmem:$0x1E400] =	vst v63  }
0x123: {  	s26 =	simm.s32 $0x10C00  }
0x124: {  	[tilespmem:s26], [sflag:$0x1] =	stream.indirect_vreg.gather [hbm4b:s19+s3], $0x80, v8, vm1, $0xb8;
	[tilespmem:$0x1E400] =	vst v63  }
0x125: {  	v8 =	vld [tilespmem:s0+$0x50];
	_ =	sdelay $0x4  }
0x126: {  	v61 =	vshrl.u32 v8, $0x3  }
0x127: {  	v9 =	vmul.u32 $0x30, v61  }
0x128: {  	v8 =	vand.u32 $0x7, v8  }
0x129: {  	v8 =	vor.u32 v8, v9  }
0x12a: {  	v9 =	vperm.xlane v8, v1;
	_ =	sdelay $0x1  }
0x12b: {  	v9 =	vadd.s32 v3, v9;
	_ =	sdelay $0x3  }
0x12c: {  	s7 =	simm.s32 $0x11400;
	v8 =	vperm.xlane v8, v4  }
0x12d: {  	[tilespmem:s7], [sflag:$0x1] =	stream.indirect_vreg.gather [hbm4b:s5+s3], $0x80, v9, vm1, $0xb8;
	[tilespmem:$0x1E400] =	vst v63  }
0x12e: {  	s9 =	simm.s32 $0x11C00;
	v8 =	vadd.s32 v3, v8  }
0x12f: {  	[tilespmem:s9], [sflag:$0x1] =	stream.indirect_vreg.gather [hbm4b:s18+s3], $0x80, v9, vm1, $0xb8;
	[tilespmem:$0x1E400] =	vst v63  }
0x130: {  	s13 =	simm.s32 $0x12400  }
0x131: {  	[tilespmem:s13], [sflag:$0x1] =	stream.indirect_vreg.gather [hbm4b:s19+s3], $0x80, v9, vm1, $0xb8;
	[tilespmem:$0x1E400] =	vst v63  }
0x132: {  	s26 =	simm.s32 $0x12C00  }
0x133: {  	[tilespmem:s26], [sflag:$0x1] =	stream.indirect_vreg.gather [hbm4b:s5+s3], $0x80, v8, vm1, $0xb8;
	[tilespmem:$0x1E400] =	vst v63  }
0x134: {  	s7 =	simm.s32 $0x13400  }
0x135: {  	[tilespmem:s7], [sflag:$0x1] =	stream.indirect_vreg.gather [hbm4b:s18+s3], $0x80, v8, vm1, $0xb8;
	[tilespmem:$0x1E400] =	vst v63  }
0x136: {  	s9 =	simm.s32 $0x13C00  }
0x137: {  	[tilespmem:s9], [sflag:$0x1] =	stream.indirect_vreg.gather [hbm4b:s19+s3], $0x80, v8, vm1, $0xb8;
	[tilespmem:$0x1E400] =	vst v63  }
0x138: {  	v8 =	vld [tilespmem:s0+$0x60];
	_ =	sdelay $0x4  }
0x139: {  	v62 =	vshrl.u32 v8, $0x3  }
0x13a: {  	v9 =	vmul.u32 $0x30, v62  }
0x13b: {  	v8 =	vand.u32 $0x7, v8  }
0x13c: {  	v8 =	vor.u32 v8, v9  }
0x13d: {  	v9 =	vperm.xlane v8, v1;
	_ =	sdelay $0x1  }
0x13e: {  	v9 =	vadd.s32 v3, v9;
	_ =	sdelay $0x3  }
0x13f: {  	s13 =	simm.s32 $0x14400;
	v8 =	vperm.xlane v8, v4  }
0x140: {  	[tilespmem:s13], [sflag:$0x1] =	stream.indirect_vreg.gather [hbm4b:s5+s3], $0x80, v9, vm1, $0xb8;
	[tilespmem:$0x1E400] =	vst v63  }
0x141: {  	s26 =	simm.s32 $0x14C00;
	v8 =	vadd.s32 v3, v8  }
0x142: {  	[tilespmem:s26], [sflag:$0x1] =	stream.indirect_vreg.gather [hbm4b:s18+s3], $0x80, v9, vm1, $0xb8;
	[tilespmem:$0x1E400] =	vst v63  }
0x143: {  	s7 =	simm.s32 $0x15400  }
0x144: {  	[tilespmem:s7], [sflag:$0x1] =	stream.indirect_vreg.gather [hbm4b:s19+s3], $0x80, v9, vm1, $0xb8;
	[tilespmem:$0x1E400] =	vst v63  }
0x145: {  	s9 =	simm.s32 $0x15C00  }
0x146: {  	[tilespmem:s9], [sflag:$0x1] =	stream.indirect_vreg.gather [hbm4b:s5+s3], $0x80, v8, vm1, $0xb8;
	[tilespmem:$0x1E400] =	vst v63  }
0x147: {  	s13 =	simm.s32 $0x16400  }
0x148: {  	[tilespmem:s13], [sflag:$0x1] =	stream.indirect_vreg.gather [hbm4b:s18+s3], $0x80, v8, vm1, $0xb8;
	[tilespmem:$0x1E400] =	vst v63  }
0x149: {  	s26 =	simm.s32 $0x16C00  }
0x14a: {  	[tilespmem:s26], [sflag:$0x1] =	stream.indirect_vreg.gather [hbm4b:s19+s3], $0x80, v8, vm1, $0xb8;
	[tilespmem:$0x1E400] =	vst v63  }
0x14b: {  	v8 =	vld [tilespmem:s0+$0x70];
	_ =	sdelay $0x4  }
0x14c: {  	v63 =	vshrl.u32 v8, $0x3  }
0x14d: {  	v9 =	vmul.u32 $0x30, v63  }
0x14e: {  	v8 =	vand.u32 $0x7, v8  }
0x14f: {  	v8 =	vor.u32 v8, v9  }
0x150: {  	v9 =	vperm.xlane v8, v1;
	_ =	sdelay $0x1  }
0x151: {  	v9 =	vadd.s32 v3, v9;
	_ =	sdelay $0x3  }
0x152: {  	s7 =	simm.s32 $0x17400;
	v8 =	vperm.xlane v8, v4  }
0x153: {  	[tilespmem:s7], [sflag:$0x1] =	stream.indirect_vreg.gather [hbm4b:s5+s3], $0x80, v9, vm1, $0xb8;
	[tilespmem:$0x1E400] =	vst v63  }
0x154: {  	s9 =	simm.s32 $0x17C00;
	v8 =	vadd.s32 v3, v8  }
0x155: {  	[tilespmem:s9], [sflag:$0x1] =	stream.indirect_vreg.gather [hbm4b:s18+s3], $0x80, v9, vm1, $0xb8;
	[tilespmem:$0x1E400] =	vst v63  }
0x156: {  	s13 =	simm.s32 $0x18400  }
0x157: {  	[tilespmem:s13], [sflag:$0x1] =	stream.indirect_vreg.gather [hbm4b:s19+s3], $0x80, v9, vm1, $0xb8;
	[tilespmem:$0x1E400] =	vst v63  }
0x158: {  	s26 =	simm.s32 $0x18C00  }
0x159: {  	[tilespmem:s26], [sflag:$0x1] =	stream.indirect_vreg.gather [hbm4b:s5+s3], $0x80, v8, vm1, $0xb8;
	[tilespmem:$0x1E400] =	vst v63  }
0x15a: {  	s7 =	simm.s32 $0x19400  }
0x15b: {  	[tilespmem:s7], [sflag:$0x1] =	stream.indirect_vreg.gather [hbm4b:s18+s3], $0x80, v8, vm1, $0xb8;
	[tilespmem:$0x1E400] =	vst v63  }
0x15c: {  	s9 =	simm.s32 $0x19C00  }
0x15d: {  	[tilespmem:s9], [sflag:$0x1] =	stream.indirect_vreg.gather [hbm4b:s19+s3], $0x80, v8, vm1, $0xb8;
	[tilespmem:$0x1E400] =	vst v63  }
0x15e: {  	_ =	swait.ge [sflag:s25], $0x18000  }
0x15f: {  	s13 =	rddreg [dreg:$0xe]  }
0x160: {  	[sflag:s25] =	ssyncset.done $0x0;
	s26 =	rddreg [dreg:$0xf]  }
0x161: {  	[sflag:s25] =	ssyncadd.s32 $0xFFFE8000;
	s5 =	sadd.s32 s1, s13;
	s6 =	sadd.s32 s1, s26  }
.LBB2_7:
0x162: {  	s7 =	sshll.u32 s3, $0x7  }
0x163: {  	p0 =	seq.s32 s3, $0x0;
	v8 =	vmov s7  }
0x164: {  	s7 =	simm.s32 @!p0 $0x2;
	v8 =	vshll.u32 v8, $0x3  }
0x165: {  	_ =	swait.ge @!p0 [sflag:s7], $0x2000;
	v9 =	vbroadcast v8, $0x0  }
0x166: {  	[sflag:s7] =	ssyncset.done @!p0 $0x0  }
0x167: {  	[sflag:s7] =	ssyncadd.s32 @!p0 $0xFFFFE000;
	s7 =	simm.s32 $0x0;
	v9 =	vor.u32 v2, v9  }
.LBB2_8:
0x168: {  	s9 =	sshll.u32 s7, $0x4  }
0x169: {  	v10 =	vor.u32 s9, v0  }
0x16a: {  	v11 =	vshrl.u32 v10, $0x3  }
0x16b: {  	v11 =	vmul.u32 $0x1800, v11;
	_ =	sdelay $0x1  }
0x16c: {  	v11 =	vadd.s32 v9, v11  }
0x16d: {  	p1 =	por $0x1, $0x1;
	s9 =	simm.s32 $0x0;
	v12 =	vor.u32 $0x10, v11;
	v13 =	vor.u32 $0x20, v11;
	v14 =	vor.u32 $0x30, v11  }
.LBB2_9:
0x16e: {  	v15 =	vadd.s32 s9, v0  }
0x16f: {  	v16 =	vand.u32 $0xF, v15  }
0x170: {  	v18 =	vor.u32 v11, v16;
	_ =	sdelay $0x1  }
0x171: {  	s26 =	sor.u32 $0x1, s9  }
0x172: {  	v17 =	vadd.s32 s26, v0  }
0x173: {  	v19 =	vand.u32 $0xF, v17;
	v21 =	vshll.u32 v16, $0x7  }
0x174: {  	v20 =	vor.u32 v11, v19;
	v21 =	vadd.s32 v10, v21;
	v18 =	vld.idx.msk [tilespmem:v18+s14+$0x0], $0xffff  }
0x175: {  	v23 =	vor.u32 v12, v15;
	_ =	sdelay $0x2  }
0x176: {  	v25 =	vshll.u32 v15, $0x7;
	v22 =	vshll.u32 v19, $0x7  }
0x177: {  	v56 =	vor.u32 $0x800, v25;
	v22 =	vadd.s32 v10, v22;
	v20 =	vld.idx.msk [tilespmem:v20+s14+$0x0], $0xffff;
	[tilespmem:v21+s15+$0x0] =	vst.idx.msk $0xffff, v18  }
0x178: {  	s13 =	sor.u32 $0x2, s9;
	v24 =	vor.u32 v12, v17;
	v18 =	vadd.s32 v10, v56;
	v23 =	vld.idx.msk [tilespmem:v23+s14+$0x0], $0xffff  }
0x179: {  	v27 =	vadd.s32 s13, v0;
	v16 =	vor.u32 v13, v16  }
0x17a: {  	v28 =	vand.u32 $0xF, v27  }
0x17b: {  	v26 =	vshll.u32 v17, $0x7;
	v29 =	vor.u32 v11, v28  }
0x17c: {  	v57 =	vor.u32 $0x800, v26;
	[tilespmem:v22+s15+$0x0] =	vst.idx.msk $0xffff, v20  }
0x17d: {  	v20 =	vadd.s32 v10, v57;
	v24 =	vld.idx.msk [tilespmem:v24+s14+$0x0], $0xffff;
	[tilespmem:v18+s15+$0x0] =	vst.idx.msk $0xffff, v23  }
0x17e: {  	s26 =	sor.u32 $0x7, s9;
	v19 =	vor.u32 v13, v19;
	v58 =	vadd.s32 $0x1000, v21;
	v16 =	vld.idx.msk [tilespmem:v16+s14+$0x0], $0xffff  }
0x17f: {  	v15 =	vor.u32 v14, v15;
	v35 =	vadd.s32 s26, v0;
	v60 =	vshll.u32 v28, $0x7  }
0x180: {  	v17 =	vor.u32 v14, v17;
	v54 =	vand.u32 $0xF, v35;
	v61 =	vld.idx.msk [tilespmem:v29+s14+$0x0], $0xffff;
	v21 =	vadd.s32 v10, v60  }
0x181: {  	v62 =	vor.u32 v12, v27;
	v46 =	vor.u32 $0x1800, v25;
	v42 =	vshll.u32 v54, $0x7  }
0x182: {  	s13 =	sor.u32 $0x3, s9;
	v48 =	vor.u32 $0x1800, v26;
	v50 =	vor.u32 v13, v28;
	v42 =	vadd.s32 v10, v42;
	[tilespmem:v20+s15+$0x0] =	vst.idx.msk $0xffff, v24  }
0x183: {  	v59 =	vadd.s32 $0x1000, v22;
	v56 =	vor.u32 v11, v54;
	v24 =	vadd.s32 s13, v0;
	v19 =	vld.idx.msk [tilespmem:v19+s14+$0x0], $0xffff;
	[tilespmem:v58+s15+$0x0] =	vst.idx.msk $0xffff, v16  }
0x184: {  	v20 =	vshll.u32 v27, $0x7;
	s13 =	sor.u32 $0x4, s9;
	v63 =	vand.u32 $0xF, v24;
	v16 =	vadd.s32 v10, v46;
	v15 =	vld.idx.msk [tilespmem:v15+s14+$0x0], $0xffff  }
0x185: {  	[tilespmem:v21+s15+$0x0] =	vst.idx.msk $0xffff, v61;
	v49 =	vor.u32 $0x800, v20;
	v25 =	vadd.s32 s13, v0;
	s13 =	sor.u32 $0x5, s9;
	v47 =	vor.u32 v11, v63  }
0x186: {  	v23 =	vld.idx.msk [tilespmem:v62+s14+$0x0], $0xffff;
	v22 =	vadd.s32 v10, v49;
	v51 =	vand.u32 $0xF, v25;
	v32 =	vadd.s32 s13, v0;
	s13 =	sor.u32 $0x6, s9  }
0x187: {  	v36 =	vor.u32 v12, v24;
	v31 =	vor.u32 v11, v51;
	v34 =	vadd.s32 s13, v0  }
0x188: {  	v30 =	vshll.u32 v63, $0x7;
	v33 =	vand.u32 $0xF, v32;
	v52 =	vand.u32 $0xF, v34;
	[tilespmem:v59+s15+$0x0] =	vst.idx.msk $0xffff, v19  }
0x189: {  	v19 =	vadd.s32 v10, v48;
	v17 =	vld.idx.msk [tilespmem:v17+s14+$0x0], $0xffff;
	[tilespmem:v16+s15+$0x0] =	vst.idx.msk $0xffff, v15;
	v15 =	vor.u32 v11, v33  }
0x18a: {  	v38 =	vor.u32 v12, v25;
	v30 =	vadd.s32 v10, v30;
	v53 =	vor.u32 v11, v52;
	v18 =	vld.idx.msk [tilespmem:v47+s14+$0x0], $0xffff  }
0x18b: {  	v29 =	vor.u32 v13, v63;
	v55 =	vshll.u32 v51, $0x7;
	[tilespmem:v22+s15+$0x0] =	vst.idx.msk $0xffff, v23;
	v23 =	vld.idx.msk [tilespmem:v56+s14+$0x0], $0xffff  }
0x18c: {  	v41 =	vor.u32 v12, v32;
	v46 =	vor.u32 v12, v35;
	v22 =	vadd.s32 v10, v55;
	v31 =	vld.idx.msk [tilespmem:v31+s14+$0x0], $0xffff  }
0x18d: {  	v28 =	vor.u32 v13, v51;
	v39 =	vshll.u32 v33, $0x7;
	v44 =	vor.u32 v12, v34  }
0x18e: {  	v37 =	vshll.u32 v24, $0x7;
	v39 =	vadd.s32 v10, v39;
	v40 =	vshll.u32 v52, $0x7;
	[tilespmem:v19+s15+$0x0] =	vst.idx.msk $0xffff, v17;
	v15 =	vld.idx.msk [tilespmem:v15+s14+$0x0], $0xffff  }
0x18f: {  	v57 =	vor.u32 $0x800, v37;
	v40 =	vadd.s32 v10, v40;
	v48 =	vshll.u32 v35, $0x7;
	[tilespmem:v30+s15+$0x0] =	vst.idx.msk $0xffff, v18;
	v17 =	vld.idx.msk [tilespmem:v53+s14+$0x0], $0xffff  }
0x190: {  	v43 =	vshll.u32 v25, $0x7;
	v60 =	vor.u32 $0x800, v48;
	v18 =	vadd.s32 v10, v57;
	[tilespmem:v42+s15+$0x0] =	vst.idx.msk $0xffff, v23;
	v36 =	vld.idx.msk [tilespmem:v36+s14+$0x0], $0xffff  }
0x191: {  	v45 =	vshll.u32 v32, $0x7;
	v58 =	vor.u32 $0x800, v43;
	v23 =	vadd.s32 v10, v60;
	[tilespmem:v22+s15+$0x0] =	vst.idx.msk $0xffff, v31;
	v61 =	vld.idx.msk [tilespmem:v46+s14+$0x0], $0xffff  }
0x192: {  	v47 =	vor.u32 $0x800, v45;
	v19 =	vor.u32 v13, v54;
	v31 =	vadd.s32 v10, v58;
	v38 =	vld.idx.msk [tilespmem:v38+s14+$0x0], $0xffff  }
0x193: {  	v21 =	vadd.s32 $0x1000, v21;
	v26 =	vld.idx.msk [tilespmem:v50+s14+$0x0], $0xffff;
	[tilespmem:v39+s15+$0x0] =	vst.idx.msk $0xffff, v15;
	v15 =	vadd.s32 v10, v47;
	v47 =	vshll.u32 v34, $0x7  }
0x194: {  	[tilespmem:v40+s15+$0x0] =	vst.idx.msk $0xffff, v17;
	v41 =	vld.idx.msk [tilespmem:v41+s14+$0x0], $0xffff;
	v59 =	vor.u32 $0x800, v47  }
0x195: {  	v33 =	vor.u32 v13, v33;
	v44 =	vld.idx.msk [tilespmem:v44+s14+$0x0], $0xffff;
	[tilespmem:v18+s15+$0x0] =	vst.idx.msk $0xffff, v36;
	v17 =	vadd.s32 v10, v59  }
0x196: {  	v63 =	vadd.s32 $0x1000, v30;
	v16 =	vor.u32 v13, v52;
	[tilespmem:v23+s15+$0x0] =	vst.idx.msk $0xffff, v61;
	v62 =	vld.idx.msk [tilespmem:v29+s14+$0x0], $0xffff  }
0x197: {  	v27 =	vor.u32 v14, v27;
	v51 =	vadd.s32 $0x1000, v42;
	[tilespmem:v31+s15+$0x0] =	vst.idx.msk $0xffff, v38;
	v19 =	vld.idx.msk [tilespmem:v19+s14+$0x0], $0xffff  }
0x198: {  	v20 =	vor.u32 $0x1800, v20;
	v53 =	vor.u32 v14, v35;
	[tilespmem:v21+s15+$0x0] =	vst.idx.msk $0xffff, v26;
	v22 =	vadd.s32 $0x1000, v22;
	v36 =	vld.idx.msk [tilespmem:v28+s14+$0x0], $0xffff  }
0x199: {  	v20 =	vadd.s32 v10, v20;
	v38 =	vor.u32 v14, v25;
	[tilespmem:v15+s15+$0x0] =	vst.idx.msk $0xffff, v41  }
0x19a: {  	v15 =	vor.u32 v14, v24;
	[tilespmem:v17+s15+$0x0] =	vst.idx.msk $0xffff, v44;
	v41 =	vld.idx.msk [tilespmem:v33+s14+$0x0], $0xffff;
	v44 =	vadd.s32 $0x1000, v39  }
0x19b: {  	v49 =	vadd.s32 $0x1000, v40;
	v46 =	vor.u32 v14, v32;
	[tilespmem:v63+s15+$0x0] =	vst.idx.msk $0xffff, v62;
	v16 =	vld.idx.msk [tilespmem:v16+s14+$0x0], $0xffff  }
0x19c: {  	v50 =	vor.u32 v14, v34;
	v27 =	vld.idx.msk [tilespmem:v27+s14+$0x0], $0xffff;
	[tilespmem:v51+s15+$0x0] =	vst.idx.msk $0xffff, v19;
	v62 =	vor.u32 $0x1800, v48  }
0x19d: {  	v55 =	vor.u32 $0x1800, v43;
	[tilespmem:v22+s15+$0x0] =	vst.idx.msk $0xffff, v36;
	v63 =	vld.idx.msk [tilespmem:v53+s14+$0x0], $0xffff;
	v23 =	vadd.s32 v10, v62  }
0x19e: {  	v52 =	vor.u32 $0x1800, v37;
	v24 =	vadd.s32 v10, v55;
	v17 =	vld.idx.msk [tilespmem:v38+s14+$0x0], $0xffff  }
0x19f: {  	v56 =	vor.u32 $0x1800, v45;
	v54 =	vadd.s32 v10, v52;
	v15 =	vld.idx.msk [tilespmem:v15+s14+$0x0], $0xffff;
	[tilespmem:v44+s15+$0x0] =	vst.idx.msk $0xffff, v41  }
0x1a0: {  	v58 =	vadd.s32 v10, v56;
	v59 =	vor.u32 $0x1800, v47;
	[tilespmem:v49+s15+$0x0] =	vst.idx.msk $0xffff, v16;
	v57 =	vld.idx.msk [tilespmem:v46+s14+$0x0], $0xffff  }
0x1a1: {  	p2 =	por p1, p1;
	[tilespmem:v20+s15+$0x0] =	vst.idx.msk $0xffff, v27;
	v61 =	vadd.s32 v10, v59;
	v60 =	vld.idx.msk [tilespmem:v50+s14+$0x0], $0xffff  }
.Ltmp2:
0x1a2: {  	[tilespmem:v23+s15+$0x0] =	vst.idx.msk $0xffff, v63;
	(pc) =	sbr.rel @p2 .LBB2_9-.Ltmp2, $4  }
0x1a3: {  	[tilespmem:v24+s15+$0x0] =	vst.idx.msk $0xffff, v17  }
0x1a4: {  	[tilespmem:v54+s15+$0x0] =	vst.idx.msk $0xffff, v15  }
0x1a5: {  	[tilespmem:v58+s15+$0x0] =	vst.idx.msk $0xffff, v57  }
0x1a6: {  	p1 =	por $0x0, $0x0;
	s9 =	simm.s32 $0x8;
	[tilespmem:v61+s15+$0x0] =	vst.idx.msk $0xffff, v60  }
0x1a7: {  	s7 =	sadd.s32 $0x1, s7  }
0x1a8: {  	p1 =	sne.s32 s7, $0x8  }
.Ltmp3:
0x1a9: {  	_ = 	snop;
	(pc) =	sbr.rel @p1 .LBB2_8-.Ltmp3, $1  }
0x1aa: {  	_ =	sdelay $0x3  }
0x1ab: {  	s7 =	sshll.u32 s3, $0x11  }
0x1ac: {  	s9 =	sadd.s32 s7, s5  }
0x1ad: {  	s9 =	sshrl.u32 s9, $0x3  }
0x1ae: {  	s9 =	sadd.s32 s8, s9  }
0x1af: {  	[hbm4b:s9+s30] =	stream.strided.scatter [tilespmem:s15], [sflag:$0x2], $0x2000, s31, s30, $0x38;
	[tilespmem:$0x1E400] =	vst v63  }
0x1b0: {  	s9 =	simm.s32 @!p0 $0x3  }
0x1b1: {  	_ =	swait.ge @!p0 [sflag:s9], $0x2000  }
0x1b2: {  	v8 =	vand.u32 $0x1C00, v8;
	[sflag:s9] =	ssyncset.done @!p0 $0x0  }
0x1b3: {  	v15 =	vbroadcast v8, $0x0;
	[sflag:s9] =	ssyncadd.s32 @!p0 $0xFFFFE000;
	s9 =	simm.s32 $0x0  }
.LBB2_12:
0x1b4: {  	s26 =	sshll.u32 s9, $0x4  }
0x1b5: {  	v16 =	vor.u32 s26, v0  }
0x1b6: {  	v9 =	vor.u32 $0x50, v2;
	v8 =	vshrl.u32 v16, $0x3  }
0x1b7: {  	v10 =	vor.u32 $0x60, v2;
	v11 =	vor.u32 $0x70, v2;
	v8 =	vmul.u32 $0x1800, v8  }
0x1b8: {  	v12 =	vor.u32 $0x800, v0;
	v13 =	vor.u32 $0x1000, v0;
	v14 =	vor.u32 $0x1800, v0  }
0x1b9: {  	v22 =	vor.u32 s26, v12;
	v17 =	vadd.s32 v15, v8;
	v8 =	vor.u32 $0x40, v2  }
0x1ba: {  	v23 =	vor.u32 s26, v13;
	v24 =	vor.u32 s26, v14;
	v18 =	vor.u32 v8, v17  }
0x1bb: {  	p0 =	por $0x1, $0x1;
	s26 =	simm.s32 $0x0;
	v19 =	vor.u32 v9, v17;
	v20 =	vor.u32 v10, v17;
	v21 =	vor.u32 v11, v17  }
.LBB2_13:
0x1bc: {  	s13 =	sor.u32 $0x1, s26  }
0x1bd: {  	v25 =	vadd.s32 s26, v0;
	v26 =	vadd.s32 s13, v0  }
0x1be: {  	v27 =	vand.u32 $0xF, v25;
	v26 =	vand.u32 $0xF, v26  }
0x1bf: {  	v28 =	vor.u32 v18, v27;
	v29 =	vor.u32 v17, v26  }
0x1c0: {  	v30 =	vor.u32 v8, v29;
	_ =	sdelay $0x2  }
0x1c1: {  	v31 =	vshll.u32 v27, $0x7  }
0x1c2: {  	v32 =	vor.u32 v16, v31;
	v26 =	vshll.u32 v26, $0x7;
	v28 =	vld.idx.msk [tilespmem:v28+s14+$0x0], $0xffff  }
0x1c3: {  	v33 =	vor.u32 v19, v25;
	v34 =	vor.u32 v16, v26;
	v30 =	vld.idx.msk [tilespmem:v30+s14+$0x0], $0xffff  }
0x1c4: {  	v35 =	vor.u32 v9, v29;
	_ =	sdelay $0x2  }
0x1c5: {  	v47 =	vshll.u32 v25, $0x7;
	[tilespmem:v32+s24+$0x0] =	vst.idx.msk $0xffff, v28  }
0x1c6: {  	v48 =	vor.u32 v47, v22;
	v32 =	vld.idx.msk [tilespmem:v33+s14+$0x0], $0xffff;
	[tilespmem:v34+s24+$0x0] =	vst.idx.msk $0xffff, v30  }
0x1c7: {  	v27 =	vor.u32 v20, v27;
	v49 =	vor.u32 v26, v22;
	v30 =	vld.idx.msk [tilespmem:v35+s14+$0x0], $0xffff  }
0x1c8: {  	v50 =	vor.u32 v10, v29;
	_ =	sdelay $0x2  }
0x1c9: {  	[tilespmem:v48+s24+$0x0] =	vst.idx.msk $0xffff, v32  }
0x1ca: {  	v31 =	vor.u32 v31, v23;
	v27 =	vld.idx.msk [tilespmem:v27+s14+$0x0], $0xffff;
	[tilespmem:v49+s24+$0x0] =	vst.idx.msk $0xffff, v30  }
0x1cb: {  	v25 =	vor.u32 v21, v25;
	s13 =	sor.u32 $0x2, s26;
	v51 =	vor.u32 v26, v23;
	v30 =	vld.idx.msk [tilespmem:v50+s14+$0x0], $0xffff  }
0x1cc: {  	v52 =	vadd.s32 s13, v0;
	s13 =	sor.u32 $0x3, s26;
	v29 =	vor.u32 v11, v29  }
0x1cd: {  	v53 =	vadd.s32 s13, v0;
	s13 =	sor.u32 $0x4, s26  }
0x1ce: {  	v54 =	vadd.s32 s13, v0;
	s13 =	sor.u32 $0x5, s26  }
0x1cf: {  	v26 =	vor.u32 v26, v24;
	v37 =	vadd.s32 s13, v0;
	[tilespmem:v31+s24+$0x0] =	vst.idx.msk $0xffff, v27  }
0x1d0: {  	s13 =	sor.u32 $0x6, s26;
	v37 =	vand.u32 $0xF, v37;
	v28 =	vor.u32 v47, v24;
	v27 =	vand.u32 $0xF, v52;
	v25 =	vld.idx.msk [tilespmem:v25+s14+$0x0], $0xffff;
	[tilespmem:v51+s24+$0x0] =	vst.idx.msk $0xffff, v30  }
0x1d1: {  	v39 =	vadd.s32 s13, v0;
	v31 =	vand.u32 $0xF, v53;
	v30 =	vor.u32 v17, v27;
	v29 =	vld.idx.msk [tilespmem:v29+s14+$0x0], $0xffff  }
0x1d2: {  	s26 =	sor.u32 $0x7, s26;
	v32 =	vand.u32 $0xF, v54;
	v34 =	vor.u32 v17, v31;
	v55 =	vor.u32 v8, v30  }
0x1d3: {  	v41 =	vadd.s32 s26, v0;
	v36 =	vor.u32 v17, v32;
	v56 =	vor.u32 v8, v34  }
0x1d4: {  	v40 =	vor.u32 v17, v37;
	v39 =	vand.u32 $0xF, v39;
	v38 =	vor.u32 v8, v36  }
0x1d5: {  	v41 =	vand.u32 $0xF, v41;
	[tilespmem:v28+s24+$0x0] =	vst.idx.msk $0xffff, v25;
	v25 =	vor.u32 v8, v40;
	v28 =	vor.u32 v17, v39  }
0x1d6: {  	[tilespmem:v26+s24+$0x0] =	vst.idx.msk $0xffff, v29;
	v26 =	vshll.u32 v27, $0x7;
	v27 =	vor.u32 v8, v28;
	v29 =	vor.u32 v17, v41  }
0x1d7: {  	v31 =	vshll.u32 v31, $0x7;
	v33 =	vld.idx.msk [tilespmem:v55+s14+$0x0], $0xffff;
	v42 =	vor.u32 v16, v26;
	v43 =	vor.u32 v8, v29  }
0x1d8: {  	v32 =	vshll.u32 v32, $0x7;
	v45 =	vor.u32 v16, v31;
	v44 =	vor.u32 v9, v30;
	v35 =	vld.idx.msk [tilespmem:v56+s14+$0x0], $0xffff  }
0x1d9: {  	v37 =	vshll.u32 v37, $0x7;
	v47 =	vor.u32 v16, v32;
	v38 =	vld.idx.msk [tilespmem:v38+s14+$0x0], $0xffff;
	v46 =	vor.u32 v9, v34  }
0x1da: {  	v48 =	vor.u32 v9, v36;
	v49 =	vor.u32 v16, v37;
	v39 =	vshll.u32 v39, $0x7;
	v25 =	vld.idx.msk [tilespmem:v25+s14+$0x0], $0xffff  }
0x1db: {  	v50 =	vor.u32 v9, v40;
	v51 =	vor.u32 v16, v39;
	v41 =	vshll.u32 v41, $0x7;
	v27 =	vld.idx.msk [tilespmem:v27+s14+$0x0], $0xffff  }
0x1dc: {  	v57 =	vor.u32 v9, v28;
	v59 =	vor.u32 v16, v41;
	[tilespmem:v42+s24+$0x0] =	vst.idx.msk $0xffff, v33;
	v58 =	vld.idx.msk [tilespmem:v43+s14+$0x0], $0xffff  }
0x1dd: {  	v60 =	vor.u32 v26, v22;
	v61 =	vor.u32 v9, v29;
	[tilespmem:v45+s24+$0x0] =	vst.idx.msk $0xffff, v35;
	v44 =	vld.idx.msk [tilespmem:v44+s14+$0x0], $0xffff  }
0x1de: {  	v63 =	vor.u32 v31, v22;
	v62 =	vor.u32 v10, v30;
	[tilespmem:v47+s24+$0x0] =	vst.idx.msk $0xffff, v38;
	v46 =	vld.idx.msk [tilespmem:v46+s14+$0x0], $0xffff  }
0x1df: {  	v54 =	vor.u32 v32, v22;
	v48 =	vld.idx.msk [tilespmem:v48+s14+$0x0], $0xffff;
	[tilespmem:v49+s24+$0x0] =	vst.idx.msk $0xffff, v25;
	v25 =	vor.u32 v10, v34  }
0x1e0: {  	v55 =	vor.u32 v37, v22;
	v50 =	vld.idx.msk [tilespmem:v50+s14+$0x0], $0xffff;
	[tilespmem:v51+s24+$0x0] =	vst.idx.msk $0xffff, v27;
	v27 =	vor.u32 v10, v36  }
0x1e1: {  	v56 =	vor.u32 v10, v40;
	[tilespmem:v59+s24+$0x0] =	vst.idx.msk $0xffff, v58;
	v33 =	vld.idx.msk [tilespmem:v57+s14+$0x0], $0xffff;
	v57 =	vor.u32 v39, v22  }
0x1e2: {  	v58 =	vor.u32 v10, v28;
	[tilespmem:v60+s24+$0x0] =	vst.idx.msk $0xffff, v44;
	v59 =	vld.idx.msk [tilespmem:v61+s14+$0x0], $0xffff;
	v60 =	vor.u32 v41, v22  }
0x1e3: {  	[tilespmem:v63+s24+$0x0] =	vst.idx.msk $0xffff, v46;
	v61 =	vor.u32 v26, v23;
	v38 =	vld.idx.msk [tilespmem:v62+s14+$0x0], $0xffff;
	v62 =	vor.u32 v10, v29  }
0x1e4: {  	v30 =	vor.u32 v11, v30;
	[tilespmem:v54+s24+$0x0] =	vst.idx.msk $0xffff, v48;
	v63 =	vor.u32 v31, v23;
	v25 =	vld.idx.msk [tilespmem:v25+s14+$0x0], $0xffff  }
0x1e5: {  	v52 =	vor.u32 v32, v23;
	v34 =	vor.u32 v11, v34;
	[tilespmem:v55+s24+$0x0] =	vst.idx.msk $0xffff, v50;
	v27 =	vld.idx.msk [tilespmem:v27+s14+$0x0], $0xffff  }
0x1e6: {  	v53 =	vor.u32 v11, v36;
	v55 =	vor.u32 v37, v23;
	v54 =	vld.idx.msk [tilespmem:v56+s14+$0x0], $0xffff;
	[tilespmem:v57+s24+$0x0] =	vst.idx.msk $0xffff, v33  }
0x1e7: {  	v40 =	vor.u32 v11, v40;
	v56 =	vor.u32 v39, v23;
	[tilespmem:v60+s24+$0x0] =	vst.idx.msk $0xffff, v59;
	v35 =	vld.idx.msk [tilespmem:v58+s14+$0x0], $0xffff  }
0x1e8: {  	v28 =	vor.u32 v11, v28;
	v58 =	vor.u32 v41, v23;
	[tilespmem:v61+s24+$0x0] =	vst.idx.msk $0xffff, v38;
	v57 =	vld.idx.msk [tilespmem:v62+s14+$0x0], $0xffff  }
0x1e9: {  	v26 =	vor.u32 v26, v24;
	v29 =	vor.u32 v11, v29;
	[tilespmem:v63+s24+$0x0] =	vst.idx.msk $0xffff, v25;
	v25 =	vld.idx.msk [tilespmem:v30+s14+$0x0], $0xffff  }
0x1ea: {  	v59 =	vor.u32 v31, v24;
	[tilespmem:v52+s24+$0x0] =	vst.idx.msk $0xffff, v27;
	v27 =	vld.idx.msk [tilespmem:v34+s14+$0x0], $0xffff  }
0x1eb: {  	v32 =	vor.u32 v32, v24;
	[tilespmem:v55+s24+$0x0] =	vst.idx.msk $0xffff, v54;
	v60 =	vld.idx.msk [tilespmem:v53+s14+$0x0], $0xffff  }
0x1ec: {  	v62 =	vor.u32 v37, v24;
	v61 =	vld.idx.msk [tilespmem:v40+s14+$0x0], $0xffff;
	[tilespmem:v56+s24+$0x0] =	vst.idx.msk $0xffff, v35  }
0x1ed: {  	v63 =	vor.u32 v39, v24;
	[tilespmem:v58+s24+$0x0] =	vst.idx.msk $0xffff, v57;
	v28 =	vld.idx.msk [tilespmem:v28+s14+$0x0], $0xffff  }
0x1ee: {  	p1 =	por p0, p0;
	[tilespmem:v26+s24+$0x0] =	vst.idx.msk $0xffff, v25;
	v25 =	vld.idx.msk [tilespmem:v29+s14+$0x0], $0xffff;
	v26 =	vor.u32 v41, v24  }
.Ltmp4:
0x1ef: {  	[tilespmem:v59+s24+$0x0] =	vst.idx.msk $0xffff, v27;
	(pc) =	sbr.rel @p1 .LBB2_13-.Ltmp4, $4  }
0x1f0: {  	[tilespmem:v32+s24+$0x0] =	vst.idx.msk $0xffff, v60  }
0x1f1: {  	[tilespmem:v62+s24+$0x0] =	vst.idx.msk $0xffff, v61  }
0x1f2: {  	[tilespmem:v63+s24+$0x0] =	vst.idx.msk $0xffff, v28  }
0x1f3: {  	p0 =	por $0x0, $0x0;
	s26 =	simm.s32 $0x8;
	[tilespmem:v26+s24+$0x0] =	vst.idx.msk $0xffff, v25  }
0x1f4: {  	s9 =	sadd.s32 $0x1, s9  }
0x1f5: {  	p0 =	sne.s32 s9, $0x8  }
.Ltmp5:
0x1f6: {  	_ = 	snop;
	(pc) =	sbr.rel @p0 .LBB2_12-.Ltmp5, $1  }
0x1f7: {  	_ =	sdelay $0x3  }
0x1f8: {  	s3 =	sadd.s32 $0x1, s3  }
0x1f9: {  	p0 =	sne.s32 s3, $0x6  }
.Ltmp6:
0x1fa: {  	_ = 	snop;
	(pc) =	sbr.rel @p0 .LBB2_7-.Ltmp6, $4  }
0x1fb: {  	s7 =	sadd.s32 s7, s6  }
0x1fc: {  	s7 =	sshrl.u32 s7, $0x3  }
0x1fd: {  	s7 =	sadd.s32 s8, s7  }
0x1fe: {  	[hbm4b:s7+s30] =	stream.strided.scatter [tilespmem:s24], [sflag:$0x3], $0x2000, s31, s30, $0x38;
	[tilespmem:$0x1E400] =	vst v63  }
0x1ff: {  	s3 =	simm.s32 $0x2  }
0x200: {  	_ =	swait.ge [sflag:s3], $0x2000  }
0x201: {  	[sflag:s3] =	ssyncset.done $0x0  }
0x202: {  	s6 =	simm.s32 $0x3;
	[sflag:s3] =	ssyncadd.s32 $0xFFFFE000  }
0x203: {  	_ =	swait.ge [sflag:s6], $0x2000  }
0x204: {  	[sflag:s6] =	ssyncset.done $0x0  }
0x205: {  	[sflag:s6] =	ssyncadd.s32 $0xFFFFE000  }
0x206: {  	v15 =	vld [tilespmem:s0+$0x0];
	_ =	sdelay $0x4  }
0x207: {  	v16 =	vshrl.u32 v15, $0x3  }
0x208: {  	v16 =	vmul.u32 $0x30, v16  }
0x209: {  	v15 =	vand.u32 $0x7, v15  }
0x20a: {  	v15 =	vor.u32 v15, v16  }
0x20b: {  	v16 =	vperm.xlane v15, v1;
	_ =	sdelay $0x1  }
0x20c: {  	v16 =	vadd.s32 v3, v16;
	_ =	sdelay $0x3  }
0x20d: {  	s3 =	simm.s32 $0x0;
	s5 =	rddreg [dreg:$0x4];
	v15 =	vperm.xlane v15, v4  }
0x20e: {  	[tilespmem:s14], [sflag:$0x1] =	stream.indirect_vreg.gather [hbm4b:s5+s3], $0x80, v16, vm1, $0xb8;
	[tilespmem:$0x1E400] =	vst v63  }
0x20f: {  	s6 =	simm.s32 $0x2C00;
	v15 =	vadd.s32 v3, v15  }
0x210: {  	[tilespmem:s6], [sflag:$0x1] =	stream.indirect_vreg.gather [hbm4b:s22+s3], $0x80, v16, vm1, $0xb8;
	[tilespmem:$0x1E400] =	vst v63  }
0x211: {  	s7 =	simm.s32 $0x3400  }
0x212: {  	[tilespmem:s7], [sflag:$0x1] =	stream.indirect_vreg.gather [hbm4b:s23+s3], $0x80, v16, vm1, $0xb8;
	[tilespmem:$0x1E400] =	vst v63  }
0x213: {  	s9 =	simm.s32 $0x3C00  }
0x214: {  	[tilespmem:s9], [sflag:$0x1] =	stream.indirect_vreg.gather [hbm4b:s5+s3], $0x80, v15, vm1, $0xb8;
	[tilespmem:$0x1E400] =	vst v63  }
0x215: {  	s13 =	simm.s32 $0x4400  }
0x216: {  	[tilespmem:s13], [sflag:$0x1] =	stream.indirect_vreg.gather [hbm4b:s22+s3], $0x80, v15, vm1, $0xb8;
	[tilespmem:$0x1E400] =	vst v63  }
0x217: {  	s26 =	simm.s32 $0x4C00  }
0x218: {  	[tilespmem:s26], [sflag:$0x1] =	stream.indirect_vreg.gather [hbm4b:s23+s3], $0x80, v15, vm1, $0xb8;
	[tilespmem:$0x1E400] =	vst v63  }
0x219: {  	v15 =	vld [tilespmem:s0+$0x10];
	_ =	sdelay $0x4  }
0x21a: {  	v57 =	vshrl.u32 v15, $0x3  }
0x21b: {  	v16 =	vmul.u32 $0x30, v57  }
0x21c: {  	v15 =	vand.u32 $0x7, v15  }
0x21d: {  	v15 =	vor.u32 v15, v16  }
0x21e: {  	v16 =	vperm.xlane v15, v1;
	_ =	sdelay $0x1  }
0x21f: {  	v16 =	vadd.s32 v3, v16;
	_ =	sdelay $0x3  }
0x220: {  	s7 =	simm.s32 $0x5400;
	v15 =	vperm.xlane v15, v4  }
0x221: {  	[tilespmem:s7], [sflag:$0x1] =	stream.indirect_vreg.gather [hbm4b:s5+s3], $0x80, v16, vm1, $0xb8;
	[tilespmem:$0x1E400] =	vst v63  }
0x222: {  	s9 =	simm.s32 $0x5C00;
	v15 =	vadd.s32 v3, v15  }
0x223: {  	[tilespmem:s9], [sflag:$0x1] =	stream.indirect_vreg.gather [hbm4b:s22+s3], $0x80, v16, vm1, $0xb8;
	[tilespmem:$0x1E400] =	vst v63  }
0x224: {  	s13 =	simm.s32 $0x6400  }
0x225: {  	[tilespmem:s13], [sflag:$0x1] =	stream.indirect_vreg.gather [hbm4b:s23+s3], $0x80, v16, vm1, $0xb8;
	[tilespmem:$0x1E400] =	vst v63  }
0x226: {  	s26 =	simm.s32 $0x6C00  }
0x227: {  	[tilespmem:s26], [sflag:$0x1] =	stream.indirect_vreg.gather [hbm4b:s5+s3], $0x80, v15, vm1, $0xb8;
	[tilespmem:$0x1E400] =	vst v63  }
0x228: {  	s7 =	simm.s32 $0x7400  }
0x229: {  	[tilespmem:s7], [sflag:$0x1] =	stream.indirect_vreg.gather [hbm4b:s22+s3], $0x80, v15, vm1, $0xb8;
	[tilespmem:$0x1E400] =	vst v63  }
0x22a: {  	s9 =	simm.s32 $0x7C00  }
0x22b: {  	[tilespmem:s9], [sflag:$0x1] =	stream.indirect_vreg.gather [hbm4b:s23+s3], $0x80, v15, vm1, $0xb8;
	[tilespmem:$0x1E400] =	vst v63  }
0x22c: {  	v15 =	vld [tilespmem:s0+$0x20];
	_ =	sdelay $0x4  }
0x22d: {  	v58 =	vshrl.u32 v15, $0x3  }
0x22e: {  	v16 =	vmul.u32 $0x30, v58  }
0x22f: {  	v15 =	vand.u32 $0x7, v15  }
0x230: {  	v15 =	vor.u32 v15, v16  }
0x231: {  	v16 =	vperm.xlane v15, v1;
	_ =	sdelay $0x1  }
0x232: {  	v16 =	vadd.s32 v3, v16;
	_ =	sdelay $0x3  }
0x233: {  	s13 =	simm.s32 $0x8400;
	v15 =	vperm.xlane v15, v4  }
0x234: {  	[tilespmem:s13], [sflag:$0x1] =	stream.indirect_vreg.gather [hbm4b:s5+s3], $0x80, v16, vm1, $0xb8;
	[tilespmem:$0x1E400] =	vst v63  }
0x235: {  	s26 =	simm.s32 $0x8C00;
	v15 =	vadd.s32 v3, v15  }
0x236: {  	[tilespmem:s26], [sflag:$0x1] =	stream.indirect_vreg.gather [hbm4b:s22+s3], $0x80, v16, vm1, $0xb8;
	[tilespmem:$0x1E400] =	vst v63  }
0x237: {  	s7 =	simm.s32 $0x9400  }
0x238: {  	[tilespmem:s7], [sflag:$0x1] =	stream.indirect_vreg.gather [hbm4b:s23+s3], $0x80, v16, vm1, $0xb8;
	[tilespmem:$0x1E400] =	vst v63  }
0x239: {  	s9 =	simm.s32 $0x9C00  }
0x23a: {  	[tilespmem:s9], [sflag:$0x1] =	stream.indirect_vreg.gather [hbm4b:s5+s3], $0x80, v15, vm1, $0xb8;
	[tilespmem:$0x1E400] =	vst v63  }
0x23b: {  	s13 =	simm.s32 $0xA400  }
0x23c: {  	[tilespmem:s13], [sflag:$0x1] =	stream.indirect_vreg.gather [hbm4b:s22+s3], $0x80, v15, vm1, $0xb8;
	[tilespmem:$0x1E400] =	vst v63  }
0x23d: {  	s26 =	simm.s32 $0xAC00  }
0x23e: {  	[tilespmem:s26], [sflag:$0x1] =	stream.indirect_vreg.gather [hbm4b:s23+s3], $0x80, v15, vm1, $0xb8;
	[tilespmem:$0x1E400] =	vst v63  }
0x23f: {  	v15 =	vld [tilespmem:s0+$0x30];
	_ =	sdelay $0x4  }
0x240: {  	v59 =	vshrl.u32 v15, $0x3  }
0x241: {  	v16 =	vmul.u32 $0x30, v59  }
0x242: {  	v15 =	vand.u32 $0x7, v15  }
0x243: {  	v15 =	vor.u32 v15, v16  }
0x244: {  	v16 =	vperm.xlane v15, v1;
	_ =	sdelay $0x1  }
0x245: {  	v16 =	vadd.s32 v3, v16;
	_ =	sdelay $0x3  }
0x246: {  	s7 =	simm.s32 $0xB400;
	v15 =	vperm.xlane v15, v4  }
0x247: {  	[tilespmem:s7], [sflag:$0x1] =	stream.indirect_vreg.gather [hbm4b:s5+s3], $0x80, v16, vm1, $0xb8;
	[tilespmem:$0x1E400] =	vst v63  }
0x248: {  	s9 =	simm.s32 $0xBC00;
	v15 =	vadd.s32 v3, v15  }
0x249: {  	[tilespmem:s9], [sflag:$0x1] =	stream.indirect_vreg.gather [hbm4b:s22+s3], $0x80, v16, vm1, $0xb8;
	[tilespmem:$0x1E400] =	vst v63  }
0x24a: {  	s13 =	simm.s32 $0xC400  }
0x24b: {  	[tilespmem:s13], [sflag:$0x1] =	stream.indirect_vreg.gather [hbm4b:s23+s3], $0x80, v16, vm1, $0xb8;
	[tilespmem:$0x1E400] =	vst v63  }
0x24c: {  	s26 =	simm.s32 $0xCC00  }
0x24d: {  	[tilespmem:s26], [sflag:$0x1] =	stream.indirect_vreg.gather [hbm4b:s5+s3], $0x80, v15, vm1, $0xb8;
	[tilespmem:$0x1E400] =	vst v63  }
0x24e: {  	s7 =	simm.s32 $0xD400  }
0x24f: {  	[tilespmem:s7], [sflag:$0x1] =	stream.indirect_vreg.gather [hbm4b:s22+s3], $0x80, v15, vm1, $0xb8;
	[tilespmem:$0x1E400] =	vst v63  }
0x250: {  	s9 =	simm.s32 $0xDC00  }
0x251: {  	[tilespmem:s9], [sflag:$0x1] =	stream.indirect_vreg.gather [hbm4b:s23+s3], $0x80, v15, vm1, $0xb8;
	[tilespmem:$0x1E400] =	vst v63  }
0x252: {  	v15 =	vld [tilespmem:s0+$0x40];
	_ =	sdelay $0x4  }
0x253: {  	v60 =	vshrl.u32 v15, $0x3  }
0x254: {  	v16 =	vmul.u32 $0x30, v60  }
0x255: {  	v15 =	vand.u32 $0x7, v15  }
0x256: {  	v15 =	vor.u32 v15, v16  }
0x257: {  	v16 =	vperm.xlane v15, v1;
	_ =	sdelay $0x1  }
0x258: {  	v16 =	vadd.s32 v3, v16;
	_ =	sdelay $0x3  }
0x259: {  	s13 =	simm.s32 $0xE400;
	v15 =	vperm.xlane v15, v4  }
0x25a: {  	[tilespmem:s13], [sflag:$0x1] =	stream.indirect_vreg.gather [hbm4b:s5+s3], $0x80, v16, vm1, $0xb8;
	[tilespmem:$0x1E400] =	vst v63  }
0x25b: {  	s26 =	simm.s32 $0xEC00;
	v15 =	vadd.s32 v3, v15  }
0x25c: {  	[tilespmem:s26], [sflag:$0x1] =	stream.indirect_vreg.gather [hbm4b:s22+s3], $0x80, v16, vm1, $0xb8;
	[tilespmem:$0x1E400] =	vst v63  }
0x25d: {  	s7 =	simm.s32 $0xF400  }
0x25e: {  	[tilespmem:s7], [sflag:$0x1] =	stream.indirect_vreg.gather [hbm4b:s23+s3], $0x80, v16, vm1, $0xb8;
	[tilespmem:$0x1E400] =	vst v63  }
0x25f: {  	s9 =	simm.s32 $0xFC00  }
0x260: {  	[tilespmem:s9], [sflag:$0x1] =	stream.indirect_vreg.gather [hbm4b:s5+s3], $0x80, v15, vm1, $0xb8;
	[tilespmem:$0x1E400] =	vst v63  }
0x261: {  	s13 =	simm.s32 $0x10400  }
0x262: {  	[tilespmem:s13], [sflag:$0x1] =	stream.indirect_vreg.gather [hbm4b:s22+s3], $0x80, v15, vm1, $0xb8;
	[tilespmem:$0x1E400] =	vst v63  }
0x263: {  	s26 =	simm.s32 $0x10C00  }
0x264: {  	[tilespmem:s26], [sflag:$0x1] =	stream.indirect_vreg.gather [hbm4b:s23+s3], $0x80, v15, vm1, $0xb8;
	[tilespmem:$0x1E400] =	vst v63  }
0x265: {  	v15 =	vld [tilespmem:s0+$0x50];
	_ =	sdelay $0x4  }
0x266: {  	v61 =	vshrl.u32 v15, $0x3  }
0x267: {  	v16 =	vmul.u32 $0x30, v61  }
0x268: {  	v15 =	vand.u32 $0x7, v15  }
0x269: {  	v15 =	vor.u32 v15, v16  }
0x26a: {  	v16 =	vperm.xlane v15, v1;
	_ =	sdelay $0x1  }
0x26b: {  	v16 =	vadd.s32 v3, v16;
	_ =	sdelay $0x3  }
0x26c: {  	s7 =	simm.s32 $0x11400;
	v15 =	vperm.xlane v15, v4  }
0x26d: {  	[tilespmem:s7], [sflag:$0x1] =	stream.indirect_vreg.gather [hbm4b:s5+s3], $0x80, v16, vm1, $0xb8;
	[tilespmem:$0x1E400] =	vst v63  }
0x26e: {  	s9 =	simm.s32 $0x11C00;
	v15 =	vadd.s32 v3, v15  }
0x26f: {  	[tilespmem:s9], [sflag:$0x1] =	stream.indirect_vreg.gather [hbm4b:s22+s3], $0x80, v16, vm1, $0xb8;
	[tilespmem:$0x1E400] =	vst v63  }
0x270: {  	s13 =	simm.s32 $0x12400  }
0x271: {  	[tilespmem:s13], [sflag:$0x1] =	stream.indirect_vreg.gather [hbm4b:s23+s3], $0x80, v16, vm1, $0xb8;
	[tilespmem:$0x1E400] =	vst v63  }
0x272: {  	s26 =	simm.s32 $0x12C00  }
0x273: {  	[tilespmem:s26], [sflag:$0x1] =	stream.indirect_vreg.gather [hbm4b:s5+s3], $0x80, v15, vm1, $0xb8;
	[tilespmem:$0x1E400] =	vst v63  }
0x274: {  	s7 =	simm.s32 $0x13400  }
0x275: {  	[tilespmem:s7], [sflag:$0x1] =	stream.indirect_vreg.gather [hbm4b:s22+s3], $0x80, v15, vm1, $0xb8;
	[tilespmem:$0x1E400] =	vst v63  }
0x276: {  	s9 =	simm.s32 $0x13C00  }
0x277: {  	[tilespmem:s9], [sflag:$0x1] =	stream.indirect_vreg.gather [hbm4b:s23+s3], $0x80, v15, vm1, $0xb8;
	[tilespmem:$0x1E400] =	vst v63  }
0x278: {  	v15 =	vld [tilespmem:s0+$0x60];
	_ =	sdelay $0x4  }
0x279: {  	v62 =	vshrl.u32 v15, $0x3  }
0x27a: {  	v16 =	vmul.u32 $0x30, v62  }
0x27b: {  	v15 =	vand.u32 $0x7, v15  }
0x27c: {  	v15 =	vor.u32 v15, v16  }
0x27d: {  	v16 =	vperm.xlane v15, v1;
	_ =	sdelay $0x1  }
0x27e: {  	v16 =	vadd.s32 v3, v16;
	_ =	sdelay $0x3  }
0x27f: {  	s13 =	simm.s32 $0x14400;
	v15 =	vperm.xlane v15, v4  }
0x280: {  	[tilespmem:s13], [sflag:$0x1] =	stream.indirect_vreg.gather [hbm4b:s5+s3], $0x80, v16, vm1, $0xb8;
	[tilespmem:$0x1E400] =	vst v63  }
0x281: {  	s26 =	simm.s32 $0x14C00;
	v15 =	vadd.s32 v3, v15  }
0x282: {  	[tilespmem:s26], [sflag:$0x1] =	stream.indirect_vreg.gather [hbm4b:s22+s3], $0x80, v16, vm1, $0xb8;
	[tilespmem:$0x1E400] =	vst v63  }
0x283: {  	s7 =	simm.s32 $0x15400  }
0x284: {  	[tilespmem:s7], [sflag:$0x1] =	stream.indirect_vreg.gather [hbm4b:s23+s3], $0x80, v16, vm1, $0xb8;
	[tilespmem:$0x1E400] =	vst v63  }
0x285: {  	s9 =	simm.s32 $0x15C00  }
0x286: {  	[tilespmem:s9], [sflag:$0x1] =	stream.indirect_vreg.gather [hbm4b:s5+s3], $0x80, v15, vm1, $0xb8;
	[tilespmem:$0x1E400] =	vst v63  }
0x287: {  	s13 =	simm.s32 $0x16400  }
0x288: {  	[tilespmem:s13], [sflag:$0x1] =	stream.indirect_vreg.gather [hbm4b:s22+s3], $0x80, v15, vm1, $0xb8;
	[tilespmem:$0x1E400] =	vst v63  }
0x289: {  	s26 =	simm.s32 $0x16C00  }
0x28a: {  	[tilespmem:s26], [sflag:$0x1] =	stream.indirect_vreg.gather [hbm4b:s23+s3], $0x80, v15, vm1, $0xb8;
	[tilespmem:$0x1E400] =	vst v63  }
0x28b: {  	v15 =	vld [tilespmem:s0+$0x70];
	_ =	sdelay $0x4  }
0x28c: {  	v63 =	vshrl.u32 v15, $0x3  }
0x28d: {  	v16 =	vmul.u32 $0x30, v63  }
0x28e: {  	v15 =	vand.u32 $0x7, v15  }
0x28f: {  	v15 =	vor.u32 v15, v16  }
0x290: {  	v16 =	vperm.xlane v15, v1;
	_ =	sdelay $0x1  }
0x291: {  	v16 =	vadd.s32 v3, v16;
	_ =	sdelay $0x3  }
0x292: {  	s7 =	simm.s32 $0x17400;
	v15 =	vperm.xlane v15, v4  }
0x293: {  	[tilespmem:s7], [sflag:$0x1] =	stream.indirect_vreg.gather [hbm4b:s5+s3], $0x80, v16, vm1, $0xb8;
	[tilespmem:$0x1E400] =	vst v63  }
0x294: {  	s9 =	simm.s32 $0x17C00;
	v15 =	vadd.s32 v3, v15  }
0x295: {  	[tilespmem:s9], [sflag:$0x1] =	stream.indirect_vreg.gather [hbm4b:s22+s3], $0x80, v16, vm1, $0xb8;
	[tilespmem:$0x1E400] =	vst v63  }
0x296: {  	s13 =	simm.s32 $0x18400  }
0x297: {  	[tilespmem:s13], [sflag:$0x1] =	stream.indirect_vreg.gather [hbm4b:s23+s3], $0x80, v16, vm1, $0xb8;
	[tilespmem:$0x1E400] =	vst v63  }
0x298: {  	s26 =	simm.s32 $0x18C00  }
0x299: {  	[tilespmem:s26], [sflag:$0x1] =	stream.indirect_vreg.gather [hbm4b:s5+s3], $0x80, v15, vm1, $0xb8;
	[tilespmem:$0x1E400] =	vst v63  }
0x29a: {  	s7 =	simm.s32 $0x19400  }
0x29b: {  	[tilespmem:s7], [sflag:$0x1] =	stream.indirect_vreg.gather [hbm4b:s22+s3], $0x80, v15, vm1, $0xb8;
	[tilespmem:$0x1E400] =	vst v63  }
0x29c: {  	s9 =	simm.s32 $0x19C00  }
0x29d: {  	[tilespmem:s9], [sflag:$0x1] =	stream.indirect_vreg.gather [hbm4b:s23+s3], $0x80, v15, vm1, $0xb8;
	[tilespmem:$0x1E400] =	vst v63  }
0x29e: {  	_ =	swait.ge [sflag:s25], $0x18000  }
0x29f: {  	s13 =	rddreg [dreg:$0x10]  }
0x2a0: {  	[sflag:s25] =	ssyncset.done $0x0;
	s26 =	rddreg [dreg:$0x12]  }
0x2a1: {  	[sflag:s25] =	ssyncadd.s32 $0xFFFE8000;
	s5 =	sadd.s32 s1, s13;
	s6 =	sadd.s32 s1, s26  }
.LBB2_17:
0x2a2: {  	s7 =	sshll.u32 s3, $0x7  }
0x2a3: {  	p0 =	seq.s32 s3, $0x0;
	v15 =	vmov s7  }
0x2a4: {  	s7 =	simm.s32 @!p0 $0x2;
	v15 =	vshll.u32 v15, $0x3  }
0x2a5: {  	_ =	swait.ge @!p0 [sflag:s7], $0x2000;
	v16 =	vbroadcast v15, $0x0  }
0x2a6: {  	[sflag:s7] =	ssyncset.done @!p0 $0x0  }
0x2a7: {  	[sflag:s7] =	ssyncadd.s32 @!p0 $0xFFFFE000;
	s7 =	simm.s32 $0x0;
	v16 =	vor.u32 v2, v16  }
.LBB2_18:
0x2a8: {  	s9 =	sshll.u32 s7, $0x4  }
0x2a9: {  	v17 =	vor.u32 s9, v0  }
0x2aa: {  	v18 =	vshrl.u32 v17, $0x3  }
0x2ab: {  	v18 =	vmul.u32 $0x1800, v18;
	_ =	sdelay $0x1  }
0x2ac: {  	v18 =	vadd.s32 v16, v18  }
0x2ad: {  	p1 =	por $0x1, $0x1;
	s9 =	simm.s32 $0x0;
	v19 =	vor.u32 $0x10, v18;
	v20 =	vor.u32 $0x20, v18;
	v21 =	vor.u32 $0x30, v18  }
.LBB2_19:
0x2ae: {  	v22 =	vadd.s32 s9, v0  }
0x2af: {  	v23 =	vand.u32 $0xF, v22  }
0x2b0: {  	v25 =	vor.u32 v18, v23  }
0x2b1: {  	s13 =	sor.u32 $0x1, s9  }
0x2b2: {  	v24 =	vadd.s32 s13, v0  }
0x2b3: {  	v26 =	vand.u32 $0xF, v24  }
0x2b4: {  	v28 =	vshll.u32 v23, $0x7;
	v27 =	vor.u32 v18, v26  }
0x2b5: {  	v28 =	vadd.s32 v17, v28;
	v25 =	vld.idx.msk [tilespmem:v25+s14+$0x0], $0xffff  }
0x2b6: {  	v30 =	vor.u32 v19, v22;
	_ =	sdelay $0x1  }
0x2b7: {  	v29 =	vshll.u32 v26, $0x7  }
0x2b8: {  	v32 =	vshll.u32 v22, $0x7;
	v29 =	vadd.s32 v17, v29;
	v27 =	vld.idx.msk [tilespmem:v27+s14+$0x0], $0xffff  }
0x2b9: {  	v31 =	vor.u32 v19, v24;
	v50 =	vor.u32 $0x800, v32;
	[tilespmem:v28+s15+$0x0] =	vst.idx.msk $0xffff, v25  }
0x2ba: {  	s26 =	sor.u32 $0x2, s9;
	v25 =	vadd.s32 v17, v50;
	v30 =	vld.idx.msk [tilespmem:v30+s14+$0x0], $0xffff  }
0x2bb: {  	v34 =	vadd.s32 s26, v0;
	v23 =	vor.u32 v20, v23  }
0x2bc: {  	v33 =	vshll.u32 v24, $0x7;
	v35 =	vand.u32 $0xF, v34  }
0x2bd: {  	v51 =	vor.u32 $0x800, v33;
	v36 =	vor.u32 v18, v35;
	[tilespmem:v29+s15+$0x0] =	vst.idx.msk $0xffff, v27  }
0x2be: {  	v27 =	vadd.s32 v17, v51;
	v31 =	vld.idx.msk [tilespmem:v31+s14+$0x0], $0xffff  }
0x2bf: {  	[tilespmem:v25+s15+$0x0] =	vst.idx.msk $0xffff, v30  }
0x2c0: {  	v26 =	vor.u32 v20, v26;
	v52 =	vadd.s32 $0x1000, v28;
	v23 =	vld.idx.msk [tilespmem:v23+s14+$0x0], $0xffff  }
0x2c1: {  	v22 =	vor.u32 v21, v22;
	v54 =	vshll.u32 v35, $0x7  }
0x2c2: {  	s26 =	sor.u32 $0x3, s9;
	v24 =	vor.u32 v21, v24;
	v56 =	vor.u32 v19, v34;
	v55 =	vld.idx.msk [tilespmem:v36+s14+$0x0], $0xffff;
	v28 =	vadd.s32 v17, v54  }
0x2c3: {  	v58 =	vor.u32 $0x1800, v33;
	v60 =	vor.u32 v20, v35;
	[tilespmem:v27+s15+$0x0] =	vst.idx.msk $0xffff, v31;
	v31 =	vadd.s32 s26, v0  }
0x2c4: {  	v53 =	vadd.s32 $0x1000, v29;
	v27 =	vshll.u32 v34, $0x7;
	s26 =	sor.u32 $0x4, s9;
	v36 =	vand.u32 $0xF, v31  }
0x2c5: {  	v26 =	vld.idx.msk [tilespmem:v26+s14+$0x0], $0xffff;
	v59 =	vor.u32 $0x800, v27;
	[tilespmem:v52+s15+$0x0] =	vst.idx.msk $0xffff, v23;
	v23 =	vor.u32 $0x1800, v32;
	v32 =	vadd.s32 s26, v0;
	s26 =	sor.u32 $0x5, s9  }
0x2c6: {  	v43 =	vor.u32 v19, v31;
	v22 =	vld.idx.msk [tilespmem:v22+s14+$0x0], $0xffff;
	v23 =	vadd.s32 v17, v23;
	v39 =	vadd.s32 s26, v0;
	s26 =	sor.u32 $0x6, s9  }
0x2c7: {  	[tilespmem:v28+s15+$0x0] =	vst.idx.msk $0xffff, v55;
	v57 =	vor.u32 v18, v36;
	v61 =	vand.u32 $0xF, v32;
	v41 =	vadd.s32 s26, v0;
	s26 =	sor.u32 $0x7, s9  }
0x2c8: {  	v30 =	vld.idx.msk [tilespmem:v56+s14+$0x0], $0xffff;
	v29 =	vadd.s32 v17, v59;
	v38 =	vor.u32 v18, v61;
	v42 =	vadd.s32 s26, v0  }
0x2c9: {  	v44 =	vshll.u32 v31, $0x7;
	v37 =	vshll.u32 v36, $0x7;
	v63 =	vand.u32 $0xF, v42  }
0x2ca: {  	[tilespmem:v53+s15+$0x0] =	vst.idx.msk $0xffff, v26;
	v26 =	vadd.s32 v17, v58;
	v40 =	vand.u32 $0xF, v39;
	v54 =	vor.u32 v18, v63  }
0x2cb: {  	v55 =	vor.u32 $0x800, v44;
	v24 =	vld.idx.msk [tilespmem:v24+s14+$0x0], $0xffff;
	[tilespmem:v23+s15+$0x0] =	vst.idx.msk $0xffff, v22;
	v22 =	vor.u32 v18, v40;
	v23 =	vand.u32 $0xF, v41  }
0x2cc: {  	v37 =	vadd.s32 v17, v37;
	v25 =	vld.idx.msk [tilespmem:v57+s14+$0x0], $0xffff;
	v53 =	vshll.u32 v61, $0x7;
	v62 =	vor.u32 v18, v23  }
0x2cd: {  	v36 =	vor.u32 v20, v36;
	[tilespmem:v29+s15+$0x0] =	vst.idx.msk $0xffff, v30;
	v29 =	vadd.s32 v17, v53;
	v38 =	vld.idx.msk [tilespmem:v38+s14+$0x0], $0xffff  }
0x2ce: {  	v45 =	vor.u32 v19, v32;
	v46 =	vshll.u32 v40, $0x7;
	v49 =	vshll.u32 v63, $0x7  }
0x2cf: {  	v48 =	vor.u32 v19, v39;
	v46 =	vadd.s32 v17, v46;
	v49 =	vadd.s32 v17, v49;
	v30 =	vld.idx.msk [tilespmem:v54+s14+$0x0], $0xffff  }
0x2d0: {  	v50 =	vshll.u32 v32, $0x7;
	v53 =	vor.u32 v19, v42;
	[tilespmem:v26+s15+$0x0] =	vst.idx.msk $0xffff, v24;
	v47 =	vshll.u32 v23, $0x7;
	v22 =	vld.idx.msk [tilespmem:v22+s14+$0x0], $0xffff  }
0x2d1: {  	v56 =	vor.u32 $0x800, v50;
	v52 =	vshll.u32 v39, $0x7;
	[tilespmem:v37+s15+$0x0] =	vst.idx.msk $0xffff, v25;
	v47 =	vadd.s32 v17, v47;
	v24 =	vld.idx.msk [tilespmem:v62+s14+$0x0], $0xffff  }
0x2d2: {  	v51 =	vor.u32 v19, v41;
	v25 =	vadd.s32 v17, v55;
	v55 =	vshll.u32 v42, $0x7;
	[tilespmem:v29+s15+$0x0] =	vst.idx.msk $0xffff, v38  }
0x2d3: {  	v35 =	vor.u32 v20, v61;
	v58 =	vor.u32 $0x800, v55;
	v38 =	vadd.s32 v17, v56;
	v45 =	vld.idx.msk [tilespmem:v45+s14+$0x0], $0xffff  }
0x2d4: {  	v43 =	vld.idx.msk [tilespmem:v43+s14+$0x0], $0xffff;
	v54 =	vor.u32 $0x800, v52;
	[tilespmem:v49+s15+$0x0] =	vst.idx.msk $0xffff, v30;
	v30 =	vadd.s32 v17, v58  }
0x2d5: {  	[tilespmem:v46+s15+$0x0] =	vst.idx.msk $0xffff, v22;
	v22 =	vadd.s32 v17, v54;
	v54 =	vshll.u32 v41, $0x7;
	v59 =	vld.idx.msk [tilespmem:v53+s14+$0x0], $0xffff  }
0x2d6: {  	v26 =	vor.u32 v20, v63;
	v48 =	vld.idx.msk [tilespmem:v48+s14+$0x0], $0xffff;
	[tilespmem:v47+s15+$0x0] =	vst.idx.msk $0xffff, v24;
	v57 =	vor.u32 $0x800, v54  }
0x2d7: {  	v34 =	vor.u32 v21, v34;
	v40 =	vor.u32 v20, v40;
	v51 =	vld.idx.msk [tilespmem:v51+s14+$0x0], $0xffff;
	v24 =	vadd.s32 v17, v57  }
0x2d8: {  	v28 =	vadd.s32 $0x1000, v28;
	v27 =	vor.u32 $0x1800, v27;
	v33 =	vld.idx.msk [tilespmem:v60+s14+$0x0], $0xffff;
	v23 =	vor.u32 v20, v23;
	[tilespmem:v38+s15+$0x0] =	vst.idx.msk $0xffff, v45  }
0x2d9: {  	v27 =	vadd.s32 v17, v27;
	v29 =	vadd.s32 $0x1000, v29;
	[tilespmem:v25+s15+$0x0] =	vst.idx.msk $0xffff, v43;
	v62 =	vld.idx.msk [tilespmem:v35+s14+$0x0], $0xffff  }
0x2da: {  	v61 =	vadd.s32 $0x1000, v37;
	v63 =	vor.u32 v21, v32;
	v60 =	vld.idx.msk [tilespmem:v36+s14+$0x0], $0xffff;
	[tilespmem:v30+s15+$0x0] =	vst.idx.msk $0xffff, v59  }
0x2db: {  	[tilespmem:v22+s15+$0x0] =	vst.idx.msk $0xffff, v48;
	v22 =	vor.u32 v21, v31;
	v26 =	vld.idx.msk [tilespmem:v26+s14+$0x0], $0xffff;
	v48 =	vadd.s32 $0x1000, v49  }
0x2dc: {  	v43 =	vadd.s32 $0x1000, v46;
	[tilespmem:v24+s15+$0x0] =	vst.idx.msk $0xffff, v51;
	v40 =	vld.idx.msk [tilespmem:v40+s14+$0x0], $0xffff;
	v51 =	vor.u32 v21, v42  }
0x2dd: {  	[tilespmem:v28+s15+$0x0] =	vst.idx.msk $0xffff, v33;
	v46 =	vadd.s32 $0x1000, v47;
	v45 =	vor.u32 v21, v39;
	v23 =	vld.idx.msk [tilespmem:v23+s14+$0x0], $0xffff  }
0x2de: {  	v34 =	vld.idx.msk [tilespmem:v34+s14+$0x0], $0xffff;
	v56 =	vor.u32 $0x1800, v50;
	v47 =	vor.u32 v21, v41;
	[tilespmem:v29+s15+$0x0] =	vst.idx.msk $0xffff, v62  }
0x2df: {  	[tilespmem:v61+s15+$0x0] =	vst.idx.msk $0xffff, v60;
	v49 =	vor.u32 $0x1800, v44;
	v31 =	vadd.s32 v17, v56;
	v24 =	vld.idx.msk [tilespmem:v63+s14+$0x0], $0xffff  }
0x2e0: {  	v53 =	vadd.s32 v17, v49;
	v62 =	vor.u32 $0x1800, v55;
	v22 =	vld.idx.msk [tilespmem:v22+s14+$0x0], $0xffff;
	[tilespmem:v48+s15+$0x0] =	vst.idx.msk $0xffff, v26  }
0x2e1: {  	v57 =	vor.u32 $0x1800, v52;
	v30 =	vadd.s32 v17, v62;
	[tilespmem:v43+s15+$0x0] =	vst.idx.msk $0xffff, v40;
	v63 =	vld.idx.msk [tilespmem:v51+s14+$0x0], $0xffff  }
0x2e2: {  	v58 =	vadd.s32 v17, v57;
	v59 =	vor.u32 $0x1800, v54;
	[tilespmem:v46+s15+$0x0] =	vst.idx.msk $0xffff, v23;
	v23 =	vld.idx.msk [tilespmem:v45+s14+$0x0], $0xffff  }
0x2e3: {  	p2 =	por p1, p1;
	[tilespmem:v27+s15+$0x0] =	vst.idx.msk $0xffff, v34;
	v61 =	vadd.s32 v17, v59;
	v60 =	vld.idx.msk [tilespmem:v47+s14+$0x0], $0xffff  }
.Ltmp7:
0x2e4: {  	[tilespmem:v31+s15+$0x0] =	vst.idx.msk $0xffff, v24;
	(pc) =	sbr.rel @p2 .LBB2_19-.Ltmp7, $4  }
0x2e5: {  	[tilespmem:v53+s15+$0x0] =	vst.idx.msk $0xffff, v22  }
0x2e6: {  	[tilespmem:v30+s15+$0x0] =	vst.idx.msk $0xffff, v63  }
0x2e7: {  	[tilespmem:v58+s15+$0x0] =	vst.idx.msk $0xffff, v23  }
0x2e8: {  	p1 =	por $0x0, $0x0;
	s9 =	simm.s32 $0x8;
	[tilespmem:v61+s15+$0x0] =	vst.idx.msk $0xffff, v60  }
0x2e9: {  	s7 =	sadd.s32 $0x1, s7  }
0x2ea: {  	p1 =	sne.s32 s7, $0x8  }
.Ltmp8:
0x2eb: {  	_ = 	snop;
	(pc) =	sbr.rel @p1 .LBB2_18-.Ltmp8, $1  }
0x2ec: {  	_ =	sdelay $0x3  }
0x2ed: {  	s7 =	sshll.u32 s3, $0x11  }
0x2ee: {  	s9 =	sadd.s32 s7, s5  }
0x2ef: {  	s9 =	sshrl.u32 s9, $0x3  }
0x2f0: {  	s9 =	sadd.s32 s8, s9  }
0x2f1: {  	[hbm4b:s9+s30] =	stream.strided.scatter [tilespmem:s15], [sflag:$0x2], $0x2000, s31, s30, $0x38;
	[tilespmem:$0x1E400] =	vst v63  }
0x2f2: {  	s9 =	simm.s32 @!p0 $0x3  }
0x2f3: {  	_ =	swait.ge @!p0 [sflag:s9], $0x2000  }
0x2f4: {  	v15 =	vand.u32 $0x1C00, v15;
	[sflag:s9] =	ssyncset.done @!p0 $0x0  }
0x2f5: {  	v15 =	vbroadcast v15, $0x0;
	[sflag:s9] =	ssyncadd.s32 @!p0 $0xFFFFE000;
	s9 =	simm.s32 $0x0  }
.LBB2_22:
0x2f6: {  	s13 =	sshll.u32 s9, $0x4  }
0x2f7: {  	v16 =	vor.u32 s13, v0  }
0x2f8: {  	v17 =	vshrl.u32 v16, $0x3  }
0x2f9: {  	v17 =	vmul.u32 $0x1800, v17;
	_ =	sdelay $0x1  }
0x2fa: {  	v22 =	vor.u32 s13, v12;
	v17 =	vadd.s32 v15, v17  }
0x2fb: {  	v23 =	vor.u32 s13, v13;
	v24 =	vor.u32 s13, v14;
	v18 =	vor.u32 v8, v17  }
0x2fc: {  	p0 =	por $0x1, $0x1;
	s26 =	simm.s32 $0x0;
	v19 =	vor.u32 v9, v17;
	v20 =	vor.u32 v10, v17;
	v21 =	vor.u32 v11, v17  }
.LBB2_23:
0x2fd: {  	s13 =	sor.u32 $0x1, s26  }
0x2fe: {  	v25 =	vadd.s32 s26, v0;
	v26 =	vadd.s32 s13, v0  }
0x2ff: {  	v27 =	vand.u32 $0xF, v25;
	v26 =	vand.u32 $0xF, v26  }
0x300: {  	v28 =	vor.u32 v18, v27;
	v29 =	vor.u32 v17, v26  }
0x301: {  	v30 =	vor.u32 v8, v29;
	_ =	sdelay $0x2  }
0x302: {  	v31 =	vshll.u32 v27, $0x7  }
0x303: {  	v32 =	vor.u32 v16, v31;
	v26 =	vshll.u32 v26, $0x7;
	v28 =	vld.idx.msk [tilespmem:v28+s14+$0x0], $0xffff  }
0x304: {  	v33 =	vor.u32 v19, v25;
	v34 =	vor.u32 v16, v26;
	v30 =	vld.idx.msk [tilespmem:v30+s14+$0x0], $0xffff  }
0x305: {  	v35 =	vor.u32 v9, v29;
	_ =	sdelay $0x2  }
0x306: {  	v47 =	vshll.u32 v25, $0x7;
	[tilespmem:v32+s24+$0x0] =	vst.idx.msk $0xffff, v28  }
0x307: {  	v48 =	vor.u32 v47, v22;
	v32 =	vld.idx.msk [tilespmem:v33+s14+$0x0], $0xffff;
	[tilespmem:v34+s24+$0x0] =	vst.idx.msk $0xffff, v30  }
0x308: {  	v27 =	vor.u32 v20, v27;
	v49 =	vor.u32 v26, v22;
	v30 =	vld.idx.msk [tilespmem:v35+s14+$0x0], $0xffff  }
0x309: {  	v50 =	vor.u32 v10, v29;
	_ =	sdelay $0x2  }
0x30a: {  	[tilespmem:v48+s24+$0x0] =	vst.idx.msk $0xffff, v32  }
0x30b: {  	v31 =	vor.u32 v31, v23;
	v27 =	vld.idx.msk [tilespmem:v27+s14+$0x0], $0xffff;
	[tilespmem:v49+s24+$0x0] =	vst.idx.msk $0xffff, v30  }
0x30c: {  	v25 =	vor.u32 v21, v25;
	s13 =	sor.u32 $0x2, s26;
	v51 =	vor.u32 v26, v23;
	v30 =	vld.idx.msk [tilespmem:v50+s14+$0x0], $0xffff  }
0x30d: {  	v52 =	vadd.s32 s13, v0;
	s13 =	sor.u32 $0x3, s26;
	v29 =	vor.u32 v11, v29  }
0x30e: {  	v53 =	vadd.s32 s13, v0;
	s13 =	sor.u32 $0x4, s26  }
0x30f: {  	v54 =	vadd.s32 s13, v0;
	s13 =	sor.u32 $0x5, s26  }
0x310: {  	v26 =	vor.u32 v26, v24;
	v37 =	vadd.s32 s13, v0;
	[tilespmem:v31+s24+$0x0] =	vst.idx.msk $0xffff, v27  }
0x311: {  	s13 =	sor.u32 $0x6, s26;
	v37 =	vand.u32 $0xF, v37;
	v28 =	vor.u32 v47, v24;
	v27 =	vand.u32 $0xF, v52;
	v25 =	vld.idx.msk [tilespmem:v25+s14+$0x0], $0xffff;
	[tilespmem:v51+s24+$0x0] =	vst.idx.msk $0xffff, v30  }
0x312: {  	v39 =	vadd.s32 s13, v0;
	v31 =	vand.u32 $0xF, v53;
	v30 =	vor.u32 v17, v27;
	v29 =	vld.idx.msk [tilespmem:v29+s14+$0x0], $0xffff  }
0x313: {  	s26 =	sor.u32 $0x7, s26;
	v32 =	vand.u32 $0xF, v54;
	v34 =	vor.u32 v17, v31;
	v55 =	vor.u32 v8, v30  }
0x314: {  	v41 =	vadd.s32 s26, v0;
	v36 =	vor.u32 v17, v32;
	v56 =	vor.u32 v8, v34  }
0x315: {  	v40 =	vor.u32 v17, v37;
	v39 =	vand.u32 $0xF, v39;
	v38 =	vor.u32 v8, v36  }
0x316: {  	v41 =	vand.u32 $0xF, v41;
	[tilespmem:v28+s24+$0x0] =	vst.idx.msk $0xffff, v25;
	v25 =	vor.u32 v8, v40;
	v28 =	vor.u32 v17, v39  }
0x317: {  	[tilespmem:v26+s24+$0x0] =	vst.idx.msk $0xffff, v29;
	v26 =	vshll.u32 v27, $0x7;
	v27 =	vor.u32 v8, v28;
	v29 =	vor.u32 v17, v41  }
0x318: {  	v31 =	vshll.u32 v31, $0x7;
	v33 =	vld.idx.msk [tilespmem:v55+s14+$0x0], $0xffff;
	v42 =	vor.u32 v16, v26;
	v43 =	vor.u32 v8, v29  }
0x319: {  	v32 =	vshll.u32 v32, $0x7;
	v45 =	vor.u32 v16, v31;
	v44 =	vor.u32 v9, v30;
	v35 =	vld.idx.msk [tilespmem:v56+s14+$0x0], $0xffff  }
0x31a: {  	v37 =	vshll.u32 v37, $0x7;
	v47 =	vor.u32 v16, v32;
	v38 =	vld.idx.msk [tilespmem:v38+s14+$0x0], $0xffff;
	v46 =	vor.u32 v9, v34  }
0x31b: {  	v48 =	vor.u32 v9, v36;
	v49 =	vor.u32 v16, v37;
	v39 =	vshll.u32 v39, $0x7;
	v25 =	vld.idx.msk [tilespmem:v25+s14+$0x0], $0xffff  }
0x31c: {  	v50 =	vor.u32 v9, v40;
	v51 =	vor.u32 v16, v39;
	v41 =	vshll.u32 v41, $0x7;
	v27 =	vld.idx.msk [tilespmem:v27+s14+$0x0], $0xffff  }
0x31d: {  	v57 =	vor.u32 v9, v28;
	v59 =	vor.u32 v16, v41;
	[tilespmem:v42+s24+$0x0] =	vst.idx.msk $0xffff, v33;
	v58 =	vld.idx.msk [tilespmem:v43+s14+$0x0], $0xffff  }
0x31e: {  	v60 =	vor.u32 v26, v22;
	v61 =	vor.u32 v9, v29;
	[tilespmem:v45+s24+$0x0] =	vst.idx.msk $0xffff, v35;
	v44 =	vld.idx.msk [tilespmem:v44+s14+$0x0], $0xffff  }
0x31f: {  	v63 =	vor.u32 v31, v22;
	v62 =	vor.u32 v10, v30;
	[tilespmem:v47+s24+$0x0] =	vst.idx.msk $0xffff, v38;
	v46 =	vld.idx.msk [tilespmem:v46+s14+$0x0], $0xffff  }
0x320: {  	v54 =	vor.u32 v32, v22;
	v48 =	vld.idx.msk [tilespmem:v48+s14+$0x0], $0xffff;
	[tilespmem:v49+s24+$0x0] =	vst.idx.msk $0xffff, v25;
	v25 =	vor.u32 v10, v34  }
0x321: {  	v55 =	vor.u32 v37, v22;
	v50 =	vld.idx.msk [tilespmem:v50+s14+$0x0], $0xffff;
	[tilespmem:v51+s24+$0x0] =	vst.idx.msk $0xffff, v27;
	v27 =	vor.u32 v10, v36  }
0x322: {  	v56 =	vor.u32 v10, v40;
	[tilespmem:v59+s24+$0x0] =	vst.idx.msk $0xffff, v58;
	v33 =	vld.idx.msk [tilespmem:v57+s14+$0x0], $0xffff;
	v57 =	vor.u32 v39, v22  }
0x323: {  	v58 =	vor.u32 v10, v28;
	[tilespmem:v60+s24+$0x0] =	vst.idx.msk $0xffff, v44;
	v59 =	vld.idx.msk [tilespmem:v61+s14+$0x0], $0xffff;
	v60 =	vor.u32 v41, v22  }
0x324: {  	[tilespmem:v63+s24+$0x0] =	vst.idx.msk $0xffff, v46;
	v61 =	vor.u32 v26, v23;
	v38 =	vld.idx.msk [tilespmem:v62+s14+$0x0], $0xffff;
	v62 =	vor.u32 v10, v29  }
0x325: {  	v30 =	vor.u32 v11, v30;
	[tilespmem:v54+s24+$0x0] =	vst.idx.msk $0xffff, v48;
	v63 =	vor.u32 v31, v23;
	v25 =	vld.idx.msk [tilespmem:v25+s14+$0x0], $0xffff  }
0x326: {  	v52 =	vor.u32 v32, v23;
	v34 =	vor.u32 v11, v34;
	[tilespmem:v55+s24+$0x0] =	vst.idx.msk $0xffff, v50;
	v27 =	vld.idx.msk [tilespmem:v27+s14+$0x0], $0xffff  }
0x327: {  	v53 =	vor.u32 v11, v36;
	v55 =	vor.u32 v37, v23;
	v54 =	vld.idx.msk [tilespmem:v56+s14+$0x0], $0xffff;
	[tilespmem:v57+s24+$0x0] =	vst.idx.msk $0xffff, v33  }
0x328: {  	v40 =	vor.u32 v11, v40;
	v56 =	vor.u32 v39, v23;
	[tilespmem:v60+s24+$0x0] =	vst.idx.msk $0xffff, v59;
	v35 =	vld.idx.msk [tilespmem:v58+s14+$0x0], $0xffff  }
0x329: {  	v28 =	vor.u32 v11, v28;
	v58 =	vor.u32 v41, v23;
	[tilespmem:v61+s24+$0x0] =	vst.idx.msk $0xffff, v38;
	v57 =	vld.idx.msk [tilespmem:v62+s14+$0x0], $0xffff  }
0x32a: {  	v26 =	vor.u32 v26, v24;
	v29 =	vor.u32 v11, v29;
	[tilespmem:v63+s24+$0x0] =	vst.idx.msk $0xffff, v25;
	v25 =	vld.idx.msk [tilespmem:v30+s14+$0x0], $0xffff  }
0x32b: {  	v59 =	vor.u32 v31, v24;
	[tilespmem:v52+s24+$0x0] =	vst.idx.msk $0xffff, v27;
	v27 =	vld.idx.msk [tilespmem:v34+s14+$0x0], $0xffff  }
0x32c: {  	v32 =	vor.u32 v32, v24;
	[tilespmem:v55+s24+$0x0] =	vst.idx.msk $0xffff, v54;
	v60 =	vld.idx.msk [tilespmem:v53+s14+$0x0], $0xffff  }
0x32d: {  	v62 =	vor.u32 v37, v24;
	v61 =	vld.idx.msk [tilespmem:v40+s14+$0x0], $0xffff;
	[tilespmem:v56+s24+$0x0] =	vst.idx.msk $0xffff, v35  }
0x32e: {  	v63 =	vor.u32 v39, v24;
	[tilespmem:v58+s24+$0x0] =	vst.idx.msk $0xffff, v57;
	v28 =	vld.idx.msk [tilespmem:v28+s14+$0x0], $0xffff  }
0x32f: {  	p1 =	por p0, p0;
	[tilespmem:v26+s24+$0x0] =	vst.idx.msk $0xffff, v25;
	v25 =	vld.idx.msk [tilespmem:v29+s14+$0x0], $0xffff;
	v26 =	vor.u32 v41, v24  }
.Ltmp9:
0x330: {  	[tilespmem:v59+s24+$0x0] =	vst.idx.msk $0xffff, v27;
	(pc) =	sbr.rel @p1 .LBB2_23-.Ltmp9, $4  }
0x331: {  	[tilespmem:v32+s24+$0x0] =	vst.idx.msk $0xffff, v60  }
0x332: {  	[tilespmem:v62+s24+$0x0] =	vst.idx.msk $0xffff, v61  }
0x333: {  	[tilespmem:v63+s24+$0x0] =	vst.idx.msk $0xffff, v28  }
0x334: {  	p0 =	por $0x0, $0x0;
	s26 =	simm.s32 $0x8;
	[tilespmem:v26+s24+$0x0] =	vst.idx.msk $0xffff, v25  }
0x335: {  	s9 =	sadd.s32 $0x1, s9  }
0x336: {  	p0 =	sne.s32 s9, $0x8  }
.Ltmp10:
0x337: {  	_ = 	snop;
	(pc) =	sbr.rel @p0 .LBB2_22-.Ltmp10, $1  }
0x338: {  	_ =	sdelay $0x3  }
0x339: {  	s3 =	sadd.s32 $0x1, s3  }
0x33a: {  	p0 =	sne.s32 s3, $0x6  }
.Ltmp11:
0x33b: {  	_ = 	snop;
	(pc) =	sbr.rel @p0 .LBB2_17-.Ltmp11, $4  }
0x33c: {  	s7 =	sadd.s32 s7, s6  }
0x33d: {  	s7 =	sshrl.u32 s7, $0x3  }
0x33e: {  	s7 =	sadd.s32 s8, s7  }
0x33f: {  	[hbm4b:s7+s30] =	stream.strided.scatter [tilespmem:s24], [sflag:$0x3], $0x2000, s31, s30, $0x38;
	[tilespmem:$0x1E400] =	vst v63  }
0x340: {  	s3 =	simm.s32 $0x2  }
0x341: {  	_ =	swait.ge [sflag:s3], $0x2000  }
0x342: {  	[sflag:s3] =	ssyncset.done $0x0  }
0x343: {  	s6 =	simm.s32 $0x3;
	[sflag:s3] =	ssyncadd.s32 $0xFFFFE000  }
0x344: {  	_ =	swait.ge [sflag:s6], $0x2000  }
0x345: {  	[sflag:s6] =	ssyncset.done $0x0  }
0x346: {  	[sflag:s6] =	ssyncadd.s32 $0xFFFFE000  }
0x347: {  	v15 =	vld [tilespmem:s0+$0xC00];
	_ =	sdelay $0x4  }
0x348: {  	v16 =	vperm.xlane v15, v1;
	_ =	sdelay $0x1  }
0x349: {  	v15 =	vperm.xlane v15, v4;
	v16 =	vadd.s32 v3, v16;
	_ =	sdelay $0x1  }
0x34a: {  	v15 =	vadd.s32 v3, v15;
	_ =	sdelay $0x1  }
0x34b: {  	s3 =	simm.s32 $0x0  }
0x34c: {  	[tilespmem:s14], [sflag:$0x1] =	stream.indirect_vreg.gather [hbm4b:s11+s3], $0x80, v16, vm0, $0xb8;
	[tilespmem:$0x1E400] =	vst v63  }
0x34d: {  	s5 =	simm.s32 $0x3C00  }
0x34e: {  	[tilespmem:s5], [sflag:$0x1] =	stream.indirect_vreg.gather [hbm4b:s11+s3], $0x80, v15, vm0, $0xb8;
	[tilespmem:$0x1E400] =	vst v63  }
0x34f: {  	v15 =	vld [tilespmem:s0+$0xC10];
	_ =	sdelay $0x4  }
0x350: {  	v57 =	vperm.xlane v15, v1;
	_ =	sdelay $0x1  }
0x351: {  	v15 =	vperm.xlane v15, v4;
	v16 =	vadd.s32 v3, v57;
	_ =	sdelay $0x1  }
0x352: {  	v15 =	vadd.s32 v3, v15;
	_ =	sdelay $0x1  }
0x353: {  	s7 =	simm.s32 $0x5400  }
0x354: {  	[tilespmem:s7], [sflag:$0x1] =	stream.indirect_vreg.gather [hbm4b:s11+s3], $0x80, v16, vm0, $0xb8;
	[tilespmem:$0x1E400] =	vst v63  }
0x355: {  	s9 =	simm.s32 $0x6C00  }
0x356: {  	[tilespmem:s9], [sflag:$0x1] =	stream.indirect_vreg.gather [hbm4b:s11+s3], $0x80, v15, vm0, $0xb8;
	[tilespmem:$0x1E400] =	vst v63  }
0x357: {  	v15 =	vld [tilespmem:s0+$0xC20];
	_ =	sdelay $0x4  }
0x358: {  	v58 =	vperm.xlane v15, v1;
	_ =	sdelay $0x1  }
0x359: {  	v15 =	vperm.xlane v15, v4;
	v16 =	vadd.s32 v3, v58;
	_ =	sdelay $0x1  }
0x35a: {  	v15 =	vadd.s32 v3, v15;
	_ =	sdelay $0x1  }
0x35b: {  	s13 =	simm.s32 $0x8400  }
0x35c: {  	[tilespmem:s13], [sflag:$0x1] =	stream.indirect_vreg.gather [hbm4b:s11+s3], $0x80, v16, vm0, $0xb8;
	[tilespmem:$0x1E400] =	vst v63  }
0x35d: {  	s26 =	simm.s32 $0x9C00  }
0x35e: {  	[tilespmem:s26], [sflag:$0x1] =	stream.indirect_vreg.gather [hbm4b:s11+s3], $0x80, v15, vm0, $0xb8;
	[tilespmem:$0x1E400] =	vst v63  }
0x35f: {  	v15 =	vld [tilespmem:s0+$0xC30];
	_ =	sdelay $0x4  }
0x360: {  	v59 =	vperm.xlane v15, v1;
	_ =	sdelay $0x1  }
0x361: {  	v15 =	vperm.xlane v15, v4;
	v16 =	vadd.s32 v3, v59;
	_ =	sdelay $0x1  }
0x362: {  	v15 =	vadd.s32 v3, v15;
	_ =	sdelay $0x1  }
0x363: {  	s6 =	simm.s32 $0xB400  }
0x364: {  	[tilespmem:s6], [sflag:$0x1] =	stream.indirect_vreg.gather [hbm4b:s11+s3], $0x80, v16, vm0, $0xb8;
	[tilespmem:$0x1E400] =	vst v63  }
0x365: {  	s7 =	simm.s32 $0xCC00  }
0x366: {  	[tilespmem:s7], [sflag:$0x1] =	stream.indirect_vreg.gather [hbm4b:s11+s3], $0x80, v15, vm0, $0xb8;
	[tilespmem:$0x1E400] =	vst v63  }
0x367: {  	v15 =	vld [tilespmem:s0+$0xC40];
	_ =	sdelay $0x4  }
0x368: {  	v60 =	vperm.xlane v15, v1;
	_ =	sdelay $0x1  }
0x369: {  	v15 =	vperm.xlane v15, v4;
	v16 =	vadd.s32 v3, v60;
	_ =	sdelay $0x1  }
0x36a: {  	v15 =	vadd.s32 v3, v15;
	_ =	sdelay $0x1  }
0x36b: {  	s9 =	simm.s32 $0xE400  }
0x36c: {  	[tilespmem:s9], [sflag:$0x1] =	stream.indirect_vreg.gather [hbm4b:s11+s3], $0x80, v16, vm0, $0xb8;
	[tilespmem:$0x1E400] =	vst v63  }
0x36d: {  	s13 =	simm.s32 $0xFC00  }
0x36e: {  	[tilespmem:s13], [sflag:$0x1] =	stream.indirect_vreg.gather [hbm4b:s11+s3], $0x80, v15, vm0, $0xb8;
	[tilespmem:$0x1E400] =	vst v63  }
0x36f: {  	v15 =	vld [tilespmem:s0+$0xC50];
	_ =	sdelay $0x4  }
0x370: {  	v61 =	vperm.xlane v15, v1;
	_ =	sdelay $0x1  }
0x371: {  	v15 =	vperm.xlane v15, v4;
	v16 =	vadd.s32 v3, v61;
	_ =	sdelay $0x1  }
0x372: {  	v15 =	vadd.s32 v3, v15;
	_ =	sdelay $0x1  }
0x373: {  	s26 =	simm.s32 $0x11400  }
0x374: {  	[tilespmem:s26], [sflag:$0x1] =	stream.indirect_vreg.gather [hbm4b:s11+s3], $0x80, v16, vm0, $0xb8;
	[tilespmem:$0x1E400] =	vst v63  }
0x375: {  	s6 =	simm.s32 $0x12C00  }
0x376: {  	[tilespmem:s6], [sflag:$0x1] =	stream.indirect_vreg.gather [hbm4b:s11+s3], $0x80, v15, vm0, $0xb8;
	[tilespmem:$0x1E400] =	vst v63  }
0x377: {  	v15 =	vld [tilespmem:s0+$0xC60];
	_ =	sdelay $0x4  }
0x378: {  	v62 =	vperm.xlane v15, v1;
	_ =	sdelay $0x1  }
0x379: {  	v15 =	vperm.xlane v15, v4;
	v16 =	vadd.s32 v3, v62;
	_ =	sdelay $0x1  }
0x37a: {  	v15 =	vadd.s32 v3, v15;
	_ =	sdelay $0x1  }
0x37b: {  	s7 =	simm.s32 $0x14400  }
0x37c: {  	[tilespmem:s7], [sflag:$0x1] =	stream.indirect_vreg.gather [hbm4b:s11+s3], $0x80, v16, vm0, $0xb8;
	[tilespmem:$0x1E400] =	vst v63  }
0x37d: {  	s9 =	simm.s32 $0x15C00  }
0x37e: {  	[tilespmem:s9], [sflag:$0x1] =	stream.indirect_vreg.gather [hbm4b:s11+s3], $0x80, v15, vm0, $0xb8;
	[tilespmem:$0x1E400] =	vst v63  }
0x37f: {  	v15 =	vld [tilespmem:s0+$0xC70];
	_ =	sdelay $0x4  }
0x380: {  	v63 =	vperm.xlane v15, v1;
	_ =	sdelay $0x1  }
0x381: {  	v15 =	vperm.xlane v15, v4;
	v16 =	vadd.s32 v3, v63;
	_ =	sdelay $0x1  }
0x382: {  	v15 =	vadd.s32 v3, v15;
	_ =	sdelay $0x1  }
0x383: {  	s13 =	simm.s32 $0x17400  }
0x384: {  	[tilespmem:s13], [sflag:$0x1] =	stream.indirect_vreg.gather [hbm4b:s11+s3], $0x80, v16, vm0, $0xb8;
	[tilespmem:$0x1E400] =	vst v63  }
0x385: {  	s26 =	simm.s32 $0x18C00  }
0x386: {  	[tilespmem:s26], [sflag:$0x1] =	stream.indirect_vreg.gather [hbm4b:s11+s3], $0x80, v15, vm0, $0xb8;
	[tilespmem:$0x1E400] =	vst v63  }
0x387: {  	_ =	swait.ge [sflag:s25], $0x4000  }
0x388: {  	[sflag:s25] =	ssyncset.done $0x0  }
0x389: {  	[sflag:s25] =	ssyncadd.s32 $0xFFFFC000  }
.LBB2_27:
0x38a: {  	s5 =	sshll.u32 s3, $0x4  }
0x38b: {  	v15 =	vor.u32 s5, v0  }
0x38c: {  	v16 =	vshrl.u32 v15, $0x3  }
0x38d: {  	v19 =	vmul.u32 $0x1800, v16;
	_ =	sdelay $0x1  }
0x38e: {  	v16 =	vor.u32 v2, v19  }
0x38f: {  	p0 =	por $0x1, $0x1;
	s5 =	simm.s32 $0x0;
	v17 =	vor.u32 v5, v19;
	v18 =	vor.u32 v6, v19;
	v19 =	vor.u32 v7, v19  }
.LBB2_28:
0x390: {  	v20 =	vadd.s32 s5, v0  }
0x391: {  	v21 =	vand.u32 $0xF, v20  }
0x392: {  	v23 =	vor.u32 v16, v21;
	_ =	sdelay $0x1  }
0x393: {  	s6 =	sor.u32 $0x1, s5  }
0x394: {  	v22 =	vadd.s32 s6, v0  }
0x395: {  	v24 =	vand.u32 $0xF, v22;
	v26 =	vshll.u32 v21, $0x7  }
0x396: {  	v25 =	vor.u32 v16, v24;
	v26 =	vadd.s32 v15, v26;
	v23 =	vld.idx.msk [tilespmem:v23+s14+$0x0], $0xffff  }
0x397: {  	v28 =	vor.u32 v17, v20;
	_ =	sdelay $0x2  }
0x398: {  	v30 =	vshll.u32 v20, $0x7;
	v27 =	vshll.u32 v24, $0x7  }
0x399: {  	v48 =	vor.u32 $0x800, v30;
	v27 =	vadd.s32 v15, v27;
	v25 =	vld.idx.msk [tilespmem:v25+s14+$0x0], $0xffff;
	[tilespmem:v26+s15+$0x0] =	vst.idx.msk $0xffff, v23  }
0x39a: {  	s13 =	sor.u32 $0x2, s5;
	v29 =	vor.u32 v17, v22;
	v23 =	vadd.s32 v15, v48;
	v28 =	vld.idx.msk [tilespmem:v28+s14+$0x0], $0xffff  }
0x39b: {  	v32 =	vadd.s32 s13, v0;
	v21 =	vor.u32 v18, v21  }
0x39c: {  	v33 =	vand.u32 $0xF, v32  }
0x39d: {  	v31 =	vshll.u32 v22, $0x7;
	v34 =	vor.u32 v16, v33  }
0x39e: {  	v49 =	vor.u32 $0x800, v31;
	[tilespmem:v27+s15+$0x0] =	vst.idx.msk $0xffff, v25  }
0x39f: {  	v25 =	vadd.s32 v15, v49;
	v29 =	vld.idx.msk [tilespmem:v29+s14+$0x0], $0xffff;
	[tilespmem:v23+s15+$0x0] =	vst.idx.msk $0xffff, v28  }
0x3a0: {  	s9 =	sor.u32 $0x5, s5;
	v24 =	vor.u32 v18, v24;
	v50 =	vadd.s32 $0x1000, v26;
	v21 =	vld.idx.msk [tilespmem:v21+s14+$0x0], $0xffff  }
0x3a1: {  	v20 =	vor.u32 v19, v20;
	v37 =	vadd.s32 s9, v0;
	v52 =	vshll.u32 v33, $0x7  }
0x3a2: {  	s7 =	sor.u32 $0x4, s5;
	v22 =	vor.u32 v19, v22;
	v54 =	vor.u32 v17, v32;
	v53 =	vld.idx.msk [tilespmem:v34+s14+$0x0], $0xffff;
	v26 =	vadd.s32 v15, v52  }
0x3a3: {  	s13 =	sor.u32 $0x6, s5;
	v55 =	vor.u32 $0x1800, v30;
	v30 =	vadd.s32 s7, v0;
	v38 =	vand.u32 $0xF, v37  }
0x3a4: {  	s26 =	sor.u32 $0x3, s5;
	v39 =	vadd.s32 s13, v0;
	v46 =	vor.u32 v17, v37;
	v60 =	vand.u32 $0xF, v30;
	[tilespmem:v25+s15+$0x0] =	vst.idx.msk $0xffff, v29  }
0x3a5: {  	v36 =	vor.u32 v16, v60;
	v51 =	vadd.s32 $0x1000, v27;
	v29 =	vadd.s32 s26, v0;
	v24 =	vld.idx.msk [tilespmem:v24+s14+$0x0], $0xffff;
	[tilespmem:v50+s15+$0x0] =	vst.idx.msk $0xffff, v21  }
0x3a6: {  	v25 =	vshll.u32 v32, $0x7;
	s26 =	sor.u32 $0x7, s5;
	v34 =	vand.u32 $0xF, v29;
	v21 =	vadd.s32 v15, v55;
	v20 =	vld.idx.msk [tilespmem:v20+s14+$0x0], $0xffff  }
0x3a7: {  	[tilespmem:v26+s15+$0x0] =	vst.idx.msk $0xffff, v53;
	v58 =	vor.u32 $0x800, v25;
	v40 =	vadd.s32 s26, v0;
	v56 =	vor.u32 v16, v34  }
0x3a8: {  	v57 =	vor.u32 $0x1800, v31;
	v28 =	vld.idx.msk [tilespmem:v54+s14+$0x0], $0xffff;
	v27 =	vadd.s32 v15, v58;
	v63 =	vand.u32 $0xF, v40  }
0x3a9: {  	v59 =	vor.u32 v18, v33;
	v61 =	vand.u32 $0xF, v39;
	v55 =	vor.u32 v16, v63  }
0x3aa: {  	v43 =	vor.u32 v17, v30;
	v44 =	vshll.u32 v38, $0x7;
	v36 =	vld.idx.msk [tilespmem:v36+s14+$0x0], $0xffff;
	v35 =	vshll.u32 v34, $0x7;
	[tilespmem:v51+s15+$0x0] =	vst.idx.msk $0xffff, v24  }
0x3ab: {  	v24 =	vadd.s32 v15, v57;
	v22 =	vld.idx.msk [tilespmem:v22+s14+$0x0], $0xffff;
	[tilespmem:v21+s15+$0x0] =	vst.idx.msk $0xffff, v20;
	v20 =	vor.u32 v16, v38  }
0x3ac: {  	v62 =	vor.u32 v16, v61;
	v54 =	vshll.u32 v60, $0x7;
	v35 =	vadd.s32 v15, v35;
	v23 =	vld.idx.msk [tilespmem:v56+s14+$0x0], $0xffff  }
0x3ad: {  	v41 =	vor.u32 v17, v29;
	v47 =	vshll.u32 v63, $0x7;
	[tilespmem:v27+s15+$0x0] =	vst.idx.msk $0xffff, v28;
	v27 =	vadd.s32 v15, v54  }
0x3ae: {  	v44 =	vadd.s32 v15, v44;
	v45 =	vshll.u32 v61, $0x7;
	v47 =	vadd.s32 v15, v47;
	v28 =	vld.idx.msk [tilespmem:v55+s14+$0x0], $0xffff  }
0x3af: {  	v33 =	vor.u32 v18, v60;
	v45 =	vadd.s32 v15, v45;
	v51 =	vor.u32 v17, v40;
	v31 =	vld.idx.msk [tilespmem:v59+s14+$0x0], $0xffff  }
0x3b0: {  	v49 =	vor.u32 v17, v39;
	v42 =	vshll.u32 v29, $0x7;
	[tilespmem:v24+s15+$0x0] =	vst.idx.msk $0xffff, v22;
	v20 =	vld.idx.msk [tilespmem:v20+s14+$0x0], $0xffff  }
0x3b1: {  	v48 =	vshll.u32 v30, $0x7;
	v34 =	vor.u32 v18, v34;
	v56 =	vor.u32 $0x800, v42;
	[tilespmem:v35+s15+$0x0] =	vst.idx.msk $0xffff, v23;
	v22 =	vld.idx.msk [tilespmem:v62+s14+$0x0], $0xffff  }
0x3b2: {  	v53 =	vshll.u32 v40, $0x7;
	v57 =	vor.u32 $0x800, v48;
	v23 =	vadd.s32 v15, v56;
	[tilespmem:v27+s15+$0x0] =	vst.idx.msk $0xffff, v36;
	v41 =	vld.idx.msk [tilespmem:v41+s14+$0x0], $0xffff  }
0x3b3: {  	v50 =	vshll.u32 v37, $0x7;
	v59 =	vor.u32 $0x800, v53;
	v36 =	vadd.s32 v15, v57;
	v43 =	vld.idx.msk [tilespmem:v43+s14+$0x0], $0xffff;
	[tilespmem:v47+s15+$0x0] =	vst.idx.msk $0xffff, v28  }
0x3b4: {  	v26 =	vadd.s32 $0x1000, v26;
	v52 =	vor.u32 $0x800, v50;
	v28 =	vadd.s32 v15, v59;
	v60 =	vld.idx.msk [tilespmem:v51+s14+$0x0], $0xffff  }
0x3b5: {  	v24 =	vor.u32 v18, v63;
	[tilespmem:v44+s15+$0x0] =	vst.idx.msk $0xffff, v20;
	v20 =	vadd.s32 v15, v52;
	v52 =	vshll.u32 v39, $0x7  }
0x3b6: {  	[tilespmem:v45+s15+$0x0] =	vst.idx.msk $0xffff, v22;
	v46 =	vld.idx.msk [tilespmem:v46+s14+$0x0], $0xffff;
	v58 =	vor.u32 $0x800, v52  }
0x3b7: {  	v38 =	vor.u32 v18, v38;
	v49 =	vld.idx.msk [tilespmem:v49+s14+$0x0], $0xffff;
	[tilespmem:v23+s15+$0x0] =	vst.idx.msk $0xffff, v41;
	v22 =	vadd.s32 v15, v58  }
0x3b8: {  	v21 =	vor.u32 v18, v61;
	v62 =	vadd.s32 $0x1000, v35;
	[tilespmem:v36+s15+$0x0] =	vst.idx.msk $0xffff, v43;
	v61 =	vld.idx.msk [tilespmem:v34+s14+$0x0], $0xffff  }
0x3b9: {  	v32 =	vor.u32 v19, v32;
	v27 =	vadd.s32 $0x1000, v27;
	v63 =	vld.idx.msk [tilespmem:v33+s14+$0x0], $0xffff;
	[tilespmem:v28+s15+$0x0] =	vst.idx.msk $0xffff, v60  }
0x3ba: {  	v25 =	vor.u32 $0x1800, v25;
	[tilespmem:v26+s15+$0x0] =	vst.idx.msk $0xffff, v31;
	v47 =	vadd.s32 $0x1000, v47;
	v36 =	vor.u32 v19, v30;
	v24 =	vld.idx.msk [tilespmem:v24+s14+$0x0], $0xffff  }
0x3bb: {  	v25 =	vadd.s32 v15, v25;
	v51 =	vor.u32 v19, v40;
	[tilespmem:v20+s15+$0x0] =	vst.idx.msk $0xffff, v46  }
0x3bc: {  	v43 =	vadd.s32 $0x1000, v44;
	v20 =	vor.u32 v19, v29;
	[tilespmem:v22+s15+$0x0] =	vst.idx.msk $0xffff, v49;
	v41 =	vld.idx.msk [tilespmem:v38+s14+$0x0], $0xffff  }
0x3bd: {  	v45 =	vadd.s32 $0x1000, v45;
	v44 =	vor.u32 v19, v37;
	[tilespmem:v62+s15+$0x0] =	vst.idx.msk $0xffff, v61;
	v21 =	vld.idx.msk [tilespmem:v21+s14+$0x0], $0xffff  }
0x3be: {  	v55 =	vor.u32 $0x1800, v48;
	v32 =	vld.idx.msk [tilespmem:v32+s14+$0x0], $0xffff;
	[tilespmem:v27+s15+$0x0] =	vst.idx.msk $0xffff, v63;
	v46 =	vor.u32 v19, v39  }
0x3bf: {  	v62 =	vor.u32 $0x1800, v53;
	v29 =	vadd.s32 v15, v55;
	[tilespmem:v47+s15+$0x0] =	vst.idx.msk $0xffff, v24;
	v22 =	vld.idx.msk [tilespmem:v36+s14+$0x0], $0xffff  }
0x3c0: {  	v28 =	vadd.s32 v15, v62;
	v49 =	vor.u32 $0x1800, v42;
	v63 =	vld.idx.msk [tilespmem:v51+s14+$0x0], $0xffff  }
0x3c1: {  	v56 =	vor.u32 $0x1800, v50;
	v54 =	vadd.s32 v15, v49;
	v20 =	vld.idx.msk [tilespmem:v20+s14+$0x0], $0xffff;
	[tilespmem:v43+s15+$0x0] =	vst.idx.msk $0xffff, v41  }
0x3c2: {  	v59 =	vor.u32 $0x1800, v52;
	v58 =	vadd.s32 v15, v56;
	[tilespmem:v45+s15+$0x0] =	vst.idx.msk $0xffff, v21;
	v57 =	vld.idx.msk [tilespmem:v44+s14+$0x0], $0xffff  }
0x3c3: {  	p1 =	por p0, p0;
	[tilespmem:v25+s15+$0x0] =	vst.idx.msk $0xffff, v32;
	v61 =	vadd.s32 v15, v59;
	v60 =	vld.idx.msk [tilespmem:v46+s14+$0x0], $0xffff  }
.Ltmp12:
0x3c4: {  	[tilespmem:v29+s15+$0x0] =	vst.idx.msk $0xffff, v22;
	(pc) =	sbr.rel @p1 .LBB2_28-.Ltmp12, $4  }
0x3c5: {  	[tilespmem:v28+s15+$0x0] =	vst.idx.msk $0xffff, v63  }
0x3c6: {  	[tilespmem:v54+s15+$0x0] =	vst.idx.msk $0xffff, v20  }
0x3c7: {  	[tilespmem:v58+s15+$0x0] =	vst.idx.msk $0xffff, v57  }
0x3c8: {  	p0 =	por $0x0, $0x0;
	s5 =	simm.s32 $0x8;
	[tilespmem:v61+s15+$0x0] =	vst.idx.msk $0xffff, v60  }
0x3c9: {  	s3 =	sadd.s32 $0x1, s3  }
0x3ca: {  	p0 =	sne.s32 s3, $0x8  }
.Ltmp13:
0x3cb: {  	_ = 	snop;
	(pc) =	sbr.rel @p0 .LBB2_27-.Ltmp13, $1  }
0x3cc: {  	_ =	sdelay $0x3  }
0x3cd: {  	s3 =	rddreg [dreg:$0x1d]  }
0x3ce: {  	s6 =	simm.s32 $0x4;
	s3 =	sadd.s32 $0x32000, s3  }
0x3cf: {  	[hbm4b:s3+s30] =	stream.strided.scatter [tilespmem:s15], [sflag:$0x4], $0x2000, s31, s30, $0x38;
	[tilespmem:$0x1E400] =	vst v63  }
0x3d0: {  	_ =	swait.ge [sflag:s6], $0x2000  }
0x3d1: {  	[sflag:s6] =	ssyncset.done $0x0  }
0x3d2: {  	[sflag:s6] =	ssyncadd.s32 $0xFFFFE000  }
0x3d3: {  	v15 =	vld [tilespmem:s0+$0xC00];
	_ =	sdelay $0x4  }
0x3d4: {  	v16 =	vshrl.u32 v15, $0x3  }
0x3d5: {  	v16 =	vmul.u32 $0x30, v16  }
0x3d6: {  	v15 =	vand.u32 $0x7, v15  }
0x3d7: {  	v15 =	vor.u32 v15, v16  }
0x3d8: {  	v16 =	vperm.xlane v15, v1;
	_ =	sdelay $0x1  }
0x3d9: {  	v16 =	vadd.s32 v3, v16;
	_ =	sdelay $0x3  }
0x3da: {  	s3 =	simm.s32 $0x0;
	s5 =	rddreg [dreg:$0x2];
	v15 =	vperm.xlane v15, v4  }
0x3db: {  	[tilespmem:s14], [sflag:$0x1] =	stream.indirect_vreg.gather [hbm4b:s5+s3], $0x80, v16, vm1, $0xb8;
	[tilespmem:$0x1E400] =	vst v63  }
0x3dc: {  	s6 =	simm.s32 $0x2C00;
	v15 =	vadd.s32 v3, v15  }
0x3dd: {  	[tilespmem:s6], [sflag:$0x1] =	stream.indirect_vreg.gather [hbm4b:s28+s3], $0x80, v16, vm1, $0xb8;
	[tilespmem:$0x1E400] =	vst v63  }
0x3de: {  	s7 =	simm.s32 $0x3400  }
0x3df: {  	[tilespmem:s7], [sflag:$0x1] =	stream.indirect_vreg.gather [hbm4b:s29+s3], $0x80, v16, vm1, $0xb8;
	[tilespmem:$0x1E400] =	vst v63  }
0x3e0: {  	s9 =	simm.s32 $0x3C00  }
0x3e1: {  	[tilespmem:s9], [sflag:$0x1] =	stream.indirect_vreg.gather [hbm4b:s5+s3], $0x80, v15, vm1, $0xb8;
	[tilespmem:$0x1E400] =	vst v63  }
0x3e2: {  	s13 =	simm.s32 $0x4400  }
0x3e3: {  	[tilespmem:s13], [sflag:$0x1] =	stream.indirect_vreg.gather [hbm4b:s28+s3], $0x80, v15, vm1, $0xb8;
	[tilespmem:$0x1E400] =	vst v63  }
0x3e4: {  	s26 =	simm.s32 $0x4C00  }
0x3e5: {  	[tilespmem:s26], [sflag:$0x1] =	stream.indirect_vreg.gather [hbm4b:s29+s3], $0x80, v15, vm1, $0xb8;
	[tilespmem:$0x1E400] =	vst v63  }
0x3e6: {  	v15 =	vld [tilespmem:s0+$0xC10];
	_ =	sdelay $0x4  }
0x3e7: {  	v57 =	vshrl.u32 v15, $0x3  }
0x3e8: {  	v16 =	vmul.u32 $0x30, v57  }
0x3e9: {  	v15 =	vand.u32 $0x7, v15  }
0x3ea: {  	v15 =	vor.u32 v15, v16  }
0x3eb: {  	v16 =	vperm.xlane v15, v1;
	_ =	sdelay $0x1  }
0x3ec: {  	v16 =	vadd.s32 v3, v16;
	_ =	sdelay $0x3  }
0x3ed: {  	s7 =	simm.s32 $0x5400;
	v15 =	vperm.xlane v15, v4  }
0x3ee: {  	[tilespmem:s7], [sflag:$0x1] =	stream.indirect_vreg.gather [hbm4b:s5+s3], $0x80, v16, vm1, $0xb8;
	[tilespmem:$0x1E400] =	vst v63  }
0x3ef: {  	s9 =	simm.s32 $0x5C00;
	v15 =	vadd.s32 v3, v15  }
0x3f0: {  	[tilespmem:s9], [sflag:$0x1] =	stream.indirect_vreg.gather [hbm4b:s28+s3], $0x80, v16, vm1, $0xb8;
	[tilespmem:$0x1E400] =	vst v63  }
0x3f1: {  	s13 =	simm.s32 $0x6400  }
0x3f2: {  	[tilespmem:s13], [sflag:$0x1] =	stream.indirect_vreg.gather [hbm4b:s29+s3], $0x80, v16, vm1, $0xb8;
	[tilespmem:$0x1E400] =	vst v63  }
0x3f3: {  	s26 =	simm.s32 $0x6C00  }
0x3f4: {  	[tilespmem:s26], [sflag:$0x1] =	stream.indirect_vreg.gather [hbm4b:s5+s3], $0x80, v15, vm1, $0xb8;
	[tilespmem:$0x1E400] =	vst v63  }
0x3f5: {  	s7 =	simm.s32 $0x7400  }
0x3f6: {  	[tilespmem:s7], [sflag:$0x1] =	stream.indirect_vreg.gather [hbm4b:s28+s3], $0x80, v15, vm1, $0xb8;
	[tilespmem:$0x1E400] =	vst v63  }
0x3f7: {  	s9 =	simm.s32 $0x7C00  }
0x3f8: {  	[tilespmem:s9], [sflag:$0x1] =	stream.indirect_vreg.gather [hbm4b:s29+s3], $0x80, v15, vm1, $0xb8;
	[tilespmem:$0x1E400] =	vst v63  }
0x3f9: {  	v15 =	vld [tilespmem:s0+$0xC20];
	_ =	sdelay $0x4  }
0x3fa: {  	v58 =	vshrl.u32 v15, $0x3  }
0x3fb: {  	v16 =	vmul.u32 $0x30, v58  }
0x3fc: {  	v15 =	vand.u32 $0x7, v15  }
0x3fd: {  	v15 =	vor.u32 v15, v16  }
0x3fe: {  	v16 =	vperm.xlane v15, v1;
	_ =	sdelay $0x1  }
0x3ff: {  	v16 =	vadd.s32 v3, v16;
	_ =	sdelay $0x3  }
0x400: {  	s13 =	simm.s32 $0x8400;
	v15 =	vperm.xlane v15, v4  }
0x401: {  	[tilespmem:s13], [sflag:$0x1] =	stream.indirect_vreg.gather [hbm4b:s5+s3], $0x80, v16, vm1, $0xb8;
	[tilespmem:$0x1E400] =	vst v63  }
0x402: {  	s26 =	simm.s32 $0x8C00;
	v15 =	vadd.s32 v3, v15  }
0x403: {  	[tilespmem:s26], [sflag:$0x1] =	stream.indirect_vreg.gather [hbm4b:s28+s3], $0x80, v16, vm1, $0xb8;
	[tilespmem:$0x1E400] =	vst v63  }
0x404: {  	s7 =	simm.s32 $0x9400  }
0x405: {  	[tilespmem:s7], [sflag:$0x1] =	stream.indirect_vreg.gather [hbm4b:s29+s3], $0x80, v16, vm1, $0xb8;
	[tilespmem:$0x1E400] =	vst v63  }
0x406: {  	s9 =	simm.s32 $0x9C00  }
0x407: {  	[tilespmem:s9], [sflag:$0x1] =	stream.indirect_vreg.gather [hbm4b:s5+s3], $0x80, v15, vm1, $0xb8;
	[tilespmem:$0x1E400] =	vst v63  }
0x408: {  	s13 =	simm.s32 $0xA400  }
0x409: {  	[tilespmem:s13], [sflag:$0x1] =	stream.indirect_vreg.gather [hbm4b:s28+s3], $0x80, v15, vm1, $0xb8;
	[tilespmem:$0x1E400] =	vst v63  }
0x40a: {  	s26 =	simm.s32 $0xAC00  }
0x40b: {  	[tilespmem:s26], [sflag:$0x1] =	stream.indirect_vreg.gather [hbm4b:s29+s3], $0x80, v15, vm1, $0xb8;
	[tilespmem:$0x1E400] =	vst v63  }
0x40c: {  	v15 =	vld [tilespmem:s0+$0xC30];
	_ =	sdelay $0x4  }
0x40d: {  	v59 =	vshrl.u32 v15, $0x3  }
0x40e: {  	v16 =	vmul.u32 $0x30, v59  }
0x40f: {  	v15 =	vand.u32 $0x7, v15  }
0x410: {  	v15 =	vor.u32 v15, v16  }
0x411: {  	v16 =	vperm.xlane v15, v1;
	_ =	sdelay $0x1  }
0x412: {  	v16 =	vadd.s32 v3, v16;
	_ =	sdelay $0x3  }
0x413: {  	s7 =	simm.s32 $0xB400;
	v15 =	vperm.xlane v15, v4  }
0x414: {  	[tilespmem:s7], [sflag:$0x1] =	stream.indirect_vreg.gather [hbm4b:s5+s3], $0x80, v16, vm1, $0xb8;
	[tilespmem:$0x1E400] =	vst v63  }
0x415: {  	s9 =	simm.s32 $0xBC00;
	v15 =	vadd.s32 v3, v15  }
0x416: {  	[tilespmem:s9], [sflag:$0x1] =	stream.indirect_vreg.gather [hbm4b:s28+s3], $0x80, v16, vm1, $0xb8;
	[tilespmem:$0x1E400] =	vst v63  }
0x417: {  	s13 =	simm.s32 $0xC400  }
0x418: {  	[tilespmem:s13], [sflag:$0x1] =	stream.indirect_vreg.gather [hbm4b:s29+s3], $0x80, v16, vm1, $0xb8;
	[tilespmem:$0x1E400] =	vst v63  }
0x419: {  	s26 =	simm.s32 $0xCC00  }
0x41a: {  	[tilespmem:s26], [sflag:$0x1] =	stream.indirect_vreg.gather [hbm4b:s5+s3], $0x80, v15, vm1, $0xb8;
	[tilespmem:$0x1E400] =	vst v63  }
0x41b: {  	s7 =	simm.s32 $0xD400  }
0x41c: {  	[tilespmem:s7], [sflag:$0x1] =	stream.indirect_vreg.gather [hbm4b:s28+s3], $0x80, v15, vm1, $0xb8;
	[tilespmem:$0x1E400] =	vst v63  }
0x41d: {  	s9 =	simm.s32 $0xDC00  }
0x41e: {  	[tilespmem:s9], [sflag:$0x1] =	stream.indirect_vreg.gather [hbm4b:s29+s3], $0x80, v15, vm1, $0xb8;
	[tilespmem:$0x1E400] =	vst v63  }
0x41f: {  	v15 =	vld [tilespmem:s0+$0xC40];
	_ =	sdelay $0x4  }
0x420: {  	v60 =	vshrl.u32 v15, $0x3  }
0x421: {  	v16 =	vmul.u32 $0x30, v60  }
0x422: {  	v15 =	vand.u32 $0x7, v15  }
0x423: {  	v15 =	vor.u32 v15, v16  }
0x424: {  	v16 =	vperm.xlane v15, v1;
	_ =	sdelay $0x1  }
0x425: {  	v16 =	vadd.s32 v3, v16;
	_ =	sdelay $0x3  }
0x426: {  	s13 =	simm.s32 $0xE400;
	v15 =	vperm.xlane v15, v4  }
0x427: {  	[tilespmem:s13], [sflag:$0x1] =	stream.indirect_vreg.gather [hbm4b:s5+s3], $0x80, v16, vm1, $0xb8;
	[tilespmem:$0x1E400] =	vst v63  }
0x428: {  	s26 =	simm.s32 $0xEC00;
	v15 =	vadd.s32 v3, v15  }
0x429: {  	[tilespmem:s26], [sflag:$0x1] =	stream.indirect_vreg.gather [hbm4b:s28+s3], $0x80, v16, vm1, $0xb8;
	[tilespmem:$0x1E400] =	vst v63  }
0x42a: {  	s7 =	simm.s32 $0xF400  }
0x42b: {  	[tilespmem:s7], [sflag:$0x1] =	stream.indirect_vreg.gather [hbm4b:s29+s3], $0x80, v16, vm1, $0xb8;
	[tilespmem:$0x1E400] =	vst v63  }
0x42c: {  	s9 =	simm.s32 $0xFC00  }
0x42d: {  	[tilespmem:s9], [sflag:$0x1] =	stream.indirect_vreg.gather [hbm4b:s5+s3], $0x80, v15, vm1, $0xb8;
	[tilespmem:$0x1E400] =	vst v63  }
0x42e: {  	s13 =	simm.s32 $0x10400  }
0x42f: {  	[tilespmem:s13], [sflag:$0x1] =	stream.indirect_vreg.gather [hbm4b:s28+s3], $0x80, v15, vm1, $0xb8;
	[tilespmem:$0x1E400] =	vst v63  }
0x430: {  	s26 =	simm.s32 $0x10C00  }
0x431: {  	[tilespmem:s26], [sflag:$0x1] =	stream.indirect_vreg.gather [hbm4b:s29+s3], $0x80, v15, vm1, $0xb8;
	[tilespmem:$0x1E400] =	vst v63  }
0x432: {  	v15 =	vld [tilespmem:s0+$0xC50];
	_ =	sdelay $0x4  }
0x433: {  	v61 =	vshrl.u32 v15, $0x3  }
0x434: {  	v16 =	vmul.u32 $0x30, v61  }
0x435: {  	v15 =	vand.u32 $0x7, v15  }
0x436: {  	v15 =	vor.u32 v15, v16  }
0x437: {  	v16 =	vperm.xlane v15, v1;
	_ =	sdelay $0x1  }
0x438: {  	v16 =	vadd.s32 v3, v16;
	_ =	sdelay $0x3  }
0x439: {  	s7 =	simm.s32 $0x11400;
	v15 =	vperm.xlane v15, v4  }
0x43a: {  	[tilespmem:s7], [sflag:$0x1] =	stream.indirect_vreg.gather [hbm4b:s5+s3], $0x80, v16, vm1, $0xb8;
	[tilespmem:$0x1E400] =	vst v63  }
0x43b: {  	s9 =	simm.s32 $0x11C00;
	v15 =	vadd.s32 v3, v15  }
0x43c: {  	[tilespmem:s9], [sflag:$0x1] =	stream.indirect_vreg.gather [hbm4b:s28+s3], $0x80, v16, vm1, $0xb8;
	[tilespmem:$0x1E400] =	vst v63  }
0x43d: {  	s13 =	simm.s32 $0x12400  }
0x43e: {  	[tilespmem:s13], [sflag:$0x1] =	stream.indirect_vreg.gather [hbm4b:s29+s3], $0x80, v16, vm1, $0xb8;
	[tilespmem:$0x1E400] =	vst v63  }
0x43f: {  	s26 =	simm.s32 $0x12C00  }
0x440: {  	[tilespmem:s26], [sflag:$0x1] =	stream.indirect_vreg.gather [hbm4b:s5+s3], $0x80, v15, vm1, $0xb8;
	[tilespmem:$0x1E400] =	vst v63  }
0x441: {  	s7 =	simm.s32 $0x13400  }
0x442: {  	[tilespmem:s7], [sflag:$0x1] =	stream.indirect_vreg.gather [hbm4b:s28+s3], $0x80, v15, vm1, $0xb8;
	[tilespmem:$0x1E400] =	vst v63  }
0x443: {  	s9 =	simm.s32 $0x13C00  }
0x444: {  	[tilespmem:s9], [sflag:$0x1] =	stream.indirect_vreg.gather [hbm4b:s29+s3], $0x80, v15, vm1, $0xb8;
	[tilespmem:$0x1E400] =	vst v63  }
0x445: {  	v15 =	vld [tilespmem:s0+$0xC60];
	_ =	sdelay $0x4  }
0x446: {  	v62 =	vshrl.u32 v15, $0x3  }
0x447: {  	v16 =	vmul.u32 $0x30, v62  }
0x448: {  	v15 =	vand.u32 $0x7, v15  }
0x449: {  	v15 =	vor.u32 v15, v16  }
0x44a: {  	v16 =	vperm.xlane v15, v1;
	_ =	sdelay $0x1  }
0x44b: {  	v16 =	vadd.s32 v3, v16;
	_ =	sdelay $0x3  }
0x44c: {  	s13 =	simm.s32 $0x14400;
	v15 =	vperm.xlane v15, v4  }
0x44d: {  	[tilespmem:s13], [sflag:$0x1] =	stream.indirect_vreg.gather [hbm4b:s5+s3], $0x80, v16, vm1, $0xb8;
	[tilespmem:$0x1E400] =	vst v63  }
0x44e: {  	s26 =	simm.s32 $0x14C00;
	v15 =	vadd.s32 v3, v15  }
0x44f: {  	[tilespmem:s26], [sflag:$0x1] =	stream.indirect_vreg.gather [hbm4b:s28+s3], $0x80, v16, vm1, $0xb8;
	[tilespmem:$0x1E400] =	vst v63  }
0x450: {  	s7 =	simm.s32 $0x15400  }
0x451: {  	[tilespmem:s7], [sflag:$0x1] =	stream.indirect_vreg.gather [hbm4b:s29+s3], $0x80, v16, vm1, $0xb8;
	[tilespmem:$0x1E400] =	vst v63  }
0x452: {  	s9 =	simm.s32 $0x15C00  }
0x453: {  	[tilespmem:s9], [sflag:$0x1] =	stream.indirect_vreg.gather [hbm4b:s5+s3], $0x80, v15, vm1, $0xb8;
	[tilespmem:$0x1E400] =	vst v63  }
0x454: {  	s13 =	simm.s32 $0x16400  }
0x455: {  	[tilespmem:s13], [sflag:$0x1] =	stream.indirect_vreg.gather [hbm4b:s28+s3], $0x80, v15, vm1, $0xb8;
	[tilespmem:$0x1E400] =	vst v63  }
0x456: {  	s26 =	simm.s32 $0x16C00  }
0x457: {  	[tilespmem:s26], [sflag:$0x1] =	stream.indirect_vreg.gather [hbm4b:s29+s3], $0x80, v15, vm1, $0xb8;
	[tilespmem:$0x1E400] =	vst v63  }
0x458: {  	v15 =	vld [tilespmem:s0+$0xC70];
	_ =	sdelay $0x4  }
0x459: {  	v63 =	vshrl.u32 v15, $0x3  }
0x45a: {  	v16 =	vmul.u32 $0x30, v63  }
0x45b: {  	v15 =	vand.u32 $0x7, v15  }
0x45c: {  	v15 =	vor.u32 v15, v16  }
0x45d: {  	v16 =	vperm.xlane v15, v1;
	_ =	sdelay $0x1  }
0x45e: {  	v16 =	vadd.s32 v3, v16;
	_ =	sdelay $0x3  }
0x45f: {  	s7 =	simm.s32 $0x17400;
	v15 =	vperm.xlane v15, v4  }
0x460: {  	[tilespmem:s7], [sflag:$0x1] =	stream.indirect_vreg.gather [hbm4b:s5+s3], $0x80, v16, vm1, $0xb8;
	[tilespmem:$0x1E400] =	vst v63  }
0x461: {  	s9 =	simm.s32 $0x17C00;
	v15 =	vadd.s32 v3, v15  }
0x462: {  	[tilespmem:s9], [sflag:$0x1] =	stream.indirect_vreg.gather [hbm4b:s28+s3], $0x80, v16, vm1, $0xb8;
	[tilespmem:$0x1E400] =	vst v63  }
0x463: {  	s13 =	simm.s32 $0x18400  }
0x464: {  	[tilespmem:s13], [sflag:$0x1] =	stream.indirect_vreg.gather [hbm4b:s29+s3], $0x80, v16, vm1, $0xb8;
	[tilespmem:$0x1E400] =	vst v63  }
0x465: {  	s26 =	simm.s32 $0x18C00  }
0x466: {  	[tilespmem:s26], [sflag:$0x1] =	stream.indirect_vreg.gather [hbm4b:s5+s3], $0x80, v15, vm1, $0xb8;
	[tilespmem:$0x1E400] =	vst v63  }
0x467: {  	s7 =	simm.s32 $0x19400  }
0x468: {  	[tilespmem:s7], [sflag:$0x1] =	stream.indirect_vreg.gather [hbm4b:s28+s3], $0x80, v15, vm1, $0xb8;
	[tilespmem:$0x1E400] =	vst v63  }
0x469: {  	s9 =	simm.s32 $0x19C00  }
0x46a: {  	[tilespmem:s9], [sflag:$0x1] =	stream.indirect_vreg.gather [hbm4b:s29+s3], $0x80, v15, vm1, $0xb8;
	[tilespmem:$0x1E400] =	vst v63  }
0x46b: {  	_ =	swait.ge [sflag:s25], $0x18000  }
0x46c: {  	s13 =	rddreg [dreg:$0x13]  }
0x46d: {  	[sflag:s25] =	ssyncset.done $0x0;
	s26 =	rddreg [dreg:$0x14]  }
0x46e: {  	[sflag:s25] =	ssyncadd.s32 $0xFFFE8000;
	s5 =	sadd.s32 s1, s13;
	s6 =	sadd.s32 s1, s26  }
.LBB2_31:
0x46f: {  	s7 =	sshll.u32 s3, $0x7  }
0x470: {  	p0 =	seq.s32 s3, $0x0;
	v15 =	vmov s7  }
0x471: {  	s7 =	simm.s32 @!p0 $0x2;
	v15 =	vshll.u32 v15, $0x3  }
0x472: {  	_ =	swait.ge @!p0 [sflag:s7], $0x2000;
	v16 =	vbroadcast v15, $0x0  }
0x473: {  	[sflag:s7] =	ssyncset.done @!p0 $0x0  }
0x474: {  	[sflag:s7] =	ssyncadd.s32 @!p0 $0xFFFFE000;
	s7 =	simm.s32 $0x0;
	v16 =	vor.u32 v2, v16  }
.LBB2_32:
0x475: {  	s9 =	sshll.u32 s7, $0x4  }
0x476: {  	v17 =	vor.u32 s9, v0  }
0x477: {  	v18 =	vshrl.u32 v17, $0x3  }
0x478: {  	v18 =	vmul.u32 $0x1800, v18;
	_ =	sdelay $0x1  }
0x479: {  	v18 =	vadd.s32 v16, v18  }
0x47a: {  	p1 =	por $0x1, $0x1;
	s9 =	simm.s32 $0x0;
	v19 =	vor.u32 $0x10, v18;
	v20 =	vor.u32 $0x20, v18;
	v21 =	vor.u32 $0x30, v18  }
.LBB2_33:
0x47b: {  	v22 =	vadd.s32 s9, v0  }
0x47c: {  	v23 =	vand.u32 $0xF, v22  }
0x47d: {  	v25 =	vor.u32 v18, v23  }
0x47e: {  	s13 =	sor.u32 $0x1, s9  }
0x47f: {  	v24 =	vadd.s32 s13, v0  }
0x480: {  	v26 =	vand.u32 $0xF, v24  }
0x481: {  	v28 =	vshll.u32 v23, $0x7;
	v27 =	vor.u32 v18, v26  }
0x482: {  	v28 =	vadd.s32 v17, v28;
	v25 =	vld.idx.msk [tilespmem:v25+s14+$0x0], $0xffff  }
0x483: {  	v30 =	vor.u32 v19, v22;
	_ =	sdelay $0x1  }
0x484: {  	v29 =	vshll.u32 v26, $0x7  }
0x485: {  	v32 =	vshll.u32 v22, $0x7;
	v29 =	vadd.s32 v17, v29;
	v27 =	vld.idx.msk [tilespmem:v27+s14+$0x0], $0xffff  }
0x486: {  	v31 =	vor.u32 v19, v24;
	v50 =	vor.u32 $0x800, v32;
	[tilespmem:v28+s15+$0x0] =	vst.idx.msk $0xffff, v25  }
0x487: {  	s26 =	sor.u32 $0x2, s9;
	v25 =	vadd.s32 v17, v50;
	v30 =	vld.idx.msk [tilespmem:v30+s14+$0x0], $0xffff  }
0x488: {  	v34 =	vadd.s32 s26, v0;
	v23 =	vor.u32 v20, v23  }
0x489: {  	v33 =	vshll.u32 v24, $0x7;
	v35 =	vand.u32 $0xF, v34  }
0x48a: {  	v51 =	vor.u32 $0x800, v33;
	v36 =	vor.u32 v18, v35;
	[tilespmem:v29+s15+$0x0] =	vst.idx.msk $0xffff, v27  }
0x48b: {  	v27 =	vadd.s32 v17, v51;
	v31 =	vld.idx.msk [tilespmem:v31+s14+$0x0], $0xffff  }
0x48c: {  	[tilespmem:v25+s15+$0x0] =	vst.idx.msk $0xffff, v30  }
0x48d: {  	v26 =	vor.u32 v20, v26;
	v52 =	vadd.s32 $0x1000, v28;
	v23 =	vld.idx.msk [tilespmem:v23+s14+$0x0], $0xffff  }
0x48e: {  	v22 =	vor.u32 v21, v22;
	v54 =	vshll.u32 v35, $0x7  }
0x48f: {  	s26 =	sor.u32 $0x3, s9;
	v24 =	vor.u32 v21, v24;
	v56 =	vor.u32 v19, v34;
	v55 =	vld.idx.msk [tilespmem:v36+s14+$0x0], $0xffff;
	v28 =	vadd.s32 v17, v54  }
0x490: {  	v58 =	vor.u32 $0x1800, v33;
	v60 =	vor.u32 v20, v35;
	[tilespmem:v27+s15+$0x0] =	vst.idx.msk $0xffff, v31;
	v31 =	vadd.s32 s26, v0  }
0x491: {  	v53 =	vadd.s32 $0x1000, v29;
	v27 =	vshll.u32 v34, $0x7;
	s26 =	sor.u32 $0x4, s9;
	v36 =	vand.u32 $0xF, v31  }
0x492: {  	v26 =	vld.idx.msk [tilespmem:v26+s14+$0x0], $0xffff;
	v59 =	vor.u32 $0x800, v27;
	[tilespmem:v52+s15+$0x0] =	vst.idx.msk $0xffff, v23;
	v23 =	vor.u32 $0x1800, v32;
	v32 =	vadd.s32 s26, v0;
	s26 =	sor.u32 $0x5, s9  }
0x493: {  	v43 =	vor.u32 v19, v31;
	v22 =	vld.idx.msk [tilespmem:v22+s14+$0x0], $0xffff;
	v23 =	vadd.s32 v17, v23;
	v39 =	vadd.s32 s26, v0;
	s26 =	sor.u32 $0x6, s9  }
0x494: {  	[tilespmem:v28+s15+$0x0] =	vst.idx.msk $0xffff, v55;
	v57 =	vor.u32 v18, v36;
	v61 =	vand.u32 $0xF, v32;
	v41 =	vadd.s32 s26, v0;
	s26 =	sor.u32 $0x7, s9  }
0x495: {  	v30 =	vld.idx.msk [tilespmem:v56+s14+$0x0], $0xffff;
	v29 =	vadd.s32 v17, v59;
	v38 =	vor.u32 v18, v61;
	v42 =	vadd.s32 s26, v0  }
0x496: {  	v44 =	vshll.u32 v31, $0x7;
	v37 =	vshll.u32 v36, $0x7;
	v63 =	vand.u32 $0xF, v42  }
0x497: {  	[tilespmem:v53+s15+$0x0] =	vst.idx.msk $0xffff, v26;
	v26 =	vadd.s32 v17, v58;
	v40 =	vand.u32 $0xF, v39;
	v54 =	vor.u32 v18, v63  }
0x498: {  	v55 =	vor.u32 $0x800, v44;
	v24 =	vld.idx.msk [tilespmem:v24+s14+$0x0], $0xffff;
	[tilespmem:v23+s15+$0x0] =	vst.idx.msk $0xffff, v22;
	v22 =	vor.u32 v18, v40;
	v23 =	vand.u32 $0xF, v41  }
0x499: {  	v37 =	vadd.s32 v17, v37;
	v25 =	vld.idx.msk [tilespmem:v57+s14+$0x0], $0xffff;
	v53 =	vshll.u32 v61, $0x7;
	v62 =	vor.u32 v18, v23  }
0x49a: {  	v36 =	vor.u32 v20, v36;
	[tilespmem:v29+s15+$0x0] =	vst.idx.msk $0xffff, v30;
	v29 =	vadd.s32 v17, v53;
	v38 =	vld.idx.msk [tilespmem:v38+s14+$0x0], $0xffff  }
0x49b: {  	v45 =	vor.u32 v19, v32;
	v46 =	vshll.u32 v40, $0x7;
	v49 =	vshll.u32 v63, $0x7  }
0x49c: {  	v48 =	vor.u32 v19, v39;
	v46 =	vadd.s32 v17, v46;
	v49 =	vadd.s32 v17, v49;
	v30 =	vld.idx.msk [tilespmem:v54+s14+$0x0], $0xffff  }
0x49d: {  	v50 =	vshll.u32 v32, $0x7;
	v53 =	vor.u32 v19, v42;
	[tilespmem:v26+s15+$0x0] =	vst.idx.msk $0xffff, v24;
	v47 =	vshll.u32 v23, $0x7;
	v22 =	vld.idx.msk [tilespmem:v22+s14+$0x0], $0xffff  }
0x49e: {  	v56 =	vor.u32 $0x800, v50;
	v52 =	vshll.u32 v39, $0x7;
	[tilespmem:v37+s15+$0x0] =	vst.idx.msk $0xffff, v25;
	v47 =	vadd.s32 v17, v47;
	v24 =	vld.idx.msk [tilespmem:v62+s14+$0x0], $0xffff  }
0x49f: {  	v51 =	vor.u32 v19, v41;
	v25 =	vadd.s32 v17, v55;
	v55 =	vshll.u32 v42, $0x7;
	[tilespmem:v29+s15+$0x0] =	vst.idx.msk $0xffff, v38  }
0x4a0: {  	v35 =	vor.u32 v20, v61;
	v58 =	vor.u32 $0x800, v55;
	v38 =	vadd.s32 v17, v56;
	v45 =	vld.idx.msk [tilespmem:v45+s14+$0x0], $0xffff  }
0x4a1: {  	v43 =	vld.idx.msk [tilespmem:v43+s14+$0x0], $0xffff;
	v54 =	vor.u32 $0x800, v52;
	[tilespmem:v49+s15+$0x0] =	vst.idx.msk $0xffff, v30;
	v30 =	vadd.s32 v17, v58  }
0x4a2: {  	[tilespmem:v46+s15+$0x0] =	vst.idx.msk $0xffff, v22;
	v22 =	vadd.s32 v17, v54;
	v54 =	vshll.u32 v41, $0x7;
	v59 =	vld.idx.msk [tilespmem:v53+s14+$0x0], $0xffff  }
0x4a3: {  	v26 =	vor.u32 v20, v63;
	v48 =	vld.idx.msk [tilespmem:v48+s14+$0x0], $0xffff;
	[tilespmem:v47+s15+$0x0] =	vst.idx.msk $0xffff, v24;
	v57 =	vor.u32 $0x800, v54  }
0x4a4: {  	v34 =	vor.u32 v21, v34;
	v40 =	vor.u32 v20, v40;
	v51 =	vld.idx.msk [tilespmem:v51+s14+$0x0], $0xffff;
	v24 =	vadd.s32 v17, v57  }
0x4a5: {  	v28 =	vadd.s32 $0x1000, v28;
	v27 =	vor.u32 $0x1800, v27;
	v33 =	vld.idx.msk [tilespmem:v60+s14+$0x0], $0xffff;
	v23 =	vor.u32 v20, v23;
	[tilespmem:v38+s15+$0x0] =	vst.idx.msk $0xffff, v45  }
0x4a6: {  	v27 =	vadd.s32 v17, v27;
	v29 =	vadd.s32 $0x1000, v29;
	[tilespmem:v25+s15+$0x0] =	vst.idx.msk $0xffff, v43;
	v62 =	vld.idx.msk [tilespmem:v35+s14+$0x0], $0xffff  }
0x4a7: {  	v61 =	vadd.s32 $0x1000, v37;
	v63 =	vor.u32 v21, v32;
	v60 =	vld.idx.msk [tilespmem:v36+s14+$0x0], $0xffff;
	[tilespmem:v30+s15+$0x0] =	vst.idx.msk $0xffff, v59  }
0x4a8: {  	[tilespmem:v22+s15+$0x0] =	vst.idx.msk $0xffff, v48;
	v22 =	vor.u32 v21, v31;
	v26 =	vld.idx.msk [tilespmem:v26+s14+$0x0], $0xffff;
	v48 =	vadd.s32 $0x1000, v49  }
0x4a9: {  	v43 =	vadd.s32 $0x1000, v46;
	[tilespmem:v24+s15+$0x0] =	vst.idx.msk $0xffff, v51;
	v40 =	vld.idx.msk [tilespmem:v40+s14+$0x0], $0xffff;
	v51 =	vor.u32 v21, v42  }
0x4aa: {  	[tilespmem:v28+s15+$0x0] =	vst.idx.msk $0xffff, v33;
	v46 =	vadd.s32 $0x1000, v47;
	v45 =	vor.u32 v21, v39;
	v23 =	vld.idx.msk [tilespmem:v23+s14+$0x0], $0xffff  }
0x4ab: {  	v34 =	vld.idx.msk [tilespmem:v34+s14+$0x0], $0xffff;
	v56 =	vor.u32 $0x1800, v50;
	v47 =	vor.u32 v21, v41;
	[tilespmem:v29+s15+$0x0] =	vst.idx.msk $0xffff, v62  }
0x4ac: {  	[tilespmem:v61+s15+$0x0] =	vst.idx.msk $0xffff, v60;
	v49 =	vor.u32 $0x1800, v44;
	v31 =	vadd.s32 v17, v56;
	v24 =	vld.idx.msk [tilespmem:v63+s14+$0x0], $0xffff  }
0x4ad: {  	v53 =	vadd.s32 v17, v49;
	v62 =	vor.u32 $0x1800, v55;
	v22 =	vld.idx.msk [tilespmem:v22+s14+$0x0], $0xffff;
	[tilespmem:v48+s15+$0x0] =	vst.idx.msk $0xffff, v26  }
0x4ae: {  	v57 =	vor.u32 $0x1800, v52;
	v30 =	vadd.s32 v17, v62;
	[tilespmem:v43+s15+$0x0] =	vst.idx.msk $0xffff, v40;
	v63 =	vld.idx.msk [tilespmem:v51+s14+$0x0], $0xffff  }
0x4af: {  	v58 =	vadd.s32 v17, v57;
	v59 =	vor.u32 $0x1800, v54;
	[tilespmem:v46+s15+$0x0] =	vst.idx.msk $0xffff, v23;
	v23 =	vld.idx.msk [tilespmem:v45+s14+$0x0], $0xffff  }
0x4b0: {  	p2 =	por p1, p1;
	[tilespmem:v27+s15+$0x0] =	vst.idx.msk $0xffff, v34;
	v61 =	vadd.s32 v17, v59;
	v60 =	vld.idx.msk [tilespmem:v47+s14+$0x0], $0xffff  }
.Ltmp14:
0x4b1: {  	[tilespmem:v31+s15+$0x0] =	vst.idx.msk $0xffff, v24;
	(pc) =	sbr.rel @p2 .LBB2_33-.Ltmp14, $4  }
0x4b2: {  	[tilespmem:v53+s15+$0x0] =	vst.idx.msk $0xffff, v22  }
0x4b3: {  	[tilespmem:v30+s15+$0x0] =	vst.idx.msk $0xffff, v63  }
0x4b4: {  	[tilespmem:v58+s15+$0x0] =	vst.idx.msk $0xffff, v23  }
0x4b5: {  	p1 =	por $0x0, $0x0;
	s9 =	simm.s32 $0x8;
	[tilespmem:v61+s15+$0x0] =	vst.idx.msk $0xffff, v60  }
0x4b6: {  	s7 =	sadd.s32 $0x1, s7  }
0x4b7: {  	p1 =	sne.s32 s7, $0x8  }
.Ltmp15:
0x4b8: {  	_ = 	snop;
	(pc) =	sbr.rel @p1 .LBB2_32-.Ltmp15, $1  }
0x4b9: {  	_ =	sdelay $0x3  }
0x4ba: {  	s7 =	sshll.u32 s3, $0x11  }
0x4bb: {  	s9 =	sadd.s32 s7, s5  }
0x4bc: {  	s9 =	sshrl.u32 s9, $0x3  }
0x4bd: {  	s9 =	sadd.s32 s8, s9  }
0x4be: {  	[hbm4b:s9+s30] =	stream.strided.scatter [tilespmem:s15], [sflag:$0x2], $0x2000, s31, s30, $0x38;
	[tilespmem:$0x1E400] =	vst v63  }
0x4bf: {  	s9 =	simm.s32 @!p0 $0x3  }
0x4c0: {  	_ =	swait.ge @!p0 [sflag:s9], $0x2000  }
0x4c1: {  	v15 =	vand.u32 $0x1C00, v15;
	[sflag:s9] =	ssyncset.done @!p0 $0x0  }
0x4c2: {  	v15 =	vbroadcast v15, $0x0;
	[sflag:s9] =	ssyncadd.s32 @!p0 $0xFFFFE000;
	s9 =	simm.s32 $0x0  }
.LBB2_36:
0x4c3: {  	s13 =	sshll.u32 s9, $0x4  }
0x4c4: {  	v16 =	vor.u32 s13, v0  }
0x4c5: {  	v17 =	vshrl.u32 v16, $0x3  }
0x4c6: {  	v17 =	vmul.u32 $0x1800, v17;
	_ =	sdelay $0x1  }
0x4c7: {  	v22 =	vor.u32 s13, v12;
	v17 =	vadd.s32 v15, v17  }
0x4c8: {  	v23 =	vor.u32 s13, v13;
	v24 =	vor.u32 s13, v14;
	v18 =	vor.u32 v8, v17  }
0x4c9: {  	p0 =	por $0x1, $0x1;
	s26 =	simm.s32 $0x0;
	v19 =	vor.u32 v9, v17;
	v20 =	vor.u32 v10, v17;
	v21 =	vor.u32 v11, v17  }
.LBB2_37:
0x4ca: {  	s13 =	sor.u32 $0x1, s26  }
0x4cb: {  	v25 =	vadd.s32 s26, v0;
	v26 =	vadd.s32 s13, v0  }
0x4cc: {  	v27 =	vand.u32 $0xF, v25;
	v26 =	vand.u32 $0xF, v26  }
0x4cd: {  	v28 =	vor.u32 v18, v27;
	v29 =	vor.u32 v17, v26  }
0x4ce: {  	v30 =	vor.u32 v8, v29;
	_ =	sdelay $0x2  }
0x4cf: {  	v31 =	vshll.u32 v27, $0x7  }
0x4d0: {  	v32 =	vor.u32 v16, v31;
	v26 =	vshll.u32 v26, $0x7;
	v28 =	vld.idx.msk [tilespmem:v28+s14+$0x0], $0xffff  }
0x4d1: {  	v33 =	vor.u32 v19, v25;
	v34 =	vor.u32 v16, v26;
	v30 =	vld.idx.msk [tilespmem:v30+s14+$0x0], $0xffff  }
0x4d2: {  	v35 =	vor.u32 v9, v29;
	_ =	sdelay $0x2  }
0x4d3: {  	v47 =	vshll.u32 v25, $0x7;
	[tilespmem:v32+s24+$0x0] =	vst.idx.msk $0xffff, v28  }
0x4d4: {  	v48 =	vor.u32 v47, v22;
	v32 =	vld.idx.msk [tilespmem:v33+s14+$0x0], $0xffff;
	[tilespmem:v34+s24+$0x0] =	vst.idx.msk $0xffff, v30  }
0x4d5: {  	v27 =	vor.u32 v20, v27;
	v49 =	vor.u32 v26, v22;
	v30 =	vld.idx.msk [tilespmem:v35+s14+$0x0], $0xffff  }
0x4d6: {  	v50 =	vor.u32 v10, v29;
	_ =	sdelay $0x2  }
0x4d7: {  	[tilespmem:v48+s24+$0x0] =	vst.idx.msk $0xffff, v32  }
0x4d8: {  	v31 =	vor.u32 v31, v23;
	v27 =	vld.idx.msk [tilespmem:v27+s14+$0x0], $0xffff;
	[tilespmem:v49+s24+$0x0] =	vst.idx.msk $0xffff, v30  }
0x4d9: {  	v25 =	vor.u32 v21, v25;
	s13 =	sor.u32 $0x2, s26;
	v51 =	vor.u32 v26, v23;
	v30 =	vld.idx.msk [tilespmem:v50+s14+$0x0], $0xffff  }
0x4da: {  	v52 =	vadd.s32 s13, v0;
	s13 =	sor.u32 $0x3, s26;
	v29 =	vor.u32 v11, v29  }
0x4db: {  	v53 =	vadd.s32 s13, v0;
	s13 =	sor.u32 $0x4, s26  }
0x4dc: {  	v54 =	vadd.s32 s13, v0;
	s13 =	sor.u32 $0x5, s26  }
0x4dd: {  	v26 =	vor.u32 v26, v24;
	v37 =	vadd.s32 s13, v0;
	[tilespmem:v31+s24+$0x0] =	vst.idx.msk $0xffff, v27  }
0x4de: {  	s13 =	sor.u32 $0x6, s26;
	v37 =	vand.u32 $0xF, v37;
	v28 =	vor.u32 v47, v24;
	v27 =	vand.u32 $0xF, v52;
	v25 =	vld.idx.msk [tilespmem:v25+s14+$0x0], $0xffff;
	[tilespmem:v51+s24+$0x0] =	vst.idx.msk $0xffff, v30  }
0x4df: {  	v39 =	vadd.s32 s13, v0;
	v31 =	vand.u32 $0xF, v53;
	v30 =	vor.u32 v17, v27;
	v29 =	vld.idx.msk [tilespmem:v29+s14+$0x0], $0xffff  }
0x4e0: {  	s26 =	sor.u32 $0x7, s26;
	v32 =	vand.u32 $0xF, v54;
	v34 =	vor.u32 v17, v31;
	v55 =	vor.u32 v8, v30  }
0x4e1: {  	v41 =	vadd.s32 s26, v0;
	v36 =	vor.u32 v17, v32;
	v56 =	vor.u32 v8, v34  }
0x4e2: {  	v40 =	vor.u32 v17, v37;
	v39 =	vand.u32 $0xF, v39;
	v38 =	vor.u32 v8, v36  }
0x4e3: {  	v41 =	vand.u32 $0xF, v41;
	[tilespmem:v28+s24+$0x0] =	vst.idx.msk $0xffff, v25;
	v25 =	vor.u32 v8, v40;
	v28 =	vor.u32 v17, v39  }
0x4e4: {  	[tilespmem:v26+s24+$0x0] =	vst.idx.msk $0xffff, v29;
	v26 =	vshll.u32 v27, $0x7;
	v27 =	vor.u32 v8, v28;
	v29 =	vor.u32 v17, v41  }
0x4e5: {  	v31 =	vshll.u32 v31, $0x7;
	v33 =	vld.idx.msk [tilespmem:v55+s14+$0x0], $0xffff;
	v42 =	vor.u32 v16, v26;
	v43 =	vor.u32 v8, v29  }
0x4e6: {  	v32 =	vshll.u32 v32, $0x7;
	v45 =	vor.u32 v16, v31;
	v44 =	vor.u32 v9, v30;
	v35 =	vld.idx.msk [tilespmem:v56+s14+$0x0], $0xffff  }
0x4e7: {  	v37 =	vshll.u32 v37, $0x7;
	v47 =	vor.u32 v16, v32;
	v38 =	vld.idx.msk [tilespmem:v38+s14+$0x0], $0xffff;
	v46 =	vor.u32 v9, v34  }
0x4e8: {  	v48 =	vor.u32 v9, v36;
	v49 =	vor.u32 v16, v37;
	v39 =	vshll.u32 v39, $0x7;
	v25 =	vld.idx.msk [tilespmem:v25+s14+$0x0], $0xffff  }
0x4e9: {  	v50 =	vor.u32 v9, v40;
	v51 =	vor.u32 v16, v39;
	v41 =	vshll.u32 v41, $0x7;
	v27 =	vld.idx.msk [tilespmem:v27+s14+$0x0], $0xffff  }
0x4ea: {  	v57 =	vor.u32 v9, v28;
	v59 =	vor.u32 v16, v41;
	[tilespmem:v42+s24+$0x0] =	vst.idx.msk $0xffff, v33;
	v58 =	vld.idx.msk [tilespmem:v43+s14+$0x0], $0xffff  }
0x4eb: {  	v60 =	vor.u32 v26, v22;
	v61 =	vor.u32 v9, v29;
	[tilespmem:v45+s24+$0x0] =	vst.idx.msk $0xffff, v35;
	v44 =	vld.idx.msk [tilespmem:v44+s14+$0x0], $0xffff  }
0x4ec: {  	v63 =	vor.u32 v31, v22;
	v62 =	vor.u32 v10, v30;
	[tilespmem:v47+s24+$0x0] =	vst.idx.msk $0xffff, v38;
	v46 =	vld.idx.msk [tilespmem:v46+s14+$0x0], $0xffff  }
0x4ed: {  	v54 =	vor.u32 v32, v22;
	v48 =	vld.idx.msk [tilespmem:v48+s14+$0x0], $0xffff;
	[tilespmem:v49+s24+$0x0] =	vst.idx.msk $0xffff, v25;
	v25 =	vor.u32 v10, v34  }
0x4ee: {  	v55 =	vor.u32 v37, v22;
	v50 =	vld.idx.msk [tilespmem:v50+s14+$0x0], $0xffff;
	[tilespmem:v51+s24+$0x0] =	vst.idx.msk $0xffff, v27;
	v27 =	vor.u32 v10, v36  }
0x4ef: {  	v56 =	vor.u32 v10, v40;
	[tilespmem:v59+s24+$0x0] =	vst.idx.msk $0xffff, v58;
	v33 =	vld.idx.msk [tilespmem:v57+s14+$0x0], $0xffff;
	v57 =	vor.u32 v39, v22  }
0x4f0: {  	v58 =	vor.u32 v10, v28;
	[tilespmem:v60+s24+$0x0] =	vst.idx.msk $0xffff, v44;
	v59 =	vld.idx.msk [tilespmem:v61+s14+$0x0], $0xffff;
	v60 =	vor.u32 v41, v22  }
0x4f1: {  	[tilespmem:v63+s24+$0x0] =	vst.idx.msk $0xffff, v46;
	v61 =	vor.u32 v26, v23;
	v38 =	vld.idx.msk [tilespmem:v62+s14+$0x0], $0xffff;
	v62 =	vor.u32 v10, v29  }
0x4f2: {  	v30 =	vor.u32 v11, v30;
	[tilespmem:v54+s24+$0x0] =	vst.idx.msk $0xffff, v48;
	v63 =	vor.u32 v31, v23;
	v25 =	vld.idx.msk [tilespmem:v25+s14+$0x0], $0xffff  }
0x4f3: {  	v52 =	vor.u32 v32, v23;
	v34 =	vor.u32 v11, v34;
	[tilespmem:v55+s24+$0x0] =	vst.idx.msk $0xffff, v50;
	v27 =	vld.idx.msk [tilespmem:v27+s14+$0x0], $0xffff  }
0x4f4: {  	v53 =	vor.u32 v11, v36;
	v55 =	vor.u32 v37, v23;
	v54 =	vld.idx.msk [tilespmem:v56+s14+$0x0], $0xffff;
	[tilespmem:v57+s24+$0x0] =	vst.idx.msk $0xffff, v33  }
0x4f5: {  	v40 =	vor.u32 v11, v40;
	v56 =	vor.u32 v39, v23;
	[tilespmem:v60+s24+$0x0] =	vst.idx.msk $0xffff, v59;
	v35 =	vld.idx.msk [tilespmem:v58+s14+$0x0], $0xffff  }
0x4f6: {  	v28 =	vor.u32 v11, v28;
	v58 =	vor.u32 v41, v23;
	[tilespmem:v61+s24+$0x0] =	vst.idx.msk $0xffff, v38;
	v57 =	vld.idx.msk [tilespmem:v62+s14+$0x0], $0xffff  }
0x4f7: {  	v26 =	vor.u32 v26, v24;
	v29 =	vor.u32 v11, v29;
	[tilespmem:v63+s24+$0x0] =	vst.idx.msk $0xffff, v25;
	v25 =	vld.idx.msk [tilespmem:v30+s14+$0x0], $0xffff  }
0x4f8: {  	v59 =	vor.u32 v31, v24;
	[tilespmem:v52+s24+$0x0] =	vst.idx.msk $0xffff, v27;
	v27 =	vld.idx.msk [tilespmem:v34+s14+$0x0], $0xffff  }
0x4f9: {  	v32 =	vor.u32 v32, v24;
	[tilespmem:v55+s24+$0x0] =	vst.idx.msk $0xffff, v54;
	v60 =	vld.idx.msk [tilespmem:v53+s14+$0x0], $0xffff  }
0x4fa: {  	v62 =	vor.u32 v37, v24;
	v61 =	vld.idx.msk [tilespmem:v40+s14+$0x0], $0xffff;
	[tilespmem:v56+s24+$0x0] =	vst.idx.msk $0xffff, v35  }
0x4fb: {  	v63 =	vor.u32 v39, v24;
	[tilespmem:v58+s24+$0x0] =	vst.idx.msk $0xffff, v57;
	v28 =	vld.idx.msk [tilespmem:v28+s14+$0x0], $0xffff  }
0x4fc: {  	p1 =	por p0, p0;
	[tilespmem:v26+s24+$0x0] =	vst.idx.msk $0xffff, v25;
	v25 =	vld.idx.msk [tilespmem:v29+s14+$0x0], $0xffff;
	v26 =	vor.u32 v41, v24  }
.Ltmp16:
0x4fd: {  	[tilespmem:v59+s24+$0x0] =	vst.idx.msk $0xffff, v27;
	(pc) =	sbr.rel @p1 .LBB2_37-.Ltmp16, $4  }
0x4fe: {  	[tilespmem:v32+s24+$0x0] =	vst.idx.msk $0xffff, v60  }
0x4ff: {  	[tilespmem:v62+s24+$0x0] =	vst.idx.msk $0xffff, v61  }
0x500: {  	[tilespmem:v63+s24+$0x0] =	vst.idx.msk $0xffff, v28  }
0x501: {  	p0 =	por $0x0, $0x0;
	s26 =	simm.s32 $0x8;
	[tilespmem:v26+s24+$0x0] =	vst.idx.msk $0xffff, v25  }
0x502: {  	s9 =	sadd.s32 $0x1, s9  }
0x503: {  	p0 =	sne.s32 s9, $0x8  }
.Ltmp17:
0x504: {  	_ = 	snop;
	(pc) =	sbr.rel @p0 .LBB2_36-.Ltmp17, $1  }
0x505: {  	_ =	sdelay $0x3  }
0x506: {  	s3 =	sadd.s32 $0x1, s3  }
0x507: {  	p0 =	sne.s32 s3, $0x6  }
.Ltmp18:
0x508: {  	_ = 	snop;
	(pc) =	sbr.rel @p0 .LBB2_31-.Ltmp18, $4  }
0x509: {  	s7 =	sadd.s32 s7, s6  }
0x50a: {  	s7 =	sshrl.u32 s7, $0x3  }
0x50b: {  	s7 =	sadd.s32 s8, s7  }
0x50c: {  	[hbm4b:s7+s30] =	stream.strided.scatter [tilespmem:s24], [sflag:$0x3], $0x2000, s31, s30, $0x38;
	[tilespmem:$0x1E400] =	vst v63  }
0x50d: {  	s3 =	simm.s32 $0x2  }
0x50e: {  	_ =	swait.ge [sflag:s3], $0x2000  }
0x50f: {  	[sflag:s3] =	ssyncset.done $0x0  }
0x510: {  	s6 =	simm.s32 $0x3;
	[sflag:s3] =	ssyncadd.s32 $0xFFFFE000  }
0x511: {  	_ =	swait.ge [sflag:s6], $0x2000  }
0x512: {  	[sflag:s6] =	ssyncset.done $0x0  }
0x513: {  	[sflag:s6] =	ssyncadd.s32 $0xFFFFE000  }
0x514: {  	v15 =	vld [tilespmem:s0+$0xC00];
	_ =	sdelay $0x4  }
0x515: {  	v16 =	vshrl.u32 v15, $0x3  }
0x516: {  	v16 =	vmul.u32 $0x30, v16  }
0x517: {  	v15 =	vand.u32 $0x7, v15  }
0x518: {  	v15 =	vor.u32 v15, v16  }
0x519: {  	v16 =	vperm.xlane v15, v1;
	_ =	sdelay $0x1  }
0x51a: {  	v16 =	vadd.s32 v3, v16;
	_ =	sdelay $0x3  }
0x51b: {  	s3 =	simm.s32 $0x0;
	s5 =	rddreg [dreg:$0x5];
	v15 =	vperm.xlane v15, v4  }
0x51c: {  	[tilespmem:s14], [sflag:$0x1] =	stream.indirect_vreg.gather [hbm4b:s5+s3], $0x80, v16, vm1, $0xb8;
	[tilespmem:$0x1E400] =	vst v63  }
0x51d: {  	s6 =	simm.s32 $0x2C00;
	v15 =	vadd.s32 v3, v15  }
0x51e: {  	[tilespmem:s6], [sflag:$0x1] =	stream.indirect_vreg.gather [hbm4b:s2+s3], $0x80, v16, vm1, $0xb8;
	[tilespmem:$0x1E400] =	vst v63  }
0x51f: {  	s7 =	simm.s32 $0x3400  }
0x520: {  	[tilespmem:s7], [sflag:$0x1] =	stream.indirect_vreg.gather [hbm4b:s4+s3], $0x80, v16, vm1, $0xb8;
	[tilespmem:$0x1E400] =	vst v63  }
0x521: {  	s9 =	simm.s32 $0x3C00  }
0x522: {  	[tilespmem:s9], [sflag:$0x1] =	stream.indirect_vreg.gather [hbm4b:s5+s3], $0x80, v15, vm1, $0xb8;
	[tilespmem:$0x1E400] =	vst v63  }
0x523: {  	s13 =	simm.s32 $0x4400  }
0x524: {  	[tilespmem:s13], [sflag:$0x1] =	stream.indirect_vreg.gather [hbm4b:s2+s3], $0x80, v15, vm1, $0xb8;
	[tilespmem:$0x1E400] =	vst v63  }
0x525: {  	s26 =	simm.s32 $0x4C00  }
0x526: {  	[tilespmem:s26], [sflag:$0x1] =	stream.indirect_vreg.gather [hbm4b:s4+s3], $0x80, v15, vm1, $0xb8;
	[tilespmem:$0x1E400] =	vst v63  }
0x527: {  	v15 =	vld [tilespmem:s0+$0xC10];
	_ =	sdelay $0x4  }
0x528: {  	v57 =	vshrl.u32 v15, $0x3  }
0x529: {  	v16 =	vmul.u32 $0x30, v57  }
0x52a: {  	v15 =	vand.u32 $0x7, v15  }
0x52b: {  	v15 =	vor.u32 v15, v16  }
0x52c: {  	v16 =	vperm.xlane v15, v1;
	_ =	sdelay $0x1  }
0x52d: {  	v16 =	vadd.s32 v3, v16;
	_ =	sdelay $0x3  }
0x52e: {  	s7 =	simm.s32 $0x5400;
	v15 =	vperm.xlane v15, v4  }
0x52f: {  	[tilespmem:s7], [sflag:$0x1] =	stream.indirect_vreg.gather [hbm4b:s5+s3], $0x80, v16, vm1, $0xb8;
	[tilespmem:$0x1E400] =	vst v63  }
0x530: {  	s9 =	simm.s32 $0x5C00;
	v15 =	vadd.s32 v3, v15  }
0x531: {  	[tilespmem:s9], [sflag:$0x1] =	stream.indirect_vreg.gather [hbm4b:s2+s3], $0x80, v16, vm1, $0xb8;
	[tilespmem:$0x1E400] =	vst v63  }
0x532: {  	s13 =	simm.s32 $0x6400  }
0x533: {  	[tilespmem:s13], [sflag:$0x1] =	stream.indirect_vreg.gather [hbm4b:s4+s3], $0x80, v16, vm1, $0xb8;
	[tilespmem:$0x1E400] =	vst v63  }
0x534: {  	s26 =	simm.s32 $0x6C00  }
0x535: {  	[tilespmem:s26], [sflag:$0x1] =	stream.indirect_vreg.gather [hbm4b:s5+s3], $0x80, v15, vm1, $0xb8;
	[tilespmem:$0x1E400] =	vst v63  }
0x536: {  	s7 =	simm.s32 $0x7400  }
0x537: {  	[tilespmem:s7], [sflag:$0x1] =	stream.indirect_vreg.gather [hbm4b:s2+s3], $0x80, v15, vm1, $0xb8;
	[tilespmem:$0x1E400] =	vst v63  }
0x538: {  	s9 =	simm.s32 $0x7C00  }
0x539: {  	[tilespmem:s9], [sflag:$0x1] =	stream.indirect_vreg.gather [hbm4b:s4+s3], $0x80, v15, vm1, $0xb8;
	[tilespmem:$0x1E400] =	vst v63  }
0x53a: {  	v15 =	vld [tilespmem:s0+$0xC20];
	_ =	sdelay $0x4  }
0x53b: {  	v58 =	vshrl.u32 v15, $0x3  }
0x53c: {  	v16 =	vmul.u32 $0x30, v58  }
0x53d: {  	v15 =	vand.u32 $0x7, v15  }
0x53e: {  	v15 =	vor.u32 v15, v16  }
0x53f: {  	v16 =	vperm.xlane v15, v1;
	_ =	sdelay $0x1  }
0x540: {  	v16 =	vadd.s32 v3, v16;
	_ =	sdelay $0x3  }
0x541: {  	s13 =	simm.s32 $0x8400;
	v15 =	vperm.xlane v15, v4  }
0x542: {  	[tilespmem:s13], [sflag:$0x1] =	stream.indirect_vreg.gather [hbm4b:s5+s3], $0x80, v16, vm1, $0xb8;
	[tilespmem:$0x1E400] =	vst v63  }
0x543: {  	s26 =	simm.s32 $0x8C00;
	v15 =	vadd.s32 v3, v15  }
0x544: {  	[tilespmem:s26], [sflag:$0x1] =	stream.indirect_vreg.gather [hbm4b:s2+s3], $0x80, v16, vm1, $0xb8;
	[tilespmem:$0x1E400] =	vst v63  }
0x545: {  	s7 =	simm.s32 $0x9400  }
0x546: {  	[tilespmem:s7], [sflag:$0x1] =	stream.indirect_vreg.gather [hbm4b:s4+s3], $0x80, v16, vm1, $0xb8;
	[tilespmem:$0x1E400] =	vst v63  }
0x547: {  	s9 =	simm.s32 $0x9C00  }
0x548: {  	[tilespmem:s9], [sflag:$0x1] =	stream.indirect_vreg.gather [hbm4b:s5+s3], $0x80, v15, vm1, $0xb8;
	[tilespmem:$0x1E400] =	vst v63  }
0x549: {  	s13 =	simm.s32 $0xA400  }
0x54a: {  	[tilespmem:s13], [sflag:$0x1] =	stream.indirect_vreg.gather [hbm4b:s2+s3], $0x80, v15, vm1, $0xb8;
	[tilespmem:$0x1E400] =	vst v63  }
0x54b: {  	s26 =	simm.s32 $0xAC00  }
0x54c: {  	[tilespmem:s26], [sflag:$0x1] =	stream.indirect_vreg.gather [hbm4b:s4+s3], $0x80, v15, vm1, $0xb8;
	[tilespmem:$0x1E400] =	vst v63  }
0x54d: {  	v15 =	vld [tilespmem:s0+$0xC30];
	_ =	sdelay $0x4  }
0x54e: {  	v59 =	vshrl.u32 v15, $0x3  }
0x54f: {  	v16 =	vmul.u32 $0x30, v59  }
0x550: {  	v15 =	vand.u32 $0x7, v15  }
0x551: {  	v15 =	vor.u32 v15, v16  }
0x552: {  	v16 =	vperm.xlane v15, v1;
	_ =	sdelay $0x1  }
0x553: {  	v16 =	vadd.s32 v3, v16;
	_ =	sdelay $0x3  }
0x554: {  	s7 =	simm.s32 $0xB400;
	v15 =	vperm.xlane v15, v4  }
0x555: {  	[tilespmem:s7], [sflag:$0x1] =	stream.indirect_vreg.gather [hbm4b:s5+s3], $0x80, v16, vm1, $0xb8;
	[tilespmem:$0x1E400] =	vst v63  }
0x556: {  	s9 =	simm.s32 $0xBC00;
	v15 =	vadd.s32 v3, v15  }
0x557: {  	[tilespmem:s9], [sflag:$0x1] =	stream.indirect_vreg.gather [hbm4b:s2+s3], $0x80, v16, vm1, $0xb8;
	[tilespmem:$0x1E400] =	vst v63  }
0x558: {  	s13 =	simm.s32 $0xC400  }
0x559: {  	[tilespmem:s13], [sflag:$0x1] =	stream.indirect_vreg.gather [hbm4b:s4+s3], $0x80, v16, vm1, $0xb8;
	[tilespmem:$0x1E400] =	vst v63  }
0x55a: {  	s26 =	simm.s32 $0xCC00  }
0x55b: {  	[tilespmem:s26], [sflag:$0x1] =	stream.indirect_vreg.gather [hbm4b:s5+s3], $0x80, v15, vm1, $0xb8;
	[tilespmem:$0x1E400] =	vst v63  }
0x55c: {  	s7 =	simm.s32 $0xD400  }
0x55d: {  	[tilespmem:s7], [sflag:$0x1] =	stream.indirect_vreg.gather [hbm4b:s2+s3], $0x80, v15, vm1, $0xb8;
	[tilespmem:$0x1E400] =	vst v63  }
0x55e: {  	s9 =	simm.s32 $0xDC00  }
0x55f: {  	[tilespmem:s9], [sflag:$0x1] =	stream.indirect_vreg.gather [hbm4b:s4+s3], $0x80, v15, vm1, $0xb8;
	[tilespmem:$0x1E400] =	vst v63  }
0x560: {  	v15 =	vld [tilespmem:s0+$0xC40];
	_ =	sdelay $0x4  }
0x561: {  	v60 =	vshrl.u32 v15, $0x3  }
0x562: {  	v16 =	vmul.u32 $0x30, v60  }
0x563: {  	v15 =	vand.u32 $0x7, v15  }
0x564: {  	v15 =	vor.u32 v15, v16  }
0x565: {  	v16 =	vperm.xlane v15, v1;
	_ =	sdelay $0x1  }
0x566: {  	v16 =	vadd.s32 v3, v16;
	_ =	sdelay $0x3  }
0x567: {  	s13 =	simm.s32 $0xE400;
	v15 =	vperm.xlane v15, v4  }
0x568: {  	[tilespmem:s13], [sflag:$0x1] =	stream.indirect_vreg.gather [hbm4b:s5+s3], $0x80, v16, vm1, $0xb8;
	[tilespmem:$0x1E400] =	vst v63  }
0x569: {  	s26 =	simm.s32 $0xEC00;
	v15 =	vadd.s32 v3, v15  }
0x56a: {  	[tilespmem:s26], [sflag:$0x1] =	stream.indirect_vreg.gather [hbm4b:s2+s3], $0x80, v16, vm1, $0xb8;
	[tilespmem:$0x1E400] =	vst v63  }
0x56b: {  	s7 =	simm.s32 $0xF400  }
0x56c: {  	[tilespmem:s7], [sflag:$0x1] =	stream.indirect_vreg.gather [hbm4b:s4+s3], $0x80, v16, vm1, $0xb8;
	[tilespmem:$0x1E400] =	vst v63  }
0x56d: {  	s9 =	simm.s32 $0xFC00  }
0x56e: {  	[tilespmem:s9], [sflag:$0x1] =	stream.indirect_vreg.gather [hbm4b:s5+s3], $0x80, v15, vm1, $0xb8;
	[tilespmem:$0x1E400] =	vst v63  }
0x56f: {  	s13 =	simm.s32 $0x10400  }
0x570: {  	[tilespmem:s13], [sflag:$0x1] =	stream.indirect_vreg.gather [hbm4b:s2+s3], $0x80, v15, vm1, $0xb8;
	[tilespmem:$0x1E400] =	vst v63  }
0x571: {  	s26 =	simm.s32 $0x10C00  }
0x572: {  	[tilespmem:s26], [sflag:$0x1] =	stream.indirect_vreg.gather [hbm4b:s4+s3], $0x80, v15, vm1, $0xb8;
	[tilespmem:$0x1E400] =	vst v63  }
0x573: {  	v15 =	vld [tilespmem:s0+$0xC50];
	_ =	sdelay $0x4  }
0x574: {  	v61 =	vshrl.u32 v15, $0x3  }
0x575: {  	v16 =	vmul.u32 $0x30, v61  }
0x576: {  	v15 =	vand.u32 $0x7, v15  }
0x577: {  	v15 =	vor.u32 v15, v16  }
0x578: {  	v16 =	vperm.xlane v15, v1;
	_ =	sdelay $0x1  }
0x579: {  	v16 =	vadd.s32 v3, v16;
	_ =	sdelay $0x3  }
0x57a: {  	s7 =	simm.s32 $0x11400;
	v15 =	vperm.xlane v15, v4  }
0x57b: {  	[tilespmem:s7], [sflag:$0x1] =	stream.indirect_vreg.gather [hbm4b:s5+s3], $0x80, v16, vm1, $0xb8;
	[tilespmem:$0x1E400] =	vst v63  }
0x57c: {  	s9 =	simm.s32 $0x11C00;
	v15 =	vadd.s32 v3, v15  }
0x57d: {  	[tilespmem:s9], [sflag:$0x1] =	stream.indirect_vreg.gather [hbm4b:s2+s3], $0x80, v16, vm1, $0xb8;
	[tilespmem:$0x1E400] =	vst v63  }
0x57e: {  	s13 =	simm.s32 $0x12400  }
0x57f: {  	[tilespmem:s13], [sflag:$0x1] =	stream.indirect_vreg.gather [hbm4b:s4+s3], $0x80, v16, vm1, $0xb8;
	[tilespmem:$0x1E400] =	vst v63  }
0x580: {  	s26 =	simm.s32 $0x12C00  }
0x581: {  	[tilespmem:s26], [sflag:$0x1] =	stream.indirect_vreg.gather [hbm4b:s5+s3], $0x80, v15, vm1, $0xb8;
	[tilespmem:$0x1E400] =	vst v63  }
0x582: {  	s7 =	simm.s32 $0x13400  }
0x583: {  	[tilespmem:s7], [sflag:$0x1] =	stream.indirect_vreg.gather [hbm4b:s2+s3], $0x80, v15, vm1, $0xb8;
	[tilespmem:$0x1E400] =	vst v63  }
0x584: {  	s9 =	simm.s32 $0x13C00  }
0x585: {  	[tilespmem:s9], [sflag:$0x1] =	stream.indirect_vreg.gather [hbm4b:s4+s3], $0x80, v15, vm1, $0xb8;
	[tilespmem:$0x1E400] =	vst v63  }
0x586: {  	v15 =	vld [tilespmem:s0+$0xC60];
	_ =	sdelay $0x4  }
0x587: {  	v62 =	vshrl.u32 v15, $0x3  }
0x588: {  	v16 =	vmul.u32 $0x30, v62  }
0x589: {  	v15 =	vand.u32 $0x7, v15  }
0x58a: {  	v15 =	vor.u32 v15, v16  }
0x58b: {  	v16 =	vperm.xlane v15, v1;
	_ =	sdelay $0x1  }
0x58c: {  	v16 =	vadd.s32 v3, v16;
	_ =	sdelay $0x3  }
0x58d: {  	s13 =	simm.s32 $0x14400;
	v15 =	vperm.xlane v15, v4  }
0x58e: {  	[tilespmem:s13], [sflag:$0x1] =	stream.indirect_vreg.gather [hbm4b:s5+s3], $0x80, v16, vm1, $0xb8;
	[tilespmem:$0x1E400] =	vst v63  }
0x58f: {  	s26 =	simm.s32 $0x14C00;
	v15 =	vadd.s32 v3, v15  }
0x590: {  	[tilespmem:s26], [sflag:$0x1] =	stream.indirect_vreg.gather [hbm4b:s2+s3], $0x80, v16, vm1, $0xb8;
	[tilespmem:$0x1E400] =	vst v63  }
0x591: {  	s7 =	simm.s32 $0x15400  }
0x592: {  	[tilespmem:s7], [sflag:$0x1] =	stream.indirect_vreg.gather [hbm4b:s4+s3], $0x80, v16, vm1, $0xb8;
	[tilespmem:$0x1E400] =	vst v63  }
0x593: {  	s9 =	simm.s32 $0x15C00  }
0x594: {  	[tilespmem:s9], [sflag:$0x1] =	stream.indirect_vreg.gather [hbm4b:s5+s3], $0x80, v15, vm1, $0xb8;
	[tilespmem:$0x1E400] =	vst v63  }
0x595: {  	s13 =	simm.s32 $0x16400  }
0x596: {  	[tilespmem:s13], [sflag:$0x1] =	stream.indirect_vreg.gather [hbm4b:s2+s3], $0x80, v15, vm1, $0xb8;
	[tilespmem:$0x1E400] =	vst v63  }
0x597: {  	s26 =	simm.s32 $0x16C00  }
0x598: {  	[tilespmem:s26], [sflag:$0x1] =	stream.indirect_vreg.gather [hbm4b:s4+s3], $0x80, v15, vm1, $0xb8;
	[tilespmem:$0x1E400] =	vst v63  }
0x599: {  	v15 =	vld [tilespmem:s0+$0xC70];
	_ =	sdelay $0x4  }
0x59a: {  	v63 =	vshrl.u32 v15, $0x3  }
0x59b: {  	v16 =	vmul.u32 $0x30, v63  }
0x59c: {  	v15 =	vand.u32 $0x7, v15  }
0x59d: {  	v15 =	vor.u32 v15, v16  }
0x59e: {  	v16 =	vperm.xlane v15, v1;
	_ =	sdelay $0x1  }
0x59f: {  	v16 =	vadd.s32 v3, v16;
	_ =	sdelay $0x3  }
0x5a0: {  	s7 =	simm.s32 $0x17400;
	v15 =	vperm.xlane v15, v4  }
0x5a1: {  	[tilespmem:s7], [sflag:$0x1] =	stream.indirect_vreg.gather [hbm4b:s5+s3], $0x80, v16, vm1, $0xb8;
	[tilespmem:$0x1E400] =	vst v63  }
0x5a2: {  	s9 =	simm.s32 $0x17C00;
	v15 =	vadd.s32 v3, v15  }
0x5a3: {  	[tilespmem:s9], [sflag:$0x1] =	stream.indirect_vreg.gather [hbm4b:s2+s3], $0x80, v16, vm1, $0xb8;
	[tilespmem:$0x1E400] =	vst v63  }
0x5a4: {  	s13 =	simm.s32 $0x18400  }
0x5a5: {  	[tilespmem:s13], [sflag:$0x1] =	stream.indirect_vreg.gather [hbm4b:s4+s3], $0x80, v16, vm1, $0xb8;
	[tilespmem:$0x1E400] =	vst v63  }
0x5a6: {  	s26 =	simm.s32 $0x18C00  }
0x5a7: {  	[tilespmem:s26], [sflag:$0x1] =	stream.indirect_vreg.gather [hbm4b:s5+s3], $0x80, v15, vm1, $0xb8;
	[tilespmem:$0x1E400] =	vst v63  }
0x5a8: {  	s7 =	simm.s32 $0x19400  }
0x5a9: {  	[tilespmem:s7], [sflag:$0x1] =	stream.indirect_vreg.gather [hbm4b:s2+s3], $0x80, v15, vm1, $0xb8;
	[tilespmem:$0x1E400] =	vst v63  }
0x5aa: {  	s9 =	simm.s32 $0x19C00  }
0x5ab: {  	[tilespmem:s9], [sflag:$0x1] =	stream.indirect_vreg.gather [hbm4b:s4+s3], $0x80, v15, vm1, $0xb8;
	[tilespmem:$0x1E400] =	vst v63  }
0x5ac: {  	_ =	swait.ge [sflag:s25], $0x18000  }
0x5ad: {  	s13 =	rddreg [dreg:$0x15]  }
0x5ae: {  	[sflag:s25] =	ssyncset.done $0x0;
	s26 =	rddreg [dreg:$0x16]  }
0x5af: {  	[sflag:s25] =	ssyncadd.s32 $0xFFFE8000;
	s5 =	sadd.s32 s1, s13;
	s6 =	sadd.s32 s1, s26  }
.LBB2_41:
0x5b0: {  	s7 =	sshll.u32 s3, $0x7  }
0x5b1: {  	p0 =	seq.s32 s3, $0x0;
	v15 =	vmov s7  }
0x5b2: {  	s7 =	simm.s32 @!p0 $0x2;
	v15 =	vshll.u32 v15, $0x3  }
0x5b3: {  	_ =	swait.ge @!p0 [sflag:s7], $0x2000;
	v16 =	vbroadcast v15, $0x0  }
0x5b4: {  	[sflag:s7] =	ssyncset.done @!p0 $0x0  }
0x5b5: {  	[sflag:s7] =	ssyncadd.s32 @!p0 $0xFFFFE000;
	s7 =	simm.s32 $0x0;
	v16 =	vor.u32 v2, v16  }
.LBB2_42:
0x5b6: {  	s9 =	sshll.u32 s7, $0x4  }
0x5b7: {  	v17 =	vor.u32 s9, v0  }
0x5b8: {  	v18 =	vshrl.u32 v17, $0x3  }
0x5b9: {  	v18 =	vmul.u32 $0x1800, v18;
	_ =	sdelay $0x1  }
0x5ba: {  	v18 =	vadd.s32 v16, v18  }
0x5bb: {  	p1 =	por $0x1, $0x1;
	s9 =	simm.s32 $0x0;
	v19 =	vor.u32 $0x10, v18;
	v20 =	vor.u32 $0x20, v18;
	v21 =	vor.u32 $0x30, v18  }
.LBB2_43:
0x5bc: {  	v22 =	vadd.s32 s9, v0  }
0x5bd: {  	v23 =	vand.u32 $0xF, v22  }
0x5be: {  	v25 =	vor.u32 v18, v23  }
0x5bf: {  	s13 =	sor.u32 $0x1, s9  }
0x5c0: {  	v24 =	vadd.s32 s13, v0  }
0x5c1: {  	v26 =	vand.u32 $0xF, v24  }
0x5c2: {  	v28 =	vshll.u32 v23, $0x7;
	v27 =	vor.u32 v18, v26  }
0x5c3: {  	v28 =	vadd.s32 v17, v28;
	v25 =	vld.idx.msk [tilespmem:v25+s14+$0x0], $0xffff  }
0x5c4: {  	v30 =	vor.u32 v19, v22;
	_ =	sdelay $0x1  }
0x5c5: {  	v29 =	vshll.u32 v26, $0x7  }
0x5c6: {  	v32 =	vshll.u32 v22, $0x7;
	v29 =	vadd.s32 v17, v29;
	v27 =	vld.idx.msk [tilespmem:v27+s14+$0x0], $0xffff  }
0x5c7: {  	v31 =	vor.u32 v19, v24;
	v50 =	vor.u32 $0x800, v32;
	[tilespmem:v28+s15+$0x0] =	vst.idx.msk $0xffff, v25  }
0x5c8: {  	s26 =	sor.u32 $0x2, s9;
	v25 =	vadd.s32 v17, v50;
	v30 =	vld.idx.msk [tilespmem:v30+s14+$0x0], $0xffff  }
0x5c9: {  	v34 =	vadd.s32 s26, v0;
	v23 =	vor.u32 v20, v23  }
0x5ca: {  	v33 =	vshll.u32 v24, $0x7;
	v35 =	vand.u32 $0xF, v34  }
0x5cb: {  	v51 =	vor.u32 $0x800, v33;
	v36 =	vor.u32 v18, v35;
	[tilespmem:v29+s15+$0x0] =	vst.idx.msk $0xffff, v27  }
0x5cc: {  	v27 =	vadd.s32 v17, v51;
	v31 =	vld.idx.msk [tilespmem:v31+s14+$0x0], $0xffff  }
0x5cd: {  	[tilespmem:v25+s15+$0x0] =	vst.idx.msk $0xffff, v30  }
0x5ce: {  	v26 =	vor.u32 v20, v26;
	v52 =	vadd.s32 $0x1000, v28;
	v23 =	vld.idx.msk [tilespmem:v23+s14+$0x0], $0xffff  }
0x5cf: {  	v22 =	vor.u32 v21, v22;
	v54 =	vshll.u32 v35, $0x7  }
0x5d0: {  	s26 =	sor.u32 $0x3, s9;
	v24 =	vor.u32 v21, v24;
	v56 =	vor.u32 v19, v34;
	v55 =	vld.idx.msk [tilespmem:v36+s14+$0x0], $0xffff;
	v28 =	vadd.s32 v17, v54  }
0x5d1: {  	v58 =	vor.u32 $0x1800, v33;
	v60 =	vor.u32 v20, v35;
	[tilespmem:v27+s15+$0x0] =	vst.idx.msk $0xffff, v31;
	v31 =	vadd.s32 s26, v0  }
0x5d2: {  	v53 =	vadd.s32 $0x1000, v29;
	v27 =	vshll.u32 v34, $0x7;
	s26 =	sor.u32 $0x4, s9;
	v36 =	vand.u32 $0xF, v31  }
0x5d3: {  	v26 =	vld.idx.msk [tilespmem:v26+s14+$0x0], $0xffff;
	v59 =	vor.u32 $0x800, v27;
	[tilespmem:v52+s15+$0x0] =	vst.idx.msk $0xffff, v23;
	v23 =	vor.u32 $0x1800, v32;
	v32 =	vadd.s32 s26, v0;
	s26 =	sor.u32 $0x5, s9  }
0x5d4: {  	v43 =	vor.u32 v19, v31;
	v22 =	vld.idx.msk [tilespmem:v22+s14+$0x0], $0xffff;
	v23 =	vadd.s32 v17, v23;
	v39 =	vadd.s32 s26, v0;
	s26 =	sor.u32 $0x6, s9  }
0x5d5: {  	[tilespmem:v28+s15+$0x0] =	vst.idx.msk $0xffff, v55;
	v57 =	vor.u32 v18, v36;
	v61 =	vand.u32 $0xF, v32;
	v41 =	vadd.s32 s26, v0;
	s26 =	sor.u32 $0x7, s9  }
0x5d6: {  	v30 =	vld.idx.msk [tilespmem:v56+s14+$0x0], $0xffff;
	v29 =	vadd.s32 v17, v59;
	v38 =	vor.u32 v18, v61;
	v42 =	vadd.s32 s26, v0  }
0x5d7: {  	v44 =	vshll.u32 v31, $0x7;
	v37 =	vshll.u32 v36, $0x7;
	v63 =	vand.u32 $0xF, v42  }
0x5d8: {  	[tilespmem:v53+s15+$0x0] =	vst.idx.msk $0xffff, v26;
	v26 =	vadd.s32 v17, v58;
	v40 =	vand.u32 $0xF, v39;
	v54 =	vor.u32 v18, v63  }
0x5d9: {  	v55 =	vor.u32 $0x800, v44;
	v24 =	vld.idx.msk [tilespmem:v24+s14+$0x0], $0xffff;
	[tilespmem:v23+s15+$0x0] =	vst.idx.msk $0xffff, v22;
	v22 =	vor.u32 v18, v40;
	v23 =	vand.u32 $0xF, v41  }
0x5da: {  	v37 =	vadd.s32 v17, v37;
	v25 =	vld.idx.msk [tilespmem:v57+s14+$0x0], $0xffff;
	v53 =	vshll.u32 v61, $0x7;
	v62 =	vor.u32 v18, v23  }
0x5db: {  	v36 =	vor.u32 v20, v36;
	[tilespmem:v29+s15+$0x0] =	vst.idx.msk $0xffff, v30;
	v29 =	vadd.s32 v17, v53;
	v38 =	vld.idx.msk [tilespmem:v38+s14+$0x0], $0xffff  }
0x5dc: {  	v45 =	vor.u32 v19, v32;
	v46 =	vshll.u32 v40, $0x7;
	v49 =	vshll.u32 v63, $0x7  }
0x5dd: {  	v48 =	vor.u32 v19, v39;
	v46 =	vadd.s32 v17, v46;
	v49 =	vadd.s32 v17, v49;
	v30 =	vld.idx.msk [tilespmem:v54+s14+$0x0], $0xffff  }
0x5de: {  	v50 =	vshll.u32 v32, $0x7;
	v53 =	vor.u32 v19, v42;
	[tilespmem:v26+s15+$0x0] =	vst.idx.msk $0xffff, v24;
	v47 =	vshll.u32 v23, $0x7;
	v22 =	vld.idx.msk [tilespmem:v22+s14+$0x0], $0xffff  }
0x5df: {  	v56 =	vor.u32 $0x800, v50;
	v52 =	vshll.u32 v39, $0x7;
	[tilespmem:v37+s15+$0x0] =	vst.idx.msk $0xffff, v25;
	v47 =	vadd.s32 v17, v47;
	v24 =	vld.idx.msk [tilespmem:v62+s14+$0x0], $0xffff  }
0x5e0: {  	v51 =	vor.u32 v19, v41;
	v25 =	vadd.s32 v17, v55;
	v55 =	vshll.u32 v42, $0x7;
	[tilespmem:v29+s15+$0x0] =	vst.idx.msk $0xffff, v38  }
0x5e1: {  	v35 =	vor.u32 v20, v61;
	v58 =	vor.u32 $0x800, v55;
	v38 =	vadd.s32 v17, v56;
	v45 =	vld.idx.msk [tilespmem:v45+s14+$0x0], $0xffff  }
0x5e2: {  	v43 =	vld.idx.msk [tilespmem:v43+s14+$0x0], $0xffff;
	v54 =	vor.u32 $0x800, v52;
	[tilespmem:v49+s15+$0x0] =	vst.idx.msk $0xffff, v30;
	v30 =	vadd.s32 v17, v58  }
0x5e3: {  	[tilespmem:v46+s15+$0x0] =	vst.idx.msk $0xffff, v22;
	v22 =	vadd.s32 v17, v54;
	v54 =	vshll.u32 v41, $0x7;
	v59 =	vld.idx.msk [tilespmem:v53+s14+$0x0], $0xffff  }
0x5e4: {  	v26 =	vor.u32 v20, v63;
	v48 =	vld.idx.msk [tilespmem:v48+s14+$0x0], $0xffff;
	[tilespmem:v47+s15+$0x0] =	vst.idx.msk $0xffff, v24;
	v57 =	vor.u32 $0x800, v54  }
0x5e5: {  	v34 =	vor.u32 v21, v34;
	v40 =	vor.u32 v20, v40;
	v51 =	vld.idx.msk [tilespmem:v51+s14+$0x0], $0xffff;
	v24 =	vadd.s32 v17, v57  }
0x5e6: {  	v28 =	vadd.s32 $0x1000, v28;
	v27 =	vor.u32 $0x1800, v27;
	v33 =	vld.idx.msk [tilespmem:v60+s14+$0x0], $0xffff;
	v23 =	vor.u32 v20, v23;
	[tilespmem:v38+s15+$0x0] =	vst.idx.msk $0xffff, v45  }
0x5e7: {  	v27 =	vadd.s32 v17, v27;
	v29 =	vadd.s32 $0x1000, v29;
	[tilespmem:v25+s15+$0x0] =	vst.idx.msk $0xffff, v43;
	v62 =	vld.idx.msk [tilespmem:v35+s14+$0x0], $0xffff  }
0x5e8: {  	v61 =	vadd.s32 $0x1000, v37;
	v63 =	vor.u32 v21, v32;
	v60 =	vld.idx.msk [tilespmem:v36+s14+$0x0], $0xffff;
	[tilespmem:v30+s15+$0x0] =	vst.idx.msk $0xffff, v59  }
0x5e9: {  	[tilespmem:v22+s15+$0x0] =	vst.idx.msk $0xffff, v48;
	v22 =	vor.u32 v21, v31;
	v26 =	vld.idx.msk [tilespmem:v26+s14+$0x0], $0xffff;
	v48 =	vadd.s32 $0x1000, v49  }
0x5ea: {  	v43 =	vadd.s32 $0x1000, v46;
	[tilespmem:v24+s15+$0x0] =	vst.idx.msk $0xffff, v51;
	v40 =	vld.idx.msk [tilespmem:v40+s14+$0x0], $0xffff;
	v51 =	vor.u32 v21, v42  }
0x5eb: {  	[tilespmem:v28+s15+$0x0] =	vst.idx.msk $0xffff, v33;
	v46 =	vadd.s32 $0x1000, v47;
	v45 =	vor.u32 v21, v39;
	v23 =	vld.idx.msk [tilespmem:v23+s14+$0x0], $0xffff  }
0x5ec: {  	v34 =	vld.idx.msk [tilespmem:v34+s14+$0x0], $0xffff;
	v56 =	vor.u32 $0x1800, v50;
	v47 =	vor.u32 v21, v41;
	[tilespmem:v29+s15+$0x0] =	vst.idx.msk $0xffff, v62  }
0x5ed: {  	[tilespmem:v61+s15+$0x0] =	vst.idx.msk $0xffff, v60;
	v49 =	vor.u32 $0x1800, v44;
	v31 =	vadd.s32 v17, v56;
	v24 =	vld.idx.msk [tilespmem:v63+s14+$0x0], $0xffff  }
0x5ee: {  	v53 =	vadd.s32 v17, v49;
	v62 =	vor.u32 $0x1800, v55;
	v22 =	vld.idx.msk [tilespmem:v22+s14+$0x0], $0xffff;
	[tilespmem:v48+s15+$0x0] =	vst.idx.msk $0xffff, v26  }
0x5ef: {  	v57 =	vor.u32 $0x1800, v52;
	v30 =	vadd.s32 v17, v62;
	[tilespmem:v43+s15+$0x0] =	vst.idx.msk $0xffff, v40;
	v63 =	vld.idx.msk [tilespmem:v51+s14+$0x0], $0xffff  }
0x5f0: {  	v58 =	vadd.s32 v17, v57;
	v59 =	vor.u32 $0x1800, v54;
	[tilespmem:v46+s15+$0x0] =	vst.idx.msk $0xffff, v23;
	v23 =	vld.idx.msk [tilespmem:v45+s14+$0x0], $0xffff  }
0x5f1: {  	p2 =	por p1, p1;
	[tilespmem:v27+s15+$0x0] =	vst.idx.msk $0xffff, v34;
	v61 =	vadd.s32 v17, v59;
	v60 =	vld.idx.msk [tilespmem:v47+s14+$0x0], $0xffff  }
.Ltmp19:
0x5f2: {  	[tilespmem:v31+s15+$0x0] =	vst.idx.msk $0xffff, v24;
	(pc) =	sbr.rel @p2 .LBB2_43-.Ltmp19, $4  }
0x5f3: {  	[tilespmem:v53+s15+$0x0] =	vst.idx.msk $0xffff, v22  }
0x5f4: {  	[tilespmem:v30+s15+$0x0] =	vst.idx.msk $0xffff, v63  }
0x5f5: {  	[tilespmem:v58+s15+$0x0] =	vst.idx.msk $0xffff, v23  }
0x5f6: {  	p1 =	por $0x0, $0x0;
	s9 =	simm.s32 $0x8;
	[tilespmem:v61+s15+$0x0] =	vst.idx.msk $0xffff, v60  }
0x5f7: {  	s7 =	sadd.s32 $0x1, s7  }
0x5f8: {  	p1 =	sne.s32 s7, $0x8  }
.Ltmp20:
0x5f9: {  	_ = 	snop;
	(pc) =	sbr.rel @p1 .LBB2_42-.Ltmp20, $1  }
0x5fa: {  	_ =	sdelay $0x3  }
0x5fb: {  	s7 =	sshll.u32 s3, $0x11  }
0x5fc: {  	s9 =	sadd.s32 s7, s5  }
0x5fd: {  	s9 =	sshrl.u32 s9, $0x3  }
0x5fe: {  	s9 =	sadd.s32 s8, s9  }
0x5ff: {  	[hbm4b:s9+s30] =	stream.strided.scatter [tilespmem:s15], [sflag:$0x2], $0x2000, s31, s30, $0x38;
	[tilespmem:$0x1E400] =	vst v63  }
0x600: {  	s9 =	simm.s32 @!p0 $0x3  }
0x601: {  	_ =	swait.ge @!p0 [sflag:s9], $0x2000  }
0x602: {  	v15 =	vand.u32 $0x1C00, v15;
	[sflag:s9] =	ssyncset.done @!p0 $0x0  }
0x603: {  	v15 =	vbroadcast v15, $0x0;
	[sflag:s9] =	ssyncadd.s32 @!p0 $0xFFFFE000;
	s9 =	simm.s32 $0x0  }
.LBB2_46:
0x604: {  	s13 =	sshll.u32 s9, $0x4  }
0x605: {  	v16 =	vor.u32 s13, v0  }
0x606: {  	v17 =	vshrl.u32 v16, $0x3  }
0x607: {  	v17 =	vmul.u32 $0x1800, v17;
	_ =	sdelay $0x1  }
0x608: {  	v22 =	vor.u32 s13, v12;
	v17 =	vadd.s32 v15, v17  }
0x609: {  	v23 =	vor.u32 s13, v13;
	v24 =	vor.u32 s13, v14;
	v18 =	vor.u32 v8, v17  }
0x60a: {  	p0 =	por $0x1, $0x1;
	s26 =	simm.s32 $0x0;
	v19 =	vor.u32 v9, v17;
	v20 =	vor.u32 v10, v17;
	v21 =	vor.u32 v11, v17  }
.LBB2_47:
0x60b: {  	s13 =	sor.u32 $0x1, s26  }
0x60c: {  	v25 =	vadd.s32 s26, v0;
	v26 =	vadd.s32 s13, v0  }
0x60d: {  	v27 =	vand.u32 $0xF, v25;
	v26 =	vand.u32 $0xF, v26  }
0x60e: {  	v28 =	vor.u32 v18, v27;
	v29 =	vor.u32 v17, v26  }
0x60f: {  	v30 =	vor.u32 v8, v29;
	_ =	sdelay $0x2  }
0x610: {  	v31 =	vshll.u32 v27, $0x7  }
0x611: {  	v32 =	vor.u32 v16, v31;
	v26 =	vshll.u32 v26, $0x7;
	v28 =	vld.idx.msk [tilespmem:v28+s14+$0x0], $0xffff  }
0x612: {  	v33 =	vor.u32 v19, v25;
	v34 =	vor.u32 v16, v26;
	v30 =	vld.idx.msk [tilespmem:v30+s14+$0x0], $0xffff  }
0x613: {  	v35 =	vor.u32 v9, v29;
	_ =	sdelay $0x2  }
0x614: {  	v47 =	vshll.u32 v25, $0x7;
	[tilespmem:v32+s24+$0x0] =	vst.idx.msk $0xffff, v28  }
0x615: {  	v48 =	vor.u32 v47, v22;
	v32 =	vld.idx.msk [tilespmem:v33+s14+$0x0], $0xffff;
	[tilespmem:v34+s24+$0x0] =	vst.idx.msk $0xffff, v30  }
0x616: {  	v27 =	vor.u32 v20, v27;
	v49 =	vor.u32 v26, v22;
	v30 =	vld.idx.msk [tilespmem:v35+s14+$0x0], $0xffff  }
0x617: {  	v50 =	vor.u32 v10, v29;
	_ =	sdelay $0x2  }
0x618: {  	[tilespmem:v48+s24+$0x0] =	vst.idx.msk $0xffff, v32  }
0x619: {  	v31 =	vor.u32 v31, v23;
	v27 =	vld.idx.msk [tilespmem:v27+s14+$0x0], $0xffff;
	[tilespmem:v49+s24+$0x0] =	vst.idx.msk $0xffff, v30  }
0x61a: {  	v25 =	vor.u32 v21, v25;
	s13 =	sor.u32 $0x2, s26;
	v51 =	vor.u32 v26, v23;
	v30 =	vld.idx.msk [tilespmem:v50+s14+$0x0], $0xffff  }
0x61b: {  	v52 =	vadd.s32 s13, v0;
	s13 =	sor.u32 $0x3, s26;
	v29 =	vor.u32 v11, v29  }
0x61c: {  	v53 =	vadd.s32 s13, v0;
	s13 =	sor.u32 $0x4, s26  }
0x61d: {  	v54 =	vadd.s32 s13, v0;
	s13 =	sor.u32 $0x5, s26  }
0x61e: {  	v26 =	vor.u32 v26, v24;
	v37 =	vadd.s32 s13, v0;
	[tilespmem:v31+s24+$0x0] =	vst.idx.msk $0xffff, v27  }
0x61f: {  	s13 =	sor.u32 $0x6, s26;
	v37 =	vand.u32 $0xF, v37;
	v28 =	vor.u32 v47, v24;
	v27 =	vand.u32 $0xF, v52;
	v25 =	vld.idx.msk [tilespmem:v25+s14+$0x0], $0xffff;
	[tilespmem:v51+s24+$0x0] =	vst.idx.msk $0xffff, v30  }
0x620: {  	v39 =	vadd.s32 s13, v0;
	v31 =	vand.u32 $0xF, v53;
	v30 =	vor.u32 v17, v27;
	v29 =	vld.idx.msk [tilespmem:v29+s14+$0x0], $0xffff  }
0x621: {  	s26 =	sor.u32 $0x7, s26;
	v32 =	vand.u32 $0xF, v54;
	v34 =	vor.u32 v17, v31;
	v55 =	vor.u32 v8, v30  }
0x622: {  	v41 =	vadd.s32 s26, v0;
	v36 =	vor.u32 v17, v32;
	v56 =	vor.u32 v8, v34  }
0x623: {  	v40 =	vor.u32 v17, v37;
	v39 =	vand.u32 $0xF, v39;
	v38 =	vor.u32 v8, v36  }
0x624: {  	v41 =	vand.u32 $0xF, v41;
	[tilespmem:v28+s24+$0x0] =	vst.idx.msk $0xffff, v25;
	v25 =	vor.u32 v8, v40;
	v28 =	vor.u32 v17, v39  }
0x625: {  	[tilespmem:v26+s24+$0x0] =	vst.idx.msk $0xffff, v29;
	v26 =	vshll.u32 v27, $0x7;
	v27 =	vor.u32 v8, v28;
	v29 =	vor.u32 v17, v41  }
0x626: {  	v31 =	vshll.u32 v31, $0x7;
	v33 =	vld.idx.msk [tilespmem:v55+s14+$0x0], $0xffff;
	v42 =	vor.u32 v16, v26;
	v43 =	vor.u32 v8, v29  }
0x627: {  	v32 =	vshll.u32 v32, $0x7;
	v45 =	vor.u32 v16, v31;
	v44 =	vor.u32 v9, v30;
	v35 =	vld.idx.msk [tilespmem:v56+s14+$0x0], $0xffff  }
0x628: {  	v37 =	vshll.u32 v37, $0x7;
	v47 =	vor.u32 v16, v32;
	v38 =	vld.idx.msk [tilespmem:v38+s14+$0x0], $0xffff;
	v46 =	vor.u32 v9, v34  }
0x629: {  	v48 =	vor.u32 v9, v36;
	v49 =	vor.u32 v16, v37;
	v39 =	vshll.u32 v39, $0x7;
	v25 =	vld.idx.msk [tilespmem:v25+s14+$0x0], $0xffff  }
0x62a: {  	v50 =	vor.u32 v9, v40;
	v51 =	vor.u32 v16, v39;
	v41 =	vshll.u32 v41, $0x7;
	v27 =	vld.idx.msk [tilespmem:v27+s14+$0x0], $0xffff  }
0x62b: {  	v57 =	vor.u32 v9, v28;
	v59 =	vor.u32 v16, v41;
	[tilespmem:v42+s24+$0x0] =	vst.idx.msk $0xffff, v33;
	v58 =	vld.idx.msk [tilespmem:v43+s14+$0x0], $0xffff  }
0x62c: {  	v60 =	vor.u32 v26, v22;
	v61 =	vor.u32 v9, v29;
	[tilespmem:v45+s24+$0x0] =	vst.idx.msk $0xffff, v35;
	v44 =	vld.idx.msk [tilespmem:v44+s14+$0x0], $0xffff  }
0x62d: {  	v63 =	vor.u32 v31, v22;
	v62 =	vor.u32 v10, v30;
	[tilespmem:v47+s24+$0x0] =	vst.idx.msk $0xffff, v38;
	v46 =	vld.idx.msk [tilespmem:v46+s14+$0x0], $0xffff  }
0x62e: {  	v54 =	vor.u32 v32, v22;
	v48 =	vld.idx.msk [tilespmem:v48+s14+$0x0], $0xffff;
	[tilespmem:v49+s24+$0x0] =	vst.idx.msk $0xffff, v25;
	v25 =	vor.u32 v10, v34  }
0x62f: {  	v55 =	vor.u32 v37, v22;
	v50 =	vld.idx.msk [tilespmem:v50+s14+$0x0], $0xffff;
	[tilespmem:v51+s24+$0x0] =	vst.idx.msk $0xffff, v27;
	v27 =	vor.u32 v10, v36  }
0x630: {  	v56 =	vor.u32 v10, v40;
	[tilespmem:v59+s24+$0x0] =	vst.idx.msk $0xffff, v58;
	v33 =	vld.idx.msk [tilespmem:v57+s14+$0x0], $0xffff;
	v57 =	vor.u32 v39, v22  }
0x631: {  	v58 =	vor.u32 v10, v28;
	[tilespmem:v60+s24+$0x0] =	vst.idx.msk $0xffff, v44;
	v59 =	vld.idx.msk [tilespmem:v61+s14+$0x0], $0xffff;
	v60 =	vor.u32 v41, v22  }
0x632: {  	[tilespmem:v63+s24+$0x0] =	vst.idx.msk $0xffff, v46;
	v61 =	vor.u32 v26, v23;
	v38 =	vld.idx.msk [tilespmem:v62+s14+$0x0], $0xffff;
	v62 =	vor.u32 v10, v29  }
0x633: {  	v30 =	vor.u32 v11, v30;
	[tilespmem:v54+s24+$0x0] =	vst.idx.msk $0xffff, v48;
	v63 =	vor.u32 v31, v23;
	v25 =	vld.idx.msk [tilespmem:v25+s14+$0x0], $0xffff  }
0x634: {  	v52 =	vor.u32 v32, v23;
	v34 =	vor.u32 v11, v34;
	[tilespmem:v55+s24+$0x0] =	vst.idx.msk $0xffff, v50;
	v27 =	vld.idx.msk [tilespmem:v27+s14+$0x0], $0xffff  }
0x635: {  	v53 =	vor.u32 v11, v36;
	v55 =	vor.u32 v37, v23;
	v54 =	vld.idx.msk [tilespmem:v56+s14+$0x0], $0xffff;
	[tilespmem:v57+s24+$0x0] =	vst.idx.msk $0xffff, v33  }
0x636: {  	v40 =	vor.u32 v11, v40;
	v56 =	vor.u32 v39, v23;
	[tilespmem:v60+s24+$0x0] =	vst.idx.msk $0xffff, v59;
	v35 =	vld.idx.msk [tilespmem:v58+s14+$0x0], $0xffff  }
0x637: {  	v28 =	vor.u32 v11, v28;
	v58 =	vor.u32 v41, v23;
	[tilespmem:v61+s24+$0x0] =	vst.idx.msk $0xffff, v38;
	v57 =	vld.idx.msk [tilespmem:v62+s14+$0x0], $0xffff  }
0x638: {  	v26 =	vor.u32 v26, v24;
	v29 =	vor.u32 v11, v29;
	[tilespmem:v63+s24+$0x0] =	vst.idx.msk $0xffff, v25;
	v25 =	vld.idx.msk [tilespmem:v30+s14+$0x0], $0xffff  }
0x639: {  	v59 =	vor.u32 v31, v24;
	[tilespmem:v52+s24+$0x0] =	vst.idx.msk $0xffff, v27;
	v27 =	vld.idx.msk [tilespmem:v34+s14+$0x0], $0xffff  }
0x63a: {  	v32 =	vor.u32 v32, v24;
	[tilespmem:v55+s24+$0x0] =	vst.idx.msk $0xffff, v54;
	v60 =	vld.idx.msk [tilespmem:v53+s14+$0x0], $0xffff  }
0x63b: {  	v62 =	vor.u32 v37, v24;
	v61 =	vld.idx.msk [tilespmem:v40+s14+$0x0], $0xffff;
	[tilespmem:v56+s24+$0x0] =	vst.idx.msk $0xffff, v35  }
0x63c: {  	v63 =	vor.u32 v39, v24;
	[tilespmem:v58+s24+$0x0] =	vst.idx.msk $0xffff, v57;
	v28 =	vld.idx.msk [tilespmem:v28+s14+$0x0], $0xffff  }
0x63d: {  	p1 =	por p0, p0;
	[tilespmem:v26+s24+$0x0] =	vst.idx.msk $0xffff, v25;
	v25 =	vld.idx.msk [tilespmem:v29+s14+$0x0], $0xffff;
	v26 =	vor.u32 v41, v24  }
.Ltmp21:
0x63e: {  	[tilespmem:v59+s24+$0x0] =	vst.idx.msk $0xffff, v27;
	(pc) =	sbr.rel @p1 .LBB2_47-.Ltmp21, $4  }
0x63f: {  	[tilespmem:v32+s24+$0x0] =	vst.idx.msk $0xffff, v60  }
0x640: {  	[tilespmem:v62+s24+$0x0] =	vst.idx.msk $0xffff, v61  }
0x641: {  	[tilespmem:v63+s24+$0x0] =	vst.idx.msk $0xffff, v28  }
0x642: {  	p0 =	por $0x0, $0x0;
	s26 =	simm.s32 $0x8;
	[tilespmem:v26+s24+$0x0] =	vst.idx.msk $0xffff, v25  }
0x643: {  	s9 =	sadd.s32 $0x1, s9  }
0x644: {  	p0 =	sne.s32 s9, $0x8  }
.Ltmp22:
0x645: {  	_ = 	snop;
	(pc) =	sbr.rel @p0 .LBB2_46-.Ltmp22, $1  }
0x646: {  	_ =	sdelay $0x3  }
0x647: {  	s3 =	sadd.s32 $0x1, s3  }
0x648: {  	p0 =	sne.s32 s3, $0x6  }
.Ltmp23:
0x649: {  	_ = 	snop;
	(pc) =	sbr.rel @p0 .LBB2_41-.Ltmp23, $4  }
0x64a: {  	s7 =	sadd.s32 s7, s6  }
0x64b: {  	s7 =	sshrl.u32 s7, $0x3  }
0x64c: {  	s7 =	sadd.s32 s8, s7  }
0x64d: {  	[hbm4b:s7+s30] =	stream.strided.scatter [tilespmem:s24], [sflag:$0x3], $0x2000, s31, s30, $0x38;
	[tilespmem:$0x1E400] =	vst v63  }
0x64e: {  	s3 =	simm.s32 $0x2  }
0x64f: {  	_ =	swait.ge [sflag:s3], $0x2000  }
0x650: {  	[sflag:s3] =	ssyncset.done $0x0  }
0x651: {  	s6 =	simm.s32 $0x3;
	[sflag:s3] =	ssyncadd.s32 $0xFFFFE000  }
0x652: {  	_ =	swait.ge [sflag:s6], $0x2000  }
0x653: {  	[sflag:s6] =	ssyncset.done $0x0  }
0x654: {  	[sflag:s6] =	ssyncadd.s32 $0xFFFFE000  }
0x655: {  	v15 =	vld [tilespmem:s0+$0x1800];
	_ =	sdelay $0x4  }
0x656: {  	v16 =	vperm.xlane v15, v1;
	_ =	sdelay $0x1  }
0x657: {  	v15 =	vperm.xlane v15, v4;
	v16 =	vadd.s32 v3, v16;
	_ =	sdelay $0x1  }
0x658: {  	v15 =	vadd.s32 v3, v15;
	_ =	sdelay $0x1  }
0x659: {  	s3 =	simm.s32 $0x0  }
0x65a: {  	[tilespmem:s14], [sflag:$0x1] =	stream.indirect_vreg.gather [hbm4b:s12+s3], $0x80, v16, vm0, $0xb8;
	[tilespmem:$0x1E400] =	vst v63  }
0x65b: {  	s5 =	simm.s32 $0x3C00  }
0x65c: {  	[tilespmem:s5], [sflag:$0x1] =	stream.indirect_vreg.gather [hbm4b:s12+s3], $0x80, v15, vm0, $0xb8;
	[tilespmem:$0x1E400] =	vst v63  }
0x65d: {  	v15 =	vld [tilespmem:s0+$0x1810];
	_ =	sdelay $0x4  }
0x65e: {  	v57 =	vperm.xlane v15, v1;
	_ =	sdelay $0x1  }
0x65f: {  	v15 =	vperm.xlane v15, v4;
	v16 =	vadd.s32 v3, v57;
	_ =	sdelay $0x1  }
0x660: {  	v15 =	vadd.s32 v3, v15;
	_ =	sdelay $0x1  }
0x661: {  	s7 =	simm.s32 $0x5400  }
0x662: {  	[tilespmem:s7], [sflag:$0x1] =	stream.indirect_vreg.gather [hbm4b:s12+s3], $0x80, v16, vm0, $0xb8;
	[tilespmem:$0x1E400] =	vst v63  }
0x663: {  	s9 =	simm.s32 $0x6C00  }
0x664: {  	[tilespmem:s9], [sflag:$0x1] =	stream.indirect_vreg.gather [hbm4b:s12+s3], $0x80, v15, vm0, $0xb8;
	[tilespmem:$0x1E400] =	vst v63  }
0x665: {  	v15 =	vld [tilespmem:s0+$0x1820];
	_ =	sdelay $0x4  }
0x666: {  	v58 =	vperm.xlane v15, v1;
	_ =	sdelay $0x1  }
0x667: {  	v15 =	vperm.xlane v15, v4;
	v16 =	vadd.s32 v3, v58;
	_ =	sdelay $0x1  }
0x668: {  	v15 =	vadd.s32 v3, v15;
	_ =	sdelay $0x1  }
0x669: {  	s13 =	simm.s32 $0x8400  }
0x66a: {  	[tilespmem:s13], [sflag:$0x1] =	stream.indirect_vreg.gather [hbm4b:s12+s3], $0x80, v16, vm0, $0xb8;
	[tilespmem:$0x1E400] =	vst v63  }
0x66b: {  	s26 =	simm.s32 $0x9C00  }
0x66c: {  	[tilespmem:s26], [sflag:$0x1] =	stream.indirect_vreg.gather [hbm4b:s12+s3], $0x80, v15, vm0, $0xb8;
	[tilespmem:$0x1E400] =	vst v63  }
0x66d: {  	v15 =	vld [tilespmem:s0+$0x1830];
	_ =	sdelay $0x4  }
0x66e: {  	v59 =	vperm.xlane v15, v1;
	_ =	sdelay $0x1  }
0x66f: {  	v15 =	vperm.xlane v15, v4;
	v16 =	vadd.s32 v3, v59;
	_ =	sdelay $0x1  }
0x670: {  	v15 =	vadd.s32 v3, v15;
	_ =	sdelay $0x1  }
0x671: {  	s6 =	simm.s32 $0xB400  }
0x672: {  	[tilespmem:s6], [sflag:$0x1] =	stream.indirect_vreg.gather [hbm4b:s12+s3], $0x80, v16, vm0, $0xb8;
	[tilespmem:$0x1E400] =	vst v63  }
0x673: {  	s7 =	simm.s32 $0xCC00  }
0x674: {  	[tilespmem:s7], [sflag:$0x1] =	stream.indirect_vreg.gather [hbm4b:s12+s3], $0x80, v15, vm0, $0xb8;
	[tilespmem:$0x1E400] =	vst v63  }
0x675: {  	v15 =	vld [tilespmem:s0+$0x1840];
	_ =	sdelay $0x4  }
0x676: {  	v60 =	vperm.xlane v15, v1;
	_ =	sdelay $0x1  }
0x677: {  	v15 =	vperm.xlane v15, v4;
	v16 =	vadd.s32 v3, v60;
	_ =	sdelay $0x1  }
0x678: {  	v15 =	vadd.s32 v3, v15;
	_ =	sdelay $0x1  }
0x679: {  	s9 =	simm.s32 $0xE400  }
0x67a: {  	[tilespmem:s9], [sflag:$0x1] =	stream.indirect_vreg.gather [hbm4b:s12+s3], $0x80, v16, vm0, $0xb8;
	[tilespmem:$0x1E400] =	vst v63  }
0x67b: {  	s13 =	simm.s32 $0xFC00  }
0x67c: {  	[tilespmem:s13], [sflag:$0x1] =	stream.indirect_vreg.gather [hbm4b:s12+s3], $0x80, v15, vm0, $0xb8;
	[tilespmem:$0x1E400] =	vst v63  }
0x67d: {  	v15 =	vld [tilespmem:s0+$0x1850];
	_ =	sdelay $0x4  }
0x67e: {  	v61 =	vperm.xlane v15, v1;
	_ =	sdelay $0x1  }
0x67f: {  	v15 =	vperm.xlane v15, v4;
	v16 =	vadd.s32 v3, v61;
	_ =	sdelay $0x1  }
0x680: {  	v15 =	vadd.s32 v3, v15;
	_ =	sdelay $0x1  }
0x681: {  	s26 =	simm.s32 $0x11400  }
0x682: {  	[tilespmem:s26], [sflag:$0x1] =	stream.indirect_vreg.gather [hbm4b:s12+s3], $0x80, v16, vm0, $0xb8;
	[tilespmem:$0x1E400] =	vst v63  }
0x683: {  	s6 =	simm.s32 $0x12C00  }
0x684: {  	[tilespmem:s6], [sflag:$0x1] =	stream.indirect_vreg.gather [hbm4b:s12+s3], $0x80, v15, vm0, $0xb8;
	[tilespmem:$0x1E400] =	vst v63  }
0x685: {  	v15 =	vld [tilespmem:s0+$0x1860];
	_ =	sdelay $0x4  }
0x686: {  	v62 =	vperm.xlane v15, v1;
	_ =	sdelay $0x1  }
0x687: {  	v15 =	vperm.xlane v15, v4;
	v16 =	vadd.s32 v3, v62;
	_ =	sdelay $0x1  }
0x688: {  	v15 =	vadd.s32 v3, v15;
	_ =	sdelay $0x1  }
0x689: {  	s7 =	simm.s32 $0x14400  }
0x68a: {  	[tilespmem:s7], [sflag:$0x1] =	stream.indirect_vreg.gather [hbm4b:s12+s3], $0x80, v16, vm0, $0xb8;
	[tilespmem:$0x1E400] =	vst v63  }
0x68b: {  	s9 =	simm.s32 $0x15C00  }
0x68c: {  	[tilespmem:s9], [sflag:$0x1] =	stream.indirect_vreg.gather [hbm4b:s12+s3], $0x80, v15, vm0, $0xb8;
	[tilespmem:$0x1E400] =	vst v63  }
0x68d: {  	v15 =	vld [tilespmem:s0+$0x1870];
	_ =	sdelay $0x4  }
0x68e: {  	v63 =	vperm.xlane v15, v1;
	_ =	sdelay $0x1  }
0x68f: {  	v15 =	vperm.xlane v15, v4;
	v16 =	vadd.s32 v3, v63;
	_ =	sdelay $0x1  }
0x690: {  	v15 =	vadd.s32 v3, v15;
	_ =	sdelay $0x1  }
0x691: {  	s13 =	simm.s32 $0x17400  }
0x692: {  	[tilespmem:s13], [sflag:$0x1] =	stream.indirect_vreg.gather [hbm4b:s12+s3], $0x80, v16, vm0, $0xb8;
	[tilespmem:$0x1E400] =	vst v63  }
0x693: {  	s26 =	simm.s32 $0x18C00  }
0x694: {  	[tilespmem:s26], [sflag:$0x1] =	stream.indirect_vreg.gather [hbm4b:s12+s3], $0x80, v15, vm0, $0xb8;
	[tilespmem:$0x1E400] =	vst v63  }
0x695: {  	_ =	swait.ge [sflag:s25], $0x4000  }
0x696: {  	[sflag:s25] =	ssyncset.done $0x0  }
0x697: {  	[sflag:s25] =	ssyncadd.s32 $0xFFFFC000  }
.LBB2_51:
0x698: {  	s5 =	sshll.u32 s3, $0x4  }
0x699: {  	v15 =	vor.u32 s5, v0  }
0x69a: {  	v16 =	vshrl.u32 v15, $0x3  }
0x69b: {  	v19 =	vmul.u32 $0x1800, v16;
	_ =	sdelay $0x1  }
0x69c: {  	v16 =	vor.u32 v2, v19  }
0x69d: {  	p0 =	por $0x1, $0x1;
	s5 =	simm.s32 $0x0;
	v17 =	vor.u32 v5, v19;
	v18 =	vor.u32 v6, v19;
	v19 =	vor.u32 v7, v19  }
.LBB2_52:
0x69e: {  	v20 =	vadd.s32 s5, v0  }
0x69f: {  	v21 =	vand.u32 $0xF, v20  }
0x6a0: {  	v23 =	vor.u32 v16, v21;
	_ =	sdelay $0x1  }
0x6a1: {  	s6 =	sor.u32 $0x1, s5  }
0x6a2: {  	v22 =	vadd.s32 s6, v0  }
0x6a3: {  	v24 =	vand.u32 $0xF, v22;
	v26 =	vshll.u32 v21, $0x7  }
0x6a4: {  	v25 =	vor.u32 v16, v24;
	v26 =	vadd.s32 v15, v26;
	v23 =	vld.idx.msk [tilespmem:v23+s14+$0x0], $0xffff  }
0x6a5: {  	v28 =	vor.u32 v17, v20;
	_ =	sdelay $0x2  }
0x6a6: {  	v30 =	vshll.u32 v20, $0x7;
	v27 =	vshll.u32 v24, $0x7  }
0x6a7: {  	v48 =	vor.u32 $0x800, v30;
	v27 =	vadd.s32 v15, v27;
	v25 =	vld.idx.msk [tilespmem:v25+s14+$0x0], $0xffff;
	[tilespmem:v26+s15+$0x0] =	vst.idx.msk $0xffff, v23  }
0x6a8: {  	s13 =	sor.u32 $0x2, s5;
	v29 =	vor.u32 v17, v22;
	v23 =	vadd.s32 v15, v48;
	v28 =	vld.idx.msk [tilespmem:v28+s14+$0x0], $0xffff  }
0x6a9: {  	v32 =	vadd.s32 s13, v0;
	v21 =	vor.u32 v18, v21  }
0x6aa: {  	v33 =	vand.u32 $0xF, v32  }
0x6ab: {  	v31 =	vshll.u32 v22, $0x7;
	v34 =	vor.u32 v16, v33  }
0x6ac: {  	v49 =	vor.u32 $0x800, v31;
	[tilespmem:v27+s15+$0x0] =	vst.idx.msk $0xffff, v25  }
0x6ad: {  	v25 =	vadd.s32 v15, v49;
	v29 =	vld.idx.msk [tilespmem:v29+s14+$0x0], $0xffff;
	[tilespmem:v23+s15+$0x0] =	vst.idx.msk $0xffff, v28  }
0x6ae: {  	s9 =	sor.u32 $0x5, s5;
	v24 =	vor.u32 v18, v24;
	v50 =	vadd.s32 $0x1000, v26;
	v21 =	vld.idx.msk [tilespmem:v21+s14+$0x0], $0xffff  }
0x6af: {  	v20 =	vor.u32 v19, v20;
	v37 =	vadd.s32 s9, v0;
	v52 =	vshll.u32 v33, $0x7  }
0x6b0: {  	s7 =	sor.u32 $0x4, s5;
	v22 =	vor.u32 v19, v22;
	v54 =	vor.u32 v17, v32;
	v53 =	vld.idx.msk [tilespmem:v34+s14+$0x0], $0xffff;
	v26 =	vadd.s32 v15, v52  }
0x6b1: {  	s13 =	sor.u32 $0x6, s5;
	v55 =	vor.u32 $0x1800, v30;
	v30 =	vadd.s32 s7, v0;
	v38 =	vand.u32 $0xF, v37  }
0x6b2: {  	s26 =	sor.u32 $0x3, s5;
	v39 =	vadd.s32 s13, v0;
	v46 =	vor.u32 v17, v37;
	v60 =	vand.u32 $0xF, v30;
	[tilespmem:v25+s15+$0x0] =	vst.idx.msk $0xffff, v29  }
0x6b3: {  	v36 =	vor.u32 v16, v60;
	v51 =	vadd.s32 $0x1000, v27;
	v29 =	vadd.s32 s26, v0;
	v24 =	vld.idx.msk [tilespmem:v24+s14+$0x0], $0xffff;
	[tilespmem:v50+s15+$0x0] =	vst.idx.msk $0xffff, v21  }
0x6b4: {  	v25 =	vshll.u32 v32, $0x7;
	s26 =	sor.u32 $0x7, s5;
	v34 =	vand.u32 $0xF, v29;
	v21 =	vadd.s32 v15, v55;
	v20 =	vld.idx.msk [tilespmem:v20+s14+$0x0], $0xffff  }
0x6b5: {  	[tilespmem:v26+s15+$0x0] =	vst.idx.msk $0xffff, v53;
	v58 =	vor.u32 $0x800, v25;
	v40 =	vadd.s32 s26, v0;
	v56 =	vor.u32 v16, v34  }
0x6b6: {  	v57 =	vor.u32 $0x1800, v31;
	v28 =	vld.idx.msk [tilespmem:v54+s14+$0x0], $0xffff;
	v27 =	vadd.s32 v15, v58;
	v63 =	vand.u32 $0xF, v40  }
0x6b7: {  	v59 =	vor.u32 v18, v33;
	v61 =	vand.u32 $0xF, v39;
	v55 =	vor.u32 v16, v63  }
0x6b8: {  	v43 =	vor.u32 v17, v30;
	v44 =	vshll.u32 v38, $0x7;
	v36 =	vld.idx.msk [tilespmem:v36+s14+$0x0], $0xffff;
	v35 =	vshll.u32 v34, $0x7;
	[tilespmem:v51+s15+$0x0] =	vst.idx.msk $0xffff, v24  }
0x6b9: {  	v24 =	vadd.s32 v15, v57;
	v22 =	vld.idx.msk [tilespmem:v22+s14+$0x0], $0xffff;
	[tilespmem:v21+s15+$0x0] =	vst.idx.msk $0xffff, v20;
	v20 =	vor.u32 v16, v38  }
0x6ba: {  	v62 =	vor.u32 v16, v61;
	v54 =	vshll.u32 v60, $0x7;
	v35 =	vadd.s32 v15, v35;
	v23 =	vld.idx.msk [tilespmem:v56+s14+$0x0], $0xffff  }
0x6bb: {  	v41 =	vor.u32 v17, v29;
	v47 =	vshll.u32 v63, $0x7;
	[tilespmem:v27+s15+$0x0] =	vst.idx.msk $0xffff, v28;
	v27 =	vadd.s32 v15, v54  }
0x6bc: {  	v44 =	vadd.s32 v15, v44;
	v45 =	vshll.u32 v61, $0x7;
	v47 =	vadd.s32 v15, v47;
	v28 =	vld.idx.msk [tilespmem:v55+s14+$0x0], $0xffff  }
0x6bd: {  	v33 =	vor.u32 v18, v60;
	v45 =	vadd.s32 v15, v45;
	v51 =	vor.u32 v17, v40;
	v31 =	vld.idx.msk [tilespmem:v59+s14+$0x0], $0xffff  }
0x6be: {  	v49 =	vor.u32 v17, v39;
	v42 =	vshll.u32 v29, $0x7;
	[tilespmem:v24+s15+$0x0] =	vst.idx.msk $0xffff, v22;
	v20 =	vld.idx.msk [tilespmem:v20+s14+$0x0], $0xffff  }
0x6bf: {  	v48 =	vshll.u32 v30, $0x7;
	v34 =	vor.u32 v18, v34;
	v56 =	vor.u32 $0x800, v42;
	[tilespmem:v35+s15+$0x0] =	vst.idx.msk $0xffff, v23;
	v22 =	vld.idx.msk [tilespmem:v62+s14+$0x0], $0xffff  }
0x6c0: {  	v53 =	vshll.u32 v40, $0x7;
	v57 =	vor.u32 $0x800, v48;
	v23 =	vadd.s32 v15, v56;
	[tilespmem:v27+s15+$0x0] =	vst.idx.msk $0xffff, v36;
	v41 =	vld.idx.msk [tilespmem:v41+s14+$0x0], $0xffff  }
0x6c1: {  	v50 =	vshll.u32 v37, $0x7;
	v59 =	vor.u32 $0x800, v53;
	v36 =	vadd.s32 v15, v57;
	v43 =	vld.idx.msk [tilespmem:v43+s14+$0x0], $0xffff;
	[tilespmem:v47+s15+$0x0] =	vst.idx.msk $0xffff, v28  }
0x6c2: {  	v26 =	vadd.s32 $0x1000, v26;
	v52 =	vor.u32 $0x800, v50;
	v28 =	vadd.s32 v15, v59;
	v60 =	vld.idx.msk [tilespmem:v51+s14+$0x0], $0xffff  }
0x6c3: {  	v24 =	vor.u32 v18, v63;
	[tilespmem:v44+s15+$0x0] =	vst.idx.msk $0xffff, v20;
	v20 =	vadd.s32 v15, v52;
	v52 =	vshll.u32 v39, $0x7  }
0x6c4: {  	[tilespmem:v45+s15+$0x0] =	vst.idx.msk $0xffff, v22;
	v46 =	vld.idx.msk [tilespmem:v46+s14+$0x0], $0xffff;
	v58 =	vor.u32 $0x800, v52  }
0x6c5: {  	v38 =	vor.u32 v18, v38;
	v49 =	vld.idx.msk [tilespmem:v49+s14+$0x0], $0xffff;
	[tilespmem:v23+s15+$0x0] =	vst.idx.msk $0xffff, v41;
	v22 =	vadd.s32 v15, v58  }
0x6c6: {  	v21 =	vor.u32 v18, v61;
	v62 =	vadd.s32 $0x1000, v35;
	[tilespmem:v36+s15+$0x0] =	vst.idx.msk $0xffff, v43;
	v61 =	vld.idx.msk [tilespmem:v34+s14+$0x0], $0xffff  }
0x6c7: {  	v32 =	vor.u32 v19, v32;
	v27 =	vadd.s32 $0x1000, v27;
	v63 =	vld.idx.msk [tilespmem:v33+s14+$0x0], $0xffff;
	[tilespmem:v28+s15+$0x0] =	vst.idx.msk $0xffff, v60  }
0x6c8: {  	v25 =	vor.u32 $0x1800, v25;
	[tilespmem:v26+s15+$0x0] =	vst.idx.msk $0xffff, v31;
	v47 =	vadd.s32 $0x1000, v47;
	v36 =	vor.u32 v19, v30;
	v24 =	vld.idx.msk [tilespmem:v24+s14+$0x0], $0xffff  }
0x6c9: {  	v25 =	vadd.s32 v15, v25;
	v51 =	vor.u32 v19, v40;
	[tilespmem:v20+s15+$0x0] =	vst.idx.msk $0xffff, v46  }
0x6ca: {  	v43 =	vadd.s32 $0x1000, v44;
	v20 =	vor.u32 v19, v29;
	[tilespmem:v22+s15+$0x0] =	vst.idx.msk $0xffff, v49;
	v41 =	vld.idx.msk [tilespmem:v38+s14+$0x0], $0xffff  }
0x6cb: {  	v45 =	vadd.s32 $0x1000, v45;
	v44 =	vor.u32 v19, v37;
	[tilespmem:v62+s15+$0x0] =	vst.idx.msk $0xffff, v61;
	v21 =	vld.idx.msk [tilespmem:v21+s14+$0x0], $0xffff  }
0x6cc: {  	v55 =	vor.u32 $0x1800, v48;
	v32 =	vld.idx.msk [tilespmem:v32+s14+$0x0], $0xffff;
	[tilespmem:v27+s15+$0x0] =	vst.idx.msk $0xffff, v63;
	v46 =	vor.u32 v19, v39  }
0x6cd: {  	v62 =	vor.u32 $0x1800, v53;
	v29 =	vadd.s32 v15, v55;
	[tilespmem:v47+s15+$0x0] =	vst.idx.msk $0xffff, v24;
	v22 =	vld.idx.msk [tilespmem:v36+s14+$0x0], $0xffff  }
0x6ce: {  	v28 =	vadd.s32 v15, v62;
	v49 =	vor.u32 $0x1800, v42;
	v63 =	vld.idx.msk [tilespmem:v51+s14+$0x0], $0xffff  }
0x6cf: {  	v56 =	vor.u32 $0x1800, v50;
	v54 =	vadd.s32 v15, v49;
	v20 =	vld.idx.msk [tilespmem:v20+s14+$0x0], $0xffff;
	[tilespmem:v43+s15+$0x0] =	vst.idx.msk $0xffff, v41  }
0x6d0: {  	v59 =	vor.u32 $0x1800, v52;
	v58 =	vadd.s32 v15, v56;
	[tilespmem:v45+s15+$0x0] =	vst.idx.msk $0xffff, v21;
	v57 =	vld.idx.msk [tilespmem:v44+s14+$0x0], $0xffff  }
0x6d1: {  	p1 =	por p0, p0;
	[tilespmem:v25+s15+$0x0] =	vst.idx.msk $0xffff, v32;
	v61 =	vadd.s32 v15, v59;
	v60 =	vld.idx.msk [tilespmem:v46+s14+$0x0], $0xffff  }
.Ltmp24:
0x6d2: {  	[tilespmem:v29+s15+$0x0] =	vst.idx.msk $0xffff, v22;
	(pc) =	sbr.rel @p1 .LBB2_52-.Ltmp24, $4  }
0x6d3: {  	[tilespmem:v28+s15+$0x0] =	vst.idx.msk $0xffff, v63  }
0x6d4: {  	[tilespmem:v54+s15+$0x0] =	vst.idx.msk $0xffff, v20  }
0x6d5: {  	[tilespmem:v58+s15+$0x0] =	vst.idx.msk $0xffff, v57  }
0x6d6: {  	p0 =	por $0x0, $0x0;
	s5 =	simm.s32 $0x8;
	[tilespmem:v61+s15+$0x0] =	vst.idx.msk $0xffff, v60  }
0x6d7: {  	s3 =	sadd.s32 $0x1, s3  }
0x6d8: {  	p0 =	sne.s32 s3, $0x8  }
.Ltmp25:
0x6d9: {  	_ = 	snop;
	(pc) =	sbr.rel @p0 .LBB2_51-.Ltmp25, $1  }
0x6da: {  	_ =	sdelay $0x3  }
0x6db: {  	s3 =	rddreg [dreg:$0x1d]  }
0x6dc: {  	s6 =	simm.s32 $0x4;
	s3 =	sadd.s32 $0x64000, s3  }
0x6dd: {  	[hbm4b:s3+s30] =	stream.strided.scatter [tilespmem:s15], [sflag:$0x4], $0x2000, s31, s30, $0x38;
	[tilespmem:$0x1E400] =	vst v63  }
0x6de: {  	_ =	swait.ge [sflag:s6], $0x2000  }
0x6df: {  	[sflag:s6] =	ssyncset.done $0x0  }
0x6e0: {  	[sflag:s6] =	ssyncadd.s32 $0xFFFFE000  }
0x6e1: {  	v15 =	vld [tilespmem:s0+$0x1800];
	_ =	sdelay $0x4  }
0x6e2: {  	v16 =	vshrl.u32 v15, $0x3  }
0x6e3: {  	v16 =	vmul.u32 $0x30, v16  }
0x6e4: {  	v15 =	vand.u32 $0x7, v15  }
0x6e5: {  	v15 =	vor.u32 v15, v16  }
0x6e6: {  	v16 =	vperm.xlane v15, v1;
	_ =	sdelay $0x1  }
0x6e7: {  	v16 =	vadd.s32 v3, v16;
	_ =	sdelay $0x3  }
0x6e8: {  	s3 =	simm.s32 $0x0;
	s5 =	rddreg [dreg:$0x3];
	v15 =	vperm.xlane v15, v4  }
0x6e9: {  	[tilespmem:s14], [sflag:$0x1] =	stream.indirect_vreg.gather [hbm4b:s5+s3], $0x80, v16, vm1, $0xb8;
	[tilespmem:$0x1E400] =	vst v63  }
0x6ea: {  	s6 =	simm.s32 $0x2C00;
	v15 =	vadd.s32 v3, v15  }
0x6eb: {  	[tilespmem:s6], [sflag:$0x1] =	stream.indirect_vreg.gather [hbm4b:s16+s3], $0x80, v16, vm1, $0xb8;
	[tilespmem:$0x1E400] =	vst v63  }
0x6ec: {  	s7 =	simm.s32 $0x3400  }
0x6ed: {  	[tilespmem:s7], [sflag:$0x1] =	stream.indirect_vreg.gather [hbm4b:s17+s3], $0x80, v16, vm1, $0xb8;
	[tilespmem:$0x1E400] =	vst v63  }
0x6ee: {  	s9 =	simm.s32 $0x3C00  }
0x6ef: {  	[tilespmem:s9], [sflag:$0x1] =	stream.indirect_vreg.gather [hbm4b:s5+s3], $0x80, v15, vm1, $0xb8;
	[tilespmem:$0x1E400] =	vst v63  }
0x6f0: {  	s13 =	simm.s32 $0x4400  }
0x6f1: {  	[tilespmem:s13], [sflag:$0x1] =	stream.indirect_vreg.gather [hbm4b:s16+s3], $0x80, v15, vm1, $0xb8;
	[tilespmem:$0x1E400] =	vst v63  }
0x6f2: {  	s26 =	simm.s32 $0x4C00  }
0x6f3: {  	[tilespmem:s26], [sflag:$0x1] =	stream.indirect_vreg.gather [hbm4b:s17+s3], $0x80, v15, vm1, $0xb8;
	[tilespmem:$0x1E400] =	vst v63  }
0x6f4: {  	v15 =	vld [tilespmem:s0+$0x1810];
	_ =	sdelay $0x4  }
0x6f5: {  	v57 =	vshrl.u32 v15, $0x3  }
0x6f6: {  	v16 =	vmul.u32 $0x30, v57  }
0x6f7: {  	v15 =	vand.u32 $0x7, v15  }
0x6f8: {  	v15 =	vor.u32 v15, v16  }
0x6f9: {  	v16 =	vperm.xlane v15, v1;
	_ =	sdelay $0x1  }
0x6fa: {  	v16 =	vadd.s32 v3, v16;
	_ =	sdelay $0x3  }
0x6fb: {  	s7 =	simm.s32 $0x5400;
	v15 =	vperm.xlane v15, v4  }
0x6fc: {  	[tilespmem:s7], [sflag:$0x1] =	stream.indirect_vreg.gather [hbm4b:s5+s3], $0x80, v16, vm1, $0xb8;
	[tilespmem:$0x1E400] =	vst v63  }
0x6fd: {  	s9 =	simm.s32 $0x5C00;
	v15 =	vadd.s32 v3, v15  }
0x6fe: {  	[tilespmem:s9], [sflag:$0x1] =	stream.indirect_vreg.gather [hbm4b:s16+s3], $0x80, v16, vm1, $0xb8;
	[tilespmem:$0x1E400] =	vst v63  }
0x6ff: {  	s13 =	simm.s32 $0x6400  }
0x700: {  	[tilespmem:s13], [sflag:$0x1] =	stream.indirect_vreg.gather [hbm4b:s17+s3], $0x80, v16, vm1, $0xb8;
	[tilespmem:$0x1E400] =	vst v63  }
0x701: {  	s26 =	simm.s32 $0x6C00  }
0x702: {  	[tilespmem:s26], [sflag:$0x1] =	stream.indirect_vreg.gather [hbm4b:s5+s3], $0x80, v15, vm1, $0xb8;
	[tilespmem:$0x1E400] =	vst v63  }
0x703: {  	s7 =	simm.s32 $0x7400  }
0x704: {  	[tilespmem:s7], [sflag:$0x1] =	stream.indirect_vreg.gather [hbm4b:s16+s3], $0x80, v15, vm1, $0xb8;
	[tilespmem:$0x1E400] =	vst v63  }
0x705: {  	s9 =	simm.s32 $0x7C00  }
0x706: {  	[tilespmem:s9], [sflag:$0x1] =	stream.indirect_vreg.gather [hbm4b:s17+s3], $0x80, v15, vm1, $0xb8;
	[tilespmem:$0x1E400] =	vst v63  }
0x707: {  	v15 =	vld [tilespmem:s0+$0x1820];
	_ =	sdelay $0x4  }
0x708: {  	v58 =	vshrl.u32 v15, $0x3  }
0x709: {  	v16 =	vmul.u32 $0x30, v58  }
0x70a: {  	v15 =	vand.u32 $0x7, v15  }
0x70b: {  	v15 =	vor.u32 v15, v16  }
0x70c: {  	v16 =	vperm.xlane v15, v1;
	_ =	sdelay $0x1  }
0x70d: {  	v16 =	vadd.s32 v3, v16;
	_ =	sdelay $0x3  }
0x70e: {  	s13 =	simm.s32 $0x8400;
	v15 =	vperm.xlane v15, v4  }
0x70f: {  	[tilespmem:s13], [sflag:$0x1] =	stream.indirect_vreg.gather [hbm4b:s5+s3], $0x80, v16, vm1, $0xb8;
	[tilespmem:$0x1E400] =	vst v63  }
0x710: {  	s26 =	simm.s32 $0x8C00;
	v15 =	vadd.s32 v3, v15  }
0x711: {  	[tilespmem:s26], [sflag:$0x1] =	stream.indirect_vreg.gather [hbm4b:s16+s3], $0x80, v16, vm1, $0xb8;
	[tilespmem:$0x1E400] =	vst v63  }
0x712: {  	s7 =	simm.s32 $0x9400  }
0x713: {  	[tilespmem:s7], [sflag:$0x1] =	stream.indirect_vreg.gather [hbm4b:s17+s3], $0x80, v16, vm1, $0xb8;
	[tilespmem:$0x1E400] =	vst v63  }
0x714: {  	s9 =	simm.s32 $0x9C00  }
0x715: {  	[tilespmem:s9], [sflag:$0x1] =	stream.indirect_vreg.gather [hbm4b:s5+s3], $0x80, v15, vm1, $0xb8;
	[tilespmem:$0x1E400] =	vst v63  }
0x716: {  	s13 =	simm.s32 $0xA400  }
0x717: {  	[tilespmem:s13], [sflag:$0x1] =	stream.indirect_vreg.gather [hbm4b:s16+s3], $0x80, v15, vm1, $0xb8;
	[tilespmem:$0x1E400] =	vst v63  }
0x718: {  	s26 =	simm.s32 $0xAC00  }
0x719: {  	[tilespmem:s26], [sflag:$0x1] =	stream.indirect_vreg.gather [hbm4b:s17+s3], $0x80, v15, vm1, $0xb8;
	[tilespmem:$0x1E400] =	vst v63  }
0x71a: {  	v15 =	vld [tilespmem:s0+$0x1830];
	_ =	sdelay $0x4  }
0x71b: {  	v59 =	vshrl.u32 v15, $0x3  }
0x71c: {  	v16 =	vmul.u32 $0x30, v59  }
0x71d: {  	v15 =	vand.u32 $0x7, v15  }
0x71e: {  	v15 =	vor.u32 v15, v16  }
0x71f: {  	v16 =	vperm.xlane v15, v1;
	_ =	sdelay $0x1  }
0x720: {  	v16 =	vadd.s32 v3, v16;
	_ =	sdelay $0x3  }
0x721: {  	s7 =	simm.s32 $0xB400;
	v15 =	vperm.xlane v15, v4  }
0x722: {  	[tilespmem:s7], [sflag:$0x1] =	stream.indirect_vreg.gather [hbm4b:s5+s3], $0x80, v16, vm1, $0xb8;
	[tilespmem:$0x1E400] =	vst v63  }
0x723: {  	s9 =	simm.s32 $0xBC00;
	v15 =	vadd.s32 v3, v15  }
0x724: {  	[tilespmem:s9], [sflag:$0x1] =	stream.indirect_vreg.gather [hbm4b:s16+s3], $0x80, v16, vm1, $0xb8;
	[tilespmem:$0x1E400] =	vst v63  }
0x725: {  	s13 =	simm.s32 $0xC400  }
0x726: {  	[tilespmem:s13], [sflag:$0x1] =	stream.indirect_vreg.gather [hbm4b:s17+s3], $0x80, v16, vm1, $0xb8;
	[tilespmem:$0x1E400] =	vst v63  }
0x727: {  	s26 =	simm.s32 $0xCC00  }
0x728: {  	[tilespmem:s26], [sflag:$0x1] =	stream.indirect_vreg.gather [hbm4b:s5+s3], $0x80, v15, vm1, $0xb8;
	[tilespmem:$0x1E400] =	vst v63  }
0x729: {  	s7 =	simm.s32 $0xD400  }
0x72a: {  	[tilespmem:s7], [sflag:$0x1] =	stream.indirect_vreg.gather [hbm4b:s16+s3], $0x80, v15, vm1, $0xb8;
	[tilespmem:$0x1E400] =	vst v63  }
0x72b: {  	s9 =	simm.s32 $0xDC00  }
0x72c: {  	[tilespmem:s9], [sflag:$0x1] =	stream.indirect_vreg.gather [hbm4b:s17+s3], $0x80, v15, vm1, $0xb8;
	[tilespmem:$0x1E400] =	vst v63  }
0x72d: {  	v15 =	vld [tilespmem:s0+$0x1840];
	_ =	sdelay $0x4  }
0x72e: {  	v60 =	vshrl.u32 v15, $0x3  }
0x72f: {  	v16 =	vmul.u32 $0x30, v60  }
0x730: {  	v15 =	vand.u32 $0x7, v15  }
0x731: {  	v15 =	vor.u32 v15, v16  }
0x732: {  	v16 =	vperm.xlane v15, v1;
	_ =	sdelay $0x1  }
0x733: {  	v16 =	vadd.s32 v3, v16;
	_ =	sdelay $0x3  }
0x734: {  	s13 =	simm.s32 $0xE400;
	v15 =	vperm.xlane v15, v4  }
0x735: {  	[tilespmem:s13], [sflag:$0x1] =	stream.indirect_vreg.gather [hbm4b:s5+s3], $0x80, v16, vm1, $0xb8;
	[tilespmem:$0x1E400] =	vst v63  }
0x736: {  	s26 =	simm.s32 $0xEC00;
	v15 =	vadd.s32 v3, v15  }
0x737: {  	[tilespmem:s26], [sflag:$0x1] =	stream.indirect_vreg.gather [hbm4b:s16+s3], $0x80, v16, vm1, $0xb8;
	[tilespmem:$0x1E400] =	vst v63  }
0x738: {  	s7 =	simm.s32 $0xF400  }
0x739: {  	[tilespmem:s7], [sflag:$0x1] =	stream.indirect_vreg.gather [hbm4b:s17+s3], $0x80, v16, vm1, $0xb8;
	[tilespmem:$0x1E400] =	vst v63  }
0x73a: {  	s9 =	simm.s32 $0xFC00  }
0x73b: {  	[tilespmem:s9], [sflag:$0x1] =	stream.indirect_vreg.gather [hbm4b:s5+s3], $0x80, v15, vm1, $0xb8;
	[tilespmem:$0x1E400] =	vst v63  }
0x73c: {  	s13 =	simm.s32 $0x10400  }
0x73d: {  	[tilespmem:s13], [sflag:$0x1] =	stream.indirect_vreg.gather [hbm4b:s16+s3], $0x80, v15, vm1, $0xb8;
	[tilespmem:$0x1E400] =	vst v63  }
0x73e: {  	s26 =	simm.s32 $0x10C00  }
0x73f: {  	[tilespmem:s26], [sflag:$0x1] =	stream.indirect_vreg.gather [hbm4b:s17+s3], $0x80, v15, vm1, $0xb8;
	[tilespmem:$0x1E400] =	vst v63  }
0x740: {  	v15 =	vld [tilespmem:s0+$0x1850];
	_ =	sdelay $0x4  }
0x741: {  	v61 =	vshrl.u32 v15, $0x3  }
0x742: {  	v16 =	vmul.u32 $0x30, v61  }
0x743: {  	v15 =	vand.u32 $0x7, v15  }
0x744: {  	v15 =	vor.u32 v15, v16  }
0x745: {  	v16 =	vperm.xlane v15, v1;
	_ =	sdelay $0x1  }
0x746: {  	v16 =	vadd.s32 v3, v16;
	_ =	sdelay $0x3  }
0x747: {  	s7 =	simm.s32 $0x11400;
	v15 =	vperm.xlane v15, v4  }
0x748: {  	[tilespmem:s7], [sflag:$0x1] =	stream.indirect_vreg.gather [hbm4b:s5+s3], $0x80, v16, vm1, $0xb8;
	[tilespmem:$0x1E400] =	vst v63  }
0x749: {  	s9 =	simm.s32 $0x11C00;
	v15 =	vadd.s32 v3, v15  }
0x74a: {  	[tilespmem:s9], [sflag:$0x1] =	stream.indirect_vreg.gather [hbm4b:s16+s3], $0x80, v16, vm1, $0xb8;
	[tilespmem:$0x1E400] =	vst v63  }
0x74b: {  	s13 =	simm.s32 $0x12400  }
0x74c: {  	[tilespmem:s13], [sflag:$0x1] =	stream.indirect_vreg.gather [hbm4b:s17+s3], $0x80, v16, vm1, $0xb8;
	[tilespmem:$0x1E400] =	vst v63  }
0x74d: {  	s26 =	simm.s32 $0x12C00  }
0x74e: {  	[tilespmem:s26], [sflag:$0x1] =	stream.indirect_vreg.gather [hbm4b:s5+s3], $0x80, v15, vm1, $0xb8;
	[tilespmem:$0x1E400] =	vst v63  }
0x74f: {  	s7 =	simm.s32 $0x13400  }
0x750: {  	[tilespmem:s7], [sflag:$0x1] =	stream.indirect_vreg.gather [hbm4b:s16+s3], $0x80, v15, vm1, $0xb8;
	[tilespmem:$0x1E400] =	vst v63  }
0x751: {  	s9 =	simm.s32 $0x13C00  }
0x752: {  	[tilespmem:s9], [sflag:$0x1] =	stream.indirect_vreg.gather [hbm4b:s17+s3], $0x80, v15, vm1, $0xb8;
	[tilespmem:$0x1E400] =	vst v63  }
0x753: {  	v15 =	vld [tilespmem:s0+$0x1860];
	_ =	sdelay $0x4  }
0x754: {  	v62 =	vshrl.u32 v15, $0x3  }
0x755: {  	v16 =	vmul.u32 $0x30, v62  }
0x756: {  	v15 =	vand.u32 $0x7, v15  }
0x757: {  	v15 =	vor.u32 v15, v16  }
0x758: {  	v16 =	vperm.xlane v15, v1;
	_ =	sdelay $0x1  }
0x759: {  	v16 =	vadd.s32 v3, v16;
	_ =	sdelay $0x3  }
0x75a: {  	s13 =	simm.s32 $0x14400;
	v15 =	vperm.xlane v15, v4  }
0x75b: {  	[tilespmem:s13], [sflag:$0x1] =	stream.indirect_vreg.gather [hbm4b:s5+s3], $0x80, v16, vm1, $0xb8;
	[tilespmem:$0x1E400] =	vst v63  }
0x75c: {  	s26 =	simm.s32 $0x14C00;
	v15 =	vadd.s32 v3, v15  }
0x75d: {  	[tilespmem:s26], [sflag:$0x1] =	stream.indirect_vreg.gather [hbm4b:s16+s3], $0x80, v16, vm1, $0xb8;
	[tilespmem:$0x1E400] =	vst v63  }
0x75e: {  	s7 =	simm.s32 $0x15400  }
0x75f: {  	[tilespmem:s7], [sflag:$0x1] =	stream.indirect_vreg.gather [hbm4b:s17+s3], $0x80, v16, vm1, $0xb8;
	[tilespmem:$0x1E400] =	vst v63  }
0x760: {  	s9 =	simm.s32 $0x15C00  }
0x761: {  	[tilespmem:s9], [sflag:$0x1] =	stream.indirect_vreg.gather [hbm4b:s5+s3], $0x80, v15, vm1, $0xb8;
	[tilespmem:$0x1E400] =	vst v63  }
0x762: {  	s13 =	simm.s32 $0x16400  }
0x763: {  	[tilespmem:s13], [sflag:$0x1] =	stream.indirect_vreg.gather [hbm4b:s16+s3], $0x80, v15, vm1, $0xb8;
	[tilespmem:$0x1E400] =	vst v63  }
0x764: {  	s26 =	simm.s32 $0x16C00  }
0x765: {  	[tilespmem:s26], [sflag:$0x1] =	stream.indirect_vreg.gather [hbm4b:s17+s3], $0x80, v15, vm1, $0xb8;
	[tilespmem:$0x1E400] =	vst v63  }
0x766: {  	v15 =	vld [tilespmem:s0+$0x1870];
	_ =	sdelay $0x4  }
0x767: {  	v63 =	vshrl.u32 v15, $0x3  }
0x768: {  	v16 =	vmul.u32 $0x30, v63  }
0x769: {  	v15 =	vand.u32 $0x7, v15  }
0x76a: {  	v15 =	vor.u32 v15, v16  }
0x76b: {  	v16 =	vperm.xlane v15, v1;
	_ =	sdelay $0x1  }
0x76c: {  	v16 =	vadd.s32 v3, v16;
	_ =	sdelay $0x3  }
0x76d: {  	s7 =	simm.s32 $0x17400;
	v15 =	vperm.xlane v15, v4  }
0x76e: {  	[tilespmem:s7], [sflag:$0x1] =	stream.indirect_vreg.gather [hbm4b:s5+s3], $0x80, v16, vm1, $0xb8;
	[tilespmem:$0x1E400] =	vst v63  }
0x76f: {  	s9 =	simm.s32 $0x17C00;
	v15 =	vadd.s32 v3, v15  }
0x770: {  	[tilespmem:s9], [sflag:$0x1] =	stream.indirect_vreg.gather [hbm4b:s16+s3], $0x80, v16, vm1, $0xb8;
	[tilespmem:$0x1E400] =	vst v63  }
0x771: {  	s13 =	simm.s32 $0x18400  }
0x772: {  	[tilespmem:s13], [sflag:$0x1] =	stream.indirect_vreg.gather [hbm4b:s17+s3], $0x80, v16, vm1, $0xb8;
	[tilespmem:$0x1E400] =	vst v63  }
0x773: {  	s26 =	simm.s32 $0x18C00  }
0x774: {  	[tilespmem:s26], [sflag:$0x1] =	stream.indirect_vreg.gather [hbm4b:s5+s3], $0x80, v15, vm1, $0xb8;
	[tilespmem:$0x1E400] =	vst v63  }
0x775: {  	s7 =	simm.s32 $0x19400  }
0x776: {  	[tilespmem:s7], [sflag:$0x1] =	stream.indirect_vreg.gather [hbm4b:s16+s3], $0x80, v15, vm1, $0xb8;
	[tilespmem:$0x1E400] =	vst v63  }
0x777: {  	s9 =	simm.s32 $0x19C00  }
0x778: {  	[tilespmem:s9], [sflag:$0x1] =	stream.indirect_vreg.gather [hbm4b:s17+s3], $0x80, v15, vm1, $0xb8;
	[tilespmem:$0x1E400] =	vst v63  }
0x779: {  	_ =	swait.ge [sflag:s25], $0x18000  }
0x77a: {  	s13 =	rddreg [dreg:$0x17]  }
0x77b: {  	[sflag:s25] =	ssyncset.done $0x0;
	s26 =	rddreg [dreg:$0x18]  }
0x77c: {  	[sflag:s25] =	ssyncadd.s32 $0xFFFE8000;
	s5 =	sadd.s32 s1, s13;
	s6 =	sadd.s32 s1, s26  }
.LBB2_55:
0x77d: {  	s7 =	sshll.u32 s3, $0x7  }
0x77e: {  	p0 =	seq.s32 s3, $0x0;
	v15 =	vmov s7  }
0x77f: {  	s7 =	simm.s32 @!p0 $0x2;
	v15 =	vshll.u32 v15, $0x3  }
0x780: {  	_ =	swait.ge @!p0 [sflag:s7], $0x2000;
	v16 =	vbroadcast v15, $0x0  }
0x781: {  	[sflag:s7] =	ssyncset.done @!p0 $0x0  }
0x782: {  	[sflag:s7] =	ssyncadd.s32 @!p0 $0xFFFFE000;
	s7 =	simm.s32 $0x0;
	v16 =	vor.u32 v2, v16  }
.LBB2_56:
0x783: {  	s9 =	sshll.u32 s7, $0x4  }
0x784: {  	v17 =	vor.u32 s9, v0  }
0x785: {  	v18 =	vshrl.u32 v17, $0x3  }
0x786: {  	v18 =	vmul.u32 $0x1800, v18;
	_ =	sdelay $0x1  }
0x787: {  	v18 =	vadd.s32 v16, v18  }
0x788: {  	p1 =	por $0x1, $0x1;
	s9 =	simm.s32 $0x0;
	v19 =	vor.u32 $0x10, v18;
	v20 =	vor.u32 $0x20, v18;
	v21 =	vor.u32 $0x30, v18  }
.LBB2_57:
0x789: {  	v22 =	vadd.s32 s9, v0  }
0x78a: {  	v23 =	vand.u32 $0xF, v22  }
0x78b: {  	v25 =	vor.u32 v18, v23  }
0x78c: {  	s13 =	sor.u32 $0x1, s9  }
0x78d: {  	v24 =	vadd.s32 s13, v0  }
0x78e: {  	v26 =	vand.u32 $0xF, v24  }
0x78f: {  	v28 =	vshll.u32 v23, $0x7;
	v27 =	vor.u32 v18, v26  }
0x790: {  	v28 =	vadd.s32 v17, v28;
	v25 =	vld.idx.msk [tilespmem:v25+s14+$0x0], $0xffff  }
0x791: {  	v30 =	vor.u32 v19, v22;
	_ =	sdelay $0x1  }
0x792: {  	v29 =	vshll.u32 v26, $0x7  }
0x793: {  	v32 =	vshll.u32 v22, $0x7;
	v29 =	vadd.s32 v17, v29;
	v27 =	vld.idx.msk [tilespmem:v27+s14+$0x0], $0xffff  }
0x794: {  	v31 =	vor.u32 v19, v24;
	v50 =	vor.u32 $0x800, v32;
	[tilespmem:v28+s15+$0x0] =	vst.idx.msk $0xffff, v25  }
0x795: {  	s26 =	sor.u32 $0x2, s9;
	v25 =	vadd.s32 v17, v50;
	v30 =	vld.idx.msk [tilespmem:v30+s14+$0x0], $0xffff  }
0x796: {  	v34 =	vadd.s32 s26, v0;
	v23 =	vor.u32 v20, v23  }
0x797: {  	v33 =	vshll.u32 v24, $0x7;
	v35 =	vand.u32 $0xF, v34  }
0x798: {  	v51 =	vor.u32 $0x800, v33;
	v36 =	vor.u32 v18, v35;
	[tilespmem:v29+s15+$0x0] =	vst.idx.msk $0xffff, v27  }
0x799: {  	v27 =	vadd.s32 v17, v51;
	v31 =	vld.idx.msk [tilespmem:v31+s14+$0x0], $0xffff  }
0x79a: {  	[tilespmem:v25+s15+$0x0] =	vst.idx.msk $0xffff, v30  }
0x79b: {  	v26 =	vor.u32 v20, v26;
	v52 =	vadd.s32 $0x1000, v28;
	v23 =	vld.idx.msk [tilespmem:v23+s14+$0x0], $0xffff  }
0x79c: {  	v22 =	vor.u32 v21, v22;
	v54 =	vshll.u32 v35, $0x7  }
0x79d: {  	s26 =	sor.u32 $0x3, s9;
	v24 =	vor.u32 v21, v24;
	v56 =	vor.u32 v19, v34;
	v55 =	vld.idx.msk [tilespmem:v36+s14+$0x0], $0xffff;
	v28 =	vadd.s32 v17, v54  }
0x79e: {  	v58 =	vor.u32 $0x1800, v33;
	v60 =	vor.u32 v20, v35;
	[tilespmem:v27+s15+$0x0] =	vst.idx.msk $0xffff, v31;
	v31 =	vadd.s32 s26, v0  }
0x79f: {  	v53 =	vadd.s32 $0x1000, v29;
	v27 =	vshll.u32 v34, $0x7;
	s26 =	sor.u32 $0x4, s9;
	v36 =	vand.u32 $0xF, v31  }
0x7a0: {  	v26 =	vld.idx.msk [tilespmem:v26+s14+$0x0], $0xffff;
	v59 =	vor.u32 $0x800, v27;
	[tilespmem:v52+s15+$0x0] =	vst.idx.msk $0xffff, v23;
	v23 =	vor.u32 $0x1800, v32;
	v32 =	vadd.s32 s26, v0;
	s26 =	sor.u32 $0x5, s9  }
0x7a1: {  	v43 =	vor.u32 v19, v31;
	v22 =	vld.idx.msk [tilespmem:v22+s14+$0x0], $0xffff;
	v23 =	vadd.s32 v17, v23;
	v39 =	vadd.s32 s26, v0;
	s26 =	sor.u32 $0x6, s9  }
0x7a2: {  	[tilespmem:v28+s15+$0x0] =	vst.idx.msk $0xffff, v55;
	v57 =	vor.u32 v18, v36;
	v61 =	vand.u32 $0xF, v32;
	v41 =	vadd.s32 s26, v0;
	s26 =	sor.u32 $0x7, s9  }
0x7a3: {  	v30 =	vld.idx.msk [tilespmem:v56+s14+$0x0], $0xffff;
	v29 =	vadd.s32 v17, v59;
	v38 =	vor.u32 v18, v61;
	v42 =	vadd.s32 s26, v0  }
0x7a4: {  	v44 =	vshll.u32 v31, $0x7;
	v37 =	vshll.u32 v36, $0x7;
	v63 =	vand.u32 $0xF, v42  }
0x7a5: {  	[tilespmem:v53+s15+$0x0] =	vst.idx.msk $0xffff, v26;
	v26 =	vadd.s32 v17, v58;
	v40 =	vand.u32 $0xF, v39;
	v54 =	vor.u32 v18, v63  }
0x7a6: {  	v55 =	vor.u32 $0x800, v44;
	v24 =	vld.idx.msk [tilespmem:v24+s14+$0x0], $0xffff;
	[tilespmem:v23+s15+$0x0] =	vst.idx.msk $0xffff, v22;
	v22 =	vor.u32 v18, v40;
	v23 =	vand.u32 $0xF, v41  }
0x7a7: {  	v37 =	vadd.s32 v17, v37;
	v25 =	vld.idx.msk [tilespmem:v57+s14+$0x0], $0xffff;
	v53 =	vshll.u32 v61, $0x7;
	v62 =	vor.u32 v18, v23  }
0x7a8: {  	v36 =	vor.u32 v20, v36;
	[tilespmem:v29+s15+$0x0] =	vst.idx.msk $0xffff, v30;
	v29 =	vadd.s32 v17, v53;
	v38 =	vld.idx.msk [tilespmem:v38+s14+$0x0], $0xffff  }
0x7a9: {  	v45 =	vor.u32 v19, v32;
	v46 =	vshll.u32 v40, $0x7;
	v49 =	vshll.u32 v63, $0x7  }
0x7aa: {  	v48 =	vor.u32 v19, v39;
	v46 =	vadd.s32 v17, v46;
	v49 =	vadd.s32 v17, v49;
	v30 =	vld.idx.msk [tilespmem:v54+s14+$0x0], $0xffff  }
0x7ab: {  	v50 =	vshll.u32 v32, $0x7;
	v53 =	vor.u32 v19, v42;
	[tilespmem:v26+s15+$0x0] =	vst.idx.msk $0xffff, v24;
	v47 =	vshll.u32 v23, $0x7;
	v22 =	vld.idx.msk [tilespmem:v22+s14+$0x0], $0xffff  }
0x7ac: {  	v56 =	vor.u32 $0x800, v50;
	v52 =	vshll.u32 v39, $0x7;
	[tilespmem:v37+s15+$0x0] =	vst.idx.msk $0xffff, v25;
	v47 =	vadd.s32 v17, v47;
	v24 =	vld.idx.msk [tilespmem:v62+s14+$0x0], $0xffff  }
0x7ad: {  	v51 =	vor.u32 v19, v41;
	v25 =	vadd.s32 v17, v55;
	v55 =	vshll.u32 v42, $0x7;
	[tilespmem:v29+s15+$0x0] =	vst.idx.msk $0xffff, v38  }
0x7ae: {  	v35 =	vor.u32 v20, v61;
	v58 =	vor.u32 $0x800, v55;
	v38 =	vadd.s32 v17, v56;
	v45 =	vld.idx.msk [tilespmem:v45+s14+$0x0], $0xffff  }
0x7af: {  	v43 =	vld.idx.msk [tilespmem:v43+s14+$0x0], $0xffff;
	v54 =	vor.u32 $0x800, v52;
	[tilespmem:v49+s15+$0x0] =	vst.idx.msk $0xffff, v30;
	v30 =	vadd.s32 v17, v58  }
0x7b0: {  	[tilespmem:v46+s15+$0x0] =	vst.idx.msk $0xffff, v22;
	v22 =	vadd.s32 v17, v54;
	v54 =	vshll.u32 v41, $0x7;
	v59 =	vld.idx.msk [tilespmem:v53+s14+$0x0], $0xffff  }
0x7b1: {  	v26 =	vor.u32 v20, v63;
	v48 =	vld.idx.msk [tilespmem:v48+s14+$0x0], $0xffff;
	[tilespmem:v47+s15+$0x0] =	vst.idx.msk $0xffff, v24;
	v57 =	vor.u32 $0x800, v54  }
0x7b2: {  	v34 =	vor.u32 v21, v34;
	v40 =	vor.u32 v20, v40;
	v51 =	vld.idx.msk [tilespmem:v51+s14+$0x0], $0xffff;
	v24 =	vadd.s32 v17, v57  }
0x7b3: {  	v28 =	vadd.s32 $0x1000, v28;
	v27 =	vor.u32 $0x1800, v27;
	v33 =	vld.idx.msk [tilespmem:v60+s14+$0x0], $0xffff;
	v23 =	vor.u32 v20, v23;
	[tilespmem:v38+s15+$0x0] =	vst.idx.msk $0xffff, v45  }
0x7b4: {  	v27 =	vadd.s32 v17, v27;
	v29 =	vadd.s32 $0x1000, v29;
	[tilespmem:v25+s15+$0x0] =	vst.idx.msk $0xffff, v43;
	v62 =	vld.idx.msk [tilespmem:v35+s14+$0x0], $0xffff  }
0x7b5: {  	v61 =	vadd.s32 $0x1000, v37;
	v63 =	vor.u32 v21, v32;
	v60 =	vld.idx.msk [tilespmem:v36+s14+$0x0], $0xffff;
	[tilespmem:v30+s15+$0x0] =	vst.idx.msk $0xffff, v59  }
0x7b6: {  	[tilespmem:v22+s15+$0x0] =	vst.idx.msk $0xffff, v48;
	v22 =	vor.u32 v21, v31;
	v26 =	vld.idx.msk [tilespmem:v26+s14+$0x0], $0xffff;
	v48 =	vadd.s32 $0x1000, v49  }
0x7b7: {  	v43 =	vadd.s32 $0x1000, v46;
	[tilespmem:v24+s15+$0x0] =	vst.idx.msk $0xffff, v51;
	v40 =	vld.idx.msk [tilespmem:v40+s14+$0x0], $0xffff;
	v51 =	vor.u32 v21, v42  }
0x7b8: {  	[tilespmem:v28+s15+$0x0] =	vst.idx.msk $0xffff, v33;
	v46 =	vadd.s32 $0x1000, v47;
	v45 =	vor.u32 v21, v39;
	v23 =	vld.idx.msk [tilespmem:v23+s14+$0x0], $0xffff  }
0x7b9: {  	v34 =	vld.idx.msk [tilespmem:v34+s14+$0x0], $0xffff;
	v56 =	vor.u32 $0x1800, v50;
	v47 =	vor.u32 v21, v41;
	[tilespmem:v29+s15+$0x0] =	vst.idx.msk $0xffff, v62  }
0x7ba: {  	[tilespmem:v61+s15+$0x0] =	vst.idx.msk $0xffff, v60;
	v49 =	vor.u32 $0x1800, v44;
	v31 =	vadd.s32 v17, v56;
	v24 =	vld.idx.msk [tilespmem:v63+s14+$0x0], $0xffff  }
0x7bb: {  	v53 =	vadd.s32 v17, v49;
	v62 =	vor.u32 $0x1800, v55;
	v22 =	vld.idx.msk [tilespmem:v22+s14+$0x0], $0xffff;
	[tilespmem:v48+s15+$0x0] =	vst.idx.msk $0xffff, v26  }
0x7bc: {  	v57 =	vor.u32 $0x1800, v52;
	v30 =	vadd.s32 v17, v62;
	[tilespmem:v43+s15+$0x0] =	vst.idx.msk $0xffff, v40;
	v63 =	vld.idx.msk [tilespmem:v51+s14+$0x0], $0xffff  }
0x7bd: {  	v58 =	vadd.s32 v17, v57;
	v59 =	vor.u32 $0x1800, v54;
	[tilespmem:v46+s15+$0x0] =	vst.idx.msk $0xffff, v23;
	v23 =	vld.idx.msk [tilespmem:v45+s14+$0x0], $0xffff  }
0x7be: {  	p2 =	por p1, p1;
	[tilespmem:v27+s15+$0x0] =	vst.idx.msk $0xffff, v34;
	v61 =	vadd.s32 v17, v59;
	v60 =	vld.idx.msk [tilespmem:v47+s14+$0x0], $0xffff  }
.Ltmp26:
0x7bf: {  	[tilespmem:v31+s15+$0x0] =	vst.idx.msk $0xffff, v24;
	(pc) =	sbr.rel @p2 .LBB2_57-.Ltmp26, $4  }
0x7c0: {  	[tilespmem:v53+s15+$0x0] =	vst.idx.msk $0xffff, v22  }
0x7c1: {  	[tilespmem:v30+s15+$0x0] =	vst.idx.msk $0xffff, v63  }
0x7c2: {  	[tilespmem:v58+s15+$0x0] =	vst.idx.msk $0xffff, v23  }
0x7c3: {  	p1 =	por $0x0, $0x0;
	s9 =	simm.s32 $0x8;
	[tilespmem:v61+s15+$0x0] =	vst.idx.msk $0xffff, v60  }
0x7c4: {  	s7 =	sadd.s32 $0x1, s7  }
0x7c5: {  	p1 =	sne.s32 s7, $0x8  }
.Ltmp27:
0x7c6: {  	_ = 	snop;
	(pc) =	sbr.rel @p1 .LBB2_56-.Ltmp27, $1  }
0x7c7: {  	_ =	sdelay $0x3  }
0x7c8: {  	s7 =	sshll.u32 s3, $0x11  }
0x7c9: {  	s9 =	sadd.s32 s7, s5  }
0x7ca: {  	s9 =	sshrl.u32 s9, $0x3  }
0x7cb: {  	s9 =	sadd.s32 s8, s9  }
0x7cc: {  	[hbm4b:s9+s30] =	stream.strided.scatter [tilespmem:s15], [sflag:$0x2], $0x2000, s31, s30, $0x38;
	[tilespmem:$0x1E400] =	vst v63  }
0x7cd: {  	s9 =	simm.s32 @!p0 $0x3  }
0x7ce: {  	_ =	swait.ge @!p0 [sflag:s9], $0x2000  }
0x7cf: {  	v15 =	vand.u32 $0x1C00, v15;
	[sflag:s9] =	ssyncset.done @!p0 $0x0  }
0x7d0: {  	v15 =	vbroadcast v15, $0x0;
	[sflag:s9] =	ssyncadd.s32 @!p0 $0xFFFFE000;
	s9 =	simm.s32 $0x0  }
.LBB2_60:
0x7d1: {  	s13 =	sshll.u32 s9, $0x4  }
0x7d2: {  	v16 =	vor.u32 s13, v0  }
0x7d3: {  	v17 =	vshrl.u32 v16, $0x3  }
0x7d4: {  	v17 =	vmul.u32 $0x1800, v17;
	_ =	sdelay $0x1  }
0x7d5: {  	v22 =	vor.u32 s13, v12;
	v17 =	vadd.s32 v15, v17  }
0x7d6: {  	v23 =	vor.u32 s13, v13;
	v24 =	vor.u32 s13, v14;
	v18 =	vor.u32 v8, v17  }
0x7d7: {  	p0 =	por $0x1, $0x1;
	s26 =	simm.s32 $0x0;
	v19 =	vor.u32 v9, v17;
	v20 =	vor.u32 v10, v17;
	v21 =	vor.u32 v11, v17  }
.LBB2_61:
0x7d8: {  	s13 =	sor.u32 $0x1, s26  }
0x7d9: {  	v25 =	vadd.s32 s26, v0;
	v26 =	vadd.s32 s13, v0  }
0x7da: {  	v27 =	vand.u32 $0xF, v25;
	v26 =	vand.u32 $0xF, v26  }
0x7db: {  	v28 =	vor.u32 v18, v27;
	v29 =	vor.u32 v17, v26  }
0x7dc: {  	v30 =	vor.u32 v8, v29;
	_ =	sdelay $0x2  }
0x7dd: {  	v31 =	vshll.u32 v27, $0x7  }
0x7de: {  	v32 =	vor.u32 v16, v31;
	v26 =	vshll.u32 v26, $0x7;
	v28 =	vld.idx.msk [tilespmem:v28+s14+$0x0], $0xffff  }
0x7df: {  	v33 =	vor.u32 v19, v25;
	v34 =	vor.u32 v16, v26;
	v30 =	vld.idx.msk [tilespmem:v30+s14+$0x0], $0xffff  }
0x7e0: {  	v35 =	vor.u32 v9, v29;
	_ =	sdelay $0x2  }
0x7e1: {  	v47 =	vshll.u32 v25, $0x7;
	[tilespmem:v32+s24+$0x0] =	vst.idx.msk $0xffff, v28  }
0x7e2: {  	v48 =	vor.u32 v47, v22;
	v32 =	vld.idx.msk [tilespmem:v33+s14+$0x0], $0xffff;
	[tilespmem:v34+s24+$0x0] =	vst.idx.msk $0xffff, v30  }
0x7e3: {  	v27 =	vor.u32 v20, v27;
	v49 =	vor.u32 v26, v22;
	v30 =	vld.idx.msk [tilespmem:v35+s14+$0x0], $0xffff  }
0x7e4: {  	v50 =	vor.u32 v10, v29;
	_ =	sdelay $0x2  }
0x7e5: {  	[tilespmem:v48+s24+$0x0] =	vst.idx.msk $0xffff, v32  }
0x7e6: {  	v31 =	vor.u32 v31, v23;
	v27 =	vld.idx.msk [tilespmem:v27+s14+$0x0], $0xffff;
	[tilespmem:v49+s24+$0x0] =	vst.idx.msk $0xffff, v30  }
0x7e7: {  	v25 =	vor.u32 v21, v25;
	s13 =	sor.u32 $0x2, s26;
	v51 =	vor.u32 v26, v23;
	v30 =	vld.idx.msk [tilespmem:v50+s14+$0x0], $0xffff  }
0x7e8: {  	v52 =	vadd.s32 s13, v0;
	s13 =	sor.u32 $0x3, s26;
	v29 =	vor.u32 v11, v29  }
0x7e9: {  	v53 =	vadd.s32 s13, v0;
	s13 =	sor.u32 $0x4, s26  }
0x7ea: {  	v54 =	vadd.s32 s13, v0;
	s13 =	sor.u32 $0x5, s26  }
0x7eb: {  	v26 =	vor.u32 v26, v24;
	v37 =	vadd.s32 s13, v0;
	[tilespmem:v31+s24+$0x0] =	vst.idx.msk $0xffff, v27  }
0x7ec: {  	s13 =	sor.u32 $0x6, s26;
	v37 =	vand.u32 $0xF, v37;
	v28 =	vor.u32 v47, v24;
	v27 =	vand.u32 $0xF, v52;
	v25 =	vld.idx.msk [tilespmem:v25+s14+$0x0], $0xffff;
	[tilespmem:v51+s24+$0x0] =	vst.idx.msk $0xffff, v30  }
0x7ed: {  	v39 =	vadd.s32 s13, v0;
	v31 =	vand.u32 $0xF, v53;
	v30 =	vor.u32 v17, v27;
	v29 =	vld.idx.msk [tilespmem:v29+s14+$0x0], $0xffff  }
0x7ee: {  	s26 =	sor.u32 $0x7, s26;
	v32 =	vand.u32 $0xF, v54;
	v34 =	vor.u32 v17, v31;
	v55 =	vor.u32 v8, v30  }
0x7ef: {  	v41 =	vadd.s32 s26, v0;
	v36 =	vor.u32 v17, v32;
	v56 =	vor.u32 v8, v34  }
0x7f0: {  	v40 =	vor.u32 v17, v37;
	v39 =	vand.u32 $0xF, v39;
	v38 =	vor.u32 v8, v36  }
0x7f1: {  	v41 =	vand.u32 $0xF, v41;
	[tilespmem:v28+s24+$0x0] =	vst.idx.msk $0xffff, v25;
	v25 =	vor.u32 v8, v40;
	v28 =	vor.u32 v17, v39  }
0x7f2: {  	[tilespmem:v26+s24+$0x0] =	vst.idx.msk $0xffff, v29;
	v26 =	vshll.u32 v27, $0x7;
	v27 =	vor.u32 v8, v28;
	v29 =	vor.u32 v17, v41  }
0x7f3: {  	v31 =	vshll.u32 v31, $0x7;
	v33 =	vld.idx.msk [tilespmem:v55+s14+$0x0], $0xffff;
	v42 =	vor.u32 v16, v26;
	v43 =	vor.u32 v8, v29  }
0x7f4: {  	v32 =	vshll.u32 v32, $0x7;
	v45 =	vor.u32 v16, v31;
	v44 =	vor.u32 v9, v30;
	v35 =	vld.idx.msk [tilespmem:v56+s14+$0x0], $0xffff  }
0x7f5: {  	v37 =	vshll.u32 v37, $0x7;
	v47 =	vor.u32 v16, v32;
	v38 =	vld.idx.msk [tilespmem:v38+s14+$0x0], $0xffff;
	v46 =	vor.u32 v9, v34  }
0x7f6: {  	v48 =	vor.u32 v9, v36;
	v49 =	vor.u32 v16, v37;
	v39 =	vshll.u32 v39, $0x7;
	v25 =	vld.idx.msk [tilespmem:v25+s14+$0x0], $0xffff  }
0x7f7: {  	v50 =	vor.u32 v9, v40;
	v51 =	vor.u32 v16, v39;
	v41 =	vshll.u32 v41, $0x7;
	v27 =	vld.idx.msk [tilespmem:v27+s14+$0x0], $0xffff  }
0x7f8: {  	v57 =	vor.u32 v9, v28;
	v59 =	vor.u32 v16, v41;
	[tilespmem:v42+s24+$0x0] =	vst.idx.msk $0xffff, v33;
	v58 =	vld.idx.msk [tilespmem:v43+s14+$0x0], $0xffff  }
0x7f9: {  	v60 =	vor.u32 v26, v22;
	v61 =	vor.u32 v9, v29;
	[tilespmem:v45+s24+$0x0] =	vst.idx.msk $0xffff, v35;
	v44 =	vld.idx.msk [tilespmem:v44+s14+$0x0], $0xffff  }
0x7fa: {  	v63 =	vor.u32 v31, v22;
	v62 =	vor.u32 v10, v30;
	[tilespmem:v47+s24+$0x0] =	vst.idx.msk $0xffff, v38;
	v46 =	vld.idx.msk [tilespmem:v46+s14+$0x0], $0xffff  }
0x7fb: {  	v54 =	vor.u32 v32, v22;
	v48 =	vld.idx.msk [tilespmem:v48+s14+$0x0], $0xffff;
	[tilespmem:v49+s24+$0x0] =	vst.idx.msk $0xffff, v25;
	v25 =	vor.u32 v10, v34  }
0x7fc: {  	v55 =	vor.u32 v37, v22;
	v50 =	vld.idx.msk [tilespmem:v50+s14+$0x0], $0xffff;
	[tilespmem:v51+s24+$0x0] =	vst.idx.msk $0xffff, v27;
	v27 =	vor.u32 v10, v36  }
0x7fd: {  	v56 =	vor.u32 v10, v40;
	[tilespmem:v59+s24+$0x0] =	vst.idx.msk $0xffff, v58;
	v33 =	vld.idx.msk [tilespmem:v57+s14+$0x0], $0xffff;
	v57 =	vor.u32 v39, v22  }
0x7fe: {  	v58 =	vor.u32 v10, v28;
	[tilespmem:v60+s24+$0x0] =	vst.idx.msk $0xffff, v44;
	v59 =	vld.idx.msk [tilespmem:v61+s14+$0x0], $0xffff;
	v60 =	vor.u32 v41, v22  }
0x7ff: {  	[tilespmem:v63+s24+$0x0] =	vst.idx.msk $0xffff, v46;
	v61 =	vor.u32 v26, v23;
	v38 =	vld.idx.msk [tilespmem:v62+s14+$0x0], $0xffff;
	v62 =	vor.u32 v10, v29  }
0x800: {  	v30 =	vor.u32 v11, v30;
	[tilespmem:v54+s24+$0x0] =	vst.idx.msk $0xffff, v48;
	v63 =	vor.u32 v31, v23;
	v25 =	vld.idx.msk [tilespmem:v25+s14+$0x0], $0xffff  }
0x801: {  	v52 =	vor.u32 v32, v23;
	v34 =	vor.u32 v11, v34;
	[tilespmem:v55+s24+$0x0] =	vst.idx.msk $0xffff, v50;
	v27 =	vld.idx.msk [tilespmem:v27+s14+$0x0], $0xffff  }
0x802: {  	v53 =	vor.u32 v11, v36;
	v55 =	vor.u32 v37, v23;
	v54 =	vld.idx.msk [tilespmem:v56+s14+$0x0], $0xffff;
	[tilespmem:v57+s24+$0x0] =	vst.idx.msk $0xffff, v33  }
0x803: {  	v40 =	vor.u32 v11, v40;
	v56 =	vor.u32 v39, v23;
	[tilespmem:v60+s24+$0x0] =	vst.idx.msk $0xffff, v59;
	v35 =	vld.idx.msk [tilespmem:v58+s14+$0x0], $0xffff  }
0x804: {  	v28 =	vor.u32 v11, v28;
	v58 =	vor.u32 v41, v23;
	[tilespmem:v61+s24+$0x0] =	vst.idx.msk $0xffff, v38;
	v57 =	vld.idx.msk [tilespmem:v62+s14+$0x0], $0xffff  }
0x805: {  	v26 =	vor.u32 v26, v24;
	v29 =	vor.u32 v11, v29;
	[tilespmem:v63+s24+$0x0] =	vst.idx.msk $0xffff, v25;
	v25 =	vld.idx.msk [tilespmem:v30+s14+$0x0], $0xffff  }
0x806: {  	v59 =	vor.u32 v31, v24;
	[tilespmem:v52+s24+$0x0] =	vst.idx.msk $0xffff, v27;
	v27 =	vld.idx.msk [tilespmem:v34+s14+$0x0], $0xffff  }
0x807: {  	v32 =	vor.u32 v32, v24;
	[tilespmem:v55+s24+$0x0] =	vst.idx.msk $0xffff, v54;
	v60 =	vld.idx.msk [tilespmem:v53+s14+$0x0], $0xffff  }
0x808: {  	v62 =	vor.u32 v37, v24;
	v61 =	vld.idx.msk [tilespmem:v40+s14+$0x0], $0xffff;
	[tilespmem:v56+s24+$0x0] =	vst.idx.msk $0xffff, v35  }
0x809: {  	v63 =	vor.u32 v39, v24;
	[tilespmem:v58+s24+$0x0] =	vst.idx.msk $0xffff, v57;
	v28 =	vld.idx.msk [tilespmem:v28+s14+$0x0], $0xffff  }
0x80a: {  	p1 =	por p0, p0;
	[tilespmem:v26+s24+$0x0] =	vst.idx.msk $0xffff, v25;
	v25 =	vld.idx.msk [tilespmem:v29+s14+$0x0], $0xffff;
	v26 =	vor.u32 v41, v24  }
.Ltmp28:
0x80b: {  	[tilespmem:v59+s24+$0x0] =	vst.idx.msk $0xffff, v27;
	(pc) =	sbr.rel @p1 .LBB2_61-.Ltmp28, $4  }
0x80c: {  	[tilespmem:v32+s24+$0x0] =	vst.idx.msk $0xffff, v60  }
0x80d: {  	[tilespmem:v62+s24+$0x0] =	vst.idx.msk $0xffff, v61  }
0x80e: {  	[tilespmem:v63+s24+$0x0] =	vst.idx.msk $0xffff, v28  }
0x80f: {  	p0 =	por $0x0, $0x0;
	s26 =	simm.s32 $0x8;
	[tilespmem:v26+s24+$0x0] =	vst.idx.msk $0xffff, v25  }
0x810: {  	s9 =	sadd.s32 $0x1, s9  }
0x811: {  	p0 =	sne.s32 s9, $0x8  }
.Ltmp29:
0x812: {  	_ = 	snop;
	(pc) =	sbr.rel @p0 .LBB2_60-.Ltmp29, $1  }
0x813: {  	_ =	sdelay $0x3  }
0x814: {  	s3 =	sadd.s32 $0x1, s3  }
0x815: {  	p0 =	sne.s32 s3, $0x6  }
.Ltmp30:
0x816: {  	_ = 	snop;
	(pc) =	sbr.rel @p0 .LBB2_55-.Ltmp30, $4  }
0x817: {  	s7 =	sadd.s32 s7, s6  }
0x818: {  	s7 =	sshrl.u32 s7, $0x3  }
0x819: {  	s7 =	sadd.s32 s8, s7  }
0x81a: {  	[hbm4b:s7+s30] =	stream.strided.scatter [tilespmem:s24], [sflag:$0x3], $0x2000, s31, s30, $0x38;
	[tilespmem:$0x1E400] =	vst v63  }
0x81b: {  	s3 =	simm.s32 $0x2  }
0x81c: {  	_ =	swait.ge [sflag:s3], $0x2000  }
0x81d: {  	[sflag:s3] =	ssyncset.done $0x0  }
0x81e: {  	s7 =	simm.s32 $0x3;
	[sflag:s3] =	ssyncadd.s32 $0xFFFFE000  }
0x81f: {  	_ =	swait.ge [sflag:s7], $0x2000  }
0x820: {  	[sflag:s7] =	ssyncset.done $0x0  }
0x821: {  	[sflag:s7] =	ssyncadd.s32 $0xFFFFE000  }
0x822: {  	v15 =	vld [tilespmem:s0+$0x1800];
	_ =	sdelay $0x4  }
0x823: {  	v16 =	vshrl.u32 v15, $0x3  }
0x824: {  	v16 =	vmul.u32 $0x30, v16  }
0x825: {  	v15 =	vand.u32 $0x7, v15  }
0x826: {  	v15 =	vor.u32 v15, v16  }
0x827: {  	v16 =	vperm.xlane v15, v1;
	_ =	sdelay $0x1  }
0x828: {  	v16 =	vadd.s32 v3, v16;
	_ =	sdelay $0x3  }
0x829: {  	s3 =	simm.s32 $0x0;
	s5 =	rddreg [dreg:$0x6];
	v15 =	vperm.xlane v15, v4  }
0x82a: {  	[tilespmem:s14], [sflag:$0x1] =	stream.indirect_vreg.gather [hbm4b:s5+s3], $0x80, v16, vm1, $0xb8;
	[tilespmem:$0x1E400] =	vst v63  }
0x82b: {  	s6 =	simm.s32 $0x2C00;
	v15 =	vadd.s32 v3, v15  }
0x82c: {  	[tilespmem:s6], [sflag:$0x1] =	stream.indirect_vreg.gather [hbm4b:s20+s3], $0x80, v16, vm1, $0xb8;
	[tilespmem:$0x1E400] =	vst v63  }
0x82d: {  	s9 =	simm.s32 $0x3400  }
0x82e: {  	[tilespmem:s9], [sflag:$0x1] =	stream.indirect_vreg.gather [hbm4b:s21+s3], $0x80, v16, vm1, $0xb8;
	[tilespmem:$0x1E400] =	vst v63  }
0x82f: {  	s13 =	simm.s32 $0x3C00  }
0x830: {  	[tilespmem:s13], [sflag:$0x1] =	stream.indirect_vreg.gather [hbm4b:s5+s3], $0x80, v15, vm1, $0xb8;
	[tilespmem:$0x1E400] =	vst v63  }
0x831: {  	s26 =	simm.s32 $0x4400  }
0x832: {  	[tilespmem:s26], [sflag:$0x1] =	stream.indirect_vreg.gather [hbm4b:s20+s3], $0x80, v15, vm1, $0xb8;
	[tilespmem:$0x1E400] =	vst v63  }
0x833: {  	s7 =	simm.s32 $0x4C00  }
0x834: {  	[tilespmem:s7], [sflag:$0x1] =	stream.indirect_vreg.gather [hbm4b:s21+s3], $0x80, v15, vm1, $0xb8;
	[tilespmem:$0x1E400] =	vst v63  }
0x835: {  	v15 =	vld [tilespmem:s0+$0x1810];
	_ =	sdelay $0x4  }
0x836: {  	v57 =	vshrl.u32 v15, $0x3  }
0x837: {  	v16 =	vmul.u32 $0x30, v57  }
0x838: {  	v15 =	vand.u32 $0x7, v15  }
0x839: {  	v15 =	vor.u32 v15, v16  }
0x83a: {  	v16 =	vperm.xlane v15, v1;
	_ =	sdelay $0x1  }
0x83b: {  	v16 =	vadd.s32 v3, v16;
	_ =	sdelay $0x3  }
0x83c: {  	s9 =	simm.s32 $0x5400;
	v15 =	vperm.xlane v15, v4  }
0x83d: {  	[tilespmem:s9], [sflag:$0x1] =	stream.indirect_vreg.gather [hbm4b:s5+s3], $0x80, v16, vm1, $0xb8;
	[tilespmem:$0x1E400] =	vst v63  }
0x83e: {  	s13 =	simm.s32 $0x5C00;
	v15 =	vadd.s32 v3, v15  }
0x83f: {  	[tilespmem:s13], [sflag:$0x1] =	stream.indirect_vreg.gather [hbm4b:s20+s3], $0x80, v16, vm1, $0xb8;
	[tilespmem:$0x1E400] =	vst v63  }
0x840: {  	s26 =	simm.s32 $0x6400  }
0x841: {  	[tilespmem:s26], [sflag:$0x1] =	stream.indirect_vreg.gather [hbm4b:s21+s3], $0x80, v16, vm1, $0xb8;
	[tilespmem:$0x1E400] =	vst v63  }
0x842: {  	s7 =	simm.s32 $0x6C00  }
0x843: {  	[tilespmem:s7], [sflag:$0x1] =	stream.indirect_vreg.gather [hbm4b:s5+s3], $0x80, v15, vm1, $0xb8;
	[tilespmem:$0x1E400] =	vst v63  }
0x844: {  	s9 =	simm.s32 $0x7400  }
0x845: {  	[tilespmem:s9], [sflag:$0x1] =	stream.indirect_vreg.gather [hbm4b:s20+s3], $0x80, v15, vm1, $0xb8;
	[tilespmem:$0x1E400] =	vst v63  }
0x846: {  	s13 =	simm.s32 $0x7C00  }
0x847: {  	[tilespmem:s13], [sflag:$0x1] =	stream.indirect_vreg.gather [hbm4b:s21+s3], $0x80, v15, vm1, $0xb8;
	[tilespmem:$0x1E400] =	vst v63  }
0x848: {  	v15 =	vld [tilespmem:s0+$0x1820];
	_ =	sdelay $0x4  }
0x849: {  	v58 =	vshrl.u32 v15, $0x3  }
0x84a: {  	v16 =	vmul.u32 $0x30, v58  }
0x84b: {  	v15 =	vand.u32 $0x7, v15  }
0x84c: {  	v15 =	vor.u32 v15, v16  }
0x84d: {  	v16 =	vperm.xlane v15, v1;
	_ =	sdelay $0x1  }
0x84e: {  	v16 =	vadd.s32 v3, v16;
	_ =	sdelay $0x3  }
0x84f: {  	s26 =	simm.s32 $0x8400;
	v15 =	vperm.xlane v15, v4  }
0x850: {  	[tilespmem:s26], [sflag:$0x1] =	stream.indirect_vreg.gather [hbm4b:s5+s3], $0x80, v16, vm1, $0xb8;
	[tilespmem:$0x1E400] =	vst v63  }
0x851: {  	s7 =	simm.s32 $0x8C00;
	v15 =	vadd.s32 v3, v15  }
0x852: {  	[tilespmem:s7], [sflag:$0x1] =	stream.indirect_vreg.gather [hbm4b:s20+s3], $0x80, v16, vm1, $0xb8;
	[tilespmem:$0x1E400] =	vst v63  }
0x853: {  	s9 =	simm.s32 $0x9400  }
0x854: {  	[tilespmem:s9], [sflag:$0x1] =	stream.indirect_vreg.gather [hbm4b:s21+s3], $0x80, v16, vm1, $0xb8;
	[tilespmem:$0x1E400] =	vst v63  }
0x855: {  	s13 =	simm.s32 $0x9C00  }
0x856: {  	[tilespmem:s13], [sflag:$0x1] =	stream.indirect_vreg.gather [hbm4b:s5+s3], $0x80, v15, vm1, $0xb8;
	[tilespmem:$0x1E400] =	vst v63  }
0x857: {  	s26 =	simm.s32 $0xA400  }
0x858: {  	[tilespmem:s26], [sflag:$0x1] =	stream.indirect_vreg.gather [hbm4b:s20+s3], $0x80, v15, vm1, $0xb8;
	[tilespmem:$0x1E400] =	vst v63  }
0x859: {  	s7 =	simm.s32 $0xAC00  }
0x85a: {  	[tilespmem:s7], [sflag:$0x1] =	stream.indirect_vreg.gather [hbm4b:s21+s3], $0x80, v15, vm1, $0xb8;
	[tilespmem:$0x1E400] =	vst v63  }
0x85b: {  	v15 =	vld [tilespmem:s0+$0x1830];
	_ =	sdelay $0x4  }
0x85c: {  	v59 =	vshrl.u32 v15, $0x3  }
0x85d: {  	v16 =	vmul.u32 $0x30, v59  }
0x85e: {  	v15 =	vand.u32 $0x7, v15  }
0x85f: {  	v15 =	vor.u32 v15, v16  }
0x860: {  	v16 =	vperm.xlane v15, v1;
	_ =	sdelay $0x1  }
0x861: {  	v16 =	vadd.s32 v3, v16;
	_ =	sdelay $0x3  }
0x862: {  	s9 =	simm.s32 $0xB400;
	v15 =	vperm.xlane v15, v4  }
0x863: {  	[tilespmem:s9], [sflag:$0x1] =	stream.indirect_vreg.gather [hbm4b:s5+s3], $0x80, v16, vm1, $0xb8;
	[tilespmem:$0x1E400] =	vst v63  }
0x864: {  	s13 =	simm.s32 $0xBC00;
	v15 =	vadd.s32 v3, v15  }
0x865: {  	[tilespmem:s13], [sflag:$0x1] =	stream.indirect_vreg.gather [hbm4b:s20+s3], $0x80, v16, vm1, $0xb8;
	[tilespmem:$0x1E400] =	vst v63  }
0x866: {  	s26 =	simm.s32 $0xC400  }
0x867: {  	[tilespmem:s26], [sflag:$0x1] =	stream.indirect_vreg.gather [hbm4b:s21+s3], $0x80, v16, vm1, $0xb8;
	[tilespmem:$0x1E400] =	vst v63  }
0x868: {  	s7 =	simm.s32 $0xCC00  }
0x869: {  	[tilespmem:s7], [sflag:$0x1] =	stream.indirect_vreg.gather [hbm4b:s5+s3], $0x80, v15, vm1, $0xb8;
	[tilespmem:$0x1E400] =	vst v63  }
0x86a: {  	s9 =	simm.s32 $0xD400  }
0x86b: {  	[tilespmem:s9], [sflag:$0x1] =	stream.indirect_vreg.gather [hbm4b:s20+s3], $0x80, v15, vm1, $0xb8;
	[tilespmem:$0x1E400] =	vst v63  }
0x86c: {  	s13 =	simm.s32 $0xDC00  }
0x86d: {  	[tilespmem:s13], [sflag:$0x1] =	stream.indirect_vreg.gather [hbm4b:s21+s3], $0x80, v15, vm1, $0xb8;
	[tilespmem:$0x1E400] =	vst v63  }
0x86e: {  	v15 =	vld [tilespmem:s0+$0x1840];
	_ =	sdelay $0x4  }
0x86f: {  	v60 =	vshrl.u32 v15, $0x3  }
0x870: {  	v16 =	vmul.u32 $0x30, v60  }
0x871: {  	v15 =	vand.u32 $0x7, v15  }
0x872: {  	v15 =	vor.u32 v15, v16  }
0x873: {  	v16 =	vperm.xlane v15, v1;
	_ =	sdelay $0x1  }
0x874: {  	v16 =	vadd.s32 v3, v16;
	_ =	sdelay $0x3  }
0x875: {  	s26 =	simm.s32 $0xE400;
	v15 =	vperm.xlane v15, v4  }
0x876: {  	[tilespmem:s26], [sflag:$0x1] =	stream.indirect_vreg.gather [hbm4b:s5+s3], $0x80, v16, vm1, $0xb8;
	[tilespmem:$0x1E400] =	vst v63  }
0x877: {  	s7 =	simm.s32 $0xEC00;
	v15 =	vadd.s32 v3, v15  }
0x878: {  	[tilespmem:s7], [sflag:$0x1] =	stream.indirect_vreg.gather [hbm4b:s20+s3], $0x80, v16, vm1, $0xb8;
	[tilespmem:$0x1E400] =	vst v63  }
0x879: {  	s9 =	simm.s32 $0xF400  }
0x87a: {  	[tilespmem:s9], [sflag:$0x1] =	stream.indirect_vreg.gather [hbm4b:s21+s3], $0x80, v16, vm1, $0xb8;
	[tilespmem:$0x1E400] =	vst v63  }
0x87b: {  	s13 =	simm.s32 $0xFC00  }
0x87c: {  	[tilespmem:s13], [sflag:$0x1] =	stream.indirect_vreg.gather [hbm4b:s5+s3], $0x80, v15, vm1, $0xb8;
	[tilespmem:$0x1E400] =	vst v63  }
0x87d: {  	s26 =	simm.s32 $0x10400  }
0x87e: {  	[tilespmem:s26], [sflag:$0x1] =	stream.indirect_vreg.gather [hbm4b:s20+s3], $0x80, v15, vm1, $0xb8;
	[tilespmem:$0x1E400] =	vst v63  }
0x87f: {  	s7 =	simm.s32 $0x10C00  }
0x880: {  	[tilespmem:s7], [sflag:$0x1] =	stream.indirect_vreg.gather [hbm4b:s21+s3], $0x80, v15, vm1, $0xb8;
	[tilespmem:$0x1E400] =	vst v63  }
0x881: {  	v15 =	vld [tilespmem:s0+$0x1850];
	_ =	sdelay $0x4  }
0x882: {  	v61 =	vshrl.u32 v15, $0x3  }
0x883: {  	v16 =	vmul.u32 $0x30, v61  }
0x884: {  	v15 =	vand.u32 $0x7, v15  }
0x885: {  	v15 =	vor.u32 v15, v16  }
0x886: {  	v16 =	vperm.xlane v15, v1;
	_ =	sdelay $0x1  }
0x887: {  	v16 =	vadd.s32 v3, v16;
	_ =	sdelay $0x3  }
0x888: {  	s9 =	simm.s32 $0x11400;
	v15 =	vperm.xlane v15, v4  }
0x889: {  	[tilespmem:s9], [sflag:$0x1] =	stream.indirect_vreg.gather [hbm4b:s5+s3], $0x80, v16, vm1, $0xb8;
	[tilespmem:$0x1E400] =	vst v63  }
0x88a: {  	s13 =	simm.s32 $0x11C00;
	v15 =	vadd.s32 v3, v15  }
0x88b: {  	[tilespmem:s13], [sflag:$0x1] =	stream.indirect_vreg.gather [hbm4b:s20+s3], $0x80, v16, vm1, $0xb8;
	[tilespmem:$0x1E400] =	vst v63  }
0x88c: {  	s26 =	simm.s32 $0x12400  }
0x88d: {  	[tilespmem:s26], [sflag:$0x1] =	stream.indirect_vreg.gather [hbm4b:s21+s3], $0x80, v16, vm1, $0xb8;
	[tilespmem:$0x1E400] =	vst v63  }
0x88e: {  	s7 =	simm.s32 $0x12C00  }
0x88f: {  	[tilespmem:s7], [sflag:$0x1] =	stream.indirect_vreg.gather [hbm4b:s5+s3], $0x80, v15, vm1, $0xb8;
	[tilespmem:$0x1E400] =	vst v63  }
0x890: {  	s9 =	simm.s32 $0x13400  }
0x891: {  	[tilespmem:s9], [sflag:$0x1] =	stream.indirect_vreg.gather [hbm4b:s20+s3], $0x80, v15, vm1, $0xb8;
	[tilespmem:$0x1E400] =	vst v63  }
0x892: {  	s13 =	simm.s32 $0x13C00  }
0x893: {  	[tilespmem:s13], [sflag:$0x1] =	stream.indirect_vreg.gather [hbm4b:s21+s3], $0x80, v15, vm1, $0xb8;
	[tilespmem:$0x1E400] =	vst v63  }
0x894: {  	v15 =	vld [tilespmem:s0+$0x1860];
	_ =	sdelay $0x4  }
0x895: {  	v62 =	vshrl.u32 v15, $0x3  }
0x896: {  	v16 =	vmul.u32 $0x30, v62  }
0x897: {  	v15 =	vand.u32 $0x7, v15  }
0x898: {  	v15 =	vor.u32 v15, v16  }
0x899: {  	v16 =	vperm.xlane v15, v1;
	_ =	sdelay $0x1  }
0x89a: {  	v16 =	vadd.s32 v3, v16;
	_ =	sdelay $0x3  }
0x89b: {  	s26 =	simm.s32 $0x14400;
	v15 =	vperm.xlane v15, v4  }
0x89c: {  	[tilespmem:s26], [sflag:$0x1] =	stream.indirect_vreg.gather [hbm4b:s5+s3], $0x80, v16, vm1, $0xb8;
	[tilespmem:$0x1E400] =	vst v63  }
0x89d: {  	s7 =	simm.s32 $0x14C00;
	v15 =	vadd.s32 v3, v15  }
0x89e: {  	[tilespmem:s7], [sflag:$0x1] =	stream.indirect_vreg.gather [hbm4b:s20+s3], $0x80, v16, vm1, $0xb8;
	[tilespmem:$0x1E400] =	vst v63  }
0x89f: {  	s9 =	simm.s32 $0x15400  }
0x8a0: {  	[tilespmem:s9], [sflag:$0x1] =	stream.indirect_vreg.gather [hbm4b:s21+s3], $0x80, v16, vm1, $0xb8;
	[tilespmem:$0x1E400] =	vst v63  }
0x8a1: {  	s13 =	simm.s32 $0x15C00  }
0x8a2: {  	[tilespmem:s13], [sflag:$0x1] =	stream.indirect_vreg.gather [hbm4b:s5+s3], $0x80, v15, vm1, $0xb8;
	[tilespmem:$0x1E400] =	vst v63  }
0x8a3: {  	s26 =	simm.s32 $0x16400  }
0x8a4: {  	[tilespmem:s26], [sflag:$0x1] =	stream.indirect_vreg.gather [hbm4b:s20+s3], $0x80, v15, vm1, $0xb8;
	[tilespmem:$0x1E400] =	vst v63  }
0x8a5: {  	s7 =	simm.s32 $0x16C00  }
0x8a6: {  	[tilespmem:s7], [sflag:$0x1] =	stream.indirect_vreg.gather [hbm4b:s21+s3], $0x80, v15, vm1, $0xb8;
	[tilespmem:$0x1E400] =	vst v63  }
0x8a7: {  	v15 =	vld [tilespmem:s0+$0x1870];
	_ =	sdelay $0x4  }
0x8a8: {  	v63 =	vshrl.u32 v15, $0x3  }
0x8a9: {  	v16 =	vmul.u32 $0x30, v63  }
0x8aa: {  	v15 =	vand.u32 $0x7, v15  }
0x8ab: {  	v15 =	vor.u32 v15, v16  }
0x8ac: {  	v16 =	vperm.xlane v15, v1;
	_ =	sdelay $0x1  }
0x8ad: {  	v16 =	vadd.s32 v3, v16;
	_ =	sdelay $0x3  }
0x8ae: {  	s9 =	simm.s32 $0x17400;
	v15 =	vperm.xlane v15, v4  }
0x8af: {  	[tilespmem:s9], [sflag:$0x1] =	stream.indirect_vreg.gather [hbm4b:s5+s3], $0x80, v16, vm1, $0xb8;
	[tilespmem:$0x1E400] =	vst v63  }
0x8b0: {  	s13 =	simm.s32 $0x17C00;
	v15 =	vadd.s32 v3, v15  }
0x8b1: {  	[tilespmem:s13], [sflag:$0x1] =	stream.indirect_vreg.gather [hbm4b:s20+s3], $0x80, v16, vm1, $0xb8;
	[tilespmem:$0x1E400] =	vst v63  }
0x8b2: {  	s26 =	simm.s32 $0x18400  }
0x8b3: {  	[tilespmem:s26], [sflag:$0x1] =	stream.indirect_vreg.gather [hbm4b:s21+s3], $0x80, v16, vm1, $0xb8;
	[tilespmem:$0x1E400] =	vst v63  }
0x8b4: {  	s6 =	simm.s32 $0x18C00  }
0x8b5: {  	[tilespmem:s6], [sflag:$0x1] =	stream.indirect_vreg.gather [hbm4b:s5+s3], $0x80, v15, vm1, $0xb8;
	[tilespmem:$0x1E400] =	vst v63  }
0x8b6: {  	s7 =	simm.s32 $0x19400  }
0x8b7: {  	[tilespmem:s7], [sflag:$0x1] =	stream.indirect_vreg.gather [hbm4b:s20+s3], $0x80, v15, vm1, $0xb8;
	[tilespmem:$0x1E400] =	vst v63  }
0x8b8: {  	s9 =	simm.s32 $0x19C00  }
0x8b9: {  	[tilespmem:s9], [sflag:$0x1] =	stream.indirect_vreg.gather [hbm4b:s21+s3], $0x80, v15, vm1, $0xb8;
	[tilespmem:$0x1E400] =	vst v63  }
0x8ba: {  	_ =	swait.ge [sflag:s25], $0x18000  }
0x8bb: {  	s13 =	rddreg [dreg:$0x19]  }
0x8bc: {  	[sflag:s25] =	ssyncset.done $0x0;
	s26 =	rddreg [dreg:$0x1a]  }
0x8bd: {  	[sflag:s25] =	ssyncadd.s32 $0xFFFE8000;
	s0 =	sadd.s32 s1, s13;
	s1 =	sadd.s32 s1, s26  }
.LBB2_65:
0x8be: {  	s5 =	sshll.u32 s3, $0x7  }
0x8bf: {  	p0 =	seq.s32 s3, $0x0;
	v15 =	vmov s5  }
0x8c0: {  	s5 =	simm.s32 @!p0 $0x2;
	v15 =	vshll.u32 v15, $0x3  }
0x8c1: {  	_ =	swait.ge @!p0 [sflag:s5], $0x2000;
	v16 =	vbroadcast v15, $0x0  }
0x8c2: {  	[sflag:s5] =	ssyncset.done @!p0 $0x0  }
0x8c3: {  	[sflag:s5] =	ssyncadd.s32 @!p0 $0xFFFFE000;
	s5 =	simm.s32 $0x0;
	v16 =	vor.u32 v2, v16  }
.LBB2_66:
0x8c4: {  	s6 =	sshll.u32 s5, $0x4  }
0x8c5: {  	v17 =	vor.u32 s6, v0  }
0x8c6: {  	v18 =	vshrl.u32 v17, $0x3  }
0x8c7: {  	v18 =	vmul.u32 $0x1800, v18;
	_ =	sdelay $0x1  }
0x8c8: {  	v18 =	vadd.s32 v16, v18  }
0x8c9: {  	p1 =	por $0x1, $0x1;
	s6 =	simm.s32 $0x0;
	v19 =	vor.u32 $0x10, v18;
	v20 =	vor.u32 $0x20, v18;
	v21 =	vor.u32 $0x30, v18  }
.LBB2_67:
0x8ca: {  	v22 =	vadd.s32 s6, v0  }
0x8cb: {  	v23 =	vand.u32 $0xF, v22  }
0x8cc: {  	v25 =	vor.u32 v18, v23;
	_ =	sdelay $0x1  }
0x8cd: {  	s7 =	sor.u32 $0x1, s6  }
0x8ce: {  	v24 =	vadd.s32 s7, v0  }
0x8cf: {  	v26 =	vand.u32 $0xF, v24;
	v28 =	vshll.u32 v23, $0x7  }
0x8d0: {  	v27 =	vor.u32 v18, v26;
	v28 =	vadd.s32 v17, v28;
	v25 =	vld.idx.msk [tilespmem:v25+s14+$0x0], $0xffff  }
0x8d1: {  	v30 =	vor.u32 v19, v22;
	_ =	sdelay $0x2  }
0x8d2: {  	v32 =	vshll.u32 v22, $0x7;
	v29 =	vshll.u32 v26, $0x7  }
0x8d3: {  	v50 =	vor.u32 $0x800, v32;
	v29 =	vadd.s32 v17, v29;
	v27 =	vld.idx.msk [tilespmem:v27+s14+$0x0], $0xffff;
	[tilespmem:v28+s15+$0x0] =	vst.idx.msk $0xffff, v25  }
0x8d4: {  	s9 =	sor.u32 $0x2, s6;
	v31 =	vor.u32 v19, v24;
	v25 =	vadd.s32 v17, v50;
	v30 =	vld.idx.msk [tilespmem:v30+s14+$0x0], $0xffff  }
0x8d5: {  	v34 =	vadd.s32 s9, v0;
	v23 =	vor.u32 v20, v23  }
0x8d6: {  	v35 =	vand.u32 $0xF, v34  }
0x8d7: {  	v33 =	vshll.u32 v24, $0x7;
	v36 =	vor.u32 v18, v35  }
0x8d8: {  	v51 =	vor.u32 $0x800, v33;
	[tilespmem:v29+s15+$0x0] =	vst.idx.msk $0xffff, v27  }
0x8d9: {  	v27 =	vadd.s32 v17, v51;
	v31 =	vld.idx.msk [tilespmem:v31+s14+$0x0], $0xffff;
	[tilespmem:v25+s15+$0x0] =	vst.idx.msk $0xffff, v30  }
0x8da: {  	v26 =	vor.u32 v20, v26;
	v52 =	vadd.s32 $0x1000, v28;
	v23 =	vld.idx.msk [tilespmem:v23+s14+$0x0], $0xffff  }
0x8db: {  	v22 =	vor.u32 v21, v22;
	s9 =	sor.u32 $0x5, s6;
	v54 =	vshll.u32 v35, $0x7  }
0x8dc: {  	v24 =	vor.u32 v21, v24;
	v39 =	vadd.s32 s9, v0;
	v55 =	vld.idx.msk [tilespmem:v36+s14+$0x0], $0xffff;
	v28 =	vadd.s32 v17, v54  }
0x8dd: {  	v56 =	vor.u32 v19, v34;
	v58 =	vor.u32 $0x1800, v33;
	v40 =	vand.u32 $0xF, v39  }
0x8de: {  	s13 =	sor.u32 $0x3, s6;
	v60 =	vor.u32 v20, v35;
	v46 =	vshll.u32 v40, $0x7;
	v53 =	vadd.s32 $0x1000, v29;
	[tilespmem:v27+s15+$0x0] =	vst.idx.msk $0xffff, v31  }
0x8df: {  	s26 =	sor.u32 $0x4, s6;
	v31 =	vadd.s32 s13, v0;
	v27 =	vshll.u32 v34, $0x7;
	v26 =	vld.idx.msk [tilespmem:v26+s14+$0x0], $0xffff;
	[tilespmem:v52+s15+$0x0] =	vst.idx.msk $0xffff, v23;
	v23 =	vor.u32 $0x1800, v32  }
0x8e0: {  	v36 =	vand.u32 $0xF, v31;
	v32 =	vadd.s32 s26, v0;
	v22 =	vld.idx.msk [tilespmem:v22+s14+$0x0], $0xffff;
	v23 =	vadd.s32 v17, v23  }
0x8e1: {  	[tilespmem:v28+s15+$0x0] =	vst.idx.msk $0xffff, v55;
	v59 =	vor.u32 $0x800, v27;
	v57 =	vor.u32 v18, v36;
	s26 =	sor.u32 $0x7, s6;
	v61 =	vand.u32 $0xF, v32  }
0x8e2: {  	v30 =	vld.idx.msk [tilespmem:v56+s14+$0x0], $0xffff;
	v29 =	vadd.s32 v17, v59;
	v42 =	vadd.s32 s26, v0;
	v38 =	vor.u32 v18, v61  }
0x8e3: {  	v48 =	vor.u32 v19, v39;
	v46 =	vadd.s32 v17, v46;
	s13 =	sor.u32 $0x6, s6;
	v63 =	vand.u32 $0xF, v42  }
0x8e4: {  	v41 =	vadd.s32 s13, v0;
	[tilespmem:v53+s15+$0x0] =	vst.idx.msk $0xffff, v26;
	v26 =	vadd.s32 v17, v58;
	v54 =	vor.u32 v18, v63  }
0x8e5: {  	v37 =	vshll.u32 v36, $0x7;
	v24 =	vld.idx.msk [tilespmem:v24+s14+$0x0], $0xffff;
	[tilespmem:v23+s15+$0x0] =	vst.idx.msk $0xffff, v22;
	v22 =	vor.u32 v18, v40;
	v23 =	vand.u32 $0xF, v41  }
0x8e6: {  	v37 =	vadd.s32 v17, v37;
	v25 =	vld.idx.msk [tilespmem:v57+s14+$0x0], $0xffff;
	v53 =	vshll.u32 v61, $0x7;
	v62 =	vor.u32 v18, v23  }
0x8e7: {  	v43 =	vor.u32 v19, v31;
	[tilespmem:v29+s15+$0x0] =	vst.idx.msk $0xffff, v30;
	v29 =	vadd.s32 v17, v53;
	v38 =	vld.idx.msk [tilespmem:v38+s14+$0x0], $0xffff  }
0x8e8: {  	v44 =	vshll.u32 v31, $0x7;
	v45 =	vor.u32 v19, v32;
	v49 =	vshll.u32 v63, $0x7  }
0x8e9: {  	v51 =	vor.u32 v19, v41;
	v36 =	vor.u32 v20, v36;
	v49 =	vadd.s32 v17, v49;
	v30 =	vld.idx.msk [tilespmem:v54+s14+$0x0], $0xffff  }
0x8ea: {  	v55 =	vor.u32 $0x800, v44;
	v53 =	vor.u32 v19, v42;
	[tilespmem:v26+s15+$0x0] =	vst.idx.msk $0xffff, v24;
	v47 =	vshll.u32 v23, $0x7;
	v22 =	vld.idx.msk [tilespmem:v22+s14+$0x0], $0xffff  }
0x8eb: {  	v52 =	vshll.u32 v39, $0x7;
	v50 =	vshll.u32 v32, $0x7;
	[tilespmem:v37+s15+$0x0] =	vst.idx.msk $0xffff, v25;
	v47 =	vadd.s32 v17, v47;
	v24 =	vld.idx.msk [tilespmem:v62+s14+$0x0], $0xffff  }
0x8ec: {  	v56 =	vor.u32 $0x800, v50;
	v25 =	vadd.s32 v17, v55;
	v55 =	vshll.u32 v42, $0x7;
	[tilespmem:v29+s15+$0x0] =	vst.idx.msk $0xffff, v38  }
0x8ed: {  	v35 =	vor.u32 v20, v61;
	v58 =	vor.u32 $0x800, v55;
	v38 =	vadd.s32 v17, v56;
	v45 =	vld.idx.msk [tilespmem:v45+s14+$0x0], $0xffff  }
0x8ee: {  	v43 =	vld.idx.msk [tilespmem:v43+s14+$0x0], $0xffff;
	v54 =	vor.u32 $0x800, v52;
	[tilespmem:v49+s15+$0x0] =	vst.idx.msk $0xffff, v30;
	v30 =	vadd.s32 v17, v58  }
0x8ef: {  	v59 =	vld.idx.msk [tilespmem:v53+s14+$0x0], $0xffff;
	[tilespmem:v46+s15+$0x0] =	vst.idx.msk $0xffff, v22;
	v22 =	vadd.s32 v17, v54;
	v54 =	vshll.u32 v41, $0x7  }
0x8f0: {  	v26 =	vor.u32 v20, v63;
	v48 =	vld.idx.msk [tilespmem:v48+s14+$0x0], $0xffff;
	[tilespmem:v47+s15+$0x0] =	vst.idx.msk $0xffff, v24;
	v57 =	vor.u32 $0x800, v54  }
0x8f1: {  	v34 =	vor.u32 v21, v34;
	v40 =	vor.u32 v20, v40;
	v51 =	vld.idx.msk [tilespmem:v51+s14+$0x0], $0xffff;
	v24 =	vadd.s32 v17, v57  }
0x8f2: {  	v28 =	vadd.s32 $0x1000, v28;
	v27 =	vor.u32 $0x1800, v27;
	v33 =	vld.idx.msk [tilespmem:v60+s14+$0x0], $0xffff;
	v23 =	vor.u32 v20, v23;
	[tilespmem:v38+s15+$0x0] =	vst.idx.msk $0xffff, v45  }
0x8f3: {  	v27 =	vadd.s32 v17, v27;
	v29 =	vadd.s32 $0x1000, v29;
	[tilespmem:v25+s15+$0x0] =	vst.idx.msk $0xffff, v43;
	v62 =	vld.idx.msk [tilespmem:v35+s14+$0x0], $0xffff  }
0x8f4: {  	v61 =	vadd.s32 $0x1000, v37;
	v63 =	vor.u32 v21, v32;
	v60 =	vld.idx.msk [tilespmem:v36+s14+$0x0], $0xffff;
	[tilespmem:v30+s15+$0x0] =	vst.idx.msk $0xffff, v59  }
0x8f5: {  	v26 =	vld.idx.msk [tilespmem:v26+s14+$0x0], $0xffff;
	[tilespmem:v22+s15+$0x0] =	vst.idx.msk $0xffff, v48;
	v22 =	vor.u32 v21, v31;
	v48 =	vadd.s32 $0x1000, v49  }
0x8f6: {  	v43 =	vadd.s32 $0x1000, v46;
	[tilespmem:v24+s15+$0x0] =	vst.idx.msk $0xffff, v51;
	v40 =	vld.idx.msk [tilespmem:v40+s14+$0x0], $0xffff;
	v51 =	vor.u32 v21, v42  }
0x8f7: {  	[tilespmem:v28+s15+$0x0] =	vst.idx.msk $0xffff, v33;
	v46 =	vadd.s32 $0x1000, v47;
	v45 =	vor.u32 v21, v39;
	v23 =	vld.idx.msk [tilespmem:v23+s14+$0x0], $0xffff  }
0x8f8: {  	v34 =	vld.idx.msk [tilespmem:v34+s14+$0x0], $0xffff;
	v56 =	vor.u32 $0x1800, v50;
	v47 =	vor.u32 v21, v41;
	[tilespmem:v29+s15+$0x0] =	vst.idx.msk $0xffff, v62  }
0x8f9: {  	[tilespmem:v61+s15+$0x0] =	vst.idx.msk $0xffff, v60;
	v49 =	vor.u32 $0x1800, v44;
	v31 =	vadd.s32 v17, v56;
	v24 =	vld.idx.msk [tilespmem:v63+s14+$0x0], $0xffff  }
0x8fa: {  	v53 =	vadd.s32 v17, v49;
	v62 =	vor.u32 $0x1800, v55;
	v22 =	vld.idx.msk [tilespmem:v22+s14+$0x0], $0xffff;
	[tilespmem:v48+s15+$0x0] =	vst.idx.msk $0xffff, v26  }
0x8fb: {  	v57 =	vor.u32 $0x1800, v52;
	v30 =	vadd.s32 v17, v62;
	[tilespmem:v43+s15+$0x0] =	vst.idx.msk $0xffff, v40;
	v63 =	vld.idx.msk [tilespmem:v51+s14+$0x0], $0xffff  }
0x8fc: {  	v58 =	vadd.s32 v17, v57;
	v59 =	vor.u32 $0x1800, v54;
	[tilespmem:v46+s15+$0x0] =	vst.idx.msk $0xffff, v23;
	v23 =	vld.idx.msk [tilespmem:v45+s14+$0x0], $0xffff  }
0x8fd: {  	p2 =	por p1, p1;
	[tilespmem:v27+s15+$0x0] =	vst.idx.msk $0xffff, v34;
	v61 =	vadd.s32 v17, v59;
	v60 =	vld.idx.msk [tilespmem:v47+s14+$0x0], $0xffff  }
.Ltmp31:
0x8fe: {  	[tilespmem:v31+s15+$0x0] =	vst.idx.msk $0xffff, v24;
	(pc) =	sbr.rel @p2 .LBB2_67-.Ltmp31, $4  }
0x8ff: {  	[tilespmem:v53+s15+$0x0] =	vst.idx.msk $0xffff, v22  }
0x900: {  	[tilespmem:v30+s15+$0x0] =	vst.idx.msk $0xffff, v63  }
0x901: {  	[tilespmem:v58+s15+$0x0] =	vst.idx.msk $0xffff, v23  }
0x902: {  	p1 =	por $0x0, $0x0;
	s6 =	simm.s32 $0x8;
	[tilespmem:v61+s15+$0x0] =	vst.idx.msk $0xffff, v60  }
0x903: {  	s5 =	sadd.s32 $0x1, s5  }
0x904: {  	p1 =	sne.s32 s5, $0x8  }
.Ltmp32:
0x905: {  	_ = 	snop;
	(pc) =	sbr.rel @p1 .LBB2_66-.Ltmp32, $1  }
0x906: {  	_ =	sdelay $0x3  }
0x907: {  	s5 =	sshll.u32 s3, $0x11  }
0x908: {  	s6 =	sadd.s32 s5, s0  }
0x909: {  	s6 =	sshrl.u32 s6, $0x3  }
0x90a: {  	s6 =	sadd.s32 s8, s6  }
0x90b: {  	[hbm4b:s6+s30] =	stream.strided.scatter [tilespmem:s15], [sflag:$0x2], $0x2000, s31, s30, $0x38;
	[tilespmem:$0x1E400] =	vst v63  }
0x90c: {  	s6 =	simm.s32 @!p0 $0x3  }
0x90d: {  	_ =	swait.ge @!p0 [sflag:s6], $0x2000  }
0x90e: {  	v15 =	vand.u32 $0x1C00, v15;
	[sflag:s6] =	ssyncset.done @!p0 $0x0  }
0x90f: {  	v15 =	vbroadcast v15, $0x0;
	[sflag:s6] =	ssyncadd.s32 @!p0 $0xFFFFE000;
	s6 =	simm.s32 $0x0  }
.LBB2_70:
0x910: {  	s7 =	sshll.u32 s6, $0x4  }
0x911: {  	v16 =	vor.u32 s7, v0  }
0x912: {  	v17 =	vshrl.u32 v16, $0x3  }
0x913: {  	v17 =	vmul.u32 $0x1800, v17;
	_ =	sdelay $0x1  }
0x914: {  	v22 =	vor.u32 s7, v12;
	v17 =	vadd.s32 v15, v17  }
0x915: {  	v23 =	vor.u32 s7, v13;
	v24 =	vor.u32 s7, v14;
	v18 =	vor.u32 v8, v17  }
0x916: {  	p0 =	por $0x1, $0x1;
	s7 =	simm.s32 $0x0;
	v19 =	vor.u32 v9, v17;
	v20 =	vor.u32 v10, v17;
	v21 =	vor.u32 v11, v17  }
.LBB2_71:
0x917: {  	s9 =	sor.u32 $0x1, s7  }
0x918: {  	v25 =	vadd.s32 s7, v0;
	v26 =	vadd.s32 s9, v0  }
0x919: {  	v27 =	vand.u32 $0xF, v25;
	v26 =	vand.u32 $0xF, v26  }
0x91a: {  	v28 =	vor.u32 v18, v27;
	v29 =	vor.u32 v17, v26  }
0x91b: {  	v30 =	vor.u32 v8, v29;
	_ =	sdelay $0x2  }
0x91c: {  	v31 =	vshll.u32 v27, $0x7  }
0x91d: {  	v32 =	vor.u32 v16, v31;
	v26 =	vshll.u32 v26, $0x7;
	v28 =	vld.idx.msk [tilespmem:v28+s14+$0x0], $0xffff  }
0x91e: {  	v33 =	vor.u32 v19, v25;
	v34 =	vor.u32 v16, v26;
	v30 =	vld.idx.msk [tilespmem:v30+s14+$0x0], $0xffff  }
0x91f: {  	v35 =	vor.u32 v9, v29;
	_ =	sdelay $0x2  }
0x920: {  	v47 =	vshll.u32 v25, $0x7;
	[tilespmem:v32+s24+$0x0] =	vst.idx.msk $0xffff, v28  }
0x921: {  	v48 =	vor.u32 v47, v22;
	v32 =	vld.idx.msk [tilespmem:v33+s14+$0x0], $0xffff;
	[tilespmem:v34+s24+$0x0] =	vst.idx.msk $0xffff, v30  }
0x922: {  	v27 =	vor.u32 v20, v27;
	v49 =	vor.u32 v26, v22;
	v30 =	vld.idx.msk [tilespmem:v35+s14+$0x0], $0xffff  }
0x923: {  	v50 =	vor.u32 v10, v29;
	_ =	sdelay $0x2  }
0x924: {  	[tilespmem:v48+s24+$0x0] =	vst.idx.msk $0xffff, v32  }
0x925: {  	v31 =	vor.u32 v31, v23;
	v27 =	vld.idx.msk [tilespmem:v27+s14+$0x0], $0xffff;
	[tilespmem:v49+s24+$0x0] =	vst.idx.msk $0xffff, v30  }
0x926: {  	v25 =	vor.u32 v21, v25;
	v51 =	vor.u32 v26, v23;
	v30 =	vld.idx.msk [tilespmem:v50+s14+$0x0], $0xffff  }
0x927: {  	s26 =	sor.u32 $0x3, s7;
	v29 =	vor.u32 v11, v29  }
0x928: {  	s13 =	sor.u32 $0x2, s7;
	v53 =	vadd.s32 s26, v0;
	s26 =	sor.u32 $0x5, s7  }
0x929: {  	v52 =	vadd.s32 s13, v0;
	s13 =	sor.u32 $0x4, s7;
	v37 =	vadd.s32 s26, v0  }
0x92a: {  	v54 =	vadd.s32 s13, v0;
	s13 =	sor.u32 $0x6, s7;
	v37 =	vand.u32 $0xF, v37;
	[tilespmem:v31+s24+$0x0] =	vst.idx.msk $0xffff, v27  }
0x92b: {  	v39 =	vadd.s32 s13, v0;
	v28 =	vor.u32 v47, v24;
	v27 =	vand.u32 $0xF, v52;
	v25 =	vld.idx.msk [tilespmem:v25+s14+$0x0], $0xffff;
	[tilespmem:v51+s24+$0x0] =	vst.idx.msk $0xffff, v30  }
0x92c: {  	v26 =	vor.u32 v26, v24;
	v31 =	vand.u32 $0xF, v53;
	v30 =	vor.u32 v17, v27;
	v29 =	vld.idx.msk [tilespmem:v29+s14+$0x0], $0xffff  }
0x92d: {  	s26 =	sor.u32 $0x7, s7;
	v32 =	vand.u32 $0xF, v54;
	v34 =	vor.u32 v17, v31;
	v55 =	vor.u32 v8, v30  }
0x92e: {  	v41 =	vadd.s32 s26, v0;
	v36 =	vor.u32 v17, v32;
	v56 =	vor.u32 v8, v34  }
0x92f: {  	v40 =	vor.u32 v17, v37;
	v39 =	vand.u32 $0xF, v39;
	v38 =	vor.u32 v8, v36  }
0x930: {  	v41 =	vand.u32 $0xF, v41;
	[tilespmem:v28+s24+$0x0] =	vst.idx.msk $0xffff, v25;
	v25 =	vor.u32 v8, v40;
	v28 =	vor.u32 v17, v39  }
0x931: {  	[tilespmem:v26+s24+$0x0] =	vst.idx.msk $0xffff, v29;
	v26 =	vshll.u32 v27, $0x7;
	v27 =	vor.u32 v8, v28;
	v29 =	vor.u32 v17, v41  }
0x932: {  	v31 =	vshll.u32 v31, $0x7;
	v33 =	vld.idx.msk [tilespmem:v55+s14+$0x0], $0xffff;
	v42 =	vor.u32 v16, v26;
	v43 =	vor.u32 v8, v29  }
0x933: {  	v32 =	vshll.u32 v32, $0x7;
	v45 =	vor.u32 v16, v31;
	v44 =	vor.u32 v9, v30;
	v35 =	vld.idx.msk [tilespmem:v56+s14+$0x0], $0xffff  }
0x934: {  	v37 =	vshll.u32 v37, $0x7;
	v47 =	vor.u32 v16, v32;
	v38 =	vld.idx.msk [tilespmem:v38+s14+$0x0], $0xffff;
	v46 =	vor.u32 v9, v34  }
0x935: {  	v48 =	vor.u32 v9, v36;
	v49 =	vor.u32 v16, v37;
	v39 =	vshll.u32 v39, $0x7;
	v25 =	vld.idx.msk [tilespmem:v25+s14+$0x0], $0xffff  }
0x936: {  	v50 =	vor.u32 v9, v40;
	v51 =	vor.u32 v16, v39;
	v41 =	vshll.u32 v41, $0x7;
	v27 =	vld.idx.msk [tilespmem:v27+s14+$0x0], $0xffff  }
0x937: {  	v57 =	vor.u32 v9, v28;
	v59 =	vor.u32 v16, v41;
	[tilespmem:v42+s24+$0x0] =	vst.idx.msk $0xffff, v33;
	v58 =	vld.idx.msk [tilespmem:v43+s14+$0x0], $0xffff  }
0x938: {  	v60 =	vor.u32 v26, v22;
	v61 =	vor.u32 v9, v29;
	[tilespmem:v45+s24+$0x0] =	vst.idx.msk $0xffff, v35;
	v44 =	vld.idx.msk [tilespmem:v44+s14+$0x0], $0xffff  }
0x939: {  	v63 =	vor.u32 v31, v22;
	v62 =	vor.u32 v10, v30;
	[tilespmem:v47+s24+$0x0] =	vst.idx.msk $0xffff, v38;
	v46 =	vld.idx.msk [tilespmem:v46+s14+$0x0], $0xffff  }
0x93a: {  	v54 =	vor.u32 v32, v22;
	v48 =	vld.idx.msk [tilespmem:v48+s14+$0x0], $0xffff;
	[tilespmem:v49+s24+$0x0] =	vst.idx.msk $0xffff, v25;
	v25 =	vor.u32 v10, v34  }
0x93b: {  	v55 =	vor.u32 v37, v22;
	v50 =	vld.idx.msk [tilespmem:v50+s14+$0x0], $0xffff;
	[tilespmem:v51+s24+$0x0] =	vst.idx.msk $0xffff, v27;
	v27 =	vor.u32 v10, v36  }
0x93c: {  	v56 =	vor.u32 v10, v40;
	[tilespmem:v59+s24+$0x0] =	vst.idx.msk $0xffff, v58;
	v33 =	vld.idx.msk [tilespmem:v57+s14+$0x0], $0xffff;
	v57 =	vor.u32 v39, v22  }
0x93d: {  	v58 =	vor.u32 v10, v28;
	[tilespmem:v60+s24+$0x0] =	vst.idx.msk $0xffff, v44;
	v59 =	vld.idx.msk [tilespmem:v61+s14+$0x0], $0xffff;
	v60 =	vor.u32 v41, v22  }
0x93e: {  	[tilespmem:v63+s24+$0x0] =	vst.idx.msk $0xffff, v46;
	v61 =	vor.u32 v26, v23;
	v38 =	vld.idx.msk [tilespmem:v62+s14+$0x0], $0xffff;
	v62 =	vor.u32 v10, v29  }
0x93f: {  	v30 =	vor.u32 v11, v30;
	[tilespmem:v54+s24+$0x0] =	vst.idx.msk $0xffff, v48;
	v63 =	vor.u32 v31, v23;
	v25 =	vld.idx.msk [tilespmem:v25+s14+$0x0], $0xffff  }
0x940: {  	v52 =	vor.u32 v32, v23;
	v34 =	vor.u32 v11, v34;
	[tilespmem:v55+s24+$0x0] =	vst.idx.msk $0xffff, v50;
	v27 =	vld.idx.msk [tilespmem:v27+s14+$0x0], $0xffff  }
0x941: {  	v53 =	vor.u32 v11, v36;
	v55 =	vor.u32 v37, v23;
	v54 =	vld.idx.msk [tilespmem:v56+s14+$0x0], $0xffff;
	[tilespmem:v57+s24+$0x0] =	vst.idx.msk $0xffff, v33  }
0x942: {  	v40 =	vor.u32 v11, v40;
	v56 =	vor.u32 v39, v23;
	[tilespmem:v60+s24+$0x0] =	vst.idx.msk $0xffff, v59;
	v35 =	vld.idx.msk [tilespmem:v58+s14+$0x0], $0xffff  }
0x943: {  	v28 =	vor.u32 v11, v28;
	v58 =	vor.u32 v41, v23;
	[tilespmem:v61+s24+$0x0] =	vst.idx.msk $0xffff, v38;
	v57 =	vld.idx.msk [tilespmem:v62+s14+$0x0], $0xffff  }
0x944: {  	v26 =	vor.u32 v26, v24;
	v29 =	vor.u32 v11, v29;
	[tilespmem:v63+s24+$0x0] =	vst.idx.msk $0xffff, v25;
	v25 =	vld.idx.msk [tilespmem:v30+s14+$0x0], $0xffff  }
0x945: {  	v59 =	vor.u32 v31, v24;
	[tilespmem:v52+s24+$0x0] =	vst.idx.msk $0xffff, v27;
	v27 =	vld.idx.msk [tilespmem:v34+s14+$0x0], $0xffff  }
0x946: {  	v32 =	vor.u32 v32, v24;
	[tilespmem:v55+s24+$0x0] =	vst.idx.msk $0xffff, v54;
	v60 =	vld.idx.msk [tilespmem:v53+s14+$0x0], $0xffff  }
0x947: {  	v62 =	vor.u32 v37, v24;
	v61 =	vld.idx.msk [tilespmem:v40+s14+$0x0], $0xffff;
	[tilespmem:v56+s24+$0x0] =	vst.idx.msk $0xffff, v35  }
0x948: {  	v63 =	vor.u32 v39, v24;
	[tilespmem:v58+s24+$0x0] =	vst.idx.msk $0xffff, v57;
	v28 =	vld.idx.msk [tilespmem:v28+s14+$0x0], $0xffff  }
0x949: {  	p1 =	por p0, p0;
	[tilespmem:v26+s24+$0x0] =	vst.idx.msk $0xffff, v25;
	v25 =	vld.idx.msk [tilespmem:v29+s14+$0x0], $0xffff;
	v26 =	vor.u32 v41, v24  }
.Ltmp33:
0x94a: {  	[tilespmem:v59+s24+$0x0] =	vst.idx.msk $0xffff, v27;
	(pc) =	sbr.rel @p1 .LBB2_71-.Ltmp33, $4  }
0x94b: {  	[tilespmem:v32+s24+$0x0] =	vst.idx.msk $0xffff, v60  }
0x94c: {  	[tilespmem:v62+s24+$0x0] =	vst.idx.msk $0xffff, v61  }
0x94d: {  	[tilespmem:v63+s24+$0x0] =	vst.idx.msk $0xffff, v28  }
0x94e: {  	p0 =	por $0x0, $0x0;
	s7 =	simm.s32 $0x8;
	[tilespmem:v26+s24+$0x0] =	vst.idx.msk $0xffff, v25  }
0x94f: {  	s6 =	sadd.s32 $0x1, s6  }
0x950: {  	p0 =	sne.s32 s6, $0x8  }
.Ltmp34:
0x951: {  	_ = 	snop;
	(pc) =	sbr.rel @p0 .LBB2_70-.Ltmp34, $1  }
0x952: {  	_ =	sdelay $0x3  }
0x953: {  	s3 =	sadd.s32 $0x1, s3  }
0x954: {  	p0 =	sne.s32 s3, $0x6  }
.Ltmp35:
0x955: {  	_ = 	snop;
	(pc) =	sbr.rel @p0 .LBB2_65-.Ltmp35, $4  }
0x956: {  	s5 =	sadd.s32 s5, s1  }
0x957: {  	s5 =	sshrl.u32 s5, $0x3  }
0x958: {  	s5 =	sadd.s32 s8, s5  }
0x959: {  	[hbm4b:s5+s30] =	stream.strided.scatter [tilespmem:s24], [sflag:$0x3], $0x2000, s31, s30, $0x38;
	[tilespmem:$0x1E400] =	vst v63  }
0x95a: {  	s0 =	simm.s32 $0x2  }
0x95b: {  	_ =	swait.ge [sflag:s0], $0x2000  }
0x95c: {  	[sflag:s0] =	ssyncset.done $0x0  }
0x95d: {  	s26 =	simm.s32 $0x3;
	[sflag:s0] =	ssyncadd.s32 $0xFFFFE000  }
0x95e: {  	_ =	swait.ge [sflag:s26], $0x2000  }
0x95f: {  	s1 =	rddreg [dreg:$0x1c]  }
0x960: {  	s1 =	sadd.s32 $0x1, s1  }
0x961: {  	p0 =	sne.s32 s1, $0x5  }
.Ltmp36:
0x962: {  	_ = 	snop;
	(pc) =	sbr.rel @p0 .LBB2_2-.Ltmp36, $3  }
0x963: {  	_ =	sdelay $0x1  }
0x964: {  	[sflag:s26] =	ssyncset.done $0x0  }
0x965: {  	[sflag:s26] =	ssyncadd.s32 $0xFFFFE000  }
0x966: {  	s1 =	rddreg [dreg:$0x1b]  }
0x967: {  	s0 =	rddreg [dreg:$0x11];
	s1 =	sadd.s32 $0x1, s1  }
0x968: {  	p0 =	sne.s32 s1, s0  }
.Ltmp37:
0x969: {  	_ = 	snop;
	(pc) =	sbr.rel @p0 .LBB2_1-.Ltmp37, $1  }
0x96a: {  	_ =	sdelay $0x3  }
0x96b: {  	_ =	sfence.sel $0x180000  }
0x96c: {  	[bflag:$0x0] =	sbarrier.arrive $0xFFFF  }
0x96d: {  	_ =	strace $0x90000047  }
0x96e: {  	s0 =	stileid.u32;
	[bflag:$0x2] =	sbarrier.arrive $0xFFFF  }
0x96f: {  	p0 =	sne.s32 s0, $0x0;
	s0 =	rddreg [dreg:$0x8]  }
0x970: {  	s0 =	sadd.s32 @!p0 $0x100000, s0  }
0x971: {  	[sflag:s0] =	ssyncadd.tile.s32 @!p0 $0x1;
	_ =	shalt  }
.Lfunc_end2:
_tile_overlayer_lowered:
.L_overlay_start_2:
0x972: {  	(tag) =	ssettag $0x2  }
0x973: {  	s0 =	rddreg [dreg:$0x0];
	s2 =	stileid.u32  }
0x974: {  	s1 =	rddreg [dreg:$0x1];
	p0 =	sne.s32 s2, $0x0  }
0x975: {  	s3 =	rddreg [dreg:$0x2];
	[bflag:$0x3] =	sbarrier.arrive $0xFFFF;
	s2 =	simm.s32 @!p0 $0x1C04  }
0x976: {  	[timem:s3], [sflag:s2] =	dma.local @!p0 [hbm:s0], s1  }
0x977: {  	s0 =	simm.s32 @!p0 $0x4  }
0x978: {  	_ =	swait.ge @!p0 [sflag:s0], s1  }
0x979: {  	s1 =	ssub.s32 @!p0 $0x0, s1;
	[sflag:s0] =	ssyncset.done @!p0 $0x0  }
0x97a: {  	[sflag:s0] =	ssyncadd.s32 @!p0 s1  }
0x97b: {  	[bflag:$0x3] =	sbarrier.arrive $0xFFFF  }
0x97c: {  	_ =	shalt  }

</sc_bundles>
